<compile_context>
chip_gen: v7x
topology: tpu7x:2x2x1
jax: 0.10.2.dev20260603
libtpu: 0.0.44.dev20260713+nightly
codegen_flags: <defaults>
</compile_context>

<pallas_src>
import functools

import jax
import jax.numpy as jnp
from jax import lax
from jax.experimental import pallas as pl
from jax.experimental.pallas import tpu as pltpu
from jax.experimental.pallas import tpu_sc as plsc

N = 10000
NPAD = 10240
E = 320000
D1 = 128
D2 = 64
OUT_DIM = 10
NCORES = 2
NSUB = 16
NW = NCORES * NSUB
EPT = 10240
EPAD = NW * EPT
CB = 64
NCHUNK = EPT // CB
ROWS = NPAD // 16
SLAB = NPAD // NSUB

_f32 = jnp.float32
_i32 = jnp.int32

_sc_mesh = plsc.VectorSubcoreMesh(core_axis_name="c", subcore_axis_name="s")
_sc_params = pltpu.CompilerParams(needs_layout_passes=False,
                                  use_tc_tiling_on_sc=False)



def _deg_body(src_hbm, dst_hbm, out_hbm, hs, hd, idx_s, idx_d):
    c = lax.axis_index("c")
    s = lax.axis_index("s")
    wid = c * NSUB + s

    def zloop(j, _):
        hs[pl.ds(j * 16, 16)] = jnp.zeros((16,), _f32)
        hd[pl.ds(j * 16, 16)] = jnp.zeros((16,), _f32)
        return 0
    lax.fori_loop(0, NPAD // 16, zloop, 0)

    ones = jnp.full((16,), 1.0, _f32)
    CA = 1024
    base = wid * EPT

    def chunk(k, _):
        pltpu.sync_copy(src_hbm.at[pl.ds(base + k * CA, CA)], idx_s)
        pltpu.sync_copy(dst_hbm.at[pl.ds(base + k * CA, CA)], idx_d)

        def inner(j, _):
            sv = idx_s[pl.ds(j * 16, 16)]
            dv = idx_d[pl.ds(j * 16, 16)]
            plsc.addupdate_scatter(hs, [sv], ones)
            plsc.addupdate_scatter(hd, [dv], ones)
            return 0
        lax.fori_loop(0, CA // 16, inner, 0)
        return 0
    lax.fori_loop(0, EPT // CA, chunk, 0)

    pltpu.sync_copy(hs, out_hbm.at[wid, 0])
    pltpu.sync_copy(hd, out_hbm.at[wid, 1])


def _deg_call(srcp, dstp):
    return pl.kernel(
        _deg_body,
        out_type=jax.ShapeDtypeStruct((NW, 2, NPAD), _f32),
        mesh=_sc_mesh,
        compiler_params=_sc_params,
        scratch_types=[
            pltpu.VMEM((NPAD,), _f32),
            pltpu.VMEM((NPAD,), _f32),
            pltpu.VMEM((1024,), _i32),
            pltpu.VMEM((1024,), _i32),
        ],
    )(srcp, dstp)



def _w_body(src_hbm, dst_hbm, ew_hbm, no_hbm, ni_hbm, out_hbm,
            no_v, ni_v, s_all, d_all, e_all, w_all):
    c = lax.axis_index("c")
    s = lax.axis_index("s")
    wid = c * NSUB + s
    base = wid * EPT

    pltpu.sync_copy(no_hbm, no_v)
    pltpu.sync_copy(ni_hbm, ni_v)
    pltpu.sync_copy(src_hbm.at[pl.ds(base, EPT)], s_all)
    pltpu.sync_copy(dst_hbm.at[pl.ds(base, EPT)], d_all)
    pltpu.sync_copy(ew_hbm.at[pl.ds(base, EPT)], e_all)

    def wcomp(j, _):
        sv = s_all[pl.ds(j * 16, 16)]
        dv = d_all[pl.ds(j * 16, 16)]
        nov = plsc.load_gather(no_v, [sv])
        niv = plsc.load_gather(ni_v, [dv])
        w_all[pl.ds(j * 16, 16)] = e_all[pl.ds(j * 16, 16)] * nov * niv
        return 0
    lax.fori_loop(0, EPT // 16, wcomp, 0)

    pltpu.sync_copy(w_all, out_hbm.at[pl.ds(base, EPT)])


def _w_call(srcp, dstp, ewp, no, ni):
    return pl.kernel(
        _w_body,
        out_type=jax.ShapeDtypeStruct((EPAD,), _f32),
        mesh=_sc_mesh,
        compiler_params=_sc_params,
        scratch_types=[
            pltpu.VMEM((NPAD,), _f32),
            pltpu.VMEM((NPAD,), _f32),
            pltpu.VMEM((EPT,), _i32),
            pltpu.VMEM((EPT,), _i32),
            pltpu.VMEM((EPT,), _f32),
            pltpu.VMEM((EPT,), _f32),
        ],
    )(srcp, dstp, ewp, no, ni)



MCB = 128
NCH_TOT = EPAD // MCB

def _msg_body(feature_split, z_a, z_b, comb_hbm, out_hbm,
              ring, rows0, rows1, rows2, rows3,
              sg0, sg1, sg2, sg3, ss0, ss1, ss2, ss3,
              sr0, sr1, sr2, sr3, zsp, agg):
    c = lax.axis_index("c")
    s = lax.axis_index("s")
    rows_l = (rows0, rows1, rows2, rows3)
    sg_l = (sg0, sg1, sg2, sg3)
    ss_l = (ss0, ss1, ss2, ss3)
    sr_l = (sr0, sr1, sr2, sr3)
    if feature_split:
        nch = NCH_TOT // NSUB
        start = s * nch
    else:
        nch = NCH_TOT // NW
        start = (c * NSUB + s) * nch

    @pl.when(c == 0)
    def _():
        pltpu.sync_copy(z_a.at[pl.ds(s * SLAB, SLAB)],
                        zsp.at[pl.ds(s * SLAB, SLAB)])

    @pl.when(c == 1)
    def _():
        pltpu.sync_copy(z_b.at[pl.ds(s * SLAB, SLAB)],
                        zsp.at[pl.ds(s * SLAB, SLAB)])

    def zloop(j, _):
        for q in range(4):
            rows0[j, pl.ds(q * 16, 16)] = jnp.zeros((16,), _f32)
        return 0
    lax.fori_loop(0, MCB, zloop, 0)
    for t in range(SLAB // MCB):
        pltpu.sync_copy(rows0, agg.at[pl.ds(s * SLAB + t * MCB, MCB)])
    plsc.subcore_barrier()

    for b in range(2):
        pltpu.async_copy(comb_hbm.at[start + b], ring.at[b], sr_l[b])
    for b in range(2):
        pltpu.make_async_copy(comb_hbm.at[start + b], ring.at[b],
                              sr_l[b]).wait()
        pltpu.async_copy(zsp.at[ring.at[b, 0]], rows_l[b], sg_l[b])

    def group(j, _):
        for b in range(4):
            k = 4 * j + b
            rb = rows_l[b]
            pltpu.make_async_copy(zsp.at[ring.at[b, 0]], rb, sg_l[b]).wait()

            bvec = jnp.full((16,), b, _i32)
            two = jnp.full((16,), 2, _i32)

            def scale(h, _):
                for u in range(4):
                    e = h * 4 + u
                    ev = jnp.zeros((16,), _i32) + e
                    w16 = plsc.bitcast(
                        plsc.load_gather(ring, [bvec, two, ev]), _f32)
                    for q in range(4):
                        rb[e, pl.ds(q * 16, 16)] = (
                            rb[e, pl.ds(q * 16, 16)] * w16)
                return 0
            lax.fori_loop(0, MCB // 4, scale, 0)

            pltpu.async_copy(rb, agg.at[ring.at[b, 1]], ss_l[b], add=True)

            b2 = (b + 2) % 4

            @pl.when(k >= 2)
            def _():
                pltpu.make_async_copy(rows_l[b2], agg.at[ring.at[b2, 1]],
                                      ss_l[b2]).wait()

            @pl.when(k < nch - 2)
            def _():
                pltpu.async_copy(comb_hbm.at[start + k + 2], ring.at[b2],
                                 sr_l[b2])
                pltpu.make_async_copy(comb_hbm.at[start + k + 2],
                                      ring.at[b2], sr_l[b2]).wait()
                pltpu.async_copy(zsp.at[ring.at[b2, 0]], rows_l[b2],
                                 sg_l[b2])
        return 0
    lax.fori_loop(0, nch // 4, group, 0)

    pltpu.make_async_copy(rows2, agg.at[ring.at[2, 1]], ss2).wait()
    pltpu.make_async_copy(rows3, agg.at[ring.at[3, 1]], ss3).wait()

    plsc.subcore_barrier()
    for t in range(SLAB // MCB):
        pltpu.sync_copy(agg.at[pl.ds(s * SLAB + t * MCB, MCB)],
                        out_hbm.at[c, pl.ds(s * SLAB + t * MCB, MCB)])


def _msg_call(z_a, z_b, comb, feature_split):
    return pl.kernel(
        functools.partial(_msg_body, feature_split),
        out_type=jax.ShapeDtypeStruct((NCORES, NPAD, D2), _f32),
        mesh=_sc_mesh,
        compiler_params=_sc_params,
        scratch_types=[
            pltpu.VMEM((4, 3, MCB), _i32),
            pltpu.VMEM((MCB, D2), _f32),
            pltpu.VMEM((MCB, D2), _f32),
            pltpu.VMEM((MCB, D2), _f32),
            pltpu.VMEM((MCB, D2), _f32),
        ] + [pltpu.SemaphoreType.DMA] * 12 + [
            pltpu.VMEM_SHARED((NPAD, D2), _f32),
            pltpu.VMEM_SHARED((NPAD, D2), _f32),
        ],
    )(z_a, z_b, comb)



def _norm_kernel(dref, oref):
    d = jnp.sum(dref[...], axis=0)
    oref[...] = lax.rsqrt(jnp.clip(d, 1.0, None))


def _mm_kernel(xref, wref, oref):
    oref[...] = jnp.dot(xref[...], wref[...], preferred_element_type=_f32)


def _stats_kernel(pa, pb, aref, sref):
    i = pl.program_id(0)
    a = jnp.concatenate([pa[...], pb[...]], axis=1)
    a = jnp.where(a >= 0.0, a, 0.01 * a)
    aref[...] = a

    @pl.when(i == 0)
    def _():
        sref[...] = jnp.zeros_like(sref)

    sref[0:1, :] = sref[0:1, :] + jnp.sum(a, axis=0, keepdims=True)
    sref[1:2, :] = sref[1:2, :] + jnp.sum(a * a, axis=0, keepdims=True)


def _gnmm_kernel(aref, sref, gref, alref, bref, wref, oref):
    inv_n = jnp.float32(1.0 / N)
    mu = sref[0:1, :] * inv_n
    e2 = sref[1:2, :] * inv_n
    al = alref[...]
    var = e2 - (2.0 * al - al * al) * mu * mu
    sc = gref[...] * lax.rsqrt(var + 1e-5)
    t = bref[...] - sc * al * mu
    h = aref[...] * sc + t
    oref[...] = jnp.dot(h, wref[...], preferred_element_type=_f32)


def _final_kernel(p0, p1, gref, alref, bref, wcref, oref, acc):
    i = pl.program_id(0)
    nb = NPAD // RB
    a = p0[...] + p1[...]
    a = jnp.where(a >= 0.0, a, 0.01 * a)
    rid = i * RB + lax.broadcasted_iota(_i32, (RB, 1), 0)
    valid = rid < N
    big = jnp.float32(3.0e38)
    amax = jnp.where(valid, a, -big)
    amin = jnp.where(valid, a, big)

    @pl.when(i == 0)
    def _():
        acc[0:2, :] = jnp.zeros((2, D2), _f32)
        acc[2:3, :] = jnp.full((1, D2), -big, _f32)
        acc[3:4, :] = jnp.full((1, D2), big, _f32)

    acc[0:1, :] = acc[0:1, :] + jnp.sum(a, axis=0, keepdims=True)
    acc[1:2, :] = acc[1:2, :] + jnp.sum(a * a, axis=0, keepdims=True)
    acc[2:3, :] = jnp.maximum(acc[2:3, :], jnp.max(amax, axis=0, keepdims=True))
    acc[3:4, :] = jnp.minimum(acc[3:4, :], jnp.min(amin, axis=0, keepdims=True))

    @pl.when(i == nb - 1)
    def _():
        inv_n = jnp.float32(1.0 / N)
        mu = acc[0:1, :] * inv_n
        e2 = acc[1:2, :] * inv_n
        al = alref[...]
        var = e2 - (2.0 * al - al * al) * mu * mu
        sc = gref[...] * lax.rsqrt(var + 1e-5)
        t = bref[...] - sc * al * mu
        pos = sc >= 0.0
        meanh = sc * mu + t
        maxh = jnp.where(pos, sc * acc[2:3, :], sc * acc[3:4, :]) + t
        minh = jnp.where(pos, sc * acc[3:4, :], sc * acc[2:3, :]) + t
        feats = jnp.concatenate([meanh, maxh, minh], axis=1)
        oref[...] = jnp.dot(feats, wcref[...], preferred_element_type=_f32)


RB = 1024


def _row_spec(d):
    return pl.BlockSpec((RB, d), lambda i: (i, 0))


def _const_spec(shape):
    return pl.BlockSpec(shape, lambda i: tuple(0 for _ in shape))



def kernel(x, edge_index, edge_weights, W1, W2, Wc,
           gn1_alpha, gn1_gamma, gn1_beta,
           gn2_alpha, gn2_gamma, gn2_beta):
    src = edge_index[0].astype(_i32)
    dst = edge_index[1].astype(_i32)
    padi = jnp.full((EPAD - E,), N, _i32)
    srcp = jnp.concatenate([src, padi])
    dstp = jnp.concatenate([dst, padi])
    ewp = jnp.concatenate([edge_weights.astype(_f32),
                           jnp.zeros((EPAD - E,), _f32)])
    xp = jnp.pad(x, ((0, NPAD - N), (0, 0)))

    degs = _deg_call(srcp, dstp)
    norms = pl.pallas_call(
        _norm_kernel,
        out_shape=jax.ShapeDtypeStruct((2, NPAD // 128, 128), _f32),
    )(degs.reshape(NW, 2, NPAD // 128, 128))
    no = norms[0].reshape(NPAD)
    ni = norms[1].reshape(NPAD)

    wf = _w_call(srcp, dstp, ewp, no, ni)
    comb = jnp.stack([srcp.reshape(NCH_TOT, MCB),
                      dstp.reshape(NCH_TOT, MCB),
                      lax.bitcast_convert_type(wf, _i32).reshape(NCH_TOT, MCB)],
                     axis=1)

    nb = NPAD // RB
    z1 = pl.pallas_call(
        _mm_kernel,
        grid=(nb,),
        in_specs=[_row_spec(D1), _const_spec((D1, D1))],
        out_specs=_row_spec(D1),
        out_shape=jax.ShapeDtypeStruct((NPAD, D1), _f32),
    )(xp, W1)

    p1 = _msg_call(z1[:, :D2], z1[:, D2:], comb, True)

    a1, st1 = pl.pallas_call(
        _stats_kernel,
        grid=(nb,),
        in_specs=[_row_spec(D2), _row_spec(D2)],
        out_specs=[_row_spec(D1), _const_spec((8, D1))],
        out_shape=[jax.ShapeDtypeStruct((NPAD, D1), _f32),
                   jax.ShapeDtypeStruct((8, D1), _f32)],
    )(p1[0], p1[1])

    z2 = pl.pallas_call(
        _gnmm_kernel,
        grid=(nb,),
        in_specs=[_row_spec(D1), _const_spec((8, D1)), _const_spec((1, D1)),
                  _const_spec((1, D1)), _const_spec((1, D1)),
                  _const_spec((D1, D2))],
        out_specs=_row_spec(D2),
        out_shape=jax.ShapeDtypeStruct((NPAD, D2), _f32),
    )(a1, st1, gn1_gamma.reshape(1, D1), gn1_alpha.reshape(1, D1),
      gn1_beta.reshape(1, D1), W2)

    p2 = _msg_call(z2, z2, comb, False)

    out = pl.pallas_call(
        _final_kernel,
        grid=(nb,),
        in_specs=[_row_spec(D2), _row_spec(D2), _const_spec((1, D2)),
                  _const_spec((1, D2)), _const_spec((1, D2)),
                  _const_spec((3 * D2, OUT_DIM))],
        out_specs=_const_spec((1, OUT_DIM)),
        out_shape=jax.ShapeDtypeStruct((1, OUT_DIM), _f32),
        scratch_shapes=[pltpu.VMEM((8, D2), _f32)],
    )(p2[0], p2[1], gn2_gamma.reshape(1, D2), gn2_alpha.reshape(1, D2),
      gn2_beta.reshape(1, D2), Wc)

    return out

# --- scband reference (transcript-rebuilt; emitter-appended) ---
"""Pipeline reference for scband-spiral-mesh-reader-65824668779070 (READ-ONLY COPY).

The authoritative reference and input builder live on the scoring server;
editing this copy changes nothing except your own understanding.
"""

import jax, jax.numpy as jnp
import numpy as np

N_NODES = 10000
N_EDGES = 320000
IN_DIM = 128
HID = 128
HID2 = 64
OUT_DIM = 10


def setup_inputs(seed: int = 0) -> dict:
    key = jax.random.key(seed)
    ks = jax.random.split(key, 12)
    x = jax.random.normal(ks[0], (N_NODES, IN_DIM), dtype=jnp.float32)
    edge_index = jax.random.randint(ks[1], (2, N_EDGES), 0, N_NODES, dtype=jnp.int32).astype(jnp.int64)
    edge_weights = jax.random.uniform(ks[2], (N_EDGES,), dtype=jnp.float32)
    W1 = jax.random.normal(ks[3], (IN_DIM, HID), dtype=jnp.float32) * 0.05
    W2 = jax.random.normal(ks[4], (HID, HID2), dtype=jnp.float32) * 0.05
    Wc = jax.random.normal(ks[5], (HID2 * 3, OUT_DIM), dtype=jnp.float32) * 0.05
    gn1_alpha = jnp.ones((HID,), jnp.float32)
    gn1_gamma = jnp.ones((HID,), jnp.float32)
    gn1_beta = jnp.zeros((HID,), jnp.float32)
    gn2_alpha = jnp.ones((HID2,), jnp.float32)
    gn2_gamma = jnp.ones((HID2,), jnp.float32)
    gn2_beta = jnp.zeros((HID2,), jnp.float32)
    return {"x": x, "edge_index": edge_index, "edge_weights": edge_weights,
            "W1": W1, "W2": W2, "Wc": Wc,
            "gn1_alpha": gn1_alpha, "gn1_gamma": gn1_gamma, "gn1_beta": gn1_beta,
            "gn2_alpha": gn2_alpha, "gn2_gamma": gn2_gamma, "gn2_beta": gn2_beta}


def _graph_conv(h, src, dst, ew, W):
    # DGL GraphConv, norm='both', bias=False, with edge_weight:
    # out = D_in^{-1/2} * A_w * D_out^{-1/2} * h * W  (degrees are structural)
    n = h.shape[0]
    deg_out = jnp.zeros((n,), h.dtype).at[src].add(1.0)
    deg_in = jnp.zeros((n,), h.dtype).at[dst].add(1.0)
    norm_out = jnp.clip(deg_out, 1.0, None) ** -0.5
    norm_in = jnp.clip(deg_in, 1.0, None) ** -0.5
    hs = h * norm_out[:, None]
    msg = jnp.take(hs, src, axis=0) * ew[:, None]
    agg = jnp.zeros((n, h.shape[1]), h.dtype).at[dst].add(msg)
    agg = agg * norm_in[:, None]
    return agg @ W


def _graph_norm(h, alpha, gamma, beta, eps=1e-5):
    mean = jnp.mean(h, axis=0, keepdims=True)
    sub = h - alpha * mean
    var = jnp.mean(sub ** 2, axis=0, keepdims=True)
    return gamma * sub / jnp.sqrt(var + eps) + beta


def reference(x, edge_index, edge_weights, W1, W2, Wc,
              gn1_alpha, gn1_gamma, gn1_beta,
              gn2_alpha, gn2_gamma, gn2_beta):
    src = edge_index[0]
    dst = edge_index[1]
    h = _graph_conv(x, src, dst, edge_weights, W1)
    h = jax.nn.leaky_relu(h, negative_slope=0.01)
    h = _graph_norm(h, gn1_alpha, gn1_gamma, gn1_beta)
    h = _graph_conv(h, src, dst, edge_weights, W2)
    h = jax.nn.leaky_relu(h, negative_slope=0.01)
    h = _graph_norm(h, gn2_alpha, gn2_gamma, gn2_beta)
    # single-graph readouts: mean / max / min over nodes -> [1, 3*HID2]
    feats = jnp.concatenate([jnp.mean(h, axis=0), jnp.max(h, axis=0), jnp.min(h, axis=0)])[None, :]
    return feats @ Wc

if __name__ == "__main__":
    import jax
    _d = setup_inputs()
    print(jax.jit(kernel)(*tuple(_d.values())))

</pallas_src>

<mosaic_0001>
#map = affine_map<(d0, d1) -> (0)>
module attributes {stable_mosaic.version = 14 : i64} {
  func.func @_w_body(%arg0: i32, %arg1: i32, %arg2: memref<327680xi32, #tpu.memory_space<hbm>>, %arg3: memref<327680xi32, #tpu.memory_space<hbm>>, %arg4: memref<327680xf32, #tpu.memory_space<hbm>>, %arg5: memref<10240xf32, #tpu.memory_space<hbm>>, %arg6: memref<10240xf32, #tpu.memory_space<hbm>>, %arg7: memref<327680xf32, #tpu.memory_space<hbm>>, %arg8: memref<10240xf32, #tpu.memory_space<vmem>>, %arg9: memref<10240xf32, #tpu.memory_space<vmem>>, %arg10: memref<10240xi32, #tpu.memory_space<vmem>>, %arg11: memref<10240xi32, #tpu.memory_space<vmem>>, %arg12: memref<10240xf32, #tpu.memory_space<vmem>>, %arg13: memref<10240xf32, #tpu.memory_space<vmem>>) attributes {dimension_semantics = [#tpu.dimension_semantics<core_parallel>, #tpu.dimension_semantics<subcore_parallel>], iteration_bounds = array<i64: 2, 16>, scalar_prefetch = 0 : i64, scratch_operands = 6 : i64, tpu.core_type = #tpu.core_type<sc_vector_subcore>, window_params = [{transform_indices = #map}, {transform_indices = #map}, {transform_indices = #map}, {transform_indices = #map}, {transform_indices = #map}, {transform_indices = #map}]} {
    %mul3A = arith.constant 16 : i32
    %mul3A_0 = arith.muli %arg0, %mul3A : i32
    %add3A = arith.addi %mul3A_0, %arg1 : i32
    %mul3A_1 = arith.constant 10240 : i32
    %mul3A_2 = arith.muli %add3A, %mul3A_1 : i32
    "tpu.region"() ({
      %run_scoped3A = tpu.sem_alloc : memref<!tpu.dma_semaphore, #tpu.memory_space<semaphore_mem>>
      tpu.enqueue_dma source(%arg5 : memref<10240xf32, #tpu.memory_space<hbm>>) target(%arg8 : memref<10240xf32, #tpu.memory_space<vmem>>) target_semaphore(%run_scoped3A : memref<!tpu.dma_semaphore, #tpu.memory_space<semaphore_mem>>)
      tpu.wait_dma2 semaphore(%run_scoped3A : memref<!tpu.dma_semaphore, #tpu.memory_space<semaphore_mem>>) src(%arg5 : memref<10240xf32, #tpu.memory_space<hbm>>) dst(%arg8 : memref<10240xf32, #tpu.memory_space<vmem>>)
      tpu.yield
    }) : () -> ()
    "tpu.region"() ({
      %run_scoped3A = tpu.sem_alloc : memref<!tpu.dma_semaphore, #tpu.memory_space<semaphore_mem>>
      tpu.enqueue_dma source(%arg6 : memref<10240xf32, #tpu.memory_space<hbm>>) target(%arg9 : memref<10240xf32, #tpu.memory_space<vmem>>) target_semaphore(%run_scoped3A : memref<!tpu.dma_semaphore, #tpu.memory_space<semaphore_mem>>)
      tpu.wait_dma2 semaphore(%run_scoped3A : memref<!tpu.dma_semaphore, #tpu.memory_space<semaphore_mem>>) src(%arg6 : memref<10240xf32, #tpu.memory_space<hbm>>) dst(%arg9 : memref<10240xf32, #tpu.memory_space<vmem>>)
      tpu.yield
    }) : () -> ()
    "tpu.region"() ({
      %run_scoped3A = tpu.sem_alloc : memref<!tpu.dma_semaphore, #tpu.memory_space<semaphore_mem>>
      %dma_start3A = tpu.memref_slice %arg2[%mul3A_2] : memref<327680xi32, #tpu.memory_space<hbm>> -> memref<10240xi32, #tpu.memory_space<hbm>>
      %dma_start3A_9 = tpu.memref_slice %arg2[%mul3A_2] : memref<327680xi32, #tpu.memory_space<hbm>> -> memref<10240xi32, #tpu.memory_space<hbm>>
      tpu.enqueue_dma source(%dma_start3A_9 : memref<10240xi32, #tpu.memory_space<hbm>>) target(%arg10 : memref<10240xi32, #tpu.memory_space<vmem>>) target_semaphore(%run_scoped3A : memref<!tpu.dma_semaphore, #tpu.memory_space<semaphore_mem>>)
      %dma_wait3A = tpu.memref_slice %arg2[%mul3A_2] : memref<327680xi32, #tpu.memory_space<hbm>> -> memref<10240xi32, #tpu.memory_space<hbm>>
      %dma_wait3A_10 = tpu.memref_slice %arg2[%mul3A_2] : memref<327680xi32, #tpu.memory_space<hbm>> -> memref<10240xi32, #tpu.memory_space<hbm>>
      tpu.wait_dma2 semaphore(%run_scoped3A : memref<!tpu.dma_semaphore, #tpu.memory_space<semaphore_mem>>) src(%dma_wait3A_10 : memref<10240xi32, #tpu.memory_space<hbm>>) dst(%arg10 : memref<10240xi32, #tpu.memory_space<vmem>>)
      tpu.yield
    }) : () -> ()
    "tpu.region"() ({
      %run_scoped3A = tpu.sem_alloc : memref<!tpu.dma_semaphore, #tpu.memory_space<semaphore_mem>>
      %dma_start3A = tpu.memref_slice %arg3[%mul3A_2] : memref<327680xi32, #tpu.memory_space<hbm>> -> memref<10240xi32, #tpu.memory_space<hbm>>
      %dma_start3A_9 = tpu.memref_slice %arg3[%mul3A_2] : memref<327680xi32, #tpu.memory_space<hbm>> -> memref<10240xi32, #tpu.memory_space<hbm>>
      tpu.enqueue_dma source(%dma_start3A_9 : memref<10240xi32, #tpu.memory_space<hbm>>) target(%arg11 : memref<10240xi32, #tpu.memory_space<vmem>>) target_semaphore(%run_scoped3A : memref<!tpu.dma_semaphore, #tpu.memory_space<semaphore_mem>>)
      %dma_wait3A = tpu.memref_slice %arg3[%mul3A_2] : memref<327680xi32, #tpu.memory_space<hbm>> -> memref<10240xi32, #tpu.memory_space<hbm>>
      %dma_wait3A_10 = tpu.memref_slice %arg3[%mul3A_2] : memref<327680xi32, #tpu.memory_space<hbm>> -> memref<10240xi32, #tpu.memory_space<hbm>>
      tpu.wait_dma2 semaphore(%run_scoped3A : memref<!tpu.dma_semaphore, #tpu.memory_space<semaphore_mem>>) src(%dma_wait3A_10 : memref<10240xi32, #tpu.memory_space<hbm>>) dst(%arg11 : memref<10240xi32, #tpu.memory_space<vmem>>)
      tpu.yield
    }) : () -> ()
    "tpu.region"() ({
      %run_scoped3A = tpu.sem_alloc : memref<!tpu.dma_semaphore, #tpu.memory_space<semaphore_mem>>
      %dma_start3A = tpu.memref_slice %arg4[%mul3A_2] : memref<327680xf32, #tpu.memory_space<hbm>> -> memref<10240xf32, #tpu.memory_space<hbm>>
      %dma_start3A_9 = tpu.memref_slice %arg4[%mul3A_2] : memref<327680xf32, #tpu.memory_space<hbm>> -> memref<10240xf32, #tpu.memory_space<hbm>>
      tpu.enqueue_dma source(%dma_start3A_9 : memref<10240xf32, #tpu.memory_space<hbm>>) target(%arg12 : memref<10240xf32, #tpu.memory_space<vmem>>) target_semaphore(%run_scoped3A : memref<!tpu.dma_semaphore, #tpu.memory_space<semaphore_mem>>)
      %dma_wait3A = tpu.memref_slice %arg4[%mul3A_2] : memref<327680xf32, #tpu.memory_space<hbm>> -> memref<10240xf32, #tpu.memory_space<hbm>>
      %dma_wait3A_10 = tpu.memref_slice %arg4[%mul3A_2] : memref<327680xf32, #tpu.memory_space<hbm>> -> memref<10240xf32, #tpu.memory_space<hbm>>
      tpu.wait_dma2 semaphore(%run_scoped3A : memref<!tpu.dma_semaphore, #tpu.memory_space<semaphore_mem>>) src(%dma_wait3A_10 : memref<10240xf32, #tpu.memory_space<hbm>>) dst(%arg12 : memref<10240xf32, #tpu.memory_space<vmem>>)
      tpu.yield
    }) : () -> ()
    %scan3A = arith.constant 0 : i32
    %scan3A_3 = arith.constant 0 : i32
    %scan3A_4 = arith.constant 640 : i32
    %scan3A_5 = arith.addi %scan3A_3, %scan3A_4 : i32
    %scan3A_6 = arith.constant 1 : i32
    %scan3A_7 = scf.for %scan3A_9 = %scan3A_3 to %scan3A_5 step %scan3A_6 iter_args(%scan3A_10 = %scan3A) -> (i32)  : i32 {
      %mul3A_11 = arith.constant 16 : i32
      %mul3A_12 = arith.muli %scan3A_9, %mul3A_11 : i32
      %get3A = arith.index_cast %mul3A_12 : i32 to index
      %get3A_13 = tpu.vector_load %arg10[%get3A] {strides = array<i32>} : memref<10240xi32, #tpu.memory_space<vmem>>, vector<16xi32>,
      %mul3A_14 = arith.constant 16 : i32
      %mul3A_15 = arith.muli %scan3A_9, %mul3A_14 : i32
      %get3A_16 = arith.index_cast %mul3A_15 : i32 to index
      %get3A_17 = tpu.vector_load %arg11[%get3A_16] {strides = array<i32>} : memref<10240xi32, #tpu.memory_space<vmem>>, vector<16xi32>,
      %gather3A = tpu.vector_load_idx %arg8[%get3A_13] : memref<10240xf32, #tpu.memory_space<vmem>>[vector<16xi32>], vector<16xf32>,
      %gather3A_18 = tpu.vector_load_idx %arg9[%get3A_17] : memref<10240xf32, #tpu.memory_space<vmem>>[vector<16xi32>], vector<16xf32>,
      %mul3A_19 = arith.constant 16 : i32
      %mul3A_20 = arith.muli %scan3A_9, %mul3A_19 : i32
      %get3A_21 = arith.index_cast %mul3A_20 : i32 to index
      %get3A_22 = tpu.vector_load %arg12[%get3A_21] {strides = array<i32>} : memref<10240xf32, #tpu.memory_space<vmem>>, vector<16xf32>,
      %mul3A_23 = arith.mulf %get3A_22, %gather3A : vector<16xf32>
      %mul3A_24 = arith.mulf %mul3A_23, %gather3A_18 : vector<16xf32>
      %mul3A_25 = arith.constant 16 : i32
      %mul3A_26 = arith.muli %scan3A_9, %mul3A_25 : i32
      %swap3A = arith.index_cast %mul3A_26 : i32 to index
      %swap3A_27 = tpu.vector_load %arg13[%swap3A] {strides = array<i32>} : memref<10240xf32, #tpu.memory_space<vmem>>, vector<16xf32>,
      tpu.vector_store %arg13[%swap3A], %mul3A_24 {strides = array<i32>} : memref<10240xf32, #tpu.memory_space<vmem>>, vector<16xf32>,
      %scan3A_28 = arith.constant 0 : i32
      scf.yield %scan3A_28 : i32
    }
    %scan3A_8 = arith.constant 640 : i32
    "tpu.region"() ({
      %run_scoped3A = tpu.sem_alloc : memref<!tpu.dma_semaphore, #tpu.memory_space<semaphore_mem>>
      %dma_start3A = tpu.memref_slice %arg7[%mul3A_2] : memref<327680xf32, #tpu.memory_space<hbm>> -> memref<10240xf32, #tpu.memory_space<hbm>>
      %dma_start3A_9 = tpu.memref_slice %arg7[%mul3A_2] : memref<327680xf32, #tpu.memory_space<hbm>> -> memref<10240xf32, #tpu.memory_space<hbm>>
      tpu.enqueue_dma source(%arg13 : memref<10240xf32, #tpu.memory_space<vmem>>) target(%dma_start3A_9 : memref<10240xf32, #tpu.memory_space<hbm>>) target_semaphore(%run_scoped3A : memref<!tpu.dma_semaphore, #tpu.memory_space<semaphore_mem>>)
      %dma_wait3A = tpu.memref_slice %arg7[%mul3A_2] : memref<327680xf32, #tpu.memory_space<hbm>> -> memref<10240xf32, #tpu.memory_space<hbm>>
      %dma_wait3A_10 = tpu.memref_slice %arg7[%mul3A_2] : memref<327680xf32, #tpu.memory_space<hbm>> -> memref<10240xf32, #tpu.memory_space<hbm>>
      tpu.wait_dma2 semaphore(%run_scoped3A : memref<!tpu.dma_semaphore, #tpu.memory_space<semaphore_mem>>) src(%arg13 : memref<10240xf32, #tpu.memory_space<vmem>>) dst(%dma_wait3A_10 : memref<10240xf32, #tpu.memory_space<hbm>>)
      tpu.yield
    }) : () -> ()
    return
  }
}

#map = affine_map<(d0, d1) -> (0, 0)>
#map1 = affine_map<(d0, d1) -> (0, 0, 0)>
module attributes {stable_mosaic.version = 14 : i64} {
  func.func @_msg_body(%arg0: i32, %arg1: i32, %arg2: memref<10240x64xf32, #tpu.memory_space<hbm>>, %arg3: memref<10240x64xf32, #tpu.memory_space<hbm>>, %arg4: memref<2560x3x128xi32, #tpu.memory_space<hbm>>, %arg5: memref<2x10240x64xf32, #tpu.memory_space<hbm>>, %arg6: memref<4x3x128xi32, #tpu.memory_space<vmem>>, %arg7: memref<128x64xf32, #tpu.memory_space<vmem>>, %arg8: memref<128x64xf32, #tpu.memory_space<vmem>>, %arg9: memref<128x64xf32, #tpu.memory_space<vmem>>, %arg10: memref<128x64xf32, #tpu.memory_space<vmem>>, %arg11: memref<!tpu.dma_semaphore, #tpu.memory_space<semaphore_mem>>, %arg12: memref<!tpu.dma_semaphore, #tpu.memory_space<semaphore_mem>>, %arg13: memref<!tpu.dma_semaphore, #tpu.memory_space<semaphore_mem>>, %arg14: memref<!tpu.dma_semaphore, #tpu.memory_space<semaphore_mem>>, %arg15: memref<!tpu.dma_semaphore, #tpu.memory_space<semaphore_mem>>, %arg16: memref<!tpu.dma_semaphore, #tpu.memory_space<semaphore_mem>>, %arg17: memref<!tpu.dma_semaphore, #tpu.memory_space<semaphore_mem>>, %arg18: memref<!tpu.dma_semaphore, #tpu.memory_space<semaphore_mem>>, %arg19: memref<!tpu.dma_semaphore, #tpu.memory_space<semaphore_mem>>, %arg20: memref<!tpu.dma_semaphore, #tpu.memory_space<semaphore_mem>>, %arg21: memref<!tpu.dma_semaphore, #tpu.memory_space<semaphore_mem>>, %arg22: memref<!tpu.dma_semaphore, #tpu.memory_space<semaphore_mem>>, %arg23: memref<10240x64xf32, #tpu.memory_space<vmem_shared>>, %arg24: memref<10240x64xf32, #tpu.memory_space<vmem_shared>>) attributes {dimension_semantics = [#tpu.dimension_semantics<core_parallel>, #tpu.dimension_semantics<subcore_parallel>], iteration_bounds = array<i64: 2, 16>, scalar_prefetch = 0 : i64, scratch_operands = 19 : i64, tpu.core_type = #tpu.core_type<sc_vector_subcore>, window_params = [{transform_indices = #map}, {transform_indices = #map}, {transform_indices = #map1}, {transform_indices = #map1}]} {
    %mul3A = arith.constant 16 : i32
    %mul3A_0 = arith.muli %arg0, %mul3A : i32
    %add3A = arith.addi %mul3A_0, %arg1 : i32
    %mul3A_1 = arith.constant 80 : i32
    %mul3A_2 = arith.muli %add3A, %mul3A_1 : i32
    %eq3A = arith.constant 0 : i32
    %eq3A_3 = arith.cmpi eq, %arg0, %eq3A : i32
    %convert_element_type3A = arith.extui %eq3A_3 : i1 to i32
    %cond3A = arith.constant 0 : i32
    %cond3A_4 = arith.cmpi ne, %convert_element_type3A, %cond3A : i32
    scf.if %cond3A_4 {
      %mul3A_190 = arith.constant 640 : i32
      %mul3A_191 = arith.muli %arg1, %mul3A_190 : i32
      %mul3A_192 = arith.constant 640 : i32
      %mul3A_193 = arith.muli %arg1, %mul3A_192 : i32
      "tpu.region"() ({
        %run_scoped3A = tpu.sem_alloc : memref<!tpu.dma_semaphore, #tpu.memory_space<semaphore_mem>>
        %dma_start3A_194 = arith.constant 0 : i32
        %dma_start3A_195 = tpu.memref_slice %arg23[%mul3A_193, %dma_start3A_194] : memref<10240x64xf32, #tpu.memory_space<vmem_shared>> -> memref<640x64xf32, #tpu.memory_space<vmem_shared>>
        %dma_start3A_196 = arith.constant 0 : i32
        %dma_start3A_197 = tpu.memref_slice %arg2[%mul3A_191, %dma_start3A_196] : memref<10240x64xf32, #tpu.memory_space<hbm>> -> memref<640x64xf32, #tpu.memory_space<hbm>>
        tpu.enqueue_dma source(%dma_start3A_197 : memref<640x64xf32, #tpu.memory_space<hbm>>) target(%dma_start3A_195 : memref<640x64xf32, #tpu.memory_space<vmem_shared>>) target_semaphore(%run_scoped3A : memref<!tpu.dma_semaphore, #tpu.memory_space<semaphore_mem>>)
        %dma_wait3A_198 = arith.constant 0 : i32
        %dma_wait3A_199 = tpu.memref_slice %arg23[%mul3A_193, %dma_wait3A_198] : memref<10240x64xf32, #tpu.memory_space<vmem_shared>> -> memref<640x64xf32, #tpu.memory_space<vmem_shared>>
        %dma_wait3A_200 = arith.constant 0 : i32
        %dma_wait3A_201 = tpu.memref_slice %arg2[%mul3A_191, %dma_wait3A_200] : memref<10240x64xf32, #tpu.memory_space<hbm>> -> memref<640x64xf32, #tpu.memory_space<hbm>>
        tpu.wait_dma2 semaphore(%run_scoped3A : memref<!tpu.dma_semaphore, #tpu.memory_space<semaphore_mem>>) src(%dma_wait3A_201 : memref<640x64xf32, #tpu.memory_space<hbm>>) dst(%dma_wait3A_199 : memref<640x64xf32, #tpu.memory_space<vmem_shared>>)
        tpu.yield
      }) : () -> ()
    } else {
    }
    %eq3A_5 = arith.constant 1 : i32
    %eq3A_6 = arith.cmpi eq, %arg0, %eq3A_5 : i32
    %convert_element_type3A_7 = arith.extui %eq3A_6 : i1 to i32
    %cond3A_8 = arith.constant 0 : i32
    %cond3A_9 = arith.cmpi ne, %convert_element_type3A_7, %cond3A_8 : i32
    scf.if %cond3A_9 {
      %mul3A_190 = arith.constant 640 : i32
      %mul3A_191 = arith.muli %arg1, %mul3A_190 : i32
      %mul3A_192 = arith.constant 640 : i32
      %mul3A_193 = arith.muli %arg1, %mul3A_192 : i32
      "tpu.region"() ({
        %run_scoped3A = tpu.sem_alloc : memref<!tpu.dma_semaphore, #tpu.memory_space<semaphore_mem>>
        %dma_start3A_194 = arith.constant 0 : i32
        %dma_start3A_195 = tpu.memref_slice %arg23[%mul3A_193, %dma_start3A_194] : memref<10240x64xf32, #tpu.memory_space<vmem_shared>> -> memref<640x64xf32, #tpu.memory_space<vmem_shared>>
        %dma_start3A_196 = arith.constant 0 : i32
        %dma_start3A_197 = tpu.memref_slice %arg3[%mul3A_191, %dma_start3A_196] : memref<10240x64xf32, #tpu.memory_space<hbm>> -> memref<640x64xf32, #tpu.memory_space<hbm>>
        tpu.enqueue_dma source(%dma_start3A_197 : memref<640x64xf32, #tpu.memory_space<hbm>>) target(%dma_start3A_195 : memref<640x64xf32, #tpu.memory_space<vmem_shared>>) target_semaphore(%run_scoped3A : memref<!tpu.dma_semaphore, #tpu.memory_space<semaphore_mem>>)
        %dma_wait3A_198 = arith.constant 0 : i32
        %dma_wait3A_199 = tpu.memref_slice %arg23[%mul3A_193, %dma_wait3A_198] : memref<10240x64xf32, #tpu.memory_space<vmem_shared>> -> memref<640x64xf32, #tpu.memory_space<vmem_shared>>
        %dma_wait3A_200 = arith.constant 0 : i32
        %dma_wait3A_201 = tpu.memref_slice %arg3[%mul3A_191, %dma_wait3A_200] : memref<10240x64xf32, #tpu.memory_space<hbm>> -> memref<640x64xf32, #tpu.memory_space<hbm>>
        tpu.wait_dma2 semaphore(%run_scoped3A : memref<!tpu.dma_semaphore, #tpu.memory_space<semaphore_mem>>) src(%dma_wait3A_201 : memref<640x64xf32, #tpu.memory_space<hbm>>) dst(%dma_wait3A_199 : memref<640x64xf32, #tpu.memory_space<vmem_shared>>)
        tpu.yield
      }) : () -> ()
    } else {
    }
    %scan3A = arith.constant 0 : i32
    %scan3A_10 = arith.constant 0 : i32
    %scan3A_11 = arith.constant 128 : i32
    %scan3A_12 = arith.addi %scan3A_10, %scan3A_11 : i32
    %scan3A_13 = arith.constant 1 : i32
    %scan3A_14 = scf.for %scan3A_190 = %scan3A_10 to %scan3A_12 step %scan3A_13 iter_args(%scan3A_191 = %scan3A) -> (i32)  : i32 {
      %broadcast_in_dim3A = arith.constant 0.000000e+00 : f32
      %broadcast_in_dim3A_192 = vector.broadcast %broadcast_in_dim3A : f32 to vector<16xf32>
      %swap3A = arith.index_cast %scan3A_190 : i32 to index
      %swap3A_193 = arith.constant 0 : index
      %swap3A_194 = tpu.vector_load %arg7[%swap3A, %swap3A_193] {strides = array<i32>} : memref<128x64xf32, #tpu.memory_space<vmem>>, vector<16xf32>,
      tpu.vector_store %arg7[%swap3A, %swap3A_193], %broadcast_in_dim3A_192 {strides = array<i32>} : memref<128x64xf32, #tpu.memory_space<vmem>>, vector<16xf32>,
      %broadcast_in_dim3A_195 = arith.constant 0.000000e+00 : f32
      %broadcast_in_dim3A_196 = vector.broadcast %broadcast_in_dim3A_195 : f32 to vector<16xf32>
      %swap3A_197 = arith.index_cast %scan3A_190 : i32 to index
      %swap3A_198 = arith.constant 16 : index
      %swap3A_199 = tpu.vector_load %arg7[%swap3A_197, %swap3A_198] {strides = array<i32>} : memref<128x64xf32, #tpu.memory_space<vmem>>, vector<16xf32>,
      tpu.vector_store %arg7[%swap3A_197, %swap3A_198], %broadcast_in_dim3A_196 {strides = array<i32>} : memref<128x64xf32, #tpu.memory_space<vmem>>, vector<16xf32>,
      %broadcast_in_dim3A_200 = arith.constant 0.000000e+00 : f32
      %broadcast_in_dim3A_201 = vector.broadcast %broadcast_in_dim3A_200 : f32 to vector<16xf32>
      %swap3A_202 = arith.index_cast %scan3A_190 : i32 to index
      %swap3A_203 = arith.constant 32 : index
      %swap3A_204 = tpu.vector_load %arg7[%swap3A_202, %swap3A_203] {strides = array<i32>} : memref<128x64xf32, #tpu.memory_space<vmem>>, vector<16xf32>,
      tpu.vector_store %arg7[%swap3A_202, %swap3A_203], %broadcast_in_dim3A_201 {strides = array<i32>} : memref<128x64xf32, #tpu.memory_space<vmem>>, vector<16xf32>,
      %broadcast_in_dim3A_205 = arith.constant 0.000000e+00 : f32
      %broadcast_in_dim3A_206 = vector.broadcast %broadcast_in_dim3A_205 : f32 to vector<16xf32>
      %swap3A_207 = arith.index_cast %scan3A_190 : i32 to index
      %swap3A_208 = arith.constant 48 : index
      %swap3A_209 = tpu.vector_load %arg7[%swap3A_207, %swap3A_208] {strides = array<i32>} : memref<128x64xf32, #tpu.memory_space<vmem>>, vector<16xf32>,
      tpu.vector_store %arg7[%swap3A_207, %swap3A_208], %broadcast_in_dim3A_206 {strides = array<i32>} : memref<128x64xf32, #tpu.memory_space<vmem>>, vector<16xf32>,
      %scan3A_210 = arith.constant 0 : i32
      scf.yield %scan3A_210 : i32
    }
    %scan3A_15 = arith.constant 128 : i32
    %mul3A_16 = arith.constant 640 : i32
    %mul3A_17 = arith.muli %arg1, %mul3A_16 : i32
    %add3A_18 = arith.constant 0 : i32
    %add3A_19 = arith.addi %mul3A_17, %add3A_18 : i32
    "tpu.region"() ({
      %run_scoped3A = tpu.sem_alloc : memref<!tpu.dma_semaphore, #tpu.memory_space<semaphore_mem>>
      %dma_start3A_190 = arith.constant 0 : i32
      %dma_start3A_191 = tpu.memref_slice %arg24[%add3A_19, %dma_start3A_190] : memref<10240x64xf32, #tpu.memory_space<vmem_shared>> -> memref<128x64xf32, #tpu.memory_space<vmem_shared>>
      %dma_start3A_192 = arith.constant 0 : i32
      %dma_start3A_193 = tpu.memref_slice %arg24[%add3A_19, %dma_start3A_192] : memref<10240x64xf32, #tpu.memory_space<vmem_shared>> -> memref<128x64xf32, #tpu.memory_space<vmem_shared>>
      tpu.enqueue_dma source(%arg7 : memref<128x64xf32, #tpu.memory_space<vmem>>) target(%dma_start3A_193 : memref<128x64xf32, #tpu.memory_space<vmem_shared>>) target_semaphore(%run_scoped3A : memref<!tpu.dma_semaphore, #tpu.memory_space<semaphore_mem>>)
      %dma_wait3A_194 = arith.constant 0 : i32
      %dma_wait3A_195 = tpu.memref_slice %arg24[%add3A_19, %dma_wait3A_194] : memref<10240x64xf32, #tpu.memory_space<vmem_shared>> -> memref<128x64xf32, #tpu.memory_space<vmem_shared>>
      %dma_wait3A_196 = arith.constant 0 : i32
      %dma_wait3A_197 = tpu.memref_slice %arg24[%add3A_19, %dma_wait3A_196] : memref<10240x64xf32, #tpu.memory_space<vmem_shared>> -> memref<128x64xf32, #tpu.memory_space<vmem_shared>>
      tpu.wait_dma2 semaphore(%run_scoped3A : memref<!tpu.dma_semaphore, #tpu.memory_space<semaphore_mem>>) src(%arg7 : memref<128x64xf32, #tpu.memory_space<vmem>>) dst(%dma_wait3A_197 : memref<128x64xf32, #tpu.memory_space<vmem_shared>>)
      tpu.yield
    }) : () -> ()
    %mul3A_20 = arith.constant 640 : i32
    %mul3A_21 = arith.muli %arg1, %mul3A_20 : i32
    %add3A_22 = arith.constant 128 : i32
    %add3A_23 = arith.addi %mul3A_21, %add3A_22 : i32
    "tpu.region"() ({
      %run_scoped3A = tpu.sem_alloc : memref<!tpu.dma_semaphore, #tpu.memory_space<semaphore_mem>>
      %dma_start3A_190 = arith.constant 0 : i32
      %dma_start3A_191 = tpu.memref_slice %arg24[%add3A_23, %dma_start3A_190] : memref<10240x64xf32, #tpu.memory_space<vmem_shared>> -> memref<128x64xf32, #tpu.memory_space<vmem_shared>>
      %dma_start3A_192 = arith.constant 0 : i32
      %dma_start3A_193 = tpu.memref_slice %arg24[%add3A_23, %dma_start3A_192] : memref<10240x64xf32, #tpu.memory_space<vmem_shared>> -> memref<128x64xf32, #tpu.memory_space<vmem_shared>>
      tpu.enqueue_dma source(%arg7 : memref<128x64xf32, #tpu.memory_space<vmem>>) target(%dma_start3A_193 : memref<128x64xf32, #tpu.memory_space<vmem_shared>>) target_semaphore(%run_scoped3A : memref<!tpu.dma_semaphore, #tpu.memory_space<semaphore_mem>>)
      %dma_wait3A_194 = arith.constant 0 : i32
      %dma_wait3A_195 = tpu.memref_slice %arg24[%add3A_23, %dma_wait3A_194] : memref<10240x64xf32, #tpu.memory_space<vmem_shared>> -> memref<128x64xf32, #tpu.memory_space<vmem_shared>>
      %dma_wait3A_196 = arith.constant 0 : i32
      %dma_wait3A_197 = tpu.memref_slice %arg24[%add3A_23, %dma_wait3A_196] : memref<10240x64xf32, #tpu.memory_space<vmem_shared>> -> memref<128x64xf32, #tpu.memory_space<vmem_shared>>
      tpu.wait_dma2 semaphore(%run_scoped3A : memref<!tpu.dma_semaphore, #tpu.memory_space<semaphore_mem>>) src(%arg7 : memref<128x64xf32, #tpu.memory_space<vmem>>) dst(%dma_wait3A_197 : memref<128x64xf32, #tpu.memory_space<vmem_shared>>)
      tpu.yield
    }) : () -> ()
    %mul3A_24 = arith.constant 640 : i32
    %mul3A_25 = arith.muli %arg1, %mul3A_24 : i32
    %add3A_26 = arith.constant 256 : i32
    %add3A_27 = arith.addi %mul3A_25, %add3A_26 : i32
    "tpu.region"() ({
      %run_scoped3A = tpu.sem_alloc : memref<!tpu.dma_semaphore, #tpu.memory_space<semaphore_mem>>
      %dma_start3A_190 = arith.constant 0 : i32
      %dma_start3A_191 = tpu.memref_slice %arg24[%add3A_27, %dma_start3A_190] : memref<10240x64xf32, #tpu.memory_space<vmem_shared>> -> memref<128x64xf32, #tpu.memory_space<vmem_shared>>
      %dma_start3A_192 = arith.constant 0 : i32
      %dma_start3A_193 = tpu.memref_slice %arg24[%add3A_27, %dma_start3A_192] : memref<10240x64xf32, #tpu.memory_space<vmem_shared>> -> memref<128x64xf32, #tpu.memory_space<vmem_shared>>
      tpu.enqueue_dma source(%arg7 : memref<128x64xf32, #tpu.memory_space<vmem>>) target(%dma_start3A_193 : memref<128x64xf32, #tpu.memory_space<vmem_shared>>) target_semaphore(%run_scoped3A : memref<!tpu.dma_semaphore, #tpu.memory_space<semaphore_mem>>)
      %dma_wait3A_194 = arith.constant 0 : i32
      %dma_wait3A_195 = tpu.memref_slice %arg24[%add3A_27, %dma_wait3A_194] : memref<10240x64xf32, #tpu.memory_space<vmem_shared>> -> memref<128x64xf32, #tpu.memory_space<vmem_shared>>
      %dma_wait3A_196 = arith.constant 0 : i32
      %dma_wait3A_197 = tpu.memref_slice %arg24[%add3A_27, %dma_wait3A_196] : memref<10240x64xf32, #tpu.memory_space<vmem_shared>> -> memref<128x64xf32, #tpu.memory_space<vmem_shared>>
      tpu.wait_dma2 semaphore(%run_scoped3A : memref<!tpu.dma_semaphore, #tpu.memory_space<semaphore_mem>>) src(%arg7 : memref<128x64xf32, #tpu.memory_space<vmem>>) dst(%dma_wait3A_197 : memref<128x64xf32, #tpu.memory_space<vmem_shared>>)
      tpu.yield
    }) : () -> ()
    %mul3A_28 = arith.constant 640 : i32
    %mul3A_29 = arith.muli %arg1, %mul3A_28 : i32
    %add3A_30 = arith.constant 384 : i32
    %add3A_31 = arith.addi %mul3A_29, %add3A_30 : i32
    "tpu.region"() ({
      %run_scoped3A = tpu.sem_alloc : memref<!tpu.dma_semaphore, #tpu.memory_space<semaphore_mem>>
      %dma_start3A_190 = arith.constant 0 : i32
      %dma_start3A_191 = tpu.memref_slice %arg24[%add3A_31, %dma_start3A_190] : memref<10240x64xf32, #tpu.memory_space<vmem_shared>> -> memref<128x64xf32, #tpu.memory_space<vmem_shared>>
      %dma_start3A_192 = arith.constant 0 : i32
      %dma_start3A_193 = tpu.memref_slice %arg24[%add3A_31, %dma_start3A_192] : memref<10240x64xf32, #tpu.memory_space<vmem_shared>> -> memref<128x64xf32, #tpu.memory_space<vmem_shared>>
      tpu.enqueue_dma source(%arg7 : memref<128x64xf32, #tpu.memory_space<vmem>>) target(%dma_start3A_193 : memref<128x64xf32, #tpu.memory_space<vmem_shared>>) target_semaphore(%run_scoped3A : memref<!tpu.dma_semaphore, #tpu.memory_space<semaphore_mem>>)
      %dma_wait3A_194 = arith.constant 0 : i32
      %dma_wait3A_195 = tpu.memref_slice %arg24[%add3A_31, %dma_wait3A_194] : memref<10240x64xf32, #tpu.memory_space<vmem_shared>> -> memref<128x64xf32, #tpu.memory_space<vmem_shared>>
      %dma_wait3A_196 = arith.constant 0 : i32
      %dma_wait3A_197 = tpu.memref_slice %arg24[%add3A_31, %dma_wait3A_196] : memref<10240x64xf32, #tpu.memory_space<vmem_shared>> -> memref<128x64xf32, #tpu.memory_space<vmem_shared>>
      tpu.wait_dma2 semaphore(%run_scoped3A : memref<!tpu.dma_semaphore, #tpu.memory_space<semaphore_mem>>) src(%arg7 : memref<128x64xf32, #tpu.memory_space<vmem>>) dst(%dma_wait3A_197 : memref<128x64xf32, #tpu.memory_space<vmem_shared>>)
      tpu.yield
    }) : () -> ()
    %mul3A_32 = arith.constant 640 : i32
    %mul3A_33 = arith.muli %arg1, %mul3A_32 : i32
    %add3A_34 = arith.constant 512 : i32
    %add3A_35 = arith.addi %mul3A_33, %add3A_34 : i32
    "tpu.region"() ({
      %run_scoped3A = tpu.sem_alloc : memref<!tpu.dma_semaphore, #tpu.memory_space<semaphore_mem>>
      %dma_start3A_190 = arith.constant 0 : i32
      %dma_start3A_191 = tpu.memref_slice %arg24[%add3A_35, %dma_start3A_190] : memref<10240x64xf32, #tpu.memory_space<vmem_shared>> -> memref<128x64xf32, #tpu.memory_space<vmem_shared>>
      %dma_start3A_192 = arith.constant 0 : i32
      %dma_start3A_193 = tpu.memref_slice %arg24[%add3A_35, %dma_start3A_192] : memref<10240x64xf32, #tpu.memory_space<vmem_shared>> -> memref<128x64xf32, #tpu.memory_space<vmem_shared>>
      tpu.enqueue_dma source(%arg7 : memref<128x64xf32, #tpu.memory_space<vmem>>) target(%dma_start3A_193 : memref<128x64xf32, #tpu.memory_space<vmem_shared>>) target_semaphore(%run_scoped3A : memref<!tpu.dma_semaphore, #tpu.memory_space<semaphore_mem>>)
      %dma_wait3A_194 = arith.constant 0 : i32
      %dma_wait3A_195 = tpu.memref_slice %arg24[%add3A_35, %dma_wait3A_194] : memref<10240x64xf32, #tpu.memory_space<vmem_shared>> -> memref<128x64xf32, #tpu.memory_space<vmem_shared>>
      %dma_wait3A_196 = arith.constant 0 : i32
      %dma_wait3A_197 = tpu.memref_slice %arg24[%add3A_35, %dma_wait3A_196] : memref<10240x64xf32, #tpu.memory_space<vmem_shared>> -> memref<128x64xf32, #tpu.memory_space<vmem_shared>>
      tpu.wait_dma2 semaphore(%run_scoped3A : memref<!tpu.dma_semaphore, #tpu.memory_space<semaphore_mem>>) src(%arg7 : memref<128x64xf32, #tpu.memory_space<vmem>>) dst(%dma_wait3A_197 : memref<128x64xf32, #tpu.memory_space<vmem_shared>>)
      tpu.yield
    }) : () -> ()
    %barrier3A = arith.constant 0 : index
    tpu.barrier barrier_id(%barrier3A)
    %add3A_36 = arith.constant 0 : i32
    %add3A_37 = arith.addi %mul3A_2, %add3A_36 : i32
    %dma_start3A = arith.constant 0 : i32
    %dma_start3A_38 = arith.constant 0 : i32
    %dma_start3A_39 = arith.constant 0 : i32
    %dma_start3A_40 = tpu.memref_slice %arg6[%dma_start3A, %dma_start3A_38, %dma_start3A_39] : memref<4x3x128xi32, #tpu.memory_space<vmem>> -> memref<1x3x128xi32, #tpu.memory_space<vmem>>
    %dma_start3A_41 = tpu.memref_squeeze %dma_start3A_40 : memref<1x3x128xi32, #tpu.memory_space<vmem>> -> memref<3x128xi32, #tpu.memory_space<vmem>>
    %dma_start3A_42 = arith.constant 0 : i32
    %dma_start3A_43 = arith.constant 0 : i32
    %dma_start3A_44 = tpu.memref_slice %arg4[%add3A_37, %dma_start3A_42, %dma_start3A_43] : memref<2560x3x128xi32, #tpu.memory_space<hbm>> -> memref<1x3x128xi32, #tpu.memory_space<hbm>>
    %dma_start3A_45 = tpu.memref_squeeze %dma_start3A_44 : memref<1x3x128xi32, #tpu.memory_space<hbm>> -> memref<3x128xi32, #tpu.memory_space<hbm>>
    %dma_start3A_46 = arith.constant 0 : i32
    %dma_start3A_47 = arith.constant 0 : i32
    %dma_start3A_48 = tpu.memref_slice %arg6[%dma_start3A, %dma_start3A_46, %dma_start3A_47] : memref<4x3x128xi32, #tpu.memory_space<vmem>> -> memref<1x3x128xi32, #tpu.memory_space<vmem>>
    %dma_start3A_49 = tpu.memref_squeeze %dma_start3A_48 : memref<1x3x128xi32, #tpu.memory_space<vmem>> -> memref<3x128xi32, #tpu.memory_space<vmem>>
    %dma_start3A_50 = arith.constant 0 : i32
    %dma_start3A_51 = arith.constant 0 : i32
    %dma_start3A_52 = tpu.memref_slice %arg4[%add3A_37, %dma_start3A_50, %dma_start3A_51] : memref<2560x3x128xi32, #tpu.memory_space<hbm>> -> memref<1x3x128xi32, #tpu.memory_space<hbm>>
    %dma_start3A_53 = tpu.memref_squeeze %dma_start3A_52 : memref<1x3x128xi32, #tpu.memory_space<hbm>> -> memref<3x128xi32, #tpu.memory_space<hbm>>
    tpu.enqueue_dma source(%dma_start3A_53 : memref<3x128xi32, #tpu.memory_space<hbm>>) target(%dma_start3A_49 : memref<3x128xi32, #tpu.memory_space<vmem>>) target_semaphore(%arg19 : memref<!tpu.dma_semaphore, #tpu.memory_space<semaphore_mem>>)
    %add3A_54 = arith.constant 1 : i32
    %add3A_55 = arith.addi %mul3A_2, %add3A_54 : i32
    %dma_start3A_56 = arith.constant 1 : i32
    %dma_start3A_57 = arith.constant 0 : i32
    %dma_start3A_58 = arith.constant 0 : i32
    %dma_start3A_59 = tpu.memref_slice %arg6[%dma_start3A_56, %dma_start3A_57, %dma_start3A_58] : memref<4x3x128xi32, #tpu.memory_space<vmem>> -> memref<1x3x128xi32, #tpu.memory_space<vmem>>
    %dma_start3A_60 = tpu.memref_squeeze %dma_start3A_59 : memref<1x3x128xi32, #tpu.memory_space<vmem>> -> memref<3x128xi32, #tpu.memory_space<vmem>>
    %dma_start3A_61 = arith.constant 0 : i32
    %dma_start3A_62 = arith.constant 0 : i32
    %dma_start3A_63 = tpu.memref_slice %arg4[%add3A_55, %dma_start3A_61, %dma_start3A_62] : memref<2560x3x128xi32, #tpu.memory_space<hbm>> -> memref<1x3x128xi32, #tpu.memory_space<hbm>>
    %dma_start3A_64 = tpu.memref_squeeze %dma_start3A_63 : memref<1x3x128xi32, #tpu.memory_space<hbm>> -> memref<3x128xi32, #tpu.memory_space<hbm>>
    %dma_start3A_65 = arith.constant 0 : i32
    %dma_start3A_66 = arith.constant 0 : i32
    %dma_start3A_67 = tpu.memref_slice %arg6[%dma_start3A_56, %dma_start3A_65, %dma_start3A_66] : memref<4x3x128xi32, #tpu.memory_space<vmem>> -> memref<1x3x128xi32, #tpu.memory_space<vmem>>
    %dma_start3A_68 = tpu.memref_squeeze %dma_start3A_67 : memref<1x3x128xi32, #tpu.memory_space<vmem>> -> memref<3x128xi32, #tpu.memory_space<vmem>>
    %dma_start3A_69 = arith.constant 0 : i32
    %dma_start3A_70 = arith.constant 0 : i32
    %dma_start3A_71 = tpu.memref_slice %arg4[%add3A_55, %dma_start3A_69, %dma_start3A_70] : memref<2560x3x128xi32, #tpu.memory_space<hbm>> -> memref<1x3x128xi32, #tpu.memory_space<hbm>>
    %dma_start3A_72 = tpu.memref_squeeze %dma_start3A_71 : memref<1x3x128xi32, #tpu.memory_space<hbm>> -> memref<3x128xi32, #tpu.memory_space<hbm>>
    tpu.enqueue_dma source(%dma_start3A_72 : memref<3x128xi32, #tpu.memory_space<hbm>>) target(%dma_start3A_68 : memref<3x128xi32, #tpu.memory_space<vmem>>) target_semaphore(%arg20 : memref<!tpu.dma_semaphore, #tpu.memory_space<semaphore_mem>>)
    %add3A_73 = arith.constant 0 : i32
    %add3A_74 = arith.addi %mul3A_2, %add3A_73 : i32
    %dma_wait3A = arith.constant 0 : i32
    %dma_wait3A_75 = arith.constant 0 : i32
    %dma_wait3A_76 = arith.constant 0 : i32
    %dma_wait3A_77 = tpu.memref_slice %arg6[%dma_wait3A, %dma_wait3A_75, %dma_wait3A_76] : memref<4x3x128xi32, #tpu.memory_space<vmem>> -> memref<1x3x128xi32, #tpu.memory_space<vmem>>
    %dma_wait3A_78 = tpu.memref_squeeze %dma_wait3A_77 : memref<1x3x128xi32, #tpu.memory_space<vmem>> -> memref<3x128xi32, #tpu.memory_space<vmem>>
    %dma_wait3A_79 = arith.constant 0 : i32
    %dma_wait3A_80 = arith.constant 0 : i32
    %dma_wait3A_81 = tpu.memref_slice %arg4[%add3A_74, %dma_wait3A_79, %dma_wait3A_80] : memref<2560x3x128xi32, #tpu.memory_space<hbm>> -> memref<1x3x128xi32, #tpu.memory_space<hbm>>
    %dma_wait3A_82 = tpu.memref_squeeze %dma_wait3A_81 : memref<1x3x128xi32, #tpu.memory_space<hbm>> -> memref<3x128xi32, #tpu.memory_space<hbm>>
    %dma_wait3A_83 = arith.constant 0 : i32
    %dma_wait3A_84 = arith.constant 0 : i32
    %dma_wait3A_85 = tpu.memref_slice %arg6[%dma_wait3A, %dma_wait3A_83, %dma_wait3A_84] : memref<4x3x128xi32, #tpu.memory_space<vmem>> -> memref<1x3x128xi32, #tpu.memory_space<vmem>>
    %dma_wait3A_86 = tpu.memref_squeeze %dma_wait3A_85 : memref<1x3x128xi32, #tpu.memory_space<vmem>> -> memref<3x128xi32, #tpu.memory_space<vmem>>
    %dma_wait3A_87 = arith.constant 0 : i32
    %dma_wait3A_88 = arith.constant 0 : i32
    %dma_wait3A_89 = tpu.memref_slice %arg4[%add3A_74, %dma_wait3A_87, %dma_wait3A_88] : memref<2560x3x128xi32, #tpu.memory_space<hbm>> -> memref<1x3x128xi32, #tpu.memory_space<hbm>>
    %dma_wait3A_90 = tpu.memref_squeeze %dma_wait3A_89 : memref<1x3x128xi32, #tpu.memory_space<hbm>> -> memref<3x128xi32, #tpu.memory_space<hbm>>
    tpu.wait_dma2 semaphore(%arg19 : memref<!tpu.dma_semaphore, #tpu.memory_space<semaphore_mem>>) src(%dma_wait3A_90 : memref<3x128xi32, #tpu.memory_space<hbm>>) dst(%dma_wait3A_86 : memref<3x128xi32, #tpu.memory_space<vmem>>)
    %dma_start3A_91 = arith.constant 0 : i32
    %dma_start3A_92 = arith.constant 0 : i32
    %dma_start3A_93 = arith.constant 0 : i32
    %dma_start3A_94 = tpu.memref_slice %arg6[%dma_start3A_91, %dma_start3A_92, %dma_start3A_93] : memref<4x3x128xi32, #tpu.memory_space<vmem>> -> memref<1x1x128xi32, #tpu.memory_space<vmem>>
    %dma_start3A_95 = tpu.memref_squeeze %dma_start3A_94 : memref<1x1x128xi32, #tpu.memory_space<vmem>> -> memref<128xi32, #tpu.memory_space<vmem>>
    %dma_start3A_96 = arith.constant 0 : i32
    %dma_start3A_97 = arith.constant 0 : i32
    %dma_start3A_98 = tpu.memref_slice %arg23[%dma_start3A_96, %dma_start3A_97] : memref<10240x64xf32, #tpu.memory_space<vmem_shared>> -> memref<10240x64xf32, #tpu.memory_space<vmem_shared>>
    tpu.enqueue_indirect_dma source(%dma_start3A_98 : memref<10240x64xf32, #tpu.memory_space<vmem_shared>>) target(%arg7 : memref<128x64xf32, #tpu.memory_space<vmem>>) offsets(%dma_start3A_95 : memref<128xi32, #tpu.memory_space<vmem>>) semaphore(%arg11 : memref<!tpu.dma_semaphore, #tpu.memory_space<semaphore_mem>>)
    %add3A_99 = arith.constant 1 : i32
    %add3A_100 = arith.addi %mul3A_2, %add3A_99 : i32
    %dma_wait3A_101 = arith.constant 1 : i32
    %dma_wait3A_102 = arith.constant 0 : i32
    %dma_wait3A_103 = arith.constant 0 : i32
    %dma_wait3A_104 = tpu.memref_slice %arg6[%dma_wait3A_101, %dma_wait3A_102, %dma_wait3A_103] : memref<4x3x128xi32, #tpu.memory_space<vmem>> -> memref<1x3x128xi32, #tpu.memory_space<vmem>>
    %dma_wait3A_105 = tpu.memref_squeeze %dma_wait3A_104 : memref<1x3x128xi32, #tpu.memory_space<vmem>> -> memref<3x128xi32, #tpu.memory_space<vmem>>
    %dma_wait3A_106 = arith.constant 0 : i32
    %dma_wait3A_107 = arith.constant 0 : i32
    %dma_wait3A_108 = tpu.memref_slice %arg4[%add3A_100, %dma_wait3A_106, %dma_wait3A_107] : memref<2560x3x128xi32, #tpu.memory_space<hbm>> -> memref<1x3x128xi32, #tpu.memory_space<hbm>>
    %dma_wait3A_109 = tpu.memref_squeeze %dma_wait3A_108 : memref<1x3x128xi32, #tpu.memory_space<hbm>> -> memref<3x128xi32, #tpu.memory_space<hbm>>
    %dma_wait3A_110 = arith.constant 0 : i32
    %dma_wait3A_111 = arith.constant 0 : i32
    %dma_wait3A_112 = tpu.memref_slice %arg6[%dma_wait3A_101, %dma_wait3A_110, %dma_wait3A_111] : memref<4x3x128xi32, #tpu.memory_space<vmem>> -> memref<1x3x128xi32, #tpu.memory_space<vmem>>
    %dma_wait3A_113 = tpu.memref_squeeze %dma_wait3A_112 : memref<1x3x128xi32, #tpu.memory_space<vmem>> -> memref<3x128xi32, #tpu.memory_space<vmem>>
    %dma_wait3A_114 = arith.constant 0 : i32
    %dma_wait3A_115 = arith.constant 0 : i32
    %dma_wait3A_116 = tpu.memref_slice %arg4[%add3A_100, %dma_wait3A_114, %dma_wait3A_115] : memref<2560x3x128xi32, #tpu.memory_space<hbm>> -> memref<1x3x128xi32, #tpu.memory_space<hbm>>
    %dma_wait3A_117 = tpu.memref_squeeze %dma_wait3A_116 : memref<1x3x128xi32, #tpu.memory_space<hbm>> -> memref<3x128xi32, #tpu.memory_space<hbm>>
    tpu.wait_dma2 semaphore(%arg20 : memref<!tpu.dma_semaphore, #tpu.memory_space<semaphore_mem>>) src(%dma_wait3A_117 : memref<3x128xi32, #tpu.memory_space<hbm>>) dst(%dma_wait3A_113 : memref<3x128xi32, #tpu.memory_space<vmem>>)
    %dma_start3A_118 = arith.constant 1 : i32
    %dma_start3A_119 = arith.constant 0 : i32
    %dma_start3A_120 = arith.constant 0 : i32
    %dma_start3A_121 = tpu.memref_slice %arg6[%dma_start3A_118, %dma_start3A_119, %dma_start3A_120] : memref<4x3x128xi32, #tpu.memory_space<vmem>> -> memref<1x1x128xi32, #tpu.memory_space<vmem>>
    %dma_start3A_122 = tpu.memref_squeeze %dma_start3A_121 : memref<1x1x128xi32, #tpu.memory_space<vmem>> -> memref<128xi32, #tpu.memory_space<vmem>>
    %dma_start3A_123 = arith.constant 0 : i32
    %dma_start3A_124 = arith.constant 0 : i32
    %dma_start3A_125 = tpu.memref_slice %arg23[%dma_start3A_123, %dma_start3A_124] : memref<10240x64xf32, #tpu.memory_space<vmem_shared>> -> memref<10240x64xf32, #tpu.memory_space<vmem_shared>>
    tpu.enqueue_indirect_dma source(%dma_start3A_125 : memref<10240x64xf32, #tpu.memory_space<vmem_shared>>) target(%arg8 : memref<128x64xf32, #tpu.memory_space<vmem>>) offsets(%dma_start3A_122 : memref<128xi32, #tpu.memory_space<vmem>>) semaphore(%arg12 : memref<!tpu.dma_semaphore, #tpu.memory_space<semaphore_mem>>)
    %scan3A_126 = arith.constant 0 : i32
    %scan3A_127 = arith.constant 0 : i32
    %scan3A_128 = arith.constant 20 : i32
    %scan3A_129 = arith.addi %scan3A_127, %scan3A_128 : i32
    %scan3A_130 = arith.constant 1 : i32
    %scan3A_131 = scf.for %scan3A_190 = %scan3A_127 to %scan3A_129 step %scan3A_130 iter_args(%scan3A_191 = %scan3A_126) -> (i32)  : i32 {
      %mul3A_192 = arith.constant 4 : i32
      %mul3A_193 = arith.muli %mul3A_192, %scan3A_190 : i32
      %add3A_194 = arith.constant 0 : i32
      %add3A_195 = arith.addi %mul3A_193, %add3A_194 : i32
      %dma_wait3A_196 = arith.constant 0 : i32
      %dma_wait3A_197 = arith.constant 0 : i32
      %dma_wait3A_198 = arith.constant 0 : i32
      %dma_wait3A_199 = tpu.memref_slice %arg6[%dma_wait3A_196, %dma_wait3A_197, %dma_wait3A_198] : memref<4x3x128xi32, #tpu.memory_space<vmem>> -> memref<1x1x128xi32, #tpu.memory_space<vmem>>
      %dma_wait3A_200 = tpu.memref_squeeze %dma_wait3A_199 : memref<1x1x128xi32, #tpu.memory_space<vmem>> -> memref<128xi32, #tpu.memory_space<vmem>>
      %dma_wait3A_201 = arith.constant 0 : i32
      %dma_wait3A_202 = arith.constant 0 : i32
      %dma_wait3A_203 = tpu.memref_slice %arg23[%dma_wait3A_201, %dma_wait3A_202] : memref<10240x64xf32, #tpu.memory_space<vmem_shared>> -> memref<10240x64xf32, #tpu.memory_space<vmem_shared>>
      tpu.wait_indirect_dma semaphore(%arg11 : memref<!tpu.dma_semaphore, #tpu.memory_space<semaphore_mem>>) src(%dma_wait3A_203 : memref<10240x64xf32, #tpu.memory_space<vmem_shared>>) dst(%arg7 : memref<128x64xf32, #tpu.memory_space<vmem>>)
      %broadcast_in_dim3A = arith.constant 0 : i32
      %broadcast_in_dim3A_204 = vector.broadcast %broadcast_in_dim3A : i32 to vector<16xi32>
      %broadcast_in_dim3A_205 = arith.constant 2 : i32
      %broadcast_in_dim3A_206 = vector.broadcast %broadcast_in_dim3A_205 : i32 to vector<16xi32>
      %scan3A_207 = arith.constant 0 : i32
      %scan3A_208 = arith.constant 0 : i32
      %scan3A_209 = arith.constant 32 : i32
      %scan3A_210 = arith.addi %scan3A_208, %scan3A_209 : i32
      %scan3A_211 = arith.constant 1 : i32
      %scan3A_212 = scf.for %scan3A_354 = %scan3A_208 to %scan3A_210 step %scan3A_211 iter_args(%scan3A_355 = %scan3A_207) -> (i32)  : i32 {
        %mul3A_356 = arith.constant 4 : i32
        %mul3A_357 = arith.muli %scan3A_354, %mul3A_356 : i32
        %add3A_358 = arith.constant 0 : i32
        %add3A_359 = arith.addi %mul3A_357, %add3A_358 : i32
        %broadcast_in_dim3A_360 = arith.constant 0 : i32
        %broadcast_in_dim3A_361 = vector.broadcast %broadcast_in_dim3A_360 : i32 to vector<16xi32>
        %add3A_362 = vector.broadcast %add3A_359 : i32 to vector<16xi32>
        %add3A_363 = arith.addi %broadcast_in_dim3A_361, %add3A_362 : vector<16xi32>
        %gather3A = tpu.vector_load_idx %arg6[%broadcast_in_dim3A_204, %broadcast_in_dim3A_206, %add3A_363] : memref<4x3x128xi32, #tpu.memory_space<vmem>>[vector<16xi32>, vector<16xi32>, vector<16xi32>], vector<16xi32>,
        %bitcast3A = vector.bitcast %gather3A : vector<16xi32> to vector<16xf32>
        %get3A = arith.index_cast %add3A_359 : i32 to index
        %get3A_364 = arith.constant 0 : index
        %get3A_365 = tpu.vector_load %arg7[%get3A, %get3A_364] {strides = array<i32>} : memref<128x64xf32, #tpu.memory_space<vmem>>, vector<16xf32>,
        %mul3A_366 = arith.mulf %get3A_365, %bitcast3A : vector<16xf32>
        %swap3A = arith.index_cast %add3A_359 : i32 to index
        %swap3A_367 = arith.constant 0 : index
        %swap3A_368 = tpu.vector_load %arg7[%swap3A, %swap3A_367] {strides = array<i32>} : memref<128x64xf32, #tpu.memory_space<vmem>>, vector<16xf32>,
        tpu.vector_store %arg7[%swap3A, %swap3A_367], %mul3A_366 {strides = array<i32>} : memref<128x64xf32, #tpu.memory_space<vmem>>, vector<16xf32>,
        %get3A_369 = arith.index_cast %add3A_359 : i32 to index
        %get3A_370 = arith.constant 16 : index
        %get3A_371 = tpu.vector_load %arg7[%get3A_369, %get3A_370] {strides = array<i32>} : memref<128x64xf32, #tpu.memory_space<vmem>>, vector<16xf32>,
        %mul3A_372 = arith.mulf %get3A_371, %bitcast3A : vector<16xf32>
        %swap3A_373 = arith.index_cast %add3A_359 : i32 to index
        %swap3A_374 = arith.constant 16 : index
        %swap3A_375 = tpu.vector_load %arg7[%swap3A_373, %swap3A_374] {strides = array<i32>} : memref<128x64xf32, #tpu.memory_space<vmem>>, vector<16xf32>,
        tpu.vector_store %arg7[%swap3A_373, %swap3A_374], %mul3A_372 {strides = array<i32>} : memref<128x64xf32, #tpu.memory_space<vmem>>, vector<16xf32>,
        %get3A_376 = arith.index_cast %add3A_359 : i32 to index
        %get3A_377 = arith.constant 32 : index
        %get3A_378 = tpu.vector_load %arg7[%get3A_376, %get3A_377] {strides = array<i32>} : memref<128x64xf32, #tpu.memory_space<vmem>>, vector<16xf32>,
        %mul3A_379 = arith.mulf %get3A_378, %bitcast3A : vector<16xf32>
        %swap3A_380 = arith.index_cast %add3A_359 : i32 to index
        %swap3A_381 = arith.constant 32 : index
        %swap3A_382 = tpu.vector_load %arg7[%swap3A_380, %swap3A_381] {strides = array<i32>} : memref<128x64xf32, #tpu.memory_space<vmem>>, vector<16xf32>,
        tpu.vector_store %arg7[%swap3A_380, %swap3A_381], %mul3A_379 {strides = array<i32>} : memref<128x64xf32, #tpu.memory_space<vmem>>, vector<16xf32>,
        %get3A_383 = arith.index_cast %add3A_359 : i32 to index
        %get3A_384 = arith.constant 48 : index
        %get3A_385 = tpu.vector_load %arg7[%get3A_383, %get3A_384] {strides = array<i32>} : memref<128x64xf32, #tpu.memory_space<vmem>>, vector<16xf32>,
        %mul3A_386 = arith.mulf %get3A_385, %bitcast3A : vector<16xf32>
        %swap3A_387 = arith.index_cast %add3A_359 : i32 to index
        %swap3A_388 = arith.constant 48 : index
        %swap3A_389 = tpu.vector_load %arg7[%swap3A_387, %swap3A_388] {strides = array<i32>} : memref<128x64xf32, #tpu.memory_space<vmem>>, vector<16xf32>,
        tpu.vector_store %arg7[%swap3A_387, %swap3A_388], %mul3A_386 {strides = array<i32>} : memref<128x64xf32, #tpu.memory_space<vmem>>, vector<16xf32>,
        %mul3A_390 = arith.constant 4 : i32
        %mul3A_391 = arith.muli %scan3A_354, %mul3A_390 : i32
        %add3A_392 = arith.constant 1 : i32
        %add3A_393 = arith.addi %mul3A_391, %add3A_392 : i32
        %broadcast_in_dim3A_394 = arith.constant 0 : i32
        %broadcast_in_dim3A_395 = vector.broadcast %broadcast_in_dim3A_394 : i32 to vector<16xi32>
        %add3A_396 = vector.broadcast %add3A_393 : i32 to vector<16xi32>
        %add3A_397 = arith.addi %broadcast_in_dim3A_395, %add3A_396 : vector<16xi32>
        %gather3A_398 = tpu.vector_load_idx %arg6[%broadcast_in_dim3A_204, %broadcast_in_dim3A_206, %add3A_397] : memref<4x3x128xi32, #tpu.memory_space<vmem>>[vector<16xi32>, vector<16xi32>, vector<16xi32>], vector<16xi32>,
        %bitcast3A_399 = vector.bitcast %gather3A_398 : vector<16xi32> to vector<16xf32>
        %get3A_400 = arith.index_cast %add3A_393 : i32 to index
        %get3A_401 = arith.constant 0 : index
        %get3A_402 = tpu.vector_load %arg7[%get3A_400, %get3A_401] {strides = array<i32>} : memref<128x64xf32, #tpu.memory_space<vmem>>, vector<16xf32>,
        %mul3A_403 = arith.mulf %get3A_402, %bitcast3A_399 : vector<16xf32>
        %swap3A_404 = arith.index_cast %add3A_393 : i32 to index
        %swap3A_405 = arith.constant 0 : index
        %swap3A_406 = tpu.vector_load %arg7[%swap3A_404, %swap3A_405] {strides = array<i32>} : memref<128x64xf32, #tpu.memory_space<vmem>>, vector<16xf32>,
        tpu.vector_store %arg7[%swap3A_404, %swap3A_405], %mul3A_403 {strides = array<i32>} : memref<128x64xf32, #tpu.memory_space<vmem>>, vector<16xf32>,
        %get3A_407 = arith.index_cast %add3A_393 : i32 to index
        %get3A_408 = arith.constant 16 : index
        %get3A_409 = tpu.vector_load %arg7[%get3A_407, %get3A_408] {strides = array<i32>} : memref<128x64xf32, #tpu.memory_space<vmem>>, vector<16xf32>,
        %mul3A_410 = arith.mulf %get3A_409, %bitcast3A_399 : vector<16xf32>
        %swap3A_411 = arith.index_cast %add3A_393 : i32 to index
        %swap3A_412 = arith.constant 16 : index
        %swap3A_413 = tpu.vector_load %arg7[%swap3A_411, %swap3A_412] {strides = array<i32>} : memref<128x64xf32, #tpu.memory_space<vmem>>, vector<16xf32>,
        tpu.vector_store %arg7[%swap3A_411, %swap3A_412], %mul3A_410 {strides = array<i32>} : memref<128x64xf32, #tpu.memory_space<vmem>>, vector<16xf32>,
        %get3A_414 = arith.index_cast %add3A_393 : i32 to index
        %get3A_415 = arith.constant 32 : index
        %get3A_416 = tpu.vector_load %arg7[%get3A_414, %get3A_415] {strides = array<i32>} : memref<128x64xf32, #tpu.memory_space<vmem>>, vector<16xf32>,
        %mul3A_417 = arith.mulf %get3A_416, %bitcast3A_399 : vector<16xf32>
        %swap3A_418 = arith.index_cast %add3A_393 : i32 to index
        %swap3A_419 = arith.constant 32 : index
        %swap3A_420 = tpu.vector_load %arg7[%swap3A_418, %swap3A_419] {strides = array<i32>} : memref<128x64xf32, #tpu.memory_space<vmem>>, vector<16xf32>,
        tpu.vector_store %arg7[%swap3A_418, %swap3A_419], %mul3A_417 {strides = array<i32>} : memref<128x64xf32, #tpu.memory_space<vmem>>, vector<16xf32>,
        %get3A_421 = arith.index_cast %add3A_393 : i32 to index
        %get3A_422 = arith.constant 48 : index
        %get3A_423 = tpu.vector_load %arg7[%get3A_421, %get3A_422] {strides = array<i32>} : memref<128x64xf32, #tpu.memory_space<vmem>>, vector<16xf32>,
        %mul3A_424 = arith.mulf %get3A_423, %bitcast3A_399 : vector<16xf32>
        %swap3A_425 = arith.index_cast %add3A_393 : i32 to index
        %swap3A_426 = arith.constant 48 : index
        %swap3A_427 = tpu.vector_load %arg7[%swap3A_425, %swap3A_426] {strides = array<i32>} : memref<128x64xf32, #tpu.memory_space<vmem>>, vector<16xf32>,
        tpu.vector_store %arg7[%swap3A_425, %swap3A_426], %mul3A_424 {strides = array<i32>} : memref<128x64xf32, #tpu.memory_space<vmem>>, vector<16xf32>,
        %mul3A_428 = arith.constant 4 : i32
        %mul3A_429 = arith.muli %scan3A_354, %mul3A_428 : i32
        %add3A_430 = arith.constant 2 : i32
        %add3A_431 = arith.addi %mul3A_429, %add3A_430 : i32
        %broadcast_in_dim3A_432 = arith.constant 0 : i32
        %broadcast_in_dim3A_433 = vector.broadcast %broadcast_in_dim3A_432 : i32 to vector<16xi32>
        %add3A_434 = vector.broadcast %add3A_431 : i32 to vector<16xi32>
        %add3A_435 = arith.addi %broadcast_in_dim3A_433, %add3A_434 : vector<16xi32>
        %gather3A_436 = tpu.vector_load_idx %arg6[%broadcast_in_dim3A_204, %broadcast_in_dim3A_206, %add3A_435] : memref<4x3x128xi32, #tpu.memory_space<vmem>>[vector<16xi32>, vector<16xi32>, vector<16xi32>], vector<16xi32>,
        %bitcast3A_437 = vector.bitcast %gather3A_436 : vector<16xi32> to vector<16xf32>
        %get3A_438 = arith.index_cast %add3A_431 : i32 to index
        %get3A_439 = arith.constant 0 : index
        %get3A_440 = tpu.vector_load %arg7[%get3A_438, %get3A_439] {strides = array<i32>} : memref<128x64xf32, #tpu.memory_space<vmem>>, vector<16xf32>,
        %mul3A_441 = arith.mulf %get3A_440, %bitcast3A_437 : vector<16xf32>
        %swap3A_442 = arith.index_cast %add3A_431 : i32 to index
        %swap3A_443 = arith.constant 0 : index
        %swap3A_444 = tpu.vector_load %arg7[%swap3A_442, %swap3A_443] {strides = array<i32>} : memref<128x64xf32, #tpu.memory_space<vmem>>, vector<16xf32>,
        tpu.vector_store %arg7[%swap3A_442, %swap3A_443], %mul3A_441 {strides = array<i32>} : memref<128x64xf32, #tpu.memory_space<vmem>>, vector<16xf32>,
        %get3A_445 = arith.index_cast %add3A_431 : i32 to index
        %get3A_446 = arith.constant 16 : index
        %get3A_447 = tpu.vector_load %arg7[%get3A_445, %get3A_446] {strides = array<i32>} : memref<128x64xf32, #tpu.memory_space<vmem>>, vector<16xf32>,
        %mul3A_448 = arith.mulf %get3A_447, %bitcast3A_437 : vector<16xf32>
        %swap3A_449 = arith.index_cast %add3A_431 : i32 to index
        %swap3A_450 = arith.constant 16 : index
        %swap3A_451 = tpu.vector_load %arg7[%swap3A_449, %swap3A_450] {strides = array<i32>} : memref<128x64xf32, #tpu.memory_space<vmem>>, vector<16xf32>,
        tpu.vector_store %arg7[%swap3A_449, %swap3A_450], %mul3A_448 {strides = array<i32>} : memref<128x64xf32, #tpu.memory_space<vmem>>, vector<16xf32>,
        %get3A_452 = arith.index_cast %add3A_431 : i32 to index
        %get3A_453 = arith.constant 32 : index
        %get3A_454 = tpu.vector_load %arg7[%get3A_452, %get3A_453] {strides = array<i32>} : memref<128x64xf32, #tpu.memory_space<vmem>>, vector<16xf32>,
        %mul3A_455 = arith.mulf %get3A_454, %bitcast3A_437 : vector<16xf32>
        %swap3A_456 = arith.index_cast %add3A_431 : i32 to index
        %swap3A_457 = arith.constant 32 : index
        %swap3A_458 = tpu.vector_load %arg7[%swap3A_456, %swap3A_457] {strides = array<i32>} : memref<128x64xf32, #tpu.memory_space<vmem>>, vector<16xf32>,
        tpu.vector_store %arg7[%swap3A_456, %swap3A_457], %mul3A_455 {strides = array<i32>} : memref<128x64xf32, #tpu.memory_space<vmem>>, vector<16xf32>,
        %get3A_459 = arith.index_cast %add3A_431 : i32 to index
        %get3A_460 = arith.constant 48 : index
        %get3A_461 = tpu.vector_load %arg7[%get3A_459, %get3A_460] {strides = array<i32>} : memref<128x64xf32, #tpu.memory_space<vmem>>, vector<16xf32>,
        %mul3A_462 = arith.mulf %get3A_461, %bitcast3A_437 : vector<16xf32>
        %swap3A_463 = arith.index_cast %add3A_431 : i32 to index
        %swap3A_464 = arith.constant 48 : index
        %swap3A_465 = tpu.vector_load %arg7[%swap3A_463, %swap3A_464] {strides = array<i32>} : memref<128x64xf32, #tpu.memory_space<vmem>>, vector<16xf32>,
        tpu.vector_store %arg7[%swap3A_463, %swap3A_464], %mul3A_462 {strides = array<i32>} : memref<128x64xf32, #tpu.memory_space<vmem>>, vector<16xf32>,
        %mul3A_466 = arith.constant 4 : i32
        %mul3A_467 = arith.muli %scan3A_354, %mul3A_466 : i32
        %add3A_468 = arith.constant 3 : i32
        %add3A_469 = arith.addi %mul3A_467, %add3A_468 : i32
        %broadcast_in_dim3A_470 = arith.constant 0 : i32
        %broadcast_in_dim3A_471 = vector.broadcast %broadcast_in_dim3A_470 : i32 to vector<16xi32>
        %add3A_472 = vector.broadcast %add3A_469 : i32 to vector<16xi32>
        %add3A_473 = arith.addi %broadcast_in_dim3A_471, %add3A_472 : vector<16xi32>
        %gather3A_474 = tpu.vector_load_idx %arg6[%broadcast_in_dim3A_204, %broadcast_in_dim3A_206, %add3A_473] : memref<4x3x128xi32, #tpu.memory_space<vmem>>[vector<16xi32>, vector<16xi32>, vector<16xi32>], vector<16xi32>,
        %bitcast3A_475 = vector.bitcast %gather3A_474 : vector<16xi32> to vector<16xf32>
        %get3A_476 = arith.index_cast %add3A_469 : i32 to index
        %get3A_477 = arith.constant 0 : index
        %get3A_478 = tpu.vector_load %arg7[%get3A_476, %get3A_477] {strides = array<i32>} : memref<128x64xf32, #tpu.memory_space<vmem>>, vector<16xf32>,
        %mul3A_479 = arith.mulf %get3A_478, %bitcast3A_475 : vector<16xf32>
        %swap3A_480 = arith.index_cast %add3A_469 : i32 to index
        %swap3A_481 = arith.constant 0 : index
        %swap3A_482 = tpu.vector_load %arg7[%swap3A_480, %swap3A_481] {strides = array<i32>} : memref<128x64xf32, #tpu.memory_space<vmem>>, vector<16xf32>,
        tpu.vector_store %arg7[%swap3A_480, %swap3A_481], %mul3A_479 {strides = array<i32>} : memref<128x64xf32, #tpu.memory_space<vmem>>, vector<16xf32>,
        %get3A_483 = arith.index_cast %add3A_469 : i32 to index
        %get3A_484 = arith.constant 16 : index
        %get3A_485 = tpu.vector_load %arg7[%get3A_483, %get3A_484] {strides = array<i32>} : memref<128x64xf32, #tpu.memory_space<vmem>>, vector<16xf32>,
        %mul3A_486 = arith.mulf %get3A_485, %bitcast3A_475 : vector<16xf32>
        %swap3A_487 = arith.index_cast %add3A_469 : i32 to index
        %swap3A_488 = arith.constant 16 : index
        %swap3A_489 = tpu.vector_load %arg7[%swap3A_487, %swap3A_488] {strides = array<i32>} : memref<128x64xf32, #tpu.memory_space<vmem>>, vector<16xf32>,
        tpu.vector_store %arg7[%swap3A_487, %swap3A_488], %mul3A_486 {strides = array<i32>} : memref<128x64xf32, #tpu.memory_space<vmem>>, vector<16xf32>,
        %get3A_490 = arith.index_cast %add3A_469 : i32 to index
        %get3A_491 = arith.constant 32 : index
        %get3A_492 = tpu.vector_load %arg7[%get3A_490, %get3A_491] {strides = array<i32>} : memref<128x64xf32, #tpu.memory_space<vmem>>, vector<16xf32>,
        %mul3A_493 = arith.mulf %get3A_492, %bitcast3A_475 : vector<16xf32>
        %swap3A_494 = arith.index_cast %add3A_469 : i32 to index
        %swap3A_495 = arith.constant 32 : index
        %swap3A_496 = tpu.vector_load %arg7[%swap3A_494, %swap3A_495] {strides = array<i32>} : memref<128x64xf32, #tpu.memory_space<vmem>>, vector<16xf32>,
        tpu.vector_store %arg7[%swap3A_494, %swap3A_495], %mul3A_493 {strides = array<i32>} : memref<128x64xf32, #tpu.memory_space<vmem>>, vector<16xf32>,
        %get3A_497 = arith.index_cast %add3A_469 : i32 to index
        %get3A_498 = arith.constant 48 : index
        %get3A_499 = tpu.vector_load %arg7[%get3A_497, %get3A_498] {strides = array<i32>} : memref<128x64xf32, #tpu.memory_space<vmem>>, vector<16xf32>,
        %mul3A_500 = arith.mulf %get3A_499, %bitcast3A_475 : vector<16xf32>
        %swap3A_501 = arith.index_cast %add3A_469 : i32 to index
        %swap3A_502 = arith.constant 48 : index
        %swap3A_503 = tpu.vector_load %arg7[%swap3A_501, %swap3A_502] {strides = array<i32>} : memref<128x64xf32, #tpu.memory_space<vmem>>, vector<16xf32>,
        tpu.vector_store %arg7[%swap3A_501, %swap3A_502], %mul3A_500 {strides = array<i32>} : memref<128x64xf32, #tpu.memory_space<vmem>>, vector<16xf32>,
        %scan3A_504 = arith.constant 0 : i32
        scf.yield %scan3A_504 : i32
      }
      %scan3A_213 = arith.constant 32 : i32
      %dma_start3A_214 = arith.constant 0 : i32
      %dma_start3A_215 = arith.constant 1 : i32
      %dma_start3A_216 = arith.constant 0 : i32
      %dma_start3A_217 = tpu.memref_slice %arg6[%dma_start3A_214, %dma_start3A_215, %dma_start3A_216] : memref<4x3x128xi32, #tpu.memory_space<vmem>> -> memref<1x1x128xi32, #tpu.memory_space<vmem>>
      %dma_start3A_218 = tpu.memref_squeeze %dma_start3A_217 : memref<1x1x128xi32, #tpu.memory_space<vmem>> -> memref<128xi32, #tpu.memory_space<vmem>>
      %dma_start3A_219 = arith.constant 0 : i32
      %dma_start3A_220 = arith.constant 0 : i32
      %dma_start3A_221 = tpu.memref_slice %arg24[%dma_start3A_219, %dma_start3A_220] : memref<10240x64xf32, #tpu.memory_space<vmem_shared>> -> memref<10240x64xf32, #tpu.memory_space<vmem_shared>>
      tpu.enqueue_indirect_dma source(%arg7 : memref<128x64xf32, #tpu.memory_space<vmem>>) target(%dma_start3A_221 : memref<10240x64xf32, #tpu.memory_space<vmem_shared>>) offsets(%dma_start3A_218 : memref<128xi32, #tpu.memory_space<vmem>>) semaphore(%arg15 : memref<!tpu.dma_semaphore, #tpu.memory_space<semaphore_mem>>) {add = true}
      %ge3A = arith.constant 2 : i32
      %ge3A_222 = arith.cmpi sge, %add3A_195, %ge3A : i32
      %convert_element_type3A_223 = arith.extui %ge3A_222 : i1 to i32
      %cond3A_224 = arith.constant 0 : i32
      %cond3A_225 = arith.cmpi ne, %convert_element_type3A_223, %cond3A_224 : i32
      scf.if %cond3A_225 {
        %dma_wait3A_354 = arith.constant 2 : i32
        %dma_wait3A_355 = arith.constant 1 : i32
        %dma_wait3A_356 = arith.constant 0 : i32
        %dma_wait3A_357 = tpu.memref_slice %arg6[%dma_wait3A_354, %dma_wait3A_355, %dma_wait3A_356] : memref<4x3x128xi32, #tpu.memory_space<vmem>> -> memref<1x1x128xi32, #tpu.memory_space<vmem>>
        %dma_wait3A_358 = tpu.memref_squeeze %dma_wait3A_357 : memref<1x1x128xi32, #tpu.memory_space<vmem>> -> memref<128xi32, #tpu.memory_space<vmem>>
        %dma_wait3A_359 = arith.constant 0 : i32
        %dma_wait3A_360 = arith.constant 0 : i32
        %dma_wait3A_361 = tpu.memref_slice %arg24[%dma_wait3A_359, %dma_wait3A_360] : memref<10240x64xf32, #tpu.memory_space<vmem_shared>> -> memref<10240x64xf32, #tpu.memory_space<vmem_shared>>
        tpu.wait_indirect_dma semaphore(%arg17 : memref<!tpu.dma_semaphore, #tpu.memory_space<semaphore_mem>>) src(%arg9 : memref<128x64xf32, #tpu.memory_space<vmem>>) dst(%dma_wait3A_361 : memref<10240x64xf32, #tpu.memory_space<vmem_shared>>)
      } else {
      }
      %lt3A = arith.constant 78 : i32
      %lt3A_226 = arith.cmpi slt, %add3A_195, %lt3A : i32
      %convert_element_type3A_227 = arith.extui %lt3A_226 : i1 to i32
      %cond3A_228 = arith.constant 0 : i32
      %cond3A_229 = arith.cmpi ne, %convert_element_type3A_227, %cond3A_228 : i32
      scf.if %cond3A_229 {
        %add3A_354 = arith.addi %mul3A_2, %add3A_195 : i32
        %add3A_355 = arith.constant 2 : i32
        %add3A_356 = arith.addi %add3A_354, %add3A_355 : i32
        %dma_start3A_357 = arith.constant 2 : i32
        %dma_start3A_358 = arith.constant 0 : i32
        %dma_start3A_359 = arith.constant 0 : i32
        %dma_start3A_360 = tpu.memref_slice %arg6[%dma_start3A_357, %dma_start3A_358, %dma_start3A_359] : memref<4x3x128xi32, #tpu.memory_space<vmem>> -> memref<1x3x128xi32, #tpu.memory_space<vmem>>
        %dma_start3A_361 = tpu.memref_squeeze %dma_start3A_360 : memref<1x3x128xi32, #tpu.memory_space<vmem>> -> memref<3x128xi32, #tpu.memory_space<vmem>>
        %dma_start3A_362 = arith.constant 0 : i32
        %dma_start3A_363 = arith.constant 0 : i32
        %dma_start3A_364 = tpu.memref_slice %arg4[%add3A_356, %dma_start3A_362, %dma_start3A_363] : memref<2560x3x128xi32, #tpu.memory_space<hbm>> -> memref<1x3x128xi32, #tpu.memory_space<hbm>>
        %dma_start3A_365 = tpu.memref_squeeze %dma_start3A_364 : memref<1x3x128xi32, #tpu.memory_space<hbm>> -> memref<3x128xi32, #tpu.memory_space<hbm>>
        %dma_start3A_366 = arith.constant 0 : i32
        %dma_start3A_367 = arith.constant 0 : i32
        %dma_start3A_368 = tpu.memref_slice %arg6[%dma_start3A_357, %dma_start3A_366, %dma_start3A_367] : memref<4x3x128xi32, #tpu.memory_space<vmem>> -> memref<1x3x128xi32, #tpu.memory_space<vmem>>
        %dma_start3A_369 = tpu.memref_squeeze %dma_start3A_368 : memref<1x3x128xi32, #tpu.memory_space<vmem>> -> memref<3x128xi32, #tpu.memory_space<vmem>>
        %dma_start3A_370 = arith.constant 0 : i32
        %dma_start3A_371 = arith.constant 0 : i32
        %dma_start3A_372 = tpu.memref_slice %arg4[%add3A_356, %dma_start3A_370, %dma_start3A_371] : memref<2560x3x128xi32, #tpu.memory_space<hbm>> -> memref<1x3x128xi32, #tpu.memory_space<hbm>>
        %dma_start3A_373 = tpu.memref_squeeze %dma_start3A_372 : memref<1x3x128xi32, #tpu.memory_space<hbm>> -> memref<3x128xi32, #tpu.memory_space<hbm>>
        tpu.enqueue_dma source(%dma_start3A_373 : memref<3x128xi32, #tpu.memory_space<hbm>>) target(%dma_start3A_369 : memref<3x128xi32, #tpu.memory_space<vmem>>) target_semaphore(%arg21 : memref<!tpu.dma_semaphore, #tpu.memory_space<semaphore_mem>>)
        %add3A_374 = arith.addi %mul3A_2, %add3A_195 : i32
        %add3A_375 = arith.constant 2 : i32
        %add3A_376 = arith.addi %add3A_374, %add3A_375 : i32
        %dma_wait3A_377 = arith.constant 2 : i32
        %dma_wait3A_378 = arith.constant 0 : i32
        %dma_wait3A_379 = arith.constant 0 : i32
        %dma_wait3A_380 = tpu.memref_slice %arg6[%dma_wait3A_377, %dma_wait3A_378, %dma_wait3A_379] : memref<4x3x128xi32, #tpu.memory_space<vmem>> -> memref<1x3x128xi32, #tpu.memory_space<vmem>>
        %dma_wait3A_381 = tpu.memref_squeeze %dma_wait3A_380 : memref<1x3x128xi32, #tpu.memory_space<vmem>> -> memref<3x128xi32, #tpu.memory_space<vmem>>
        %dma_wait3A_382 = arith.constant 0 : i32
        %dma_wait3A_383 = arith.constant 0 : i32
        %dma_wait3A_384 = tpu.memref_slice %arg4[%add3A_376, %dma_wait3A_382, %dma_wait3A_383] : memref<2560x3x128xi32, #tpu.memory_space<hbm>> -> memref<1x3x128xi32, #tpu.memory_space<hbm>>
        %dma_wait3A_385 = tpu.memref_squeeze %dma_wait3A_384 : memref<1x3x128xi32, #tpu.memory_space<hbm>> -> memref<3x128xi32, #tpu.memory_space<hbm>>
        %dma_wait3A_386 = arith.constant 0 : i32
        %dma_wait3A_387 = arith.constant 0 : i32
        %dma_wait3A_388 = tpu.memref_slice %arg6[%dma_wait3A_377, %dma_wait3A_386, %dma_wait3A_387] : memref<4x3x128xi32, #tpu.memory_space<vmem>> -> memref<1x3x128xi32, #tpu.memory_space<vmem>>
        %dma_wait3A_389 = tpu.memref_squeeze %dma_wait3A_388 : memref<1x3x128xi32, #tpu.memory_space<vmem>> -> memref<3x128xi32, #tpu.memory_space<vmem>>
        %dma_wait3A_390 = arith.constant 0 : i32
        %dma_wait3A_391 = arith.constant 0 : i32
        %dma_wait3A_392 = tpu.memref_slice %arg4[%add3A_376, %dma_wait3A_390, %dma_wait3A_391] : memref<2560x3x128xi32, #tpu.memory_space<hbm>> -> memref<1x3x128xi32, #tpu.memory_space<hbm>>
        %dma_wait3A_393 = tpu.memref_squeeze %dma_wait3A_392 : memref<1x3x128xi32, #tpu.memory_space<hbm>> -> memref<3x128xi32, #tpu.memory_space<hbm>>
        tpu.wait_dma2 semaphore(%arg21 : memref<!tpu.dma_semaphore, #tpu.memory_space<semaphore_mem>>) src(%dma_wait3A_393 : memref<3x128xi32, #tpu.memory_space<hbm>>) dst(%dma_wait3A_389 : memref<3x128xi32, #tpu.memory_space<vmem>>)
        %dma_start3A_394 = arith.constant 2 : i32
        %dma_start3A_395 = arith.constant 0 : i32
        %dma_start3A_396 = arith.constant 0 : i32
        %dma_start3A_397 = tpu.memref_slice %arg6[%dma_start3A_394, %dma_start3A_395, %dma_start3A_396] : memref<4x3x128xi32, #tpu.memory_space<vmem>> -> memref<1x1x128xi32, #tpu.memory_space<vmem>>
        %dma_start3A_398 = tpu.memref_squeeze %dma_start3A_397 : memref<1x1x128xi32, #tpu.memory_space<vmem>> -> memref<128xi32, #tpu.memory_space<vmem>>
        %dma_start3A_399 = arith.constant 0 : i32
        %dma_start3A_400 = arith.constant 0 : i32
        %dma_start3A_401 = tpu.memref_slice %arg23[%dma_start3A_399, %dma_start3A_400] : memref<10240x64xf32, #tpu.memory_space<vmem_shared>> -> memref<10240x64xf32, #tpu.memory_space<vmem_shared>>
        tpu.enqueue_indirect_dma source(%dma_start3A_401 : memref<10240x64xf32, #tpu.memory_space<vmem_shared>>) target(%arg9 : memref<128x64xf32, #tpu.memory_space<vmem>>) offsets(%dma_start3A_398 : memref<128xi32, #tpu.memory_space<vmem>>) semaphore(%arg13 : memref<!tpu.dma_semaphore, #tpu.memory_space<semaphore_mem>>)
      } else {
      }
      %mul3A_230 = arith.constant 4 : i32
      %mul3A_231 = arith.muli %mul3A_230, %scan3A_190 : i32
      %add3A_232 = arith.constant 1 : i32
      %add3A_233 = arith.addi %mul3A_231, %add3A_232 : i32
      %dma_wait3A_234 = arith.constant 1 : i32
      %dma_wait3A_235 = arith.constant 0 : i32
      %dma_wait3A_236 = arith.constant 0 : i32
      %dma_wait3A_237 = tpu.memref_slice %arg6[%dma_wait3A_234, %dma_wait3A_235, %dma_wait3A_236] : memref<4x3x128xi32, #tpu.memory_space<vmem>> -> memref<1x1x128xi32, #tpu.memory_space<vmem>>
      %dma_wait3A_238 = tpu.memref_squeeze %dma_wait3A_237 : memref<1x1x128xi32, #tpu.memory_space<vmem>> -> memref<128xi32, #tpu.memory_space<vmem>>
      %dma_wait3A_239 = arith.constant 0 : i32
      %dma_wait3A_240 = arith.constant 0 : i32
      %dma_wait3A_241 = tpu.memref_slice %arg23[%dma_wait3A_239, %dma_wait3A_240] : memref<10240x64xf32, #tpu.memory_space<vmem_shared>> -> memref<10240x64xf32, #tpu.memory_space<vmem_shared>>
      tpu.wait_indirect_dma semaphore(%arg12 : memref<!tpu.dma_semaphore, #tpu.memory_space<semaphore_mem>>) src(%dma_wait3A_241 : memref<10240x64xf32, #tpu.memory_space<vmem_shared>>) dst(%arg8 : memref<128x64xf32, #tpu.memory_space<vmem>>)
      %broadcast_in_dim3A_242 = arith.constant 1 : i32
      %broadcast_in_dim3A_243 = vector.broadcast %broadcast_in_dim3A_242 : i32 to vector<16xi32>
      %broadcast_in_dim3A_244 = arith.constant 2 : i32
      %broadcast_in_dim3A_245 = vector.broadcast %broadcast_in_dim3A_244 : i32 to vector<16xi32>
      %scan3A_246 = arith.constant 0 : i32
      %scan3A_247 = arith.constant 0 : i32
      %scan3A_248 = arith.constant 32 : i32
      %scan3A_249 = arith.addi %scan3A_247, %scan3A_248 : i32
      %scan3A_250 = arith.constant 1 : i32
      %scan3A_251 = scf.for %scan3A_354 = %scan3A_247 to %scan3A_249 step %scan3A_250 iter_args(%scan3A_355 = %scan3A_246) -> (i32)  : i32 {
        %mul3A_356 = arith.constant 4 : i32
        %mul3A_357 = arith.muli %scan3A_354, %mul3A_356 : i32
        %add3A_358 = arith.constant 0 : i32
        %add3A_359 = arith.addi %mul3A_357, %add3A_358 : i32
        %broadcast_in_dim3A_360 = arith.constant 0 : i32
        %broadcast_in_dim3A_361 = vector.broadcast %broadcast_in_dim3A_360 : i32 to vector<16xi32>
        %add3A_362 = vector.broadcast %add3A_359 : i32 to vector<16xi32>
        %add3A_363 = arith.addi %broadcast_in_dim3A_361, %add3A_362 : vector<16xi32>
        %gather3A = tpu.vector_load_idx %arg6[%broadcast_in_dim3A_243, %broadcast_in_dim3A_245, %add3A_363] : memref<4x3x128xi32, #tpu.memory_space<vmem>>[vector<16xi32>, vector<16xi32>, vector<16xi32>], vector<16xi32>,
        %bitcast3A = vector.bitcast %gather3A : vector<16xi32> to vector<16xf32>
        %get3A = arith.index_cast %add3A_359 : i32 to index
        %get3A_364 = arith.constant 0 : index
        %get3A_365 = tpu.vector_load %arg8[%get3A, %get3A_364] {strides = array<i32>} : memref<128x64xf32, #tpu.memory_space<vmem>>, vector<16xf32>,
        %mul3A_366 = arith.mulf %get3A_365, %bitcast3A : vector<16xf32>
        %swap3A = arith.index_cast %add3A_359 : i32 to index
        %swap3A_367 = arith.constant 0 : index
        %swap3A_368 = tpu.vector_load %arg8[%swap3A, %swap3A_367] {strides = array<i32>} : memref<128x64xf32, #tpu.memory_space<vmem>>, vector<16xf32>,
        tpu.vector_store %arg8[%swap3A, %swap3A_367], %mul3A_366 {strides = array<i32>} : memref<128x64xf32, #tpu.memory_space<vmem>>, vector<16xf32>,
        %get3A_369 = arith.index_cast %add3A_359 : i32 to index
        %get3A_370 = arith.constant 16 : index
        %get3A_371 = tpu.vector_load %arg8[%get3A_369, %get3A_370] {strides = array<i32>} : memref<128x64xf32, #tpu.memory_space<vmem>>, vector<16xf32>,
        %mul3A_372 = arith.mulf %get3A_371, %bitcast3A : vector<16xf32>
        %swap3A_373 = arith.index_cast %add3A_359 : i32 to index
        %swap3A_374 = arith.constant 16 : index
        %swap3A_375 = tpu.vector_load %arg8[%swap3A_373, %swap3A_374] {strides = array<i32>} : memref<128x64xf32, #tpu.memory_space<vmem>>, vector<16xf32>,
        tpu.vector_store %arg8[%swap3A_373, %swap3A_374], %mul3A_372 {strides = array<i32>} : memref<128x64xf32, #tpu.memory_space<vmem>>, vector<16xf32>,
        %get3A_376 = arith.index_cast %add3A_359 : i32 to index
        %get3A_377 = arith.constant 32 : index
        %get3A_378 = tpu.vector_load %arg8[%get3A_376, %get3A_377] {strides = array<i32>} : memref<128x64xf32, #tpu.memory_space<vmem>>, vector<16xf32>,
        %mul3A_379 = arith.mulf %get3A_378, %bitcast3A : vector<16xf32>
        %swap3A_380 = arith.index_cast %add3A_359 : i32 to index
        %swap3A_381 = arith.constant 32 : index
        %swap3A_382 = tpu.vector_load %arg8[%swap3A_380, %swap3A_381] {strides = array<i32>} : memref<128x64xf32, #tpu.memory_space<vmem>>, vector<16xf32>,
        tpu.vector_store %arg8[%swap3A_380, %swap3A_381], %mul3A_379 {strides = array<i32>} : memref<128x64xf32, #tpu.memory_space<vmem>>, vector<16xf32>,
        %get3A_383 = arith.index_cast %add3A_359 : i32 to index
        %get3A_384 = arith.constant 48 : index
        %get3A_385 = tpu.vector_load %arg8[%get3A_383, %get3A_384] {strides = array<i32>} : memref<128x64xf32, #tpu.memory_space<vmem>>, vector<16xf32>,
        %mul3A_386 = arith.mulf %get3A_385, %bitcast3A : vector<16xf32>
        %swap3A_387 = arith.index_cast %add3A_359 : i32 to index
        %swap3A_388 = arith.constant 48 : index
        %swap3A_389 = tpu.vector_load %arg8[%swap3A_387, %swap3A_388] {strides = array<i32>} : memref<128x64xf32, #tpu.memory_space<vmem>>, vector<16xf32>,
        tpu.vector_store %arg8[%swap3A_387, %swap3A_388], %mul3A_386 {strides = array<i32>} : memref<128x64xf32, #tpu.memory_space<vmem>>, vector<16xf32>,
        %mul3A_390 = arith.constant 4 : i32
        %mul3A_391 = arith.muli %scan3A_354, %mul3A_390 : i32
        %add3A_392 = arith.constant 1 : i32
        %add3A_393 = arith.addi %mul3A_391, %add3A_392 : i32
        %broadcast_in_dim3A_394 = arith.constant 0 : i32
        %broadcast_in_dim3A_395 = vector.broadcast %broadcast_in_dim3A_394 : i32 to vector<16xi32>
        %add3A_396 = vector.broadcast %add3A_393 : i32 to vector<16xi32>
        %add3A_397 = arith.addi %broadcast_in_dim3A_395, %add3A_396 : vector<16xi32>
        %gather3A_398 = tpu.vector_load_idx %arg6[%broadcast_in_dim3A_243, %broadcast_in_dim3A_245, %add3A_397] : memref<4x3x128xi32, #tpu.memory_space<vmem>>[vector<16xi32>, vector<16xi32>, vector<16xi32>], vector<16xi32>,
        %bitcast3A_399 = vector.bitcast %gather3A_398 : vector<16xi32> to vector<16xf32>
        %get3A_400 = arith.index_cast %add3A_393 : i32 to index
        %get3A_401 = arith.constant 0 : index
        %get3A_402 = tpu.vector_load %arg8[%get3A_400, %get3A_401] {strides = array<i32>} : memref<128x64xf32, #tpu.memory_space<vmem>>, vector<16xf32>,
        %mul3A_403 = arith.mulf %get3A_402, %bitcast3A_399 : vector<16xf32>
        %swap3A_404 = arith.index_cast %add3A_393 : i32 to index
        %swap3A_405 = arith.constant 0 : index
        %swap3A_406 = tpu.vector_load %arg8[%swap3A_404, %swap3A_405] {strides = array<i32>} : memref<128x64xf32, #tpu.memory_space<vmem>>, vector<16xf32>,
        tpu.vector_store %arg8[%swap3A_404, %swap3A_405], %mul3A_403 {strides = array<i32>} : memref<128x64xf32, #tpu.memory_space<vmem>>, vector<16xf32>,
        %get3A_407 = arith.index_cast %add3A_393 : i32 to index
        %get3A_408 = arith.constant 16 : index
        %get3A_409 = tpu.vector_load %arg8[%get3A_407, %get3A_408] {strides = array<i32>} : memref<128x64xf32, #tpu.memory_space<vmem>>, vector<16xf32>,
        %mul3A_410 = arith.mulf %get3A_409, %bitcast3A_399 : vector<16xf32>
        %swap3A_411 = arith.index_cast %add3A_393 : i32 to index
        %swap3A_412 = arith.constant 16 : index
        %swap3A_413 = tpu.vector_load %arg8[%swap3A_411, %swap3A_412] {strides = array<i32>} : memref<128x64xf32, #tpu.memory_space<vmem>>, vector<16xf32>,
        tpu.vector_store %arg8[%swap3A_411, %swap3A_412], %mul3A_410 {strides = array<i32>} : memref<128x64xf32, #tpu.memory_space<vmem>>, vector<16xf32>,
        %get3A_414 = arith.index_cast %add3A_393 : i32 to index
        %get3A_415 = arith.constant 32 : index
        %get3A_416 = tpu.vector_load %arg8[%get3A_414, %get3A_415] {strides = array<i32>} : memref<128x64xf32, #tpu.memory_space<vmem>>, vector<16xf32>,
        %mul3A_417 = arith.mulf %get3A_416, %bitcast3A_399 : vector<16xf32>
        %swap3A_418 = arith.index_cast %add3A_393 : i32 to index
        %swap3A_419 = arith.constant 32 : index
        %swap3A_420 = tpu.vector_load %arg8[%swap3A_418, %swap3A_419] {strides = array<i32>} : memref<128x64xf32, #tpu.memory_space<vmem>>, vector<16xf32>,
        tpu.vector_store %arg8[%swap3A_418, %swap3A_419], %mul3A_417 {strides = array<i32>} : memref<128x64xf32, #tpu.memory_space<vmem>>, vector<16xf32>,
        %get3A_421 = arith.index_cast %add3A_393 : i32 to index
        %get3A_422 = arith.constant 48 : index
        %get3A_423 = tpu.vector_load %arg8[%get3A_421, %get3A_422] {strides = array<i32>} : memref<128x64xf32, #tpu.memory_space<vmem>>, vector<16xf32>,
        %mul3A_424 = arith.mulf %get3A_423, %bitcast3A_399 : vector<16xf32>
        %swap3A_425 = arith.index_cast %add3A_393 : i32 to index
        %swap3A_426 = arith.constant 48 : index
        %swap3A_427 = tpu.vector_load %arg8[%swap3A_425, %swap3A_426] {strides = array<i32>} : memref<128x64xf32, #tpu.memory_space<vmem>>, vector<16xf32>,
        tpu.vector_store %arg8[%swap3A_425, %swap3A_426], %mul3A_424 {strides = array<i32>} : memref<128x64xf32, #tpu.memory_space<vmem>>, vector<16xf32>,
        %mul3A_428 = arith.constant 4 : i32
        %mul3A_429 = arith.muli %scan3A_354, %mul3A_428 : i32
        %add3A_430 = arith.constant 2 : i32
        %add3A_431 = arith.addi %mul3A_429, %add3A_430 : i32
        %broadcast_in_dim3A_432 = arith.constant 0 : i32
        %broadcast_in_dim3A_433 = vector.broadcast %broadcast_in_dim3A_432 : i32 to vector<16xi32>
        %add3A_434 = vector.broadcast %add3A_431 : i32 to vector<16xi32>
        %add3A_435 = arith.addi %broadcast_in_dim3A_433, %add3A_434 : vector<16xi32>
        %gather3A_436 = tpu.vector_load_idx %arg6[%broadcast_in_dim3A_243, %broadcast_in_dim3A_245, %add3A_435] : memref<4x3x128xi32, #tpu.memory_space<vmem>>[vector<16xi32>, vector<16xi32>, vector<16xi32>], vector<16xi32>,
        %bitcast3A_437 = vector.bitcast %gather3A_436 : vector<16xi32> to vector<16xf32>
        %get3A_438 = arith.index_cast %add3A_431 : i32 to index
        %get3A_439 = arith.constant 0 : index
        %get3A_440 = tpu.vector_load %arg8[%get3A_438, %get3A_439] {strides = array<i32>} : memref<128x64xf32, #tpu.memory_space<vmem>>, vector<16xf32>,
        %mul3A_441 = arith.mulf %get3A_440, %bitcast3A_437 : vector<16xf32>
        %swap3A_442 = arith.index_cast %add3A_431 : i32 to index
        %swap3A_443 = arith.constant 0 : index
        %swap3A_444 = tpu.vector_load %arg8[%swap3A_442, %swap3A_443] {strides = array<i32>} : memref<128x64xf32, #tpu.memory_space<vmem>>, vector<16xf32>,
        tpu.vector_store %arg8[%swap3A_442, %swap3A_443], %mul3A_441 {strides = array<i32>} : memref<128x64xf32, #tpu.memory_space<vmem>>, vector<16xf32>,
        %get3A_445 = arith.index_cast %add3A_431 : i32 to index
        %get3A_446 = arith.constant 16 : index
        %get3A_447 = tpu.vector_load %arg8[%get3A_445, %get3A_446] {strides = array<i32>} : memref<128x64xf32, #tpu.memory_space<vmem>>, vector<16xf32>,
        %mul3A_448 = arith.mulf %get3A_447, %bitcast3A_437 : vector<16xf32>
        %swap3A_449 = arith.index_cast %add3A_431 : i32 to index
        %swap3A_450 = arith.constant 16 : index
        %swap3A_451 = tpu.vector_load %arg8[%swap3A_449, %swap3A_450] {strides = array<i32>} : memref<128x64xf32, #tpu.memory_space<vmem>>, vector<16xf32>,
        tpu.vector_store %arg8[%swap3A_449, %swap3A_450], %mul3A_448 {strides = array<i32>} : memref<128x64xf32, #tpu.memory_space<vmem>>, vector<16xf32>,
        %get3A_452 = arith.index_cast %add3A_431 : i32 to index
        %get3A_453 = arith.constant 32 : index
        %get3A_454 = tpu.vector_load %arg8[%get3A_452, %get3A_453] {strides = array<i32>} : memref<128x64xf32, #tpu.memory_space<vmem>>, vector<16xf32>,
        %mul3A_455 = arith.mulf %get3A_454, %bitcast3A_437 : vector<16xf32>
        %swap3A_456 = arith.index_cast %add3A_431 : i32 to index
        %swap3A_457 = arith.constant 32 : index
        %swap3A_458 = tpu.vector_load %arg8[%swap3A_456, %swap3A_457] {strides = array<i32>} : memref<128x64xf32, #tpu.memory_space<vmem>>, vector<16xf32>,
        tpu.vector_store %arg8[%swap3A_456, %swap3A_457], %mul3A_455 {strides = array<i32>} : memref<128x64xf32, #tpu.memory_space<vmem>>, vector<16xf32>,
        %get3A_459 = arith.index_cast %add3A_431 : i32 to index
        %get3A_460 = arith.constant 48 : index
        %get3A_461 = tpu.vector_load %arg8[%get3A_459, %get3A_460] {strides = array<i32>} : memref<128x64xf32, #tpu.memory_space<vmem>>, vector<16xf32>,
        %mul3A_462 = arith.mulf %get3A_461, %bitcast3A_437 : vector<16xf32>
        %swap3A_463 = arith.index_cast %add3A_431 : i32 to index
        %swap3A_464 = arith.constant 48 : index
        %swap3A_465 = tpu.vector_load %arg8[%swap3A_463, %swap3A_464] {strides = array<i32>} : memref<128x64xf32, #tpu.memory_space<vmem>>, vector<16xf32>,
        tpu.vector_store %arg8[%swap3A_463, %swap3A_464], %mul3A_462 {strides = array<i32>} : memref<128x64xf32, #tpu.memory_space<vmem>>, vector<16xf32>,
        %mul3A_466 = arith.constant 4 : i32
        %mul3A_467 = arith.muli %scan3A_354, %mul3A_466 : i32
        %add3A_468 = arith.constant 3 : i32
        %add3A_469 = arith.addi %mul3A_467, %add3A_468 : i32
        %broadcast_in_dim3A_470 = arith.constant 0 : i32
        %broadcast_in_dim3A_471 = vector.broadcast %broadcast_in_dim3A_470 : i32 to vector<16xi32>
        %add3A_472 = vector.broadcast %add3A_469 : i32 to vector<16xi32>
        %add3A_473 = arith.addi %broadcast_in_dim3A_471, %add3A_472 : vector<16xi32>
        %gather3A_474 = tpu.vector_load_idx %arg6[%broadcast_in_dim3A_243, %broadcast_in_dim3A_245, %add3A_473] : memref<4x3x128xi32, #tpu.memory_space<vmem>>[vector<16xi32>, vector<16xi32>, vector<16xi32>], vector<16xi32>,
        %bitcast3A_475 = vector.bitcast %gather3A_474 : vector<16xi32> to vector<16xf32>
        %get3A_476 = arith.index_cast %add3A_469 : i32 to index
        %get3A_477 = arith.constant 0 : index
        %get3A_478 = tpu.vector_load %arg8[%get3A_476, %get3A_477] {strides = array<i32>} : memref<128x64xf32, #tpu.memory_space<vmem>>, vector<16xf32>,
        %mul3A_479 = arith.mulf %get3A_478, %bitcast3A_475 : vector<16xf32>
        %swap3A_480 = arith.index_cast %add3A_469 : i32 to index
        %swap3A_481 = arith.constant 0 : index
        %swap3A_482 = tpu.vector_load %arg8[%swap3A_480, %swap3A_481] {strides = array<i32>} : memref<128x64xf32, #tpu.memory_space<vmem>>, vector<16xf32>,
        tpu.vector_store %arg8[%swap3A_480, %swap3A_481], %mul3A_479 {strides = array<i32>} : memref<128x64xf32, #tpu.memory_space<vmem>>, vector<16xf32>,
        %get3A_483 = arith.index_cast %add3A_469 : i32 to index
        %get3A_484 = arith.constant 16 : index
        %get3A_485 = tpu.vector_load %arg8[%get3A_483, %get3A_484] {strides = array<i32>} : memref<128x64xf32, #tpu.memory_space<vmem>>, vector<16xf32>,
        %mul3A_486 = arith.mulf %get3A_485, %bitcast3A_475 : vector<16xf32>
        %swap3A_487 = arith.index_cast %add3A_469 : i32 to index
        %swap3A_488 = arith.constant 16 : index
        %swap3A_489 = tpu.vector_load %arg8[%swap3A_487, %swap3A_488] {strides = array<i32>} : memref<128x64xf32, #tpu.memory_space<vmem>>, vector<16xf32>,
        tpu.vector_store %arg8[%swap3A_487, %swap3A_488], %mul3A_486 {strides = array<i32>} : memref<128x64xf32, #tpu.memory_space<vmem>>, vector<16xf32>,
        %get3A_490 = arith.index_cast %add3A_469 : i32 to index
        %get3A_491 = arith.constant 32 : index
        %get3A_492 = tpu.vector_load %arg8[%get3A_490, %get3A_491] {strides = array<i32>} : memref<128x64xf32, #tpu.memory_space<vmem>>, vector<16xf32>,
        %mul3A_493 = arith.mulf %get3A_492, %bitcast3A_475 : vector<16xf32>
        %swap3A_494 = arith.index_cast %add3A_469 : i32 to index
        %swap3A_495 = arith.constant 32 : index
        %swap3A_496 = tpu.vector_load %arg8[%swap3A_494, %swap3A_495] {strides = array<i32>} : memref<128x64xf32, #tpu.memory_space<vmem>>, vector<16xf32>,
        tpu.vector_store %arg8[%swap3A_494, %swap3A_495], %mul3A_493 {strides = array<i32>} : memref<128x64xf32, #tpu.memory_space<vmem>>, vector<16xf32>,
        %get3A_497 = arith.index_cast %add3A_469 : i32 to index
        %get3A_498 = arith.constant 48 : index
        %get3A_499 = tpu.vector_load %arg8[%get3A_497, %get3A_498] {strides = array<i32>} : memref<128x64xf32, #tpu.memory_space<vmem>>, vector<16xf32>,
        %mul3A_500 = arith.mulf %get3A_499, %bitcast3A_475 : vector<16xf32>
        %swap3A_501 = arith.index_cast %add3A_469 : i32 to index
        %swap3A_502 = arith.constant 48 : index
        %swap3A_503 = tpu.vector_load %arg8[%swap3A_501, %swap3A_502] {strides = array<i32>} : memref<128x64xf32, #tpu.memory_space<vmem>>, vector<16xf32>,
        tpu.vector_store %arg8[%swap3A_501, %swap3A_502], %mul3A_500 {strides = array<i32>} : memref<128x64xf32, #tpu.memory_space<vmem>>, vector<16xf32>,
        %scan3A_504 = arith.constant 0 : i32
        scf.yield %scan3A_504 : i32
      }
      %scan3A_252 = arith.constant 32 : i32
      %dma_start3A_253 = arith.constant 1 : i32
      %dma_start3A_254 = arith.constant 1 : i32
      %dma_start3A_255 = arith.constant 0 : i32
      %dma_start3A_256 = tpu.memref_slice %arg6[%dma_start3A_253, %dma_start3A_254, %dma_start3A_255] : memref<4x3x128xi32, #tpu.memory_space<vmem>> -> memref<1x1x128xi32, #tpu.memory_space<vmem>>
      %dma_start3A_257 = tpu.memref_squeeze %dma_start3A_256 : memref<1x1x128xi32, #tpu.memory_space<vmem>> -> memref<128xi32, #tpu.memory_space<vmem>>
      %dma_start3A_258 = arith.constant 0 : i32
      %dma_start3A_259 = arith.constant 0 : i32
      %dma_start3A_260 = tpu.memref_slice %arg24[%dma_start3A_258, %dma_start3A_259] : memref<10240x64xf32, #tpu.memory_space<vmem_shared>> -> memref<10240x64xf32, #tpu.memory_space<vmem_shared>>
      tpu.enqueue_indirect_dma source(%arg8 : memref<128x64xf32, #tpu.memory_space<vmem>>) target(%dma_start3A_260 : memref<10240x64xf32, #tpu.memory_space<vmem_shared>>) offsets(%dma_start3A_257 : memref<128xi32, #tpu.memory_space<vmem>>) semaphore(%arg16 : memref<!tpu.dma_semaphore, #tpu.memory_space<semaphore_mem>>) {add = true}
      %ge3A_261 = arith.constant 2 : i32
      %ge3A_262 = arith.cmpi sge, %add3A_233, %ge3A_261 : i32
      %convert_element_type3A_263 = arith.extui %ge3A_262 : i1 to i32
      %cond3A_264 = arith.constant 0 : i32
      %cond3A_265 = arith.cmpi ne, %convert_element_type3A_263, %cond3A_264 : i32
      scf.if %cond3A_265 {
        %dma_wait3A_354 = arith.constant 3 : i32
        %dma_wait3A_355 = arith.constant 1 : i32
        %dma_wait3A_356 = arith.constant 0 : i32
        %dma_wait3A_357 = tpu.memref_slice %arg6[%dma_wait3A_354, %dma_wait3A_355, %dma_wait3A_356] : memref<4x3x128xi32, #tpu.memory_space<vmem>> -> memref<1x1x128xi32, #tpu.memory_space<vmem>>
        %dma_wait3A_358 = tpu.memref_squeeze %dma_wait3A_357 : memref<1x1x128xi32, #tpu.memory_space<vmem>> -> memref<128xi32, #tpu.memory_space<vmem>>
        %dma_wait3A_359 = arith.constant 0 : i32
        %dma_wait3A_360 = arith.constant 0 : i32
        %dma_wait3A_361 = tpu.memref_slice %arg24[%dma_wait3A_359, %dma_wait3A_360] : memref<10240x64xf32, #tpu.memory_space<vmem_shared>> -> memref<10240x64xf32, #tpu.memory_space<vmem_shared>>
        tpu.wait_indirect_dma semaphore(%arg18 : memref<!tpu.dma_semaphore, #tpu.memory_space<semaphore_mem>>) src(%arg10 : memref<128x64xf32, #tpu.memory_space<vmem>>) dst(%dma_wait3A_361 : memref<10240x64xf32, #tpu.memory_space<vmem_shared>>)
      } else {
      }
      %lt3A_266 = arith.constant 78 : i32
      %lt3A_267 = arith.cmpi slt, %add3A_233, %lt3A_266 : i32
      %convert_element_type3A_268 = arith.extui %lt3A_267 : i1 to i32
      %cond3A_269 = arith.constant 0 : i32
      %cond3A_270 = arith.cmpi ne, %convert_element_type3A_268, %cond3A_269 : i32
      scf.if %cond3A_270 {
        %add3A_354 = arith.addi %mul3A_2, %add3A_233 : i32
        %add3A_355 = arith.constant 2 : i32
        %add3A_356 = arith.addi %add3A_354, %add3A_355 : i32
        %dma_start3A_357 = arith.constant 3 : i32
        %dma_start3A_358 = arith.constant 0 : i32
        %dma_start3A_359 = arith.constant 0 : i32
        %dma_start3A_360 = tpu.memref_slice %arg6[%dma_start3A_357, %dma_start3A_358, %dma_start3A_359] : memref<4x3x128xi32, #tpu.memory_space<vmem>> -> memref<1x3x128xi32, #tpu.memory_space<vmem>>
        %dma_start3A_361 = tpu.memref_squeeze %dma_start3A_360 : memref<1x3x128xi32, #tpu.memory_space<vmem>> -> memref<3x128xi32, #tpu.memory_space<vmem>>
        %dma_start3A_362 = arith.constant 0 : i32
        %dma_start3A_363 = arith.constant 0 : i32
        %dma_start3A_364 = tpu.memref_slice %arg4[%add3A_356, %dma_start3A_362, %dma_start3A_363] : memref<2560x3x128xi32, #tpu.memory_space<hbm>> -> memref<1x3x128xi32, #tpu.memory_space<hbm>>
        %dma_start3A_365 = tpu.memref_squeeze %dma_start3A_364 : memref<1x3x128xi32, #tpu.memory_space<hbm>> -> memref<3x128xi32, #tpu.memory_space<hbm>>
        %dma_start3A_366 = arith.constant 0 : i32
        %dma_start3A_367 = arith.constant 0 : i32
        %dma_start3A_368 = tpu.memref_slice %arg6[%dma_start3A_357, %dma_start3A_366, %dma_start3A_367] : memref<4x3x128xi32, #tpu.memory_space<vmem>> -> memref<1x3x128xi32, #tpu.memory_space<vmem>>
        %dma_start3A_369 = tpu.memref_squeeze %dma_start3A_368 : memref<1x3x128xi32, #tpu.memory_space<vmem>> -> memref<3x128xi32, #tpu.memory_space<vmem>>
        %dma_start3A_370 = arith.constant 0 : i32
        %dma_start3A_371 = arith.constant 0 : i32
        %dma_start3A_372 = tpu.memref_slice %arg4[%add3A_356, %dma_start3A_370, %dma_start3A_371] : memref<2560x3x128xi32, #tpu.memory_space<hbm>> -> memref<1x3x128xi32, #tpu.memory_space<hbm>>
        %dma_start3A_373 = tpu.memref_squeeze %dma_start3A_372 : memref<1x3x128xi32, #tpu.memory_space<hbm>> -> memref<3x128xi32, #tpu.memory_space<hbm>>
        tpu.enqueue_dma source(%dma_start3A_373 : memref<3x128xi32, #tpu.memory_space<hbm>>) target(%dma_start3A_369 : memref<3x128xi32, #tpu.memory_space<vmem>>) target_semaphore(%arg22 : memref<!tpu.dma_semaphore, #tpu.memory_space<semaphore_mem>>)
        %add3A_374 = arith.addi %mul3A_2, %add3A_233 : i32
        %add3A_375 = arith.constant 2 : i32
        %add3A_376 = arith.addi %add3A_374, %add3A_375 : i32
        %dma_wait3A_377 = arith.constant 3 : i32
        %dma_wait3A_378 = arith.constant 0 : i32
        %dma_wait3A_379 = arith.constant 0 : i32
        %dma_wait3A_380 = tpu.memref_slice %arg6[%dma_wait3A_377, %dma_wait3A_378, %dma_wait3A_379] : memref<4x3x128xi32, #tpu.memory_space<vmem>> -> memref<1x3x128xi32, #tpu.memory_space<vmem>>
        %dma_wait3A_381 = tpu.memref_squeeze %dma_wait3A_380 : memref<1x3x128xi32, #tpu.memory_space<vmem>> -> memref<3x128xi32, #tpu.memory_space<vmem>>
        %dma_wait3A_382 = arith.constant 0 : i32
        %dma_wait3A_383 = arith.constant 0 : i32
        %dma_wait3A_384 = tpu.memref_slice %arg4[%add3A_376, %dma_wait3A_382, %dma_wait3A_383] : memref<2560x3x128xi32, #tpu.memory_space<hbm>> -> memref<1x3x128xi32, #tpu.memory_space<hbm>>
        %dma_wait3A_385 = tpu.memref_squeeze %dma_wait3A_384 : memref<1x3x128xi32, #tpu.memory_space<hbm>> -> memref<3x128xi32, #tpu.memory_space<hbm>>
        %dma_wait3A_386 = arith.constant 0 : i32
        %dma_wait3A_387 = arith.constant 0 : i32
        %dma_wait3A_388 = tpu.memref_slice %arg6[%dma_wait3A_377, %dma_wait3A_386, %dma_wait3A_387] : memref<4x3x128xi32, #tpu.memory_space<vmem>> -> memref<1x3x128xi32, #tpu.memory_space<vmem>>
        %dma_wait3A_389 = tpu.memref_squeeze %dma_wait3A_388 : memref<1x3x128xi32, #tpu.memory_space<vmem>> -> memref<3x128xi32, #tpu.memory_space<vmem>>
        %dma_wait3A_390 = arith.constant 0 : i32
        %dma_wait3A_391 = arith.constant 0 : i32
        %dma_wait3A_392 = tpu.memref_slice %arg4[%add3A_376, %dma_wait3A_390, %dma_wait3A_391] : memref<2560x3x128xi32, #tpu.memory_space<hbm>> -> memref<1x3x128xi32, #tpu.memory_space<hbm>>
        %dma_wait3A_393 = tpu.memref_squeeze %dma_wait3A_392 : memref<1x3x128xi32, #tpu.memory_space<hbm>> -> memref<3x128xi32, #tpu.memory_space<hbm>>
        tpu.wait_dma2 semaphore(%arg22 : memref<!tpu.dma_semaphore, #tpu.memory_space<semaphore_mem>>) src(%dma_wait3A_393 : memref<3x128xi32, #tpu.memory_space<hbm>>) dst(%dma_wait3A_389 : memref<3x128xi32, #tpu.memory_space<vmem>>)
        %dma_start3A_394 = arith.constant 3 : i32
        %dma_start3A_395 = arith.constant 0 : i32
        %dma_start3A_396 = arith.constant 0 : i32
        %dma_start3A_397 = tpu.memref_slice %arg6[%dma_start3A_394, %dma_start3A_395, %dma_start3A_396] : memref<4x3x128xi32, #tpu.memory_space<vmem>> -> memref<1x1x128xi32, #tpu.memory_space<vmem>>
        %dma_start3A_398 = tpu.memref_squeeze %dma_start3A_397 : memref<1x1x128xi32, #tpu.memory_space<vmem>> -> memref<128xi32, #tpu.memory_space<vmem>>
        %dma_start3A_399 = arith.constant 0 : i32
        %dma_start3A_400 = arith.constant 0 : i32
        %dma_start3A_401 = tpu.memref_slice %arg23[%dma_start3A_399, %dma_start3A_400] : memref<10240x64xf32, #tpu.memory_space<vmem_shared>> -> memref<10240x64xf32, #tpu.memory_space<vmem_shared>>
        tpu.enqueue_indirect_dma source(%dma_start3A_401 : memref<10240x64xf32, #tpu.memory_space<vmem_shared>>) target(%arg10 : memref<128x64xf32, #tpu.memory_space<vmem>>) offsets(%dma_start3A_398 : memref<128xi32, #tpu.memory_space<vmem>>) semaphore(%arg14 : memref<!tpu.dma_semaphore, #tpu.memory_space<semaphore_mem>>)
      } else {
      }
      %mul3A_271 = arith.constant 4 : i32
      %mul3A_272 = arith.muli %mul3A_271, %scan3A_190 : i32
      %add3A_273 = arith.constant 2 : i32
      %add3A_274 = arith.addi %mul3A_272, %add3A_273 : i32
      %dma_wait3A_275 = arith.constant 2 : i32
      %dma_wait3A_276 = arith.constant 0 : i32
      %dma_wait3A_277 = arith.constant 0 : i32
      %dma_wait3A_278 = tpu.memref_slice %arg6[%dma_wait3A_275, %dma_wait3A_276, %dma_wait3A_277] : memref<4x3x128xi32, #tpu.memory_space<vmem>> -> memref<1x1x128xi32, #tpu.memory_space<vmem>>
      %dma_wait3A_279 = tpu.memref_squeeze %dma_wait3A_278 : memref<1x1x128xi32, #tpu.memory_space<vmem>> -> memref<128xi32, #tpu.memory_space<vmem>>
      %dma_wait3A_280 = arith.constant 0 : i32
      %dma_wait3A_281 = arith.constant 0 : i32
      %dma_wait3A_282 = tpu.memref_slice %arg23[%dma_wait3A_280, %dma_wait3A_281] : memref<10240x64xf32, #tpu.memory_space<vmem_shared>> -> memref<10240x64xf32, #tpu.memory_space<vmem_shared>>
      tpu.wait_indirect_dma semaphore(%arg13 : memref<!tpu.dma_semaphore, #tpu.memory_space<semaphore_mem>>) src(%dma_wait3A_282 : memref<10240x64xf32, #tpu.memory_space<vmem_shared>>) dst(%arg9 : memref<128x64xf32, #tpu.memory_space<vmem>>)
      %broadcast_in_dim3A_283 = arith.constant 2 : i32
      %broadcast_in_dim3A_284 = vector.broadcast %broadcast_in_dim3A_283 : i32 to vector<16xi32>
      %broadcast_in_dim3A_285 = arith.constant 2 : i32
      %broadcast_in_dim3A_286 = vector.broadcast %broadcast_in_dim3A_285 : i32 to vector<16xi32>
      %scan3A_287 = arith.constant 0 : i32
      %scan3A_288 = arith.constant 0 : i32
      %scan3A_289 = arith.constant 32 : i32
      %scan3A_290 = arith.addi %scan3A_288, %scan3A_289 : i32
      %scan3A_291 = arith.constant 1 : i32
      %scan3A_292 = scf.for %scan3A_354 = %scan3A_288 to %scan3A_290 step %scan3A_291 iter_args(%scan3A_355 = %scan3A_287) -> (i32)  : i32 {
        %mul3A_356 = arith.constant 4 : i32
        %mul3A_357 = arith.muli %scan3A_354, %mul3A_356 : i32
        %add3A_358 = arith.constant 0 : i32
        %add3A_359 = arith.addi %mul3A_357, %add3A_358 : i32
        %broadcast_in_dim3A_360 = arith.constant 0 : i32
        %broadcast_in_dim3A_361 = vector.broadcast %broadcast_in_dim3A_360 : i32 to vector<16xi32>
        %add3A_362 = vector.broadcast %add3A_359 : i32 to vector<16xi32>
        %add3A_363 = arith.addi %broadcast_in_dim3A_361, %add3A_362 : vector<16xi32>
        %gather3A = tpu.vector_load_idx %arg6[%broadcast_in_dim3A_284, %broadcast_in_dim3A_286, %add3A_363] : memref<4x3x128xi32, #tpu.memory_space<vmem>>[vector<16xi32>, vector<16xi32>, vector<16xi32>], vector<16xi32>,
        %bitcast3A = vector.bitcast %gather3A : vector<16xi32> to vector<16xf32>
        %get3A = arith.index_cast %add3A_359 : i32 to index
        %get3A_364 = arith.constant 0 : index
        %get3A_365 = tpu.vector_load %arg9[%get3A, %get3A_364] {strides = array<i32>} : memref<128x64xf32, #tpu.memory_space<vmem>>, vector<16xf32>,
        %mul3A_366 = arith.mulf %get3A_365, %bitcast3A : vector<16xf32>
        %swap3A = arith.index_cast %add3A_359 : i32 to index
        %swap3A_367 = arith.constant 0 : index
        %swap3A_368 = tpu.vector_load %arg9[%swap3A, %swap3A_367] {strides = array<i32>} : memref<128x64xf32, #tpu.memory_space<vmem>>, vector<16xf32>,
        tpu.vector_store %arg9[%swap3A, %swap3A_367], %mul3A_366 {strides = array<i32>} : memref<128x64xf32, #tpu.memory_space<vmem>>, vector<16xf32>,
        %get3A_369 = arith.index_cast %add3A_359 : i32 to index
        %get3A_370 = arith.constant 16 : index
        %get3A_371 = tpu.vector_load %arg9[%get3A_369, %get3A_370] {strides = array<i32>} : memref<128x64xf32, #tpu.memory_space<vmem>>, vector<16xf32>,
        %mul3A_372 = arith.mulf %get3A_371, %bitcast3A : vector<16xf32>
        %swap3A_373 = arith.index_cast %add3A_359 : i32 to index
        %swap3A_374 = arith.constant 16 : index
        %swap3A_375 = tpu.vector_load %arg9[%swap3A_373, %swap3A_374] {strides = array<i32>} : memref<128x64xf32, #tpu.memory_space<vmem>>, vector<16xf32>,
        tpu.vector_store %arg9[%swap3A_373, %swap3A_374], %mul3A_372 {strides = array<i32>} : memref<128x64xf32, #tpu.memory_space<vmem>>, vector<16xf32>,
        %get3A_376 = arith.index_cast %add3A_359 : i32 to index
        %get3A_377 = arith.constant 32 : index
        %get3A_378 = tpu.vector_load %arg9[%get3A_376, %get3A_377] {strides = array<i32>} : memref<128x64xf32, #tpu.memory_space<vmem>>, vector<16xf32>,
        %mul3A_379 = arith.mulf %get3A_378, %bitcast3A : vector<16xf32>
        %swap3A_380 = arith.index_cast %add3A_359 : i32 to index
        %swap3A_381 = arith.constant 32 : index
        %swap3A_382 = tpu.vector_load %arg9[%swap3A_380, %swap3A_381] {strides = array<i32>} : memref<128x64xf32, #tpu.memory_space<vmem>>, vector<16xf32>,
        tpu.vector_store %arg9[%swap3A_380, %swap3A_381], %mul3A_379 {strides = array<i32>} : memref<128x64xf32, #tpu.memory_space<vmem>>, vector<16xf32>,
        %get3A_383 = arith.index_cast %add3A_359 : i32 to index
        %get3A_384 = arith.constant 48 : index
        %get3A_385 = tpu.vector_load %arg9[%get3A_383, %get3A_384] {strides = array<i32>} : memref<128x64xf32, #tpu.memory_space<vmem>>, vector<16xf32>,
        %mul3A_386 = arith.mulf %get3A_385, %bitcast3A : vector<16xf32>
        %swap3A_387 = arith.index_cast %add3A_359 : i32 to index
        %swap3A_388 = arith.constant 48 : index
        %swap3A_389 = tpu.vector_load %arg9[%swap3A_387, %swap3A_388] {strides = array<i32>} : memref<128x64xf32, #tpu.memory_space<vmem>>, vector<16xf32>,
        tpu.vector_store %arg9[%swap3A_387, %swap3A_388], %mul3A_386 {strides = array<i32>} : memref<128x64xf32, #tpu.memory_space<vmem>>, vector<16xf32>,
        %mul3A_390 = arith.constant 4 : i32
        %mul3A_391 = arith.muli %scan3A_354, %mul3A_390 : i32
        %add3A_392 = arith.constant 1 : i32
        %add3A_393 = arith.addi %mul3A_391, %add3A_392 : i32
        %broadcast_in_dim3A_394 = arith.constant 0 : i32
        %broadcast_in_dim3A_395 = vector.broadcast %broadcast_in_dim3A_394 : i32 to vector<16xi32>
        %add3A_396 = vector.broadcast %add3A_393 : i32 to vector<16xi32>
        %add3A_397 = arith.addi %broadcast_in_dim3A_395, %add3A_396 : vector<16xi32>
        %gather3A_398 = tpu.vector_load_idx %arg6[%broadcast_in_dim3A_284, %broadcast_in_dim3A_286, %add3A_397] : memref<4x3x128xi32, #tpu.memory_space<vmem>>[vector<16xi32>, vector<16xi32>, vector<16xi32>], vector<16xi32>,
        %bitcast3A_399 = vector.bitcast %gather3A_398 : vector<16xi32> to vector<16xf32>
        %get3A_400 = arith.index_cast %add3A_393 : i32 to index
        %get3A_401 = arith.constant 0 : index
        %get3A_402 = tpu.vector_load %arg9[%get3A_400, %get3A_401] {strides = array<i32>} : memref<128x64xf32, #tpu.memory_space<vmem>>, vector<16xf32>,
        %mul3A_403 = arith.mulf %get3A_402, %bitcast3A_399 : vector<16xf32>
        %swap3A_404 = arith.index_cast %add3A_393 : i32 to index
        %swap3A_405 = arith.constant 0 : index
        %swap3A_406 = tpu.vector_load %arg9[%swap3A_404, %swap3A_405] {strides = array<i32>} : memref<128x64xf32, #tpu.memory_space<vmem>>, vector<16xf32>,
        tpu.vector_store %arg9[%swap3A_404, %swap3A_405], %mul3A_403 {strides = array<i32>} : memref<128x64xf32, #tpu.memory_space<vmem>>, vector<16xf32>,
        %get3A_407 = arith.index_cast %add3A_393 : i32 to index
        %get3A_408 = arith.constant 16 : index
        %get3A_409 = tpu.vector_load %arg9[%get3A_407, %get3A_408] {strides = array<i32>} : memref<128x64xf32, #tpu.memory_space<vmem>>, vector<16xf32>,
        %mul3A_410 = arith.mulf %get3A_409, %bitcast3A_399 : vector<16xf32>
        %swap3A_411 = arith.index_cast %add3A_393 : i32 to index
        %swap3A_412 = arith.constant 16 : index
        %swap3A_413 = tpu.vector_load %arg9[%swap3A_411, %swap3A_412] {strides = array<i32>} : memref<128x64xf32, #tpu.memory_space<vmem>>, vector<16xf32>,
        tpu.vector_store %arg9[%swap3A_411, %swap3A_412], %mul3A_410 {strides = array<i32>} : memref<128x64xf32, #tpu.memory_space<vmem>>, vector<16xf32>,
        %get3A_414 = arith.index_cast %add3A_393 : i32 to index
        %get3A_415 = arith.constant 32 : index
        %get3A_416 = tpu.vector_load %arg9[%get3A_414, %get3A_415] {strides = array<i32>} : memref<128x64xf32, #tpu.memory_space<vmem>>, vector<16xf32>,
        %mul3A_417 = arith.mulf %get3A_416, %bitcast3A_399 : vector<16xf32>
        %swap3A_418 = arith.index_cast %add3A_393 : i32 to index
        %swap3A_419 = arith.constant 32 : index
        %swap3A_420 = tpu.vector_load %arg9[%swap3A_418, %swap3A_419] {strides = array<i32>} : memref<128x64xf32, #tpu.memory_space<vmem>>, vector<16xf32>,
        tpu.vector_store %arg9[%swap3A_418, %swap3A_419], %mul3A_417 {strides = array<i32>} : memref<128x64xf32, #tpu.memory_space<vmem>>, vector<16xf32>,
        %get3A_421 = arith.index_cast %add3A_393 : i32 to index
        %get3A_422 = arith.constant 48 : index
        %get3A_423 = tpu.vector_load %arg9[%get3A_421, %get3A_422] {strides = array<i32>} : memref<128x64xf32, #tpu.memory_space<vmem>>, vector<16xf32>,
        %mul3A_424 = arith.mulf %get3A_423, %bitcast3A_399 : vector<16xf32>
        %swap3A_425 = arith.index_cast %add3A_393 : i32 to index
        %swap3A_426 = arith.constant 48 : index
        %swap3A_427 = tpu.vector_load %arg9[%swap3A_425, %swap3A_426] {strides = array<i32>} : memref<128x64xf32, #tpu.memory_space<vmem>>, vector<16xf32>,
        tpu.vector_store %arg9[%swap3A_425, %swap3A_426], %mul3A_424 {strides = array<i32>} : memref<128x64xf32, #tpu.memory_space<vmem>>, vector<16xf32>,
        %mul3A_428 = arith.constant 4 : i32
        %mul3A_429 = arith.muli %scan3A_354, %mul3A_428 : i32
        %add3A_430 = arith.constant 2 : i32
        %add3A_431 = arith.addi %mul3A_429, %add3A_430 : i32
        %broadcast_in_dim3A_432 = arith.constant 0 : i32
        %broadcast_in_dim3A_433 = vector.broadcast %broadcast_in_dim3A_432 : i32 to vector<16xi32>
        %add3A_434 = vector.broadcast %add3A_431 : i32 to vector<16xi32>
        %add3A_435 = arith.addi %broadcast_in_dim3A_433, %add3A_434 : vector<16xi32>
        %gather3A_436 = tpu.vector_load_idx %arg6[%broadcast_in_dim3A_284, %broadcast_in_dim3A_286, %add3A_435] : memref<4x3x128xi32, #tpu.memory_space<vmem>>[vector<16xi32>, vector<16xi32>, vector<16xi32>], vector<16xi32>,
        %bitcast3A_437 = vector.bitcast %gather3A_436 : vector<16xi32> to vector<16xf32>
        %get3A_438 = arith.index_cast %add3A_431 : i32 to index
        %get3A_439 = arith.constant 0 : index
        %get3A_440 = tpu.vector_load %arg9[%get3A_438, %get3A_439] {strides = array<i32>} : memref<128x64xf32, #tpu.memory_space<vmem>>, vector<16xf32>,
        %mul3A_441 = arith.mulf %get3A_440, %bitcast3A_437 : vector<16xf32>
        %swap3A_442 = arith.index_cast %add3A_431 : i32 to index
        %swap3A_443 = arith.constant 0 : index
        %swap3A_444 = tpu.vector_load %arg9[%swap3A_442, %swap3A_443] {strides = array<i32>} : memref<128x64xf32, #tpu.memory_space<vmem>>, vector<16xf32>,
        tpu.vector_store %arg9[%swap3A_442, %swap3A_443], %mul3A_441 {strides = array<i32>} : memref<128x64xf32, #tpu.memory_space<vmem>>, vector<16xf32>,
        %get3A_445 = arith.index_cast %add3A_431 : i32 to index
        %get3A_446 = arith.constant 16 : index
        %get3A_447 = tpu.vector_load %arg9[%get3A_445, %get3A_446] {strides = array<i32>} : memref<128x64xf32, #tpu.memory_space<vmem>>, vector<16xf32>,
        %mul3A_448 = arith.mulf %get3A_447, %bitcast3A_437 : vector<16xf32>
        %swap3A_449 = arith.index_cast %add3A_431 : i32 to index
        %swap3A_450 = arith.constant 16 : index
        %swap3A_451 = tpu.vector_load %arg9[%swap3A_449, %swap3A_450] {strides = array<i32>} : memref<128x64xf32, #tpu.memory_space<vmem>>, vector<16xf32>,
        tpu.vector_store %arg9[%swap3A_449, %swap3A_450], %mul3A_448 {strides = array<i32>} : memref<128x64xf32, #tpu.memory_space<vmem>>, vector<16xf32>,
        %get3A_452 = arith.index_cast %add3A_431 : i32 to index
        %get3A_453 = arith.constant 32 : index
        %get3A_454 = tpu.vector_load %arg9[%get3A_452, %get3A_453] {strides = array<i32>} : memref<128x64xf32, #tpu.memory_space<vmem>>, vector<16xf32>,
        %mul3A_455 = arith.mulf %get3A_454, %bitcast3A_437 : vector<16xf32>
        %swap3A_456 = arith.index_cast %add3A_431 : i32 to index
        %swap3A_457 = arith.constant 32 : index
        %swap3A_458 = tpu.vector_load %arg9[%swap3A_456, %swap3A_457] {strides = array<i32>} : memref<128x64xf32, #tpu.memory_space<vmem>>, vector<16xf32>,
        tpu.vector_store %arg9[%swap3A_456, %swap3A_457], %mul3A_455 {strides = array<i32>} : memref<128x64xf32, #tpu.memory_space<vmem>>, vector<16xf32>,
        %get3A_459 = arith.index_cast %add3A_431 : i32 to index
        %get3A_460 = arith.constant 48 : index
        %get3A_461 = tpu.vector_load %arg9[%get3A_459, %get3A_460] {strides = array<i32>} : memref<128x64xf32, #tpu.memory_space<vmem>>, vector<16xf32>,
        %mul3A_462 = arith.mulf %get3A_461, %bitcast3A_437 : vector<16xf32>
        %swap3A_463 = arith.index_cast %add3A_431 : i32 to index
        %swap3A_464 = arith.constant 48 : index
        %swap3A_465 = tpu.vector_load %arg9[%swap3A_463, %swap3A_464] {strides = array<i32>} : memref<128x64xf32, #tpu.memory_space<vmem>>, vector<16xf32>,
        tpu.vector_store %arg9[%swap3A_463, %swap3A_464], %mul3A_462 {strides = array<i32>} : memref<128x64xf32, #tpu.memory_space<vmem>>, vector<16xf32>,
        %mul3A_466 = arith.constant 4 : i32
        %mul3A_467 = arith.muli %scan3A_354, %mul3A_466 : i32
        %add3A_468 = arith.constant 3 : i32
        %add3A_469 = arith.addi %mul3A_467, %add3A_468 : i32
        %broadcast_in_dim3A_470 = arith.constant 0 : i32
        %broadcast_in_dim3A_471 = vector.broadcast %broadcast_in_dim3A_470 : i32 to vector<16xi32>
        %add3A_472 = vector.broadcast %add3A_469 : i32 to vector<16xi32>
        %add3A_473 = arith.addi %broadcast_in_dim3A_471, %add3A_472 : vector<16xi32>
        %gather3A_474 = tpu.vector_load_idx %arg6[%broadcast_in_dim3A_284, %broadcast_in_dim3A_286, %add3A_473] : memref<4x3x128xi32, #tpu.memory_space<vmem>>[vector<16xi32>, vector<16xi32>, vector<16xi32>], vector<16xi32>,
        %bitcast3A_475 = vector.bitcast %gather3A_474 : vector<16xi32> to vector<16xf32>
        %get3A_476 = arith.index_cast %add3A_469 : i32 to index
        %get3A_477 = arith.constant 0 : index
        %get3A_478 = tpu.vector_load %arg9[%get3A_476, %get3A_477] {strides = array<i32>} : memref<128x64xf32, #tpu.memory_space<vmem>>, vector<16xf32>,
        %mul3A_479 = arith.mulf %get3A_478, %bitcast3A_475 : vector<16xf32>
        %swap3A_480 = arith.index_cast %add3A_469 : i32 to index
        %swap3A_481 = arith.constant 0 : index
        %swap3A_482 = tpu.vector_load %arg9[%swap3A_480, %swap3A_481] {strides = array<i32>} : memref<128x64xf32, #tpu.memory_space<vmem>>, vector<16xf32>,
        tpu.vector_store %arg9[%swap3A_480, %swap3A_481], %mul3A_479 {strides = array<i32>} : memref<128x64xf32, #tpu.memory_space<vmem>>, vector<16xf32>,
        %get3A_483 = arith.index_cast %add3A_469 : i32 to index
        %get3A_484 = arith.constant 16 : index
        %get3A_485 = tpu.vector_load %arg9[%get3A_483, %get3A_484] {strides = array<i32>} : memref<128x64xf32, #tpu.memory_space<vmem>>, vector<16xf32>,
        %mul3A_486 = arith.mulf %get3A_485, %bitcast3A_475 : vector<16xf32>
        %swap3A_487 = arith.index_cast %add3A_469 : i32 to index
        %swap3A_488 = arith.constant 16 : index
        %swap3A_489 = tpu.vector_load %arg9[%swap3A_487, %swap3A_488] {strides = array<i32>} : memref<128x64xf32, #tpu.memory_space<vmem>>, vector<16xf32>,
        tpu.vector_store %arg9[%swap3A_487, %swap3A_488], %mul3A_486 {strides = array<i32>} : memref<128x64xf32, #tpu.memory_space<vmem>>, vector<16xf32>,
        %get3A_490 = arith.index_cast %add3A_469 : i32 to index
        %get3A_491 = arith.constant 32 : index
        %get3A_492 = tpu.vector_load %arg9[%get3A_490, %get3A_491] {strides = array<i32>} : memref<128x64xf32, #tpu.memory_space<vmem>>, vector<16xf32>,
        %mul3A_493 = arith.mulf %get3A_492, %bitcast3A_475 : vector<16xf32>
        %swap3A_494 = arith.index_cast %add3A_469 : i32 to index
        %swap3A_495 = arith.constant 32 : index
        %swap3A_496 = tpu.vector_load %arg9[%swap3A_494, %swap3A_495] {strides = array<i32>} : memref<128x64xf32, #tpu.memory_space<vmem>>, vector<16xf32>,
        tpu.vector_store %arg9[%swap3A_494, %swap3A_495], %mul3A_493 {strides = array<i32>} : memref<128x64xf32, #tpu.memory_space<vmem>>, vector<16xf32>,
        %get3A_497 = arith.index_cast %add3A_469 : i32 to index
        %get3A_498 = arith.constant 48 : index
        %get3A_499 = tpu.vector_load %arg9[%get3A_497, %get3A_498] {strides = array<i32>} : memref<128x64xf32, #tpu.memory_space<vmem>>, vector<16xf32>,
        %mul3A_500 = arith.mulf %get3A_499, %bitcast3A_475 : vector<16xf32>
        %swap3A_501 = arith.index_cast %add3A_469 : i32 to index
        %swap3A_502 = arith.constant 48 : index
        %swap3A_503 = tpu.vector_load %arg9[%swap3A_501, %swap3A_502] {strides = array<i32>} : memref<128x64xf32, #tpu.memory_space<vmem>>, vector<16xf32>,
        tpu.vector_store %arg9[%swap3A_501, %swap3A_502], %mul3A_500 {strides = array<i32>} : memref<128x64xf32, #tpu.memory_space<vmem>>, vector<16xf32>,
        %scan3A_504 = arith.constant 0 : i32
        scf.yield %scan3A_504 : i32
      }
      %scan3A_293 = arith.constant 32 : i32
      %dma_start3A_294 = arith.constant 2 : i32
      %dma_start3A_295 = arith.constant 1 : i32
      %dma_start3A_296 = arith.constant 0 : i32
      %dma_start3A_297 = tpu.memref_slice %arg6[%dma_start3A_294, %dma_start3A_295, %dma_start3A_296] : memref<4x3x128xi32, #tpu.memory_space<vmem>> -> memref<1x1x128xi32, #tpu.memory_space<vmem>>
      %dma_start3A_298 = tpu.memref_squeeze %dma_start3A_297 : memref<1x1x128xi32, #tpu.memory_space<vmem>> -> memref<128xi32, #tpu.memory_space<vmem>>
      %dma_start3A_299 = arith.constant 0 : i32
      %dma_start3A_300 = arith.constant 0 : i32
      %dma_start3A_301 = tpu.memref_slice %arg24[%dma_start3A_299, %dma_start3A_300] : memref<10240x64xf32, #tpu.memory_space<vmem_shared>> -> memref<10240x64xf32, #tpu.memory_space<vmem_shared>>
      tpu.enqueue_indirect_dma source(%arg9 : memref<128x64xf32, #tpu.memory_space<vmem>>) target(%dma_start3A_301 : memref<10240x64xf32, #tpu.memory_space<vmem_shared>>) offsets(%dma_start3A_298 : memref<128xi32, #tpu.memory_space<vmem>>) semaphore(%arg17 : memref<!tpu.dma_semaphore, #tpu.memory_space<semaphore_mem>>) {add = true}
      %ge3A_302 = arith.constant 2 : i32
      %ge3A_303 = arith.cmpi sge, %add3A_274, %ge3A_302 : i32
      %convert_element_type3A_304 = arith.extui %ge3A_303 : i1 to i32
      %cond3A_305 = arith.constant 0 : i32
      %cond3A_306 = arith.cmpi ne, %convert_element_type3A_304, %cond3A_305 : i32
      scf.if %cond3A_306 {
        %dma_wait3A_354 = arith.constant 0 : i32
        %dma_wait3A_355 = arith.constant 1 : i32
        %dma_wait3A_356 = arith.constant 0 : i32
        %dma_wait3A_357 = tpu.memref_slice %arg6[%dma_wait3A_354, %dma_wait3A_355, %dma_wait3A_356] : memref<4x3x128xi32, #tpu.memory_space<vmem>> -> memref<1x1x128xi32, #tpu.memory_space<vmem>>
        %dma_wait3A_358 = tpu.memref_squeeze %dma_wait3A_357 : memref<1x1x128xi32, #tpu.memory_space<vmem>> -> memref<128xi32, #tpu.memory_space<vmem>>
        %dma_wait3A_359 = arith.constant 0 : i32
        %dma_wait3A_360 = arith.constant 0 : i32
        %dma_wait3A_361 = tpu.memref_slice %arg24[%dma_wait3A_359, %dma_wait3A_360] : memref<10240x64xf32, #tpu.memory_space<vmem_shared>> -> memref<10240x64xf32, #tpu.memory_space<vmem_shared>>
        tpu.wait_indirect_dma semaphore(%arg15 : memref<!tpu.dma_semaphore, #tpu.memory_space<semaphore_mem>>) src(%arg7 : memref<128x64xf32, #tpu.memory_space<vmem>>) dst(%dma_wait3A_361 : memref<10240x64xf32, #tpu.memory_space<vmem_shared>>)
      } else {
      }
      %lt3A_307 = arith.constant 78 : i32
      %lt3A_308 = arith.cmpi slt, %add3A_274, %lt3A_307 : i32
      %convert_element_type3A_309 = arith.extui %lt3A_308 : i1 to i32
      %cond3A_310 = arith.constant 0 : i32
      %cond3A_311 = arith.cmpi ne, %convert_element_type3A_309, %cond3A_310 : i32
      scf.if %cond3A_311 {
        %add3A_354 = arith.addi %mul3A_2, %add3A_274 : i32
        %add3A_355 = arith.constant 2 : i32
        %add3A_356 = arith.addi %add3A_354, %add3A_355 : i32
        %dma_start3A_357 = arith.constant 0 : i32
        %dma_start3A_358 = arith.constant 0 : i32
        %dma_start3A_359 = arith.constant 0 : i32
        %dma_start3A_360 = tpu.memref_slice %arg6[%dma_start3A_357, %dma_start3A_358, %dma_start3A_359] : memref<4x3x128xi32, #tpu.memory_space<vmem>> -> memref<1x3x128xi32, #tpu.memory_space<vmem>>
        %dma_start3A_361 = tpu.memref_squeeze %dma_start3A_360 : memref<1x3x128xi32, #tpu.memory_space<vmem>> -> memref<3x128xi32, #tpu.memory_space<vmem>>
        %dma_start3A_362 = arith.constant 0 : i32
        %dma_start3A_363 = arith.constant 0 : i32
        %dma_start3A_364 = tpu.memref_slice %arg4[%add3A_356, %dma_start3A_362, %dma_start3A_363] : memref<2560x3x128xi32, #tpu.memory_space<hbm>> -> memref<1x3x128xi32, #tpu.memory_space<hbm>>
        %dma_start3A_365 = tpu.memref_squeeze %dma_start3A_364 : memref<1x3x128xi32, #tpu.memory_space<hbm>> -> memref<3x128xi32, #tpu.memory_space<hbm>>
        %dma_start3A_366 = arith.constant 0 : i32
        %dma_start3A_367 = arith.constant 0 : i32
        %dma_start3A_368 = tpu.memref_slice %arg6[%dma_start3A_357, %dma_start3A_366, %dma_start3A_367] : memref<4x3x128xi32, #tpu.memory_space<vmem>> -> memref<1x3x128xi32, #tpu.memory_space<vmem>>
        %dma_start3A_369 = tpu.memref_squeeze %dma_start3A_368 : memref<1x3x128xi32, #tpu.memory_space<vmem>> -> memref<3x128xi32, #tpu.memory_space<vmem>>
        %dma_start3A_370 = arith.constant 0 : i32
        %dma_start3A_371 = arith.constant 0 : i32
        %dma_start3A_372 = tpu.memref_slice %arg4[%add3A_356, %dma_start3A_370, %dma_start3A_371] : memref<2560x3x128xi32, #tpu.memory_space<hbm>> -> memref<1x3x128xi32, #tpu.memory_space<hbm>>
        %dma_start3A_373 = tpu.memref_squeeze %dma_start3A_372 : memref<1x3x128xi32, #tpu.memory_space<hbm>> -> memref<3x128xi32, #tpu.memory_space<hbm>>
        tpu.enqueue_dma source(%dma_start3A_373 : memref<3x128xi32, #tpu.memory_space<hbm>>) target(%dma_start3A_369 : memref<3x128xi32, #tpu.memory_space<vmem>>) target_semaphore(%arg19 : memref<!tpu.dma_semaphore, #tpu.memory_space<semaphore_mem>>)
        %add3A_374 = arith.addi %mul3A_2, %add3A_274 : i32
        %add3A_375 = arith.constant 2 : i32
        %add3A_376 = arith.addi %add3A_374, %add3A_375 : i32
        %dma_wait3A_377 = arith.constant 0 : i32
        %dma_wait3A_378 = arith.constant 0 : i32
        %dma_wait3A_379 = arith.constant 0 : i32
        %dma_wait3A_380 = tpu.memref_slice %arg6[%dma_wait3A_377, %dma_wait3A_378, %dma_wait3A_379] : memref<4x3x128xi32, #tpu.memory_space<vmem>> -> memref<1x3x128xi32, #tpu.memory_space<vmem>>
        %dma_wait3A_381 = tpu.memref_squeeze %dma_wait3A_380 : memref<1x3x128xi32, #tpu.memory_space<vmem>> -> memref<3x128xi32, #tpu.memory_space<vmem>>
        %dma_wait3A_382 = arith.constant 0 : i32
        %dma_wait3A_383 = arith.constant 0 : i32
        %dma_wait3A_384 = tpu.memref_slice %arg4[%add3A_376, %dma_wait3A_382, %dma_wait3A_383] : memref<2560x3x128xi32, #tpu.memory_space<hbm>> -> memref<1x3x128xi32, #tpu.memory_space<hbm>>
        %dma_wait3A_385 = tpu.memref_squeeze %dma_wait3A_384 : memref<1x3x128xi32, #tpu.memory_space<hbm>> -> memref<3x128xi32, #tpu.memory_space<hbm>>
        %dma_wait3A_386 = arith.constant 0 : i32
        %dma_wait3A_387 = arith.constant 0 : i32
        %dma_wait3A_388 = tpu.memref_slice %arg6[%dma_wait3A_377, %dma_wait3A_386, %dma_wait3A_387] : memref<4x3x128xi32, #tpu.memory_space<vmem>> -> memref<1x3x128xi32, #tpu.memory_space<vmem>>
        %dma_wait3A_389 = tpu.memref_squeeze %dma_wait3A_388 : memref<1x3x128xi32, #tpu.memory_space<vmem>> -> memref<3x128xi32, #tpu.memory_space<vmem>>
        %dma_wait3A_390 = arith.constant 0 : i32
        %dma_wait3A_391 = arith.constant 0 : i32
        %dma_wait3A_392 = tpu.memref_slice %arg4[%add3A_376, %dma_wait3A_390, %dma_wait3A_391] : memref<2560x3x128xi32, #tpu.memory_space<hbm>> -> memref<1x3x128xi32, #tpu.memory_space<hbm>>
        %dma_wait3A_393 = tpu.memref_squeeze %dma_wait3A_392 : memref<1x3x128xi32, #tpu.memory_space<hbm>> -> memref<3x128xi32, #tpu.memory_space<hbm>>
        tpu.wait_dma2 semaphore(%arg19 : memref<!tpu.dma_semaphore, #tpu.memory_space<semaphore_mem>>) src(%dma_wait3A_393 : memref<3x128xi32, #tpu.memory_space<hbm>>) dst(%dma_wait3A_389 : memref<3x128xi32, #tpu.memory_space<vmem>>)
        %dma_start3A_394 = arith.constant 0 : i32
        %dma_start3A_395 = arith.constant 0 : i32
        %dma_start3A_396 = arith.constant 0 : i32
        %dma_start3A_397 = tpu.memref_slice %arg6[%dma_start3A_394, %dma_start3A_395, %dma_start3A_396] : memref<4x3x128xi32, #tpu.memory_space<vmem>> -> memref<1x1x128xi32, #tpu.memory_space<vmem>>
        %dma_start3A_398 = tpu.memref_squeeze %dma_start3A_397 : memref<1x1x128xi32, #tpu.memory_space<vmem>> -> memref<128xi32, #tpu.memory_space<vmem>>
        %dma_start3A_399 = arith.constant 0 : i32
        %dma_start3A_400 = arith.constant 0 : i32
        %dma_start3A_401 = tpu.memref_slice %arg23[%dma_start3A_399, %dma_start3A_400] : memref<10240x64xf32, #tpu.memory_space<vmem_shared>> -> memref<10240x64xf32, #tpu.memory_space<vmem_shared>>
        tpu.enqueue_indirect_dma source(%dma_start3A_401 : memref<10240x64xf32, #tpu.memory_space<vmem_shared>>) target(%arg7 : memref<128x64xf32, #tpu.memory_space<vmem>>) offsets(%dma_start3A_398 : memref<128xi32, #tpu.memory_space<vmem>>) semaphore(%arg11 : memref<!tpu.dma_semaphore, #tpu.memory_space<semaphore_mem>>)
      } else {
      }
      %mul3A_312 = arith.constant 4 : i32
      %mul3A_313 = arith.muli %mul3A_312, %scan3A_190 : i32
      %add3A_314 = arith.constant 3 : i32
      %add3A_315 = arith.addi %mul3A_313, %add3A_314 : i32
      %dma_wait3A_316 = arith.constant 3 : i32
      %dma_wait3A_317 = arith.constant 0 : i32
      %dma_wait3A_318 = arith.constant 0 : i32
      %dma_wait3A_319 = tpu.memref_slice %arg6[%dma_wait3A_316, %dma_wait3A_317, %dma_wait3A_318] : memref<4x3x128xi32, #tpu.memory_space<vmem>> -> memref<1x1x128xi32, #tpu.memory_space<vmem>>
      %dma_wait3A_320 = tpu.memref_squeeze %dma_wait3A_319 : memref<1x1x128xi32, #tpu.memory_space<vmem>> -> memref<128xi32, #tpu.memory_space<vmem>>
      %dma_wait3A_321 = arith.constant 0 : i32
      %dma_wait3A_322 = arith.constant 0 : i32
      %dma_wait3A_323 = tpu.memref_slice %arg23[%dma_wait3A_321, %dma_wait3A_322] : memref<10240x64xf32, #tpu.memory_space<vmem_shared>> -> memref<10240x64xf32, #tpu.memory_space<vmem_shared>>
      tpu.wait_indirect_dma semaphore(%arg14 : memref<!tpu.dma_semaphore, #tpu.memory_space<semaphore_mem>>) src(%dma_wait3A_323 : memref<10240x64xf32, #tpu.memory_space<vmem_shared>>) dst(%arg10 : memref<128x64xf32, #tpu.memory_space<vmem>>)
      %broadcast_in_dim3A_324 = arith.constant 3 : i32
      %broadcast_in_dim3A_325 = vector.broadcast %broadcast_in_dim3A_324 : i32 to vector<16xi32>
      %broadcast_in_dim3A_326 = arith.constant 2 : i32
      %broadcast_in_dim3A_327 = vector.broadcast %broadcast_in_dim3A_326 : i32 to vector<16xi32>
      %scan3A_328 = arith.constant 0 : i32
      %scan3A_329 = arith.constant 0 : i32
      %scan3A_330 = arith.constant 32 : i32
      %scan3A_331 = arith.addi %scan3A_329, %scan3A_330 : i32
      %scan3A_332 = arith.constant 1 : i32
      %scan3A_333 = scf.for %scan3A_354 = %scan3A_329 to %scan3A_331 step %scan3A_332 iter_args(%scan3A_355 = %scan3A_328) -> (i32)  : i32 {
        %mul3A_356 = arith.constant 4 : i32
        %mul3A_357 = arith.muli %scan3A_354, %mul3A_356 : i32
        %add3A_358 = arith.constant 0 : i32
        %add3A_359 = arith.addi %mul3A_357, %add3A_358 : i32
        %broadcast_in_dim3A_360 = arith.constant 0 : i32
        %broadcast_in_dim3A_361 = vector.broadcast %broadcast_in_dim3A_360 : i32 to vector<16xi32>
        %add3A_362 = vector.broadcast %add3A_359 : i32 to vector<16xi32>
        %add3A_363 = arith.addi %broadcast_in_dim3A_361, %add3A_362 : vector<16xi32>
        %gather3A = tpu.vector_load_idx %arg6[%broadcast_in_dim3A_325, %broadcast_in_dim3A_327, %add3A_363] : memref<4x3x128xi32, #tpu.memory_space<vmem>>[vector<16xi32>, vector<16xi32>, vector<16xi32>], vector<16xi32>,
        %bitcast3A = vector.bitcast %gather3A : vector<16xi32> to vector<16xf32>
        %get3A = arith.index_cast %add3A_359 : i32 to index
        %get3A_364 = arith.constant 0 : index
        %get3A_365 = tpu.vector_load %arg10[%get3A, %get3A_364] {strides = array<i32>} : memref<128x64xf32, #tpu.memory_space<vmem>>, vector<16xf32>,
        %mul3A_366 = arith.mulf %get3A_365, %bitcast3A : vector<16xf32>
        %swap3A = arith.index_cast %add3A_359 : i32 to index
        %swap3A_367 = arith.constant 0 : index
        %swap3A_368 = tpu.vector_load %arg10[%swap3A, %swap3A_367] {strides = array<i32>} : memref<128x64xf32, #tpu.memory_space<vmem>>, vector<16xf32>,
        tpu.vector_store %arg10[%swap3A, %swap3A_367], %mul3A_366 {strides = array<i32>} : memref<128x64xf32, #tpu.memory_space<vmem>>, vector<16xf32>,
        %get3A_369 = arith.index_cast %add3A_359 : i32 to index
        %get3A_370 = arith.constant 16 : index
        %get3A_371 = tpu.vector_load %arg10[%get3A_369, %get3A_370] {strides = array<i32>} : memref<128x64xf32, #tpu.memory_space<vmem>>, vector<16xf32>,
        %mul3A_372 = arith.mulf %get3A_371, %bitcast3A : vector<16xf32>
        %swap3A_373 = arith.index_cast %add3A_359 : i32 to index
        %swap3A_374 = arith.constant 16 : index
        %swap3A_375 = tpu.vector_load %arg10[%swap3A_373, %swap3A_374] {strides = array<i32>} : memref<128x64xf32, #tpu.memory_space<vmem>>, vector<16xf32>,
        tpu.vector_store %arg10[%swap3A_373, %swap3A_374], %mul3A_372 {strides = array<i32>} : memref<128x64xf32, #tpu.memory_space<vmem>>, vector<16xf32>,
        %get3A_376 = arith.index_cast %add3A_359 : i32 to index
        %get3A_377 = arith.constant 32 : index
        %get3A_378 = tpu.vector_load %arg10[%get3A_376, %get3A_377] {strides = array<i32>} : memref<128x64xf32, #tpu.memory_space<vmem>>, vector<16xf32>,
        %mul3A_379 = arith.mulf %get3A_378, %bitcast3A : vector<16xf32>
        %swap3A_380 = arith.index_cast %add3A_359 : i32 to index
        %swap3A_381 = arith.constant 32 : index
        %swap3A_382 = tpu.vector_load %arg10[%swap3A_380, %swap3A_381] {strides = array<i32>} : memref<128x64xf32, #tpu.memory_space<vmem>>, vector<16xf32>,
        tpu.vector_store %arg10[%swap3A_380, %swap3A_381], %mul3A_379 {strides = array<i32>} : memref<128x64xf32, #tpu.memory_space<vmem>>, vector<16xf32>,
        %get3A_383 = arith.index_cast %add3A_359 : i32 to index
        %get3A_384 = arith.constant 48 : index
        %get3A_385 = tpu.vector_load %arg10[%get3A_383, %get3A_384] {strides = array<i32>} : memref<128x64xf32, #tpu.memory_space<vmem>>, vector<16xf32>,
        %mul3A_386 = arith.mulf %get3A_385, %bitcast3A : vector<16xf32>
        %swap3A_387 = arith.index_cast %add3A_359 : i32 to index
        %swap3A_388 = arith.constant 48 : index
        %swap3A_389 = tpu.vector_load %arg10[%swap3A_387, %swap3A_388] {strides = array<i32>} : memref<128x64xf32, #tpu.memory_space<vmem>>, vector<16xf32>,
        tpu.vector_store %arg10[%swap3A_387, %swap3A_388], %mul3A_386 {strides = array<i32>} : memref<128x64xf32, #tpu.memory_space<vmem>>, vector<16xf32>,
        %mul3A_390 = arith.constant 4 : i32
        %mul3A_391 = arith.muli %scan3A_354, %mul3A_390 : i32
        %add3A_392 = arith.constant 1 : i32
        %add3A_393 = arith.addi %mul3A_391, %add3A_392 : i32
        %broadcast_in_dim3A_394 = arith.constant 0 : i32
        %broadcast_in_dim3A_395 = vector.broadcast %broadcast_in_dim3A_394 : i32 to vector<16xi32>
        %add3A_396 = vector.broadcast %add3A_393 : i32 to vector<16xi32>
        %add3A_397 = arith.addi %broadcast_in_dim3A_395, %add3A_396 : vector<16xi32>
        %gather3A_398 = tpu.vector_load_idx %arg6[%broadcast_in_dim3A_325, %broadcast_in_dim3A_327, %add3A_397] : memref<4x3x128xi32, #tpu.memory_space<vmem>>[vector<16xi32>, vector<16xi32>, vector<16xi32>], vector<16xi32>,
        %bitcast3A_399 = vector.bitcast %gather3A_398 : vector<16xi32> to vector<16xf32>
        %get3A_400 = arith.index_cast %add3A_393 : i32 to index
        %get3A_401 = arith.constant 0 : index
        %get3A_402 = tpu.vector_load %arg10[%get3A_400, %get3A_401] {strides = array<i32>} : memref<128x64xf32, #tpu.memory_space<vmem>>, vector<16xf32>,
        %mul3A_403 = arith.mulf %get3A_402, %bitcast3A_399 : vector<16xf32>
        %swap3A_404 = arith.index_cast %add3A_393 : i32 to index
        %swap3A_405 = arith.constant 0 : index
        %swap3A_406 = tpu.vector_load %arg10[%swap3A_404, %swap3A_405] {strides = array<i32>} : memref<128x64xf32, #tpu.memory_space<vmem>>, vector<16xf32>,
        tpu.vector_store %arg10[%swap3A_404, %swap3A_405], %mul3A_403 {strides = array<i32>} : memref<128x64xf32, #tpu.memory_space<vmem>>, vector<16xf32>,
        %get3A_407 = arith.index_cast %add3A_393 : i32 to index
        %get3A_408 = arith.constant 16 : index
        %get3A_409 = tpu.vector_load %arg10[%get3A_407, %get3A_408] {strides = array<i32>} : memref<128x64xf32, #tpu.memory_space<vmem>>, vector<16xf32>,
        %mul3A_410 = arith.mulf %get3A_409, %bitcast3A_399 : vector<16xf32>
        %swap3A_411 = arith.index_cast %add3A_393 : i32 to index
        %swap3A_412 = arith.constant 16 : index
        %swap3A_413 = tpu.vector_load %arg10[%swap3A_411, %swap3A_412] {strides = array<i32>} : memref<128x64xf32, #tpu.memory_space<vmem>>, vector<16xf32>,
        tpu.vector_store %arg10[%swap3A_411, %swap3A_412], %mul3A_410 {strides = array<i32>} : memref<128x64xf32, #tpu.memory_space<vmem>>, vector<16xf32>,
        %get3A_414 = arith.index_cast %add3A_393 : i32 to index
        %get3A_415 = arith.constant 32 : index
        %get3A_416 = tpu.vector_load %arg10[%get3A_414, %get3A_415] {strides = array<i32>} : memref<128x64xf32, #tpu.memory_space<vmem>>, vector<16xf32>,
        %mul3A_417 = arith.mulf %get3A_416, %bitcast3A_399 : vector<16xf32>
        %swap3A_418 = arith.index_cast %add3A_393 : i32 to index
        %swap3A_419 = arith.constant 32 : index
        %swap3A_420 = tpu.vector_load %arg10[%swap3A_418, %swap3A_419] {strides = array<i32>} : memref<128x64xf32, #tpu.memory_space<vmem>>, vector<16xf32>,
        tpu.vector_store %arg10[%swap3A_418, %swap3A_419], %mul3A_417 {strides = array<i32>} : memref<128x64xf32, #tpu.memory_space<vmem>>, vector<16xf32>,
        %get3A_421 = arith.index_cast %add3A_393 : i32 to index
        %get3A_422 = arith.constant 48 : index
        %get3A_423 = tpu.vector_load %arg10[%get3A_421, %get3A_422] {strides = array<i32>} : memref<128x64xf32, #tpu.memory_space<vmem>>, vector<16xf32>,
        %mul3A_424 = arith.mulf %get3A_423, %bitcast3A_399 : vector<16xf32>
        %swap3A_425 = arith.index_cast %add3A_393 : i32 to index
        %swap3A_426 = arith.constant 48 : index
        %swap3A_427 = tpu.vector_load %arg10[%swap3A_425, %swap3A_426] {strides = array<i32>} : memref<128x64xf32, #tpu.memory_space<vmem>>, vector<16xf32>,
        tpu.vector_store %arg10[%swap3A_425, %swap3A_426], %mul3A_424 {strides = array<i32>} : memref<128x64xf32, #tpu.memory_space<vmem>>, vector<16xf32>,
        %mul3A_428 = arith.constant 4 : i32
        %mul3A_429 = arith.muli %scan3A_354, %mul3A_428 : i32
        %add3A_430 = arith.constant 2 : i32
        %add3A_431 = arith.addi %mul3A_429, %add3A_430 : i32
        %broadcast_in_dim3A_432 = arith.constant 0 : i32
        %broadcast_in_dim3A_433 = vector.broadcast %broadcast_in_dim3A_432 : i32 to vector<16xi32>
        %add3A_434 = vector.broadcast %add3A_431 : i32 to vector<16xi32>
        %add3A_435 = arith.addi %broadcast_in_dim3A_433, %add3A_434 : vector<16xi32>
        %gather3A_436 = tpu.vector_load_idx %arg6[%broadcast_in_dim3A_325, %broadcast_in_dim3A_327, %add3A_435] : memref<4x3x128xi32, #tpu.memory_space<vmem>>[vector<16xi32>, vector<16xi32>, vector<16xi32>], vector<16xi32>,
        %bitcast3A_437 = vector.bitcast %gather3A_436 : vector<16xi32> to vector<16xf32>
        %get3A_438 = arith.index_cast %add3A_431 : i32 to index
        %get3A_439 = arith.constant 0 : index
        %get3A_440 = tpu.vector_load %arg10[%get3A_438, %get3A_439] {strides = array<i32>} : memref<128x64xf32, #tpu.memory_space<vmem>>, vector<16xf32>,
        %mul3A_441 = arith.mulf %get3A_440, %bitcast3A_437 : vector<16xf32>
        %swap3A_442 = arith.index_cast %add3A_431 : i32 to index
        %swap3A_443 = arith.constant 0 : index
        %swap3A_444 = tpu.vector_load %arg10[%swap3A_442, %swap3A_443] {strides = array<i32>} : memref<128x64xf32, #tpu.memory_space<vmem>>, vector<16xf32>,
        tpu.vector_store %arg10[%swap3A_442, %swap3A_443], %mul3A_441 {strides = array<i32>} : memref<128x64xf32, #tpu.memory_space<vmem>>, vector<16xf32>,
        %get3A_445 = arith.index_cast %add3A_431 : i32 to index
        %get3A_446 = arith.constant 16 : index
        %get3A_447 = tpu.vector_load %arg10[%get3A_445, %get3A_446] {strides = array<i32>} : memref<128x64xf32, #tpu.memory_space<vmem>>, vector<16xf32>,
        %mul3A_448 = arith.mulf %get3A_447, %bitcast3A_437 : vector<16xf32>
        %swap3A_449 = arith.index_cast %add3A_431 : i32 to index
        %swap3A_450 = arith.constant 16 : index
        %swap3A_451 = tpu.vector_load %arg10[%swap3A_449, %swap3A_450] {strides = array<i32>} : memref<128x64xf32, #tpu.memory_space<vmem>>, vector<16xf32>,
        tpu.vector_store %arg10[%swap3A_449, %swap3A_450], %mul3A_448 {strides = array<i32>} : memref<128x64xf32, #tpu.memory_space<vmem>>, vector<16xf32>,
        %get3A_452 = arith.index_cast %add3A_431 : i32 to index
        %get3A_453 = arith.constant 32 : index
        %get3A_454 = tpu.vector_load %arg10[%get3A_452, %get3A_453] {strides = array<i32>} : memref<128x64xf32, #tpu.memory_space<vmem>>, vector<16xf32>,
        %mul3A_455 = arith.mulf %get3A_454, %bitcast3A_437 : vector<16xf32>
        %swap3A_456 = arith.index_cast %add3A_431 : i32 to index
        %swap3A_457 = arith.constant 32 : index
        %swap3A_458 = tpu.vector_load %arg10[%swap3A_456, %swap3A_457] {strides = array<i32>} : memref<128x64xf32, #tpu.memory_space<vmem>>, vector<16xf32>,
        tpu.vector_store %arg10[%swap3A_456, %swap3A_457], %mul3A_455 {strides = array<i32>} : memref<128x64xf32, #tpu.memory_space<vmem>>, vector<16xf32>,
        %get3A_459 = arith.index_cast %add3A_431 : i32 to index
        %get3A_460 = arith.constant 48 : index
        %get3A_461 = tpu.vector_load %arg10[%get3A_459, %get3A_460] {strides = array<i32>} : memref<128x64xf32, #tpu.memory_space<vmem>>, vector<16xf32>,
        %mul3A_462 = arith.mulf %get3A_461, %bitcast3A_437 : vector<16xf32>
        %swap3A_463 = arith.index_cast %add3A_431 : i32 to index
        %swap3A_464 = arith.constant 48 : index
        %swap3A_465 = tpu.vector_load %arg10[%swap3A_463, %swap3A_464] {strides = array<i32>} : memref<128x64xf32, #tpu.memory_space<vmem>>, vector<16xf32>,
        tpu.vector_store %arg10[%swap3A_463, %swap3A_464], %mul3A_462 {strides = array<i32>} : memref<128x64xf32, #tpu.memory_space<vmem>>, vector<16xf32>,
        %mul3A_466 = arith.constant 4 : i32
        %mul3A_467 = arith.muli %scan3A_354, %mul3A_466 : i32
        %add3A_468 = arith.constant 3 : i32
        %add3A_469 = arith.addi %mul3A_467, %add3A_468 : i32
        %broadcast_in_dim3A_470 = arith.constant 0 : i32
        %broadcast_in_dim3A_471 = vector.broadcast %broadcast_in_dim3A_470 : i32 to vector<16xi32>
        %add3A_472 = vector.broadcast %add3A_469 : i32 to vector<16xi32>
        %add3A_473 = arith.addi %broadcast_in_dim3A_471, %add3A_472 : vector<16xi32>
        %gather3A_474 = tpu.vector_load_idx %arg6[%broadcast_in_dim3A_325, %broadcast_in_dim3A_327, %add3A_473] : memref<4x3x128xi32, #tpu.memory_space<vmem>>[vector<16xi32>, vector<16xi32>, vector<16xi32>], vector<16xi32>,
        %bitcast3A_475 = vector.bitcast %gather3A_474 : vector<16xi32> to vector<16xf32>
        %get3A_476 = arith.index_cast %add3A_469 : i32 to index
        %get3A_477 = arith.constant 0 : index
        %get3A_478 = tpu.vector_load %arg10[%get3A_476, %get3A_477] {strides = array<i32>} : memref<128x64xf32, #tpu.memory_space<vmem>>, vector<16xf32>,
        %mul3A_479 = arith.mulf %get3A_478, %bitcast3A_475 : vector<16xf32>
        %swap3A_480 = arith.index_cast %add3A_469 : i32 to index
        %swap3A_481 = arith.constant 0 : index
        %swap3A_482 = tpu.vector_load %arg10[%swap3A_480, %swap3A_481] {strides = array<i32>} : memref<128x64xf32, #tpu.memory_space<vmem>>, vector<16xf32>,
        tpu.vector_store %arg10[%swap3A_480, %swap3A_481], %mul3A_479 {strides = array<i32>} : memref<128x64xf32, #tpu.memory_space<vmem>>, vector<16xf32>,
        %get3A_483 = arith.index_cast %add3A_469 : i32 to index
        %get3A_484 = arith.constant 16 : index
        %get3A_485 = tpu.vector_load %arg10[%get3A_483, %get3A_484] {strides = array<i32>} : memref<128x64xf32, #tpu.memory_space<vmem>>, vector<16xf32>,
        %mul3A_486 = arith.mulf %get3A_485, %bitcast3A_475 : vector<16xf32>
        %swap3A_487 = arith.index_cast %add3A_469 : i32 to index
        %swap3A_488 = arith.constant 16 : index
        %swap3A_489 = tpu.vector_load %arg10[%swap3A_487, %swap3A_488] {strides = array<i32>} : memref<128x64xf32, #tpu.memory_space<vmem>>, vector<16xf32>,
        tpu.vector_store %arg10[%swap3A_487, %swap3A_488], %mul3A_486 {strides = array<i32>} : memref<128x64xf32, #tpu.memory_space<vmem>>, vector<16xf32>,
        %get3A_490 = arith.index_cast %add3A_469 : i32 to index
        %get3A_491 = arith.constant 32 : index
        %get3A_492 = tpu.vector_load %arg10[%get3A_490, %get3A_491] {strides = array<i32>} : memref<128x64xf32, #tpu.memory_space<vmem>>, vector<16xf32>,
        %mul3A_493 = arith.mulf %get3A_492, %bitcast3A_475 : vector<16xf32>
        %swap3A_494 = arith.index_cast %add3A_469 : i32 to index
        %swap3A_495 = arith.constant 32 : index
        %swap3A_496 = tpu.vector_load %arg10[%swap3A_494, %swap3A_495] {strides = array<i32>} : memref<128x64xf32, #tpu.memory_space<vmem>>, vector<16xf32>,
        tpu.vector_store %arg10[%swap3A_494, %swap3A_495], %mul3A_493 {strides = array<i32>} : memref<128x64xf32, #tpu.memory_space<vmem>>, vector<16xf32>,
        %get3A_497 = arith.index_cast %add3A_469 : i32 to index
        %get3A_498 = arith.constant 48 : index
        %get3A_499 = tpu.vector_load %arg10[%get3A_497, %get3A_498] {strides = array<i32>} : memref<128x64xf32, #tpu.memory_space<vmem>>, vector<16xf32>,
        %mul3A_500 = arith.mulf %get3A_499, %bitcast3A_475 : vector<16xf32>
        %swap3A_501 = arith.index_cast %add3A_469 : i32 to index
        %swap3A_502 = arith.constant 48 : index
        %swap3A_503 = tpu.vector_load %arg10[%swap3A_501, %swap3A_502] {strides = array<i32>} : memref<128x64xf32, #tpu.memory_space<vmem>>, vector<16xf32>,
        tpu.vector_store %arg10[%swap3A_501, %swap3A_502], %mul3A_500 {strides = array<i32>} : memref<128x64xf32, #tpu.memory_space<vmem>>, vector<16xf32>,
        %scan3A_504 = arith.constant 0 : i32
        scf.yield %scan3A_504 : i32
      }
      %scan3A_334 = arith.constant 32 : i32
      %dma_start3A_335 = arith.constant 3 : i32
      %dma_start3A_336 = arith.constant 1 : i32
      %dma_start3A_337 = arith.constant 0 : i32
      %dma_start3A_338 = tpu.memref_slice %arg6[%dma_start3A_335, %dma_start3A_336, %dma_start3A_337] : memref<4x3x128xi32, #tpu.memory_space<vmem>> -> memref<1x1x128xi32, #tpu.memory_space<vmem>>
      %dma_start3A_339 = tpu.memref_squeeze %dma_start3A_338 : memref<1x1x128xi32, #tpu.memory_space<vmem>> -> memref<128xi32, #tpu.memory_space<vmem>>
      %dma_start3A_340 = arith.constant 0 : i32
      %dma_start3A_341 = arith.constant 0 : i32
      %dma_start3A_342 = tpu.memref_slice %arg24[%dma_start3A_340, %dma_start3A_341] : memref<10240x64xf32, #tpu.memory_space<vmem_shared>> -> memref<10240x64xf32, #tpu.memory_space<vmem_shared>>
      tpu.enqueue_indirect_dma source(%arg10 : memref<128x64xf32, #tpu.memory_space<vmem>>) target(%dma_start3A_342 : memref<10240x64xf32, #tpu.memory_space<vmem_shared>>) offsets(%dma_start3A_339 : memref<128xi32, #tpu.memory_space<vmem>>) semaphore(%arg18 : memref<!tpu.dma_semaphore, #tpu.memory_space<semaphore_mem>>) {add = true}
      %ge3A_343 = arith.constant 2 : i32
      %ge3A_344 = arith.cmpi sge, %add3A_315, %ge3A_343 : i32
      %convert_element_type3A_345 = arith.extui %ge3A_344 : i1 to i32
      %cond3A_346 = arith.constant 0 : i32
      %cond3A_347 = arith.cmpi ne, %convert_element_type3A_345, %cond3A_346 : i32
      scf.if %cond3A_347 {
        %dma_wait3A_354 = arith.constant 1 : i32
        %dma_wait3A_355 = arith.constant 1 : i32
        %dma_wait3A_356 = arith.constant 0 : i32
        %dma_wait3A_357 = tpu.memref_slice %arg6[%dma_wait3A_354, %dma_wait3A_355, %dma_wait3A_356] : memref<4x3x128xi32, #tpu.memory_space<vmem>> -> memref<1x1x128xi32, #tpu.memory_space<vmem>>
        %dma_wait3A_358 = tpu.memref_squeeze %dma_wait3A_357 : memref<1x1x128xi32, #tpu.memory_space<vmem>> -> memref<128xi32, #tpu.memory_space<vmem>>
        %dma_wait3A_359 = arith.constant 0 : i32
        %dma_wait3A_360 = arith.constant 0 : i32
        %dma_wait3A_361 = tpu.memref_slice %arg24[%dma_wait3A_359, %dma_wait3A_360] : memref<10240x64xf32, #tpu.memory_space<vmem_shared>> -> memref<10240x64xf32, #tpu.memory_space<vmem_shared>>
        tpu.wait_indirect_dma semaphore(%arg16 : memref<!tpu.dma_semaphore, #tpu.memory_space<semaphore_mem>>) src(%arg8 : memref<128x64xf32, #tpu.memory_space<vmem>>) dst(%dma_wait3A_361 : memref<10240x64xf32, #tpu.memory_space<vmem_shared>>)
      } else {
      }
      %lt3A_348 = arith.constant 78 : i32
      %lt3A_349 = arith.cmpi slt, %add3A_315, %lt3A_348 : i32
      %convert_element_type3A_350 = arith.extui %lt3A_349 : i1 to i32
      %cond3A_351 = arith.constant 0 : i32
      %cond3A_352 = arith.cmpi ne, %convert_element_type3A_350, %cond3A_351 : i32
      scf.if %cond3A_352 {
        %add3A_354 = arith.addi %mul3A_2, %add3A_315 : i32
        %add3A_355 = arith.constant 2 : i32
        %add3A_356 = arith.addi %add3A_354, %add3A_355 : i32
        %dma_start3A_357 = arith.constant 1 : i32
        %dma_start3A_358 = arith.constant 0 : i32
        %dma_start3A_359 = arith.constant 0 : i32
        %dma_start3A_360 = tpu.memref_slice %arg6[%dma_start3A_357, %dma_start3A_358, %dma_start3A_359] : memref<4x3x128xi32, #tpu.memory_space<vmem>> -> memref<1x3x128xi32, #tpu.memory_space<vmem>>
        %dma_start3A_361 = tpu.memref_squeeze %dma_start3A_360 : memref<1x3x128xi32, #tpu.memory_space<vmem>> -> memref<3x128xi32, #tpu.memory_space<vmem>>
        %dma_start3A_362 = arith.constant 0 : i32
        %dma_start3A_363 = arith.constant 0 : i32
        %dma_start3A_364 = tpu.memref_slice %arg4[%add3A_356, %dma_start3A_362, %dma_start3A_363] : memref<2560x3x128xi32, #tpu.memory_space<hbm>> -> memref<1x3x128xi32, #tpu.memory_space<hbm>>
        %dma_start3A_365 = tpu.memref_squeeze %dma_start3A_364 : memref<1x3x128xi32, #tpu.memory_space<hbm>> -> memref<3x128xi32, #tpu.memory_space<hbm>>
        %dma_start3A_366 = arith.constant 0 : i32
        %dma_start3A_367 = arith.constant 0 : i32
        %dma_start3A_368 = tpu.memref_slice %arg6[%dma_start3A_357, %dma_start3A_366, %dma_start3A_367] : memref<4x3x128xi32, #tpu.memory_space<vmem>> -> memref<1x3x128xi32, #tpu.memory_space<vmem>>
        %dma_start3A_369 = tpu.memref_squeeze %dma_start3A_368 : memref<1x3x128xi32, #tpu.memory_space<vmem>> -> memref<3x128xi32, #tpu.memory_space<vmem>>
        %dma_start3A_370 = arith.constant 0 : i32
        %dma_start3A_371 = arith.constant 0 : i32
        %dma_start3A_372 = tpu.memref_slice %arg4[%add3A_356, %dma_start3A_370, %dma_start3A_371] : memref<2560x3x128xi32, #tpu.memory_space<hbm>> -> memref<1x3x128xi32, #tpu.memory_space<hbm>>
        %dma_start3A_373 = tpu.memref_squeeze %dma_start3A_372 : memref<1x3x128xi32, #tpu.memory_space<hbm>> -> memref<3x128xi32, #tpu.memory_space<hbm>>
        tpu.enqueue_dma source(%dma_start3A_373 : memref<3x128xi32, #tpu.memory_space<hbm>>) target(%dma_start3A_369 : memref<3x128xi32, #tpu.memory_space<vmem>>) target_semaphore(%arg20 : memref<!tpu.dma_semaphore, #tpu.memory_space<semaphore_mem>>)
        %add3A_374 = arith.addi %mul3A_2, %add3A_315 : i32
        %add3A_375 = arith.constant 2 : i32
        %add3A_376 = arith.addi %add3A_374, %add3A_375 : i32
        %dma_wait3A_377 = arith.constant 1 : i32
        %dma_wait3A_378 = arith.constant 0 : i32
        %dma_wait3A_379 = arith.constant 0 : i32
        %dma_wait3A_380 = tpu.memref_slice %arg6[%dma_wait3A_377, %dma_wait3A_378, %dma_wait3A_379] : memref<4x3x128xi32, #tpu.memory_space<vmem>> -> memref<1x3x128xi32, #tpu.memory_space<vmem>>
        %dma_wait3A_381 = tpu.memref_squeeze %dma_wait3A_380 : memref<1x3x128xi32, #tpu.memory_space<vmem>> -> memref<3x128xi32, #tpu.memory_space<vmem>>
        %dma_wait3A_382 = arith.constant 0 : i32
        %dma_wait3A_383 = arith.constant 0 : i32
        %dma_wait3A_384 = tpu.memref_slice %arg4[%add3A_376, %dma_wait3A_382, %dma_wait3A_383] : memref<2560x3x128xi32, #tpu.memory_space<hbm>> -> memref<1x3x128xi32, #tpu.memory_space<hbm>>
        %dma_wait3A_385 = tpu.memref_squeeze %dma_wait3A_384 : memref<1x3x128xi32, #tpu.memory_space<hbm>> -> memref<3x128xi32, #tpu.memory_space<hbm>>
        %dma_wait3A_386 = arith.constant 0 : i32
        %dma_wait3A_387 = arith.constant 0 : i32
        %dma_wait3A_388 = tpu.memref_slice %arg6[%dma_wait3A_377, %dma_wait3A_386, %dma_wait3A_387] : memref<4x3x128xi32, #tpu.memory_space<vmem>> -> memref<1x3x128xi32, #tpu.memory_space<vmem>>
        %dma_wait3A_389 = tpu.memref_squeeze %dma_wait3A_388 : memref<1x3x128xi32, #tpu.memory_space<vmem>> -> memref<3x128xi32, #tpu.memory_space<vmem>>
        %dma_wait3A_390 = arith.constant 0 : i32
        %dma_wait3A_391 = arith.constant 0 : i32
        %dma_wait3A_392 = tpu.memref_slice %arg4[%add3A_376, %dma_wait3A_390, %dma_wait3A_391] : memref<2560x3x128xi32, #tpu.memory_space<hbm>> -> memref<1x3x128xi32, #tpu.memory_space<hbm>>
        %dma_wait3A_393 = tpu.memref_squeeze %dma_wait3A_392 : memref<1x3x128xi32, #tpu.memory_space<hbm>> -> memref<3x128xi32, #tpu.memory_space<hbm>>
        tpu.wait_dma2 semaphore(%arg20 : memref<!tpu.dma_semaphore, #tpu.memory_space<semaphore_mem>>) src(%dma_wait3A_393 : memref<3x128xi32, #tpu.memory_space<hbm>>) dst(%dma_wait3A_389 : memref<3x128xi32, #tpu.memory_space<vmem>>)
        %dma_start3A_394 = arith.constant 1 : i32
        %dma_start3A_395 = arith.constant 0 : i32
        %dma_start3A_396 = arith.constant 0 : i32
        %dma_start3A_397 = tpu.memref_slice %arg6[%dma_start3A_394, %dma_start3A_395, %dma_start3A_396] : memref<4x3x128xi32, #tpu.memory_space<vmem>> -> memref<1x1x128xi32, #tpu.memory_space<vmem>>
        %dma_start3A_398 = tpu.memref_squeeze %dma_start3A_397 : memref<1x1x128xi32, #tpu.memory_space<vmem>> -> memref<128xi32, #tpu.memory_space<vmem>>
        %dma_start3A_399 = arith.constant 0 : i32
        %dma_start3A_400 = arith.constant 0 : i32
        %dma_start3A_401 = tpu.memref_slice %arg23[%dma_start3A_399, %dma_start3A_400] : memref<10240x64xf32, #tpu.memory_space<vmem_shared>> -> memref<10240x64xf32, #tpu.memory_space<vmem_shared>>
        tpu.enqueue_indirect_dma source(%dma_start3A_401 : memref<10240x64xf32, #tpu.memory_space<vmem_shared>>) target(%arg8 : memref<128x64xf32, #tpu.memory_space<vmem>>) offsets(%dma_start3A_398 : memref<128xi32, #tpu.memory_space<vmem>>) semaphore(%arg12 : memref<!tpu.dma_semaphore, #tpu.memory_space<semaphore_mem>>)
      } else {
      }
      %scan3A_353 = arith.constant 0 : i32
      scf.yield %scan3A_353 : i32
    }
    %scan3A_132 = arith.constant 20 : i32
    %dma_wait3A_133 = arith.constant 2 : i32
    %dma_wait3A_134 = arith.constant 1 : i32
    %dma_wait3A_135 = arith.constant 0 : i32
    %dma_wait3A_136 = tpu.memref_slice %arg6[%dma_wait3A_133, %dma_wait3A_134, %dma_wait3A_135] : memref<4x3x128xi32, #tpu.memory_space<vmem>> -> memref<1x1x128xi32, #tpu.memory_space<vmem>>
    %dma_wait3A_137 = tpu.memref_squeeze %dma_wait3A_136 : memref<1x1x128xi32, #tpu.memory_space<vmem>> -> memref<128xi32, #tpu.memory_space<vmem>>
    %dma_wait3A_138 = arith.constant 0 : i32
    %dma_wait3A_139 = arith.constant 0 : i32
    %dma_wait3A_140 = tpu.memref_slice %arg24[%dma_wait3A_138, %dma_wait3A_139] : memref<10240x64xf32, #tpu.memory_space<vmem_shared>> -> memref<10240x64xf32, #tpu.memory_space<vmem_shared>>
    tpu.wait_indirect_dma semaphore(%arg17 : memref<!tpu.dma_semaphore, #tpu.memory_space<semaphore_mem>>) src(%arg9 : memref<128x64xf32, #tpu.memory_space<vmem>>) dst(%dma_wait3A_140 : memref<10240x64xf32, #tpu.memory_space<vmem_shared>>)
    %dma_wait3A_141 = arith.constant 3 : i32
    %dma_wait3A_142 = arith.constant 1 : i32
    %dma_wait3A_143 = arith.constant 0 : i32
    %dma_wait3A_144 = tpu.memref_slice %arg6[%dma_wait3A_141, %dma_wait3A_142, %dma_wait3A_143] : memref<4x3x128xi32, #tpu.memory_space<vmem>> -> memref<1x1x128xi32, #tpu.memory_space<vmem>>
    %dma_wait3A_145 = tpu.memref_squeeze %dma_wait3A_144 : memref<1x1x128xi32, #tpu.memory_space<vmem>> -> memref<128xi32, #tpu.memory_space<vmem>>
    %dma_wait3A_146 = arith.constant 0 : i32
    %dma_wait3A_147 = arith.constant 0 : i32
    %dma_wait3A_148 = tpu.memref_slice %arg24[%dma_wait3A_146, %dma_wait3A_147] : memref<10240x64xf32, #tpu.memory_space<vmem_shared>> -> memref<10240x64xf32, #tpu.memory_space<vmem_shared>>
    tpu.wait_indirect_dma semaphore(%arg18 : memref<!tpu.dma_semaphore, #tpu.memory_space<semaphore_mem>>) src(%arg10 : memref<128x64xf32, #tpu.memory_space<vmem>>) dst(%dma_wait3A_148 : memref<10240x64xf32, #tpu.memory_space<vmem_shared>>)
    %barrier3A_149 = arith.constant 0 : index
    tpu.barrier barrier_id(%barrier3A_149)
    %mul3A_150 = arith.constant 640 : i32
    %mul3A_151 = arith.muli %arg1, %mul3A_150 : i32
    %add3A_152 = arith.constant 0 : i32
    %add3A_153 = arith.addi %mul3A_151, %add3A_152 : i32
    %mul3A_154 = arith.constant 640 : i32
    %mul3A_155 = arith.muli %arg1, %mul3A_154 : i32
    %add3A_156 = arith.constant 0 : i32
    %add3A_157 = arith.addi %mul3A_155, %add3A_156 : i32
    "tpu.region"() ({
      %run_scoped3A = tpu.sem_alloc : memref<!tpu.dma_semaphore, #tpu.memory_space<semaphore_mem>>
      %dma_start3A_190 = arith.constant 0 : i32
      %dma_start3A_191 = tpu.memref_slice %arg5[%arg0, %add3A_157, %dma_start3A_190] : memref<2x10240x64xf32, #tpu.memory_space<hbm>> -> memref<1x128x64xf32, #tpu.memory_space<hbm>>
      %dma_start3A_192 = tpu.memref_squeeze %dma_start3A_191 : memref<1x128x64xf32, #tpu.memory_space<hbm>> -> memref<128x64xf32, #tpu.memory_space<hbm>>
      %dma_start3A_193 = arith.constant 0 : i32
      %dma_start3A_194 = tpu.memref_slice %arg24[%add3A_153, %dma_start3A_193] : memref<10240x64xf32, #tpu.memory_space<vmem_shared>> -> memref<128x64xf32, #tpu.memory_space<vmem_shared>>
      tpu.enqueue_dma source(%dma_start3A_194 : memref<128x64xf32, #tpu.memory_space<vmem_shared>>) target(%dma_start3A_192 : memref<128x64xf32, #tpu.memory_space<hbm>>) target_semaphore(%run_scoped3A : memref<!tpu.dma_semaphore, #tpu.memory_space<semaphore_mem>>)
      %dma_wait3A_195 = arith.constant 0 : i32
      %dma_wait3A_196 = tpu.memref_slice %arg5[%arg0, %add3A_157, %dma_wait3A_195] : memref<2x10240x64xf32, #tpu.memory_space<hbm>> -> memref<1x128x64xf32, #tpu.memory_space<hbm>>
      %dma_wait3A_197 = tpu.memref_squeeze %dma_wait3A_196 : memref<1x128x64xf32, #tpu.memory_space<hbm>> -> memref<128x64xf32, #tpu.memory_space<hbm>>
      %dma_wait3A_198 = arith.constant 0 : i32
      %dma_wait3A_199 = tpu.memref_slice %arg24[%add3A_153, %dma_wait3A_198] : memref<10240x64xf32, #tpu.memory_space<vmem_shared>> -> memref<128x64xf32, #tpu.memory_space<vmem_shared>>
      tpu.wait_dma2 semaphore(%run_scoped3A : memref<!tpu.dma_semaphore, #tpu.memory_space<semaphore_mem>>) src(%dma_wait3A_199 : memref<128x64xf32, #tpu.memory_space<vmem_shared>>) dst(%dma_wait3A_197 : memref<128x64xf32, #tpu.memory_space<hbm>>)
      tpu.yield
    }) : () -> ()
    %mul3A_158 = arith.constant 640 : i32
    %mul3A_159 = arith.muli %arg1, %mul3A_158 : i32
    %add3A_160 = arith.constant 128 : i32
    %add3A_161 = arith.addi %mul3A_159, %add3A_160 : i32
    %mul3A_162 = arith.constant 640 : i32
    %mul3A_163 = arith.muli %arg1, %mul3A_162 : i32
    %add3A_164 = arith.constant 128 : i32
    %add3A_165 = arith.addi %mul3A_163, %add3A_164 : i32
    "tpu.region"() ({
      %run_scoped3A = tpu.sem_alloc : memref<!tpu.dma_semaphore, #tpu.memory_space<semaphore_mem>>
      %dma_start3A_190 = arith.constant 0 : i32
      %dma_start3A_191 = tpu.memref_slice %arg5[%arg0, %add3A_165, %dma_start3A_190] : memref<2x10240x64xf32, #tpu.memory_space<hbm>> -> memref<1x128x64xf32, #tpu.memory_space<hbm>>
      %dma_start3A_192 = tpu.memref_squeeze %dma_start3A_191 : memref<1x128x64xf32, #tpu.memory_space<hbm>> -> memref<128x64xf32, #tpu.memory_space<hbm>>
      %dma_start3A_193 = arith.constant 0 : i32
      %dma_start3A_194 = tpu.memref_slice %arg24[%add3A_161, %dma_start3A_193] : memref<10240x64xf32, #tpu.memory_space<vmem_shared>> -> memref<128x64xf32, #tpu.memory_space<vmem_shared>>
      tpu.enqueue_dma source(%dma_start3A_194 : memref<128x64xf32, #tpu.memory_space<vmem_shared>>) target(%dma_start3A_192 : memref<128x64xf32, #tpu.memory_space<hbm>>) target_semaphore(%run_scoped3A : memref<!tpu.dma_semaphore, #tpu.memory_space<semaphore_mem>>)
      %dma_wait3A_195 = arith.constant 0 : i32
      %dma_wait3A_196 = tpu.memref_slice %arg5[%arg0, %add3A_165, %dma_wait3A_195] : memref<2x10240x64xf32, #tpu.memory_space<hbm>> -> memref<1x128x64xf32, #tpu.memory_space<hbm>>
      %dma_wait3A_197 = tpu.memref_squeeze %dma_wait3A_196 : memref<1x128x64xf32, #tpu.memory_space<hbm>> -> memref<128x64xf32, #tpu.memory_space<hbm>>
      %dma_wait3A_198 = arith.constant 0 : i32
      %dma_wait3A_199 = tpu.memref_slice %arg24[%add3A_161, %dma_wait3A_198] : memref<10240x64xf32, #tpu.memory_space<vmem_shared>> -> memref<128x64xf32, #tpu.memory_space<vmem_shared>>
      tpu.wait_dma2 semaphore(%run_scoped3A : memref<!tpu.dma_semaphore, #tpu.memory_space<semaphore_mem>>) src(%dma_wait3A_199 : memref<128x64xf32, #tpu.memory_space<vmem_shared>>) dst(%dma_wait3A_197 : memref<128x64xf32, #tpu.memory_space<hbm>>)
      tpu.yield
    }) : () -> ()
    %mul3A_166 = arith.constant 640 : i32
    %mul3A_167 = arith.muli %arg1, %mul3A_166 : i32
    %add3A_168 = arith.constant 256 : i32
    %add3A_169 = arith.addi %mul3A_167, %add3A_168 : i32
    %mul3A_170 = arith.constant 640 : i32
    %mul3A_171 = arith.muli %arg1, %mul3A_170 : i32
    %add3A_172 = arith.constant 256 : i32
    %add3A_173 = arith.addi %mul3A_171, %add3A_172 : i32
    "tpu.region"() ({
      %run_scoped3A = tpu.sem_alloc : memref<!tpu.dma_semaphore, #tpu.memory_space<semaphore_mem>>
      %dma_start3A_190 = arith.constant 0 : i32
      %dma_start3A_191 = tpu.memref_slice %arg5[%arg0, %add3A_173, %dma_start3A_190] : memref<2x10240x64xf32, #tpu.memory_space<hbm>> -> memref<1x128x64xf32, #tpu.memory_space<hbm>>
      %dma_start3A_192 = tpu.memref_squeeze %dma_start3A_191 : memref<1x128x64xf32, #tpu.memory_space<hbm>> -> memref<128x64xf32, #tpu.memory_space<hbm>>
      %dma_start3A_193 = arith.constant 0 : i32
      %dma_start3A_194 = tpu.memref_slice %arg24[%add3A_169, %dma_start3A_193] : memref<10240x64xf32, #tpu.memory_space<vmem_shared>> -> memref<128x64xf32, #tpu.memory_space<vmem_shared>>
      tpu.enqueue_dma source(%dma_start3A_194 : memref<128x64xf32, #tpu.memory_space<vmem_shared>>) target(%dma_start3A_192 : memref<128x64xf32, #tpu.memory_space<hbm>>) target_semaphore(%run_scoped3A : memref<!tpu.dma_semaphore, #tpu.memory_space<semaphore_mem>>)
      %dma_wait3A_195 = arith.constant 0 : i32
      %dma_wait3A_196 = tpu.memref_slice %arg5[%arg0, %add3A_173, %dma_wait3A_195] : memref<2x10240x64xf32, #tpu.memory_space<hbm>> -> memref<1x128x64xf32, #tpu.memory_space<hbm>>
      %dma_wait3A_197 = tpu.memref_squeeze %dma_wait3A_196 : memref<1x128x64xf32, #tpu.memory_space<hbm>> -> memref<128x64xf32, #tpu.memory_space<hbm>>
      %dma_wait3A_198 = arith.constant 0 : i32
      %dma_wait3A_199 = tpu.memref_slice %arg24[%add3A_169, %dma_wait3A_198] : memref<10240x64xf32, #tpu.memory_space<vmem_shared>> -> memref<128x64xf32, #tpu.memory_space<vmem_shared>>
      tpu.wait_dma2 semaphore(%run_scoped3A : memref<!tpu.dma_semaphore, #tpu.memory_space<semaphore_mem>>) src(%dma_wait3A_199 : memref<128x64xf32, #tpu.memory_space<vmem_shared>>) dst(%dma_wait3A_197 : memref<128x64xf32, #tpu.memory_space<hbm>>)
      tpu.yield
    }) : () -> ()
    %mul3A_174 = arith.constant 640 : i32
    %mul3A_175 = arith.muli %arg1, %mul3A_174 : i32
    %add3A_176 = arith.constant 384 : i32
    %add3A_177 = arith.addi %mul3A_175, %add3A_176 : i32
    %mul3A_178 = arith.constant 640 : i32
    %mul3A_179 = arith.muli %arg1, %mul3A_178 : i32
    %add3A_180 = arith.constant 384 : i32
    %add3A_181 = arith.addi %mul3A_179, %add3A_180 : i32
    "tpu.region"() ({
      %run_scoped3A = tpu.sem_alloc : memref<!tpu.dma_semaphore, #tpu.memory_space<semaphore_mem>>
      %dma_start3A_190 = arith.constant 0 : i32
      %dma_start3A_191 = tpu.memref_slice %arg5[%arg0, %add3A_181, %dma_start3A_190] : memref<2x10240x64xf32, #tpu.memory_space<hbm>> -> memref<1x128x64xf32, #tpu.memory_space<hbm>>
      %dma_start3A_192 = tpu.memref_squeeze %dma_start3A_191 : memref<1x128x64xf32, #tpu.memory_space<hbm>> -> memref<128x64xf32, #tpu.memory_space<hbm>>
      %dma_start3A_193 = arith.constant 0 : i32
      %dma_start3A_194 = tpu.memref_slice %arg24[%add3A_177, %dma_start3A_193] : memref<10240x64xf32, #tpu.memory_space<vmem_shared>> -> memref<128x64xf32, #tpu.memory_space<vmem_shared>>
      tpu.enqueue_dma source(%dma_start3A_194 : memref<128x64xf32, #tpu.memory_space<vmem_shared>>) target(%dma_start3A_192 : memref<128x64xf32, #tpu.memory_space<hbm>>) target_semaphore(%run_scoped3A : memref<!tpu.dma_semaphore, #tpu.memory_space<semaphore_mem>>)
      %dma_wait3A_195 = arith.constant 0 : i32
      %dma_wait3A_196 = tpu.memref_slice %arg5[%arg0, %add3A_181, %dma_wait3A_195] : memref<2x10240x64xf32, #tpu.memory_space<hbm>> -> memref<1x128x64xf32, #tpu.memory_space<hbm>>
      %dma_wait3A_197 = tpu.memref_squeeze %dma_wait3A_196 : memref<1x128x64xf32, #tpu.memory_space<hbm>> -> memref<128x64xf32, #tpu.memory_space<hbm>>
      %dma_wait3A_198 = arith.constant 0 : i32
      %dma_wait3A_199 = tpu.memref_slice %arg24[%add3A_177, %dma_wait3A_198] : memref<10240x64xf32, #tpu.memory_space<vmem_shared>> -> memref<128x64xf32, #tpu.memory_space<vmem_shared>>
      tpu.wait_dma2 semaphore(%run_scoped3A : memref<!tpu.dma_semaphore, #tpu.memory_space<semaphore_mem>>) src(%dma_wait3A_199 : memref<128x64xf32, #tpu.memory_space<vmem_shared>>) dst(%dma_wait3A_197 : memref<128x64xf32, #tpu.memory_space<hbm>>)
      tpu.yield
    }) : () -> ()
    %mul3A_182 = arith.constant 640 : i32
    %mul3A_183 = arith.muli %arg1, %mul3A_182 : i32
    %add3A_184 = arith.constant 512 : i32
    %add3A_185 = arith.addi %mul3A_183, %add3A_184 : i32
    %mul3A_186 = arith.constant 640 : i32
    %mul3A_187 = arith.muli %arg1, %mul3A_186 : i32
    %add3A_188 = arith.constant 512 : i32
    %add3A_189 = arith.addi %mul3A_187, %add3A_188 : i32
    "tpu.region"() ({
      %run_scoped3A = tpu.sem_alloc : memref<!tpu.dma_semaphore, #tpu.memory_space<semaphore_mem>>
      %dma_start3A_190 = arith.constant 0 : i32
      %dma_start3A_191 = tpu.memref_slice %arg5[%arg0, %add3A_189, %dma_start3A_190] : memref<2x10240x64xf32, #tpu.memory_space<hbm>> -> memref<1x128x64xf32, #tpu.memory_space<hbm>>
      %dma_start3A_192 = tpu.memref_squeeze %dma_start3A_191 : memref<1x128x64xf32, #tpu.memory_space<hbm>> -> memref<128x64xf32, #tpu.memory_space<hbm>>
      %dma_start3A_193 = arith.constant 0 : i32
      %dma_start3A_194 = tpu.memref_slice %arg24[%add3A_185, %dma_start3A_193] : memref<10240x64xf32, #tpu.memory_space<vmem_shared>> -> memref<128x64xf32, #tpu.memory_space<vmem_shared>>
      tpu.enqueue_dma source(%dma_start3A_194 : memref<128x64xf32, #tpu.memory_space<vmem_shared>>) target(%dma_start3A_192 : memref<128x64xf32, #tpu.memory_space<hbm>>) target_semaphore(%run_scoped3A : memref<!tpu.dma_semaphore, #tpu.memory_space<semaphore_mem>>)
      %dma_wait3A_195 = arith.constant 0 : i32
      %dma_wait3A_196 = tpu.memref_slice %arg5[%arg0, %add3A_189, %dma_wait3A_195] : memref<2x10240x64xf32, #tpu.memory_space<hbm>> -> memref<1x128x64xf32, #tpu.memory_space<hbm>>
      %dma_wait3A_197 = tpu.memref_squeeze %dma_wait3A_196 : memref<1x128x64xf32, #tpu.memory_space<hbm>> -> memref<128x64xf32, #tpu.memory_space<hbm>>
      %dma_wait3A_198 = arith.constant 0 : i32
      %dma_wait3A_199 = tpu.memref_slice %arg24[%add3A_185, %dma_wait3A_198] : memref<10240x64xf32, #tpu.memory_space<vmem_shared>> -> memref<128x64xf32, #tpu.memory_space<vmem_shared>>
      tpu.wait_dma2 semaphore(%run_scoped3A : memref<!tpu.dma_semaphore, #tpu.memory_space<semaphore_mem>>) src(%dma_wait3A_199 : memref<128x64xf32, #tpu.memory_space<vmem_shared>>) dst(%dma_wait3A_197 : memref<128x64xf32, #tpu.memory_space<hbm>>)
      tpu.yield
    }) : () -> ()
    return
  }
}

#map = affine_map<(d0, d1) -> (0)>
#map1 = affine_map<(d0, d1) -> (0, 0, 0)>
module attributes {stable_mosaic.version = 14 : i64} {
  func.func @_deg_body(%arg0: i32, %arg1: i32, %arg2: memref<327680xi32, #tpu.memory_space<hbm>>, %arg3: memref<327680xi32, #tpu.memory_space<hbm>>, %arg4: memref<32x2x10240xf32, #tpu.memory_space<hbm>>, %arg5: memref<10240xf32, #tpu.memory_space<vmem>>, %arg6: memref<10240xf32, #tpu.memory_space<vmem>>, %arg7: memref<1024xi32, #tpu.memory_space<vmem>>, %arg8: memref<1024xi32, #tpu.memory_space<vmem>>) attributes {dimension_semantics = [#tpu.dimension_semantics<core_parallel>, #tpu.dimension_semantics<subcore_parallel>], iteration_bounds = array<i64: 2, 16>, scalar_prefetch = 0 : i64, scratch_operands = 4 : i64, tpu.core_type = #tpu.core_type<sc_vector_subcore>, window_params = [{transform_indices = #map}, {transform_indices = #map}, {transform_indices = #map1}]} {
    %mul3A = arith.constant 16 : i32
    %mul3A_0 = arith.muli %arg0, %mul3A : i32
    %add3A = arith.addi %mul3A_0, %arg1 : i32
    %scan3A = arith.constant 0 : i32
    %scan3A_1 = arith.constant 0 : i32
    %scan3A_2 = arith.constant 640 : i32
    %scan3A_3 = arith.addi %scan3A_1, %scan3A_2 : i32
    %scan3A_4 = arith.constant 1 : i32
    %scan3A_5 = scf.for %scan3A_18 = %scan3A_1 to %scan3A_3 step %scan3A_4 iter_args(%scan3A_19 = %scan3A) -> (i32)  : i32 {
      %broadcast_in_dim3A_20 = arith.constant 0.000000e+00 : f32
      %broadcast_in_dim3A_21 = vector.broadcast %broadcast_in_dim3A_20 : f32 to vector<16xf32>
      %mul3A_22 = arith.constant 16 : i32
      %mul3A_23 = arith.muli %scan3A_18, %mul3A_22 : i32
      %swap3A = arith.index_cast %mul3A_23 : i32 to index
      %swap3A_24 = tpu.vector_load %arg5[%swap3A] {strides = array<i32>} : memref<10240xf32, #tpu.memory_space<vmem>>, vector<16xf32>,
      tpu.vector_store %arg5[%swap3A], %broadcast_in_dim3A_21 {strides = array<i32>} : memref<10240xf32, #tpu.memory_space<vmem>>, vector<16xf32>,
      %broadcast_in_dim3A_25 = arith.constant 0.000000e+00 : f32
      %broadcast_in_dim3A_26 = vector.broadcast %broadcast_in_dim3A_25 : f32 to vector<16xf32>
      %mul3A_27 = arith.constant 16 : i32
      %mul3A_28 = arith.muli %scan3A_18, %mul3A_27 : i32
      %swap3A_29 = arith.index_cast %mul3A_28 : i32 to index
      %swap3A_30 = tpu.vector_load %arg6[%swap3A_29] {strides = array<i32>} : memref<10240xf32, #tpu.memory_space<vmem>>, vector<16xf32>,
      tpu.vector_store %arg6[%swap3A_29], %broadcast_in_dim3A_26 {strides = array<i32>} : memref<10240xf32, #tpu.memory_space<vmem>>, vector<16xf32>,
      %scan3A_31 = arith.constant 0 : i32
      scf.yield %scan3A_31 : i32
    }
    %scan3A_6 = arith.constant 640 : i32
    %broadcast_in_dim3A = arith.constant 1.000000e+00 : f32
    %broadcast_in_dim3A_7 = vector.broadcast %broadcast_in_dim3A : f32 to vector<16xf32>
    %mul3A_8 = arith.constant 10240 : i32
    %mul3A_9 = arith.muli %add3A, %mul3A_8 : i32
    %scan3A_10 = arith.constant 0 : i32
    %scan3A_11 = arith.constant 0 : i32
    %scan3A_12 = arith.constant 10 : i32
    %scan3A_13 = arith.addi %scan3A_11, %scan3A_12 : i32
    %scan3A_14 = arith.constant 1 : i32
    %scan3A_15 = scf.for %scan3A_18 = %scan3A_11 to %scan3A_13 step %scan3A_14 iter_args(%scan3A_19 = %scan3A_10) -> (i32)  : i32 {
      %mul3A_20 = arith.constant 1024 : i32
      %mul3A_21 = arith.muli %scan3A_18, %mul3A_20 : i32
      %add3A_22 = arith.addi %mul3A_9, %mul3A_21 : i32
      "tpu.region"() ({
        %run_scoped3A_34 = tpu.sem_alloc : memref<!tpu.dma_semaphore, #tpu.memory_space<semaphore_mem>>
        %dma_start3A = tpu.memref_slice %arg2[%add3A_22] : memref<327680xi32, #tpu.memory_space<hbm>> -> memref<1024xi32, #tpu.memory_space<hbm>>
        %dma_start3A_35 = tpu.memref_slice %arg2[%add3A_22] : memref<327680xi32, #tpu.memory_space<hbm>> -> memref<1024xi32, #tpu.memory_space<hbm>>
        tpu.enqueue_dma source(%dma_start3A_35 : memref<1024xi32, #tpu.memory_space<hbm>>) target(%arg7 : memref<1024xi32, #tpu.memory_space<vmem>>) target_semaphore(%run_scoped3A_34 : memref<!tpu.dma_semaphore, #tpu.memory_space<semaphore_mem>>)
        %dma_wait3A = tpu.memref_slice %arg2[%add3A_22] : memref<327680xi32, #tpu.memory_space<hbm>> -> memref<1024xi32, #tpu.memory_space<hbm>>
        %dma_wait3A_36 = tpu.memref_slice %arg2[%add3A_22] : memref<327680xi32, #tpu.memory_space<hbm>> -> memref<1024xi32, #tpu.memory_space<hbm>>
        tpu.wait_dma2 semaphore(%run_scoped3A_34 : memref<!tpu.dma_semaphore, #tpu.memory_space<semaphore_mem>>) src(%dma_wait3A_36 : memref<1024xi32, #tpu.memory_space<hbm>>) dst(%arg7 : memref<1024xi32, #tpu.memory_space<vmem>>)
        tpu.yield
      }) : () -> ()
      %mul3A_23 = arith.constant 1024 : i32
      %mul3A_24 = arith.muli %scan3A_18, %mul3A_23 : i32
      %add3A_25 = arith.addi %mul3A_9, %mul3A_24 : i32
      "tpu.region"() ({
        %run_scoped3A_34 = tpu.sem_alloc : memref<!tpu.dma_semaphore, #tpu.memory_space<semaphore_mem>>
        %dma_start3A = tpu.memref_slice %arg3[%add3A_25] : memref<327680xi32, #tpu.memory_space<hbm>> -> memref<1024xi32, #tpu.memory_space<hbm>>
        %dma_start3A_35 = tpu.memref_slice %arg3[%add3A_25] : memref<327680xi32, #tpu.memory_space<hbm>> -> memref<1024xi32, #tpu.memory_space<hbm>>
        tpu.enqueue_dma source(%dma_start3A_35 : memref<1024xi32, #tpu.memory_space<hbm>>) target(%arg8 : memref<1024xi32, #tpu.memory_space<vmem>>) target_semaphore(%run_scoped3A_34 : memref<!tpu.dma_semaphore, #tpu.memory_space<semaphore_mem>>)
        %dma_wait3A = tpu.memref_slice %arg3[%add3A_25] : memref<327680xi32, #tpu.memory_space<hbm>> -> memref<1024xi32, #tpu.memory_space<hbm>>
        %dma_wait3A_36 = tpu.memref_slice %arg3[%add3A_25] : memref<327680xi32, #tpu.memory_space<hbm>> -> memref<1024xi32, #tpu.memory_space<hbm>>
        tpu.wait_dma2 semaphore(%run_scoped3A_34 : memref<!tpu.dma_semaphore, #tpu.memory_space<semaphore_mem>>) src(%dma_wait3A_36 : memref<1024xi32, #tpu.memory_space<hbm>>) dst(%arg8 : memref<1024xi32, #tpu.memory_space<vmem>>)
        tpu.yield
      }) : () -> ()
      %scan3A_26 = arith.constant 0 : i32
      %scan3A_27 = arith.constant 0 : i32
      %scan3A_28 = arith.constant 64 : i32
      %scan3A_29 = arith.addi %scan3A_27, %scan3A_28 : i32
      %scan3A_30 = arith.constant 1 : i32
      %scan3A_31 = scf.for %scan3A_34 = %scan3A_27 to %scan3A_29 step %scan3A_30 iter_args(%scan3A_35 = %scan3A_26) -> (i32)  : i32 {
        %mul3A_36 = arith.constant 16 : i32
        %mul3A_37 = arith.muli %scan3A_34, %mul3A_36 : i32
        %get3A = arith.index_cast %mul3A_37 : i32 to index
        %get3A_38 = tpu.vector_load %arg7[%get3A] {strides = array<i32>} : memref<1024xi32, #tpu.memory_space<vmem>>, vector<16xi32>,
        %mul3A_39 = arith.constant 16 : i32
        %mul3A_40 = arith.muli %scan3A_34, %mul3A_39 : i32
        %get3A_41 = arith.index_cast %mul3A_40 : i32 to index
        %get3A_42 = tpu.vector_load %arg8[%get3A_41] {strides = array<i32>} : memref<1024xi32, #tpu.memory_space<vmem>>, vector<16xi32>,
        tpu.vector_store_idx %arg5[%get3A_38], %broadcast_in_dim3A_7 {add = true} : memref<10240xf32, #tpu.memory_space<vmem>>[vector<16xi32>], vector<16xf32>,
        tpu.vector_store_idx %arg6[%get3A_42], %broadcast_in_dim3A_7 {add = true} : memref<10240xf32, #tpu.memory_space<vmem>>[vector<16xi32>], vector<16xf32>,
        %scan3A_43 = arith.constant 0 : i32
        scf.yield %scan3A_43 : i32
      }
      %scan3A_32 = arith.constant 64 : i32
      %scan3A_33 = arith.constant 0 : i32
      scf.yield %scan3A_33 : i32
    }
    %scan3A_16 = arith.constant 10 : i32
    %run_scoped3A = arith.constant 0 : i32
    "tpu.region"() ({
      %run_scoped3A_18 = tpu.sem_alloc : memref<!tpu.dma_semaphore, #tpu.memory_space<semaphore_mem>>
      %dma_start3A = arith.constant 0 : i32
      %dma_start3A_19 = tpu.memref_slice %arg4[%add3A, %run_scoped3A, %dma_start3A] : memref<32x2x10240xf32, #tpu.memory_space<hbm>> -> memref<1x1x10240xf32, #tpu.memory_space<hbm>>
      %dma_start3A_20 = tpu.memref_squeeze %dma_start3A_19 : memref<1x1x10240xf32, #tpu.memory_space<hbm>> -> memref<10240xf32, #tpu.memory_space<hbm>>
      %dma_start3A_21 = arith.constant 0 : i32
      %dma_start3A_22 = tpu.memref_slice %arg4[%add3A, %run_scoped3A, %dma_start3A_21] : memref<32x2x10240xf32, #tpu.memory_space<hbm>> -> memref<1x1x10240xf32, #tpu.memory_space<hbm>>
      %dma_start3A_23 = tpu.memref_squeeze %dma_start3A_22 : memref<1x1x10240xf32, #tpu.memory_space<hbm>> -> memref<10240xf32, #tpu.memory_space<hbm>>
      tpu.enqueue_dma source(%arg5 : memref<10240xf32, #tpu.memory_space<vmem>>) target(%dma_start3A_23 : memref<10240xf32, #tpu.memory_space<hbm>>) target_semaphore(%run_scoped3A_18 : memref<!tpu.dma_semaphore, #tpu.memory_space<semaphore_mem>>)
      %dma_wait3A = arith.constant 0 : i32
      %dma_wait3A_24 = tpu.memref_slice %arg4[%add3A, %run_scoped3A, %dma_wait3A] : memref<32x2x10240xf32, #tpu.memory_space<hbm>> -> memref<1x1x10240xf32, #tpu.memory_space<hbm>>
      %dma_wait3A_25 = tpu.memref_squeeze %dma_wait3A_24 : memref<1x1x10240xf32, #tpu.memory_space<hbm>> -> memref<10240xf32, #tpu.memory_space<hbm>>
      %dma_wait3A_26 = arith.constant 0 : i32
      %dma_wait3A_27 = tpu.memref_slice %arg4[%add3A, %run_scoped3A, %dma_wait3A_26] : memref<32x2x10240xf32, #tpu.memory_space<hbm>> -> memref<1x1x10240xf32, #tpu.memory_space<hbm>>
      %dma_wait3A_28 = tpu.memref_squeeze %dma_wait3A_27 : memref<1x1x10240xf32, #tpu.memory_space<hbm>> -> memref<10240xf32, #tpu.memory_space<hbm>>
      tpu.wait_dma2 semaphore(%run_scoped3A_18 : memref<!tpu.dma_semaphore, #tpu.memory_space<semaphore_mem>>) src(%arg5 : memref<10240xf32, #tpu.memory_space<vmem>>) dst(%dma_wait3A_28 : memref<10240xf32, #tpu.memory_space<hbm>>)
      tpu.yield
    }) : () -> ()
    %run_scoped3A_17 = arith.constant 1 : i32
    "tpu.region"() ({
      %run_scoped3A_18 = tpu.sem_alloc : memref<!tpu.dma_semaphore, #tpu.memory_space<semaphore_mem>>
      %dma_start3A = arith.constant 0 : i32
      %dma_start3A_19 = tpu.memref_slice %arg4[%add3A, %run_scoped3A_17, %dma_start3A] : memref<32x2x10240xf32, #tpu.memory_space<hbm>> -> memref<1x1x10240xf32, #tpu.memory_space<hbm>>
      %dma_start3A_20 = tpu.memref_squeeze %dma_start3A_19 : memref<1x1x10240xf32, #tpu.memory_space<hbm>> -> memref<10240xf32, #tpu.memory_space<hbm>>
      %dma_start3A_21 = arith.constant 0 : i32
      %dma_start3A_22 = tpu.memref_slice %arg4[%add3A, %run_scoped3A_17, %dma_start3A_21] : memref<32x2x10240xf32, #tpu.memory_space<hbm>> -> memref<1x1x10240xf32, #tpu.memory_space<hbm>>
      %dma_start3A_23 = tpu.memref_squeeze %dma_start3A_22 : memref<1x1x10240xf32, #tpu.memory_space<hbm>> -> memref<10240xf32, #tpu.memory_space<hbm>>
      tpu.enqueue_dma source(%arg6 : memref<10240xf32, #tpu.memory_space<vmem>>) target(%dma_start3A_23 : memref<10240xf32, #tpu.memory_space<hbm>>) target_semaphore(%run_scoped3A_18 : memref<!tpu.dma_semaphore, #tpu.memory_space<semaphore_mem>>)
      %dma_wait3A = arith.constant 0 : i32
      %dma_wait3A_24 = tpu.memref_slice %arg4[%add3A, %run_scoped3A_17, %dma_wait3A] : memref<32x2x10240xf32, #tpu.memory_space<hbm>> -> memref<1x1x10240xf32, #tpu.memory_space<hbm>>
      %dma_wait3A_25 = tpu.memref_squeeze %dma_wait3A_24 : memref<1x1x10240xf32, #tpu.memory_space<hbm>> -> memref<10240xf32, #tpu.memory_space<hbm>>
      %dma_wait3A_26 = arith.constant 0 : i32
      %dma_wait3A_27 = tpu.memref_slice %arg4[%add3A, %run_scoped3A_17, %dma_wait3A_26] : memref<32x2x10240xf32, #tpu.memory_space<hbm>> -> memref<1x1x10240xf32, #tpu.memory_space<hbm>>
      %dma_wait3A_28 = tpu.memref_squeeze %dma_wait3A_27 : memref<1x1x10240xf32, #tpu.memory_space<hbm>> -> memref<10240xf32, #tpu.memory_space<hbm>>
      tpu.wait_dma2 semaphore(%run_scoped3A_18 : memref<!tpu.dma_semaphore, #tpu.memory_space<semaphore_mem>>) src(%arg6 : memref<10240xf32, #tpu.memory_space<vmem>>) dst(%dma_wait3A_28 : memref<10240xf32, #tpu.memory_space<hbm>>)
      tpu.yield
    }) : () -> ()
    return
  }
}

#map = affine_map<(d0, d1) -> (0, 0)>
#map1 = affine_map<(d0, d1) -> (0, 0, 0)>
module attributes {stable_mosaic.version = 14 : i64} {
  func.func @_msg_body(%arg0: i32, %arg1: i32, %arg2: memref<10240x64xf32, #tpu.memory_space<hbm>>, %arg3: memref<10240x64xf32, #tpu.memory_space<hbm>>, %arg4: memref<2560x3x128xi32, #tpu.memory_space<hbm>>, %arg5: memref<2x10240x64xf32, #tpu.memory_space<hbm>>, %arg6: memref<4x3x128xi32, #tpu.memory_space<vmem>>, %arg7: memref<128x64xf32, #tpu.memory_space<vmem>>, %arg8: memref<128x64xf32, #tpu.memory_space<vmem>>, %arg9: memref<128x64xf32, #tpu.memory_space<vmem>>, %arg10: memref<128x64xf32, #tpu.memory_space<vmem>>, %arg11: memref<!tpu.dma_semaphore, #tpu.memory_space<semaphore_mem>>, %arg12: memref<!tpu.dma_semaphore, #tpu.memory_space<semaphore_mem>>, %arg13: memref<!tpu.dma_semaphore, #tpu.memory_space<semaphore_mem>>, %arg14: memref<!tpu.dma_semaphore, #tpu.memory_space<semaphore_mem>>, %arg15: memref<!tpu.dma_semaphore, #tpu.memory_space<semaphore_mem>>, %arg16: memref<!tpu.dma_semaphore, #tpu.memory_space<semaphore_mem>>, %arg17: memref<!tpu.dma_semaphore, #tpu.memory_space<semaphore_mem>>, %arg18: memref<!tpu.dma_semaphore, #tpu.memory_space<semaphore_mem>>, %arg19: memref<!tpu.dma_semaphore, #tpu.memory_space<semaphore_mem>>, %arg20: memref<!tpu.dma_semaphore, #tpu.memory_space<semaphore_mem>>, %arg21: memref<!tpu.dma_semaphore, #tpu.memory_space<semaphore_mem>>, %arg22: memref<!tpu.dma_semaphore, #tpu.memory_space<semaphore_mem>>, %arg23: memref<10240x64xf32, #tpu.memory_space<vmem_shared>>, %arg24: memref<10240x64xf32, #tpu.memory_space<vmem_shared>>) attributes {dimension_semantics = [#tpu.dimension_semantics<core_parallel>, #tpu.dimension_semantics<subcore_parallel>], iteration_bounds = array<i64: 2, 16>, scalar_prefetch = 0 : i64, scratch_operands = 19 : i64, tpu.core_type = #tpu.core_type<sc_vector_subcore>, window_params = [{transform_indices = #map}, {transform_indices = #map}, {transform_indices = #map1}, {transform_indices = #map1}]} {
    %mul3A = arith.constant 160 : i32
    %mul3A_0 = arith.muli %arg1, %mul3A : i32
    %eq3A = arith.constant 0 : i32
    %eq3A_1 = arith.cmpi eq, %arg0, %eq3A : i32
    %convert_element_type3A = arith.extui %eq3A_1 : i1 to i32
    %cond3A = arith.constant 0 : i32
    %cond3A_2 = arith.cmpi ne, %convert_element_type3A, %cond3A : i32
    scf.if %cond3A_2 {
      %mul3A_187 = arith.constant 640 : i32
      %mul3A_188 = arith.muli %arg1, %mul3A_187 : i32
      %mul3A_189 = arith.constant 640 : i32
      %mul3A_190 = arith.muli %arg1, %mul3A_189 : i32
      "tpu.region"() ({
        %run_scoped3A = tpu.sem_alloc : memref<!tpu.dma_semaphore, #tpu.memory_space<semaphore_mem>>
        %dma_start3A_191 = arith.constant 0 : i32
        %dma_start3A_192 = tpu.memref_slice %arg23[%mul3A_190, %dma_start3A_191] : memref<10240x64xf32, #tpu.memory_space<vmem_shared>> -> memref<640x64xf32, #tpu.memory_space<vmem_shared>>
        %dma_start3A_193 = arith.constant 0 : i32
        %dma_start3A_194 = tpu.memref_slice %arg2[%mul3A_188, %dma_start3A_193] : memref<10240x64xf32, #tpu.memory_space<hbm>> -> memref<640x64xf32, #tpu.memory_space<hbm>>
        tpu.enqueue_dma source(%dma_start3A_194 : memref<640x64xf32, #tpu.memory_space<hbm>>) target(%dma_start3A_192 : memref<640x64xf32, #tpu.memory_space<vmem_shared>>) target_semaphore(%run_scoped3A : memref<!tpu.dma_semaphore, #tpu.memory_space<semaphore_mem>>)
        %dma_wait3A_195 = arith.constant 0 : i32
        %dma_wait3A_196 = tpu.memref_slice %arg23[%mul3A_190, %dma_wait3A_195] : memref<10240x64xf32, #tpu.memory_space<vmem_shared>> -> memref<640x64xf32, #tpu.memory_space<vmem_shared>>
        %dma_wait3A_197 = arith.constant 0 : i32
        %dma_wait3A_198 = tpu.memref_slice %arg2[%mul3A_188, %dma_wait3A_197] : memref<10240x64xf32, #tpu.memory_space<hbm>> -> memref<640x64xf32, #tpu.memory_space<hbm>>
        tpu.wait_dma2 semaphore(%run_scoped3A : memref<!tpu.dma_semaphore, #tpu.memory_space<semaphore_mem>>) src(%dma_wait3A_198 : memref<640x64xf32, #tpu.memory_space<hbm>>) dst(%dma_wait3A_196 : memref<640x64xf32, #tpu.memory_space<vmem_shared>>)
        tpu.yield
      }) : () -> ()
    } else {
    }
    %eq3A_3 = arith.constant 1 : i32
    %eq3A_4 = arith.cmpi eq, %arg0, %eq3A_3 : i32
    %convert_element_type3A_5 = arith.extui %eq3A_4 : i1 to i32
    %cond3A_6 = arith.constant 0 : i32
    %cond3A_7 = arith.cmpi ne, %convert_element_type3A_5, %cond3A_6 : i32
    scf.if %cond3A_7 {
      %mul3A_187 = arith.constant 640 : i32
      %mul3A_188 = arith.muli %arg1, %mul3A_187 : i32
      %mul3A_189 = arith.constant 640 : i32
      %mul3A_190 = arith.muli %arg1, %mul3A_189 : i32
      "tpu.region"() ({
        %run_scoped3A = tpu.sem_alloc : memref<!tpu.dma_semaphore, #tpu.memory_space<semaphore_mem>>
        %dma_start3A_191 = arith.constant 0 : i32
        %dma_start3A_192 = tpu.memref_slice %arg23[%mul3A_190, %dma_start3A_191] : memref<10240x64xf32, #tpu.memory_space<vmem_shared>> -> memref<640x64xf32, #tpu.memory_space<vmem_shared>>
        %dma_start3A_193 = arith.constant 0 : i32
        %dma_start3A_194 = tpu.memref_slice %arg3[%mul3A_188, %dma_start3A_193] : memref<10240x64xf32, #tpu.memory_space<hbm>> -> memref<640x64xf32, #tpu.memory_space<hbm>>
        tpu.enqueue_dma source(%dma_start3A_194 : memref<640x64xf32, #tpu.memory_space<hbm>>) target(%dma_start3A_192 : memref<640x64xf32, #tpu.memory_space<vmem_shared>>) target_semaphore(%run_scoped3A : memref<!tpu.dma_semaphore, #tpu.memory_space<semaphore_mem>>)
        %dma_wait3A_195 = arith.constant 0 : i32
        %dma_wait3A_196 = tpu.memref_slice %arg23[%mul3A_190, %dma_wait3A_195] : memref<10240x64xf32, #tpu.memory_space<vmem_shared>> -> memref<640x64xf32, #tpu.memory_space<vmem_shared>>
        %dma_wait3A_197 = arith.constant 0 : i32
        %dma_wait3A_198 = tpu.memref_slice %arg3[%mul3A_188, %dma_wait3A_197] : memref<10240x64xf32, #tpu.memory_space<hbm>> -> memref<640x64xf32, #tpu.memory_space<hbm>>
        tpu.wait_dma2 semaphore(%run_scoped3A : memref<!tpu.dma_semaphore, #tpu.memory_space<semaphore_mem>>) src(%dma_wait3A_198 : memref<640x64xf32, #tpu.memory_space<hbm>>) dst(%dma_wait3A_196 : memref<640x64xf32, #tpu.memory_space<vmem_shared>>)
        tpu.yield
      }) : () -> ()
    } else {
    }
    %scan3A = arith.constant 0 : i32
    %scan3A_8 = arith.constant 0 : i32
    %scan3A_9 = arith.constant 128 : i32
    %scan3A_10 = arith.addi %scan3A_8, %scan3A_9 : i32
    %scan3A_11 = arith.constant 1 : i32
    %scan3A_12 = scf.for %scan3A_187 = %scan3A_8 to %scan3A_10 step %scan3A_11 iter_args(%scan3A_188 = %scan3A) -> (i32)  : i32 {
      %broadcast_in_dim3A = arith.constant 0.000000e+00 : f32
      %broadcast_in_dim3A_189 = vector.broadcast %broadcast_in_dim3A : f32 to vector<16xf32>
      %swap3A = arith.index_cast %scan3A_187 : i32 to index
      %swap3A_190 = arith.constant 0 : index
      %swap3A_191 = tpu.vector_load %arg7[%swap3A, %swap3A_190] {strides = array<i32>} : memref<128x64xf32, #tpu.memory_space<vmem>>, vector<16xf32>,
      tpu.vector_store %arg7[%swap3A, %swap3A_190], %broadcast_in_dim3A_189 {strides = array<i32>} : memref<128x64xf32, #tpu.memory_space<vmem>>, vector<16xf32>,
      %broadcast_in_dim3A_192 = arith.constant 0.000000e+00 : f32
      %broadcast_in_dim3A_193 = vector.broadcast %broadcast_in_dim3A_192 : f32 to vector<16xf32>
      %swap3A_194 = arith.index_cast %scan3A_187 : i32 to index
      %swap3A_195 = arith.constant 16 : index
      %swap3A_196 = tpu.vector_load %arg7[%swap3A_194, %swap3A_195] {strides = array<i32>} : memref<128x64xf32, #tpu.memory_space<vmem>>, vector<16xf32>,
      tpu.vector_store %arg7[%swap3A_194, %swap3A_195], %broadcast_in_dim3A_193 {strides = array<i32>} : memref<128x64xf32, #tpu.memory_space<vmem>>, vector<16xf32>,
      %broadcast_in_dim3A_197 = arith.constant 0.000000e+00 : f32
      %broadcast_in_dim3A_198 = vector.broadcast %broadcast_in_dim3A_197 : f32 to vector<16xf32>
      %swap3A_199 = arith.index_cast %scan3A_187 : i32 to index
      %swap3A_200 = arith.constant 32 : index
      %swap3A_201 = tpu.vector_load %arg7[%swap3A_199, %swap3A_200] {strides = array<i32>} : memref<128x64xf32, #tpu.memory_space<vmem>>, vector<16xf32>,
      tpu.vector_store %arg7[%swap3A_199, %swap3A_200], %broadcast_in_dim3A_198 {strides = array<i32>} : memref<128x64xf32, #tpu.memory_space<vmem>>, vector<16xf32>,
      %broadcast_in_dim3A_202 = arith.constant 0.000000e+00 : f32
      %broadcast_in_dim3A_203 = vector.broadcast %broadcast_in_dim3A_202 : f32 to vector<16xf32>
      %swap3A_204 = arith.index_cast %scan3A_187 : i32 to index
      %swap3A_205 = arith.constant 48 : index
      %swap3A_206 = tpu.vector_load %arg7[%swap3A_204, %swap3A_205] {strides = array<i32>} : memref<128x64xf32, #tpu.memory_space<vmem>>, vector<16xf32>,
      tpu.vector_store %arg7[%swap3A_204, %swap3A_205], %broadcast_in_dim3A_203 {strides = array<i32>} : memref<128x64xf32, #tpu.memory_space<vmem>>, vector<16xf32>,
      %scan3A_207 = arith.constant 0 : i32
      scf.yield %scan3A_207 : i32
    }
    %scan3A_13 = arith.constant 128 : i32
    %mul3A_14 = arith.constant 640 : i32
    %mul3A_15 = arith.muli %arg1, %mul3A_14 : i32
    %add3A = arith.constant 0 : i32
    %add3A_16 = arith.addi %mul3A_15, %add3A : i32
    "tpu.region"() ({
      %run_scoped3A = tpu.sem_alloc : memref<!tpu.dma_semaphore, #tpu.memory_space<semaphore_mem>>
      %dma_start3A_187 = arith.constant 0 : i32
      %dma_start3A_188 = tpu.memref_slice %arg24[%add3A_16, %dma_start3A_187] : memref<10240x64xf32, #tpu.memory_space<vmem_shared>> -> memref<128x64xf32, #tpu.memory_space<vmem_shared>>
      %dma_start3A_189 = arith.constant 0 : i32
      %dma_start3A_190 = tpu.memref_slice %arg24[%add3A_16, %dma_start3A_189] : memref<10240x64xf32, #tpu.memory_space<vmem_shared>> -> memref<128x64xf32, #tpu.memory_space<vmem_shared>>
      tpu.enqueue_dma source(%arg7 : memref<128x64xf32, #tpu.memory_space<vmem>>) target(%dma_start3A_190 : memref<128x64xf32, #tpu.memory_space<vmem_shared>>) target_semaphore(%run_scoped3A : memref<!tpu.dma_semaphore, #tpu.memory_space<semaphore_mem>>)
      %dma_wait3A_191 = arith.constant 0 : i32
      %dma_wait3A_192 = tpu.memref_slice %arg24[%add3A_16, %dma_wait3A_191] : memref<10240x64xf32, #tpu.memory_space<vmem_shared>> -> memref<128x64xf32, #tpu.memory_space<vmem_shared>>
      %dma_wait3A_193 = arith.constant 0 : i32
      %dma_wait3A_194 = tpu.memref_slice %arg24[%add3A_16, %dma_wait3A_193] : memref<10240x64xf32, #tpu.memory_space<vmem_shared>> -> memref<128x64xf32, #tpu.memory_space<vmem_shared>>
      tpu.wait_dma2 semaphore(%run_scoped3A : memref<!tpu.dma_semaphore, #tpu.memory_space<semaphore_mem>>) src(%arg7 : memref<128x64xf32, #tpu.memory_space<vmem>>) dst(%dma_wait3A_194 : memref<128x64xf32, #tpu.memory_space<vmem_shared>>)
      tpu.yield
    }) : () -> ()
    %mul3A_17 = arith.constant 640 : i32
    %mul3A_18 = arith.muli %arg1, %mul3A_17 : i32
    %add3A_19 = arith.constant 128 : i32
    %add3A_20 = arith.addi %mul3A_18, %add3A_19 : i32
    "tpu.region"() ({
      %run_scoped3A = tpu.sem_alloc : memref<!tpu.dma_semaphore, #tpu.memory_space<semaphore_mem>>
      %dma_start3A_187 = arith.constant 0 : i32
      %dma_start3A_188 = tpu.memref_slice %arg24[%add3A_20, %dma_start3A_187] : memref<10240x64xf32, #tpu.memory_space<vmem_shared>> -> memref<128x64xf32, #tpu.memory_space<vmem_shared>>
      %dma_start3A_189 = arith.constant 0 : i32
      %dma_start3A_190 = tpu.memref_slice %arg24[%add3A_20, %dma_start3A_189] : memref<10240x64xf32, #tpu.memory_space<vmem_shared>> -> memref<128x64xf32, #tpu.memory_space<vmem_shared>>
      tpu.enqueue_dma source(%arg7 : memref<128x64xf32, #tpu.memory_space<vmem>>) target(%dma_start3A_190 : memref<128x64xf32, #tpu.memory_space<vmem_shared>>) target_semaphore(%run_scoped3A : memref<!tpu.dma_semaphore, #tpu.memory_space<semaphore_mem>>)
      %dma_wait3A_191 = arith.constant 0 : i32
      %dma_wait3A_192 = tpu.memref_slice %arg24[%add3A_20, %dma_wait3A_191] : memref<10240x64xf32, #tpu.memory_space<vmem_shared>> -> memref<128x64xf32, #tpu.memory_space<vmem_shared>>
      %dma_wait3A_193 = arith.constant 0 : i32
      %dma_wait3A_194 = tpu.memref_slice %arg24[%add3A_20, %dma_wait3A_193] : memref<10240x64xf32, #tpu.memory_space<vmem_shared>> -> memref<128x64xf32, #tpu.memory_space<vmem_shared>>
      tpu.wait_dma2 semaphore(%run_scoped3A : memref<!tpu.dma_semaphore, #tpu.memory_space<semaphore_mem>>) src(%arg7 : memref<128x64xf32, #tpu.memory_space<vmem>>) dst(%dma_wait3A_194 : memref<128x64xf32, #tpu.memory_space<vmem_shared>>)
      tpu.yield
    }) : () -> ()
    %mul3A_21 = arith.constant 640 : i32
    %mul3A_22 = arith.muli %arg1, %mul3A_21 : i32
    %add3A_23 = arith.constant 256 : i32
    %add3A_24 = arith.addi %mul3A_22, %add3A_23 : i32
    "tpu.region"() ({
      %run_scoped3A = tpu.sem_alloc : memref<!tpu.dma_semaphore, #tpu.memory_space<semaphore_mem>>
      %dma_start3A_187 = arith.constant 0 : i32
      %dma_start3A_188 = tpu.memref_slice %arg24[%add3A_24, %dma_start3A_187] : memref<10240x64xf32, #tpu.memory_space<vmem_shared>> -> memref<128x64xf32, #tpu.memory_space<vmem_shared>>
      %dma_start3A_189 = arith.constant 0 : i32
      %dma_start3A_190 = tpu.memref_slice %arg24[%add3A_24, %dma_start3A_189] : memref<10240x64xf32, #tpu.memory_space<vmem_shared>> -> memref<128x64xf32, #tpu.memory_space<vmem_shared>>
      tpu.enqueue_dma source(%arg7 : memref<128x64xf32, #tpu.memory_space<vmem>>) target(%dma_start3A_190 : memref<128x64xf32, #tpu.memory_space<vmem_shared>>) target_semaphore(%run_scoped3A : memref<!tpu.dma_semaphore, #tpu.memory_space<semaphore_mem>>)
      %dma_wait3A_191 = arith.constant 0 : i32
      %dma_wait3A_192 = tpu.memref_slice %arg24[%add3A_24, %dma_wait3A_191] : memref<10240x64xf32, #tpu.memory_space<vmem_shared>> -> memref<128x64xf32, #tpu.memory_space<vmem_shared>>
      %dma_wait3A_193 = arith.constant 0 : i32
      %dma_wait3A_194 = tpu.memref_slice %arg24[%add3A_24, %dma_wait3A_193] : memref<10240x64xf32, #tpu.memory_space<vmem_shared>> -> memref<128x64xf32, #tpu.memory_space<vmem_shared>>
      tpu.wait_dma2 semaphore(%run_scoped3A : memref<!tpu.dma_semaphore, #tpu.memory_space<semaphore_mem>>) src(%arg7 : memref<128x64xf32, #tpu.memory_space<vmem>>) dst(%dma_wait3A_194 : memref<128x64xf32, #tpu.memory_space<vmem_shared>>)
      tpu.yield
    }) : () -> ()
    %mul3A_25 = arith.constant 640 : i32
    %mul3A_26 = arith.muli %arg1, %mul3A_25 : i32
    %add3A_27 = arith.constant 384 : i32
    %add3A_28 = arith.addi %mul3A_26, %add3A_27 : i32
    "tpu.region"() ({
      %run_scoped3A = tpu.sem_alloc : memref<!tpu.dma_semaphore, #tpu.memory_space<semaphore_mem>>
      %dma_start3A_187 = arith.constant 0 : i32
      %dma_start3A_188 = tpu.memref_slice %arg24[%add3A_28, %dma_start3A_187] : memref<10240x64xf32, #tpu.memory_space<vmem_shared>> -> memref<128x64xf32, #tpu.memory_space<vmem_shared>>
      %dma_start3A_189 = arith.constant 0 : i32
      %dma_start3A_190 = tpu.memref_slice %arg24[%add3A_28, %dma_start3A_189] : memref<10240x64xf32, #tpu.memory_space<vmem_shared>> -> memref<128x64xf32, #tpu.memory_space<vmem_shared>>
      tpu.enqueue_dma source(%arg7 : memref<128x64xf32, #tpu.memory_space<vmem>>) target(%dma_start3A_190 : memref<128x64xf32, #tpu.memory_space<vmem_shared>>) target_semaphore(%run_scoped3A : memref<!tpu.dma_semaphore, #tpu.memory_space<semaphore_mem>>)
      %dma_wait3A_191 = arith.constant 0 : i32
      %dma_wait3A_192 = tpu.memref_slice %arg24[%add3A_28, %dma_wait3A_191] : memref<10240x64xf32, #tpu.memory_space<vmem_shared>> -> memref<128x64xf32, #tpu.memory_space<vmem_shared>>
      %dma_wait3A_193 = arith.constant 0 : i32
      %dma_wait3A_194 = tpu.memref_slice %arg24[%add3A_28, %dma_wait3A_193] : memref<10240x64xf32, #tpu.memory_space<vmem_shared>> -> memref<128x64xf32, #tpu.memory_space<vmem_shared>>
      tpu.wait_dma2 semaphore(%run_scoped3A : memref<!tpu.dma_semaphore, #tpu.memory_space<semaphore_mem>>) src(%arg7 : memref<128x64xf32, #tpu.memory_space<vmem>>) dst(%dma_wait3A_194 : memref<128x64xf32, #tpu.memory_space<vmem_shared>>)
      tpu.yield
    }) : () -> ()
    %mul3A_29 = arith.constant 640 : i32
    %mul3A_30 = arith.muli %arg1, %mul3A_29 : i32
    %add3A_31 = arith.constant 512 : i32
    %add3A_32 = arith.addi %mul3A_30, %add3A_31 : i32
    "tpu.region"() ({
      %run_scoped3A = tpu.sem_alloc : memref<!tpu.dma_semaphore, #tpu.memory_space<semaphore_mem>>
      %dma_start3A_187 = arith.constant 0 : i32
      %dma_start3A_188 = tpu.memref_slice %arg24[%add3A_32, %dma_start3A_187] : memref<10240x64xf32, #tpu.memory_space<vmem_shared>> -> memref<128x64xf32, #tpu.memory_space<vmem_shared>>
      %dma_start3A_189 = arith.constant 0 : i32
      %dma_start3A_190 = tpu.memref_slice %arg24[%add3A_32, %dma_start3A_189] : memref<10240x64xf32, #tpu.memory_space<vmem_shared>> -> memref<128x64xf32, #tpu.memory_space<vmem_shared>>
      tpu.enqueue_dma source(%arg7 : memref<128x64xf32, #tpu.memory_space<vmem>>) target(%dma_start3A_190 : memref<128x64xf32, #tpu.memory_space<vmem_shared>>) target_semaphore(%run_scoped3A : memref<!tpu.dma_semaphore, #tpu.memory_space<semaphore_mem>>)
      %dma_wait3A_191 = arith.constant 0 : i32
      %dma_wait3A_192 = tpu.memref_slice %arg24[%add3A_32, %dma_wait3A_191] : memref<10240x64xf32, #tpu.memory_space<vmem_shared>> -> memref<128x64xf32, #tpu.memory_space<vmem_shared>>
      %dma_wait3A_193 = arith.constant 0 : i32
      %dma_wait3A_194 = tpu.memref_slice %arg24[%add3A_32, %dma_wait3A_193] : memref<10240x64xf32, #tpu.memory_space<vmem_shared>> -> memref<128x64xf32, #tpu.memory_space<vmem_shared>>
      tpu.wait_dma2 semaphore(%run_scoped3A : memref<!tpu.dma_semaphore, #tpu.memory_space<semaphore_mem>>) src(%arg7 : memref<128x64xf32, #tpu.memory_space<vmem>>) dst(%dma_wait3A_194 : memref<128x64xf32, #tpu.memory_space<vmem_shared>>)
      tpu.yield
    }) : () -> ()
    %barrier3A = arith.constant 0 : index
    tpu.barrier barrier_id(%barrier3A)
    %add3A_33 = arith.constant 0 : i32
    %add3A_34 = arith.addi %mul3A_0, %add3A_33 : i32
    %dma_start3A = arith.constant 0 : i32
    %dma_start3A_35 = arith.constant 0 : i32
    %dma_start3A_36 = arith.constant 0 : i32
    %dma_start3A_37 = tpu.memref_slice %arg6[%dma_start3A, %dma_start3A_35, %dma_start3A_36] : memref<4x3x128xi32, #tpu.memory_space<vmem>> -> memref<1x3x128xi32, #tpu.memory_space<vmem>>
    %dma_start3A_38 = tpu.memref_squeeze %dma_start3A_37 : memref<1x3x128xi32, #tpu.memory_space<vmem>> -> memref<3x128xi32, #tpu.memory_space<vmem>>
    %dma_start3A_39 = arith.constant 0 : i32
    %dma_start3A_40 = arith.constant 0 : i32
    %dma_start3A_41 = tpu.memref_slice %arg4[%add3A_34, %dma_start3A_39, %dma_start3A_40] : memref<2560x3x128xi32, #tpu.memory_space<hbm>> -> memref<1x3x128xi32, #tpu.memory_space<hbm>>
    %dma_start3A_42 = tpu.memref_squeeze %dma_start3A_41 : memref<1x3x128xi32, #tpu.memory_space<hbm>> -> memref<3x128xi32, #tpu.memory_space<hbm>>
    %dma_start3A_43 = arith.constant 0 : i32
    %dma_start3A_44 = arith.constant 0 : i32
    %dma_start3A_45 = tpu.memref_slice %arg6[%dma_start3A, %dma_start3A_43, %dma_start3A_44] : memref<4x3x128xi32, #tpu.memory_space<vmem>> -> memref<1x3x128xi32, #tpu.memory_space<vmem>>
    %dma_start3A_46 = tpu.memref_squeeze %dma_start3A_45 : memref<1x3x128xi32, #tpu.memory_space<vmem>> -> memref<3x128xi32, #tpu.memory_space<vmem>>
    %dma_start3A_47 = arith.constant 0 : i32
    %dma_start3A_48 = arith.constant 0 : i32
    %dma_start3A_49 = tpu.memref_slice %arg4[%add3A_34, %dma_start3A_47, %dma_start3A_48] : memref<2560x3x128xi32, #tpu.memory_space<hbm>> -> memref<1x3x128xi32, #tpu.memory_space<hbm>>
    %dma_start3A_50 = tpu.memref_squeeze %dma_start3A_49 : memref<1x3x128xi32, #tpu.memory_space<hbm>> -> memref<3x128xi32, #tpu.memory_space<hbm>>
    tpu.enqueue_dma source(%dma_start3A_50 : memref<3x128xi32, #tpu.memory_space<hbm>>) target(%dma_start3A_46 : memref<3x128xi32, #tpu.memory_space<vmem>>) target_semaphore(%arg19 : memref<!tpu.dma_semaphore, #tpu.memory_space<semaphore_mem>>)
    %add3A_51 = arith.constant 1 : i32
    %add3A_52 = arith.addi %mul3A_0, %add3A_51 : i32
    %dma_start3A_53 = arith.constant 1 : i32
    %dma_start3A_54 = arith.constant 0 : i32
    %dma_start3A_55 = arith.constant 0 : i32
    %dma_start3A_56 = tpu.memref_slice %arg6[%dma_start3A_53, %dma_start3A_54, %dma_start3A_55] : memref<4x3x128xi32, #tpu.memory_space<vmem>> -> memref<1x3x128xi32, #tpu.memory_space<vmem>>
    %dma_start3A_57 = tpu.memref_squeeze %dma_start3A_56 : memref<1x3x128xi32, #tpu.memory_space<vmem>> -> memref<3x128xi32, #tpu.memory_space<vmem>>
    %dma_start3A_58 = arith.constant 0 : i32
    %dma_start3A_59 = arith.constant 0 : i32
    %dma_start3A_60 = tpu.memref_slice %arg4[%add3A_52, %dma_start3A_58, %dma_start3A_59] : memref<2560x3x128xi32, #tpu.memory_space<hbm>> -> memref<1x3x128xi32, #tpu.memory_space<hbm>>
    %dma_start3A_61 = tpu.memref_squeeze %dma_start3A_60 : memref<1x3x128xi32, #tpu.memory_space<hbm>> -> memref<3x128xi32, #tpu.memory_space<hbm>>
    %dma_start3A_62 = arith.constant 0 : i32
    %dma_start3A_63 = arith.constant 0 : i32
    %dma_start3A_64 = tpu.memref_slice %arg6[%dma_start3A_53, %dma_start3A_62, %dma_start3A_63] : memref<4x3x128xi32, #tpu.memory_space<vmem>> -> memref<1x3x128xi32, #tpu.memory_space<vmem>>
    %dma_start3A_65 = tpu.memref_squeeze %dma_start3A_64 : memref<1x3x128xi32, #tpu.memory_space<vmem>> -> memref<3x128xi32, #tpu.memory_space<vmem>>
    %dma_start3A_66 = arith.constant 0 : i32
    %dma_start3A_67 = arith.constant 0 : i32
    %dma_start3A_68 = tpu.memref_slice %arg4[%add3A_52, %dma_start3A_66, %dma_start3A_67] : memref<2560x3x128xi32, #tpu.memory_space<hbm>> -> memref<1x3x128xi32, #tpu.memory_space<hbm>>
    %dma_start3A_69 = tpu.memref_squeeze %dma_start3A_68 : memref<1x3x128xi32, #tpu.memory_space<hbm>> -> memref<3x128xi32, #tpu.memory_space<hbm>>
    tpu.enqueue_dma source(%dma_start3A_69 : memref<3x128xi32, #tpu.memory_space<hbm>>) target(%dma_start3A_65 : memref<3x128xi32, #tpu.memory_space<vmem>>) target_semaphore(%arg20 : memref<!tpu.dma_semaphore, #tpu.memory_space<semaphore_mem>>)
    %add3A_70 = arith.constant 0 : i32
    %add3A_71 = arith.addi %mul3A_0, %add3A_70 : i32
    %dma_wait3A = arith.constant 0 : i32
    %dma_wait3A_72 = arith.constant 0 : i32
    %dma_wait3A_73 = arith.constant 0 : i32
    %dma_wait3A_74 = tpu.memref_slice %arg6[%dma_wait3A, %dma_wait3A_72, %dma_wait3A_73] : memref<4x3x128xi32, #tpu.memory_space<vmem>> -> memref<1x3x128xi32, #tpu.memory_space<vmem>>
    %dma_wait3A_75 = tpu.memref_squeeze %dma_wait3A_74 : memref<1x3x128xi32, #tpu.memory_space<vmem>> -> memref<3x128xi32, #tpu.memory_space<vmem>>
    %dma_wait3A_76 = arith.constant 0 : i32
    %dma_wait3A_77 = arith.constant 0 : i32
    %dma_wait3A_78 = tpu.memref_slice %arg4[%add3A_71, %dma_wait3A_76, %dma_wait3A_77] : memref<2560x3x128xi32, #tpu.memory_space<hbm>> -> memref<1x3x128xi32, #tpu.memory_space<hbm>>
    %dma_wait3A_79 = tpu.memref_squeeze %dma_wait3A_78 : memref<1x3x128xi32, #tpu.memory_space<hbm>> -> memref<3x128xi32, #tpu.memory_space<hbm>>
    %dma_wait3A_80 = arith.constant 0 : i32
    %dma_wait3A_81 = arith.constant 0 : i32
    %dma_wait3A_82 = tpu.memref_slice %arg6[%dma_wait3A, %dma_wait3A_80, %dma_wait3A_81] : memref<4x3x128xi32, #tpu.memory_space<vmem>> -> memref<1x3x128xi32, #tpu.memory_space<vmem>>
    %dma_wait3A_83 = tpu.memref_squeeze %dma_wait3A_82 : memref<1x3x128xi32, #tpu.memory_space<vmem>> -> memref<3x128xi32, #tpu.memory_space<vmem>>
    %dma_wait3A_84 = arith.constant 0 : i32
    %dma_wait3A_85 = arith.constant 0 : i32
    %dma_wait3A_86 = tpu.memref_slice %arg4[%add3A_71, %dma_wait3A_84, %dma_wait3A_85] : memref<2560x3x128xi32, #tpu.memory_space<hbm>> -> memref<1x3x128xi32, #tpu.memory_space<hbm>>
    %dma_wait3A_87 = tpu.memref_squeeze %dma_wait3A_86 : memref<1x3x128xi32, #tpu.memory_space<hbm>> -> memref<3x128xi32, #tpu.memory_space<hbm>>
    tpu.wait_dma2 semaphore(%arg19 : memref<!tpu.dma_semaphore, #tpu.memory_space<semaphore_mem>>) src(%dma_wait3A_87 : memref<3x128xi32, #tpu.memory_space<hbm>>) dst(%dma_wait3A_83 : memref<3x128xi32, #tpu.memory_space<vmem>>)
    %dma_start3A_88 = arith.constant 0 : i32
    %dma_start3A_89 = arith.constant 0 : i32
    %dma_start3A_90 = arith.constant 0 : i32
    %dma_start3A_91 = tpu.memref_slice %arg6[%dma_start3A_88, %dma_start3A_89, %dma_start3A_90] : memref<4x3x128xi32, #tpu.memory_space<vmem>> -> memref<1x1x128xi32, #tpu.memory_space<vmem>>
    %dma_start3A_92 = tpu.memref_squeeze %dma_start3A_91 : memref<1x1x128xi32, #tpu.memory_space<vmem>> -> memref<128xi32, #tpu.memory_space<vmem>>
    %dma_start3A_93 = arith.constant 0 : i32
    %dma_start3A_94 = arith.constant 0 : i32
    %dma_start3A_95 = tpu.memref_slice %arg23[%dma_start3A_93, %dma_start3A_94] : memref<10240x64xf32, #tpu.memory_space<vmem_shared>> -> memref<10240x64xf32, #tpu.memory_space<vmem_shared>>
    tpu.enqueue_indirect_dma source(%dma_start3A_95 : memref<10240x64xf32, #tpu.memory_space<vmem_shared>>) target(%arg7 : memref<128x64xf32, #tpu.memory_space<vmem>>) offsets(%dma_start3A_92 : memref<128xi32, #tpu.memory_space<vmem>>) semaphore(%arg11 : memref<!tpu.dma_semaphore, #tpu.memory_space<semaphore_mem>>)
    %add3A_96 = arith.constant 1 : i32
    %add3A_97 = arith.addi %mul3A_0, %add3A_96 : i32
    %dma_wait3A_98 = arith.constant 1 : i32
    %dma_wait3A_99 = arith.constant 0 : i32
    %dma_wait3A_100 = arith.constant 0 : i32
    %dma_wait3A_101 = tpu.memref_slice %arg6[%dma_wait3A_98, %dma_wait3A_99, %dma_wait3A_100] : memref<4x3x128xi32, #tpu.memory_space<vmem>> -> memref<1x3x128xi32, #tpu.memory_space<vmem>>
    %dma_wait3A_102 = tpu.memref_squeeze %dma_wait3A_101 : memref<1x3x128xi32, #tpu.memory_space<vmem>> -> memref<3x128xi32, #tpu.memory_space<vmem>>
    %dma_wait3A_103 = arith.constant 0 : i32
    %dma_wait3A_104 = arith.constant 0 : i32
    %dma_wait3A_105 = tpu.memref_slice %arg4[%add3A_97, %dma_wait3A_103, %dma_wait3A_104] : memref<2560x3x128xi32, #tpu.memory_space<hbm>> -> memref<1x3x128xi32, #tpu.memory_space<hbm>>
    %dma_wait3A_106 = tpu.memref_squeeze %dma_wait3A_105 : memref<1x3x128xi32, #tpu.memory_space<hbm>> -> memref<3x128xi32, #tpu.memory_space<hbm>>
    %dma_wait3A_107 = arith.constant 0 : i32
    %dma_wait3A_108 = arith.constant 0 : i32
    %dma_wait3A_109 = tpu.memref_slice %arg6[%dma_wait3A_98, %dma_wait3A_107, %dma_wait3A_108] : memref<4x3x128xi32, #tpu.memory_space<vmem>> -> memref<1x3x128xi32, #tpu.memory_space<vmem>>
    %dma_wait3A_110 = tpu.memref_squeeze %dma_wait3A_109 : memref<1x3x128xi32, #tpu.memory_space<vmem>> -> memref<3x128xi32, #tpu.memory_space<vmem>>
    %dma_wait3A_111 = arith.constant 0 : i32
    %dma_wait3A_112 = arith.constant 0 : i32
    %dma_wait3A_113 = tpu.memref_slice %arg4[%add3A_97, %dma_wait3A_111, %dma_wait3A_112] : memref<2560x3x128xi32, #tpu.memory_space<hbm>> -> memref<1x3x128xi32, #tpu.memory_space<hbm>>
    %dma_wait3A_114 = tpu.memref_squeeze %dma_wait3A_113 : memref<1x3x128xi32, #tpu.memory_space<hbm>> -> memref<3x128xi32, #tpu.memory_space<hbm>>
    tpu.wait_dma2 semaphore(%arg20 : memref<!tpu.dma_semaphore, #tpu.memory_space<semaphore_mem>>) src(%dma_wait3A_114 : memref<3x128xi32, #tpu.memory_space<hbm>>) dst(%dma_wait3A_110 : memref<3x128xi32, #tpu.memory_space<vmem>>)
    %dma_start3A_115 = arith.constant 1 : i32
    %dma_start3A_116 = arith.constant 0 : i32
    %dma_start3A_117 = arith.constant 0 : i32
    %dma_start3A_118 = tpu.memref_slice %arg6[%dma_start3A_115, %dma_start3A_116, %dma_start3A_117] : memref<4x3x128xi32, #tpu.memory_space<vmem>> -> memref<1x1x128xi32, #tpu.memory_space<vmem>>
    %dma_start3A_119 = tpu.memref_squeeze %dma_start3A_118 : memref<1x1x128xi32, #tpu.memory_space<vmem>> -> memref<128xi32, #tpu.memory_space<vmem>>
    %dma_start3A_120 = arith.constant 0 : i32
    %dma_start3A_121 = arith.constant 0 : i32
    %dma_start3A_122 = tpu.memref_slice %arg23[%dma_start3A_120, %dma_start3A_121] : memref<10240x64xf32, #tpu.memory_space<vmem_shared>> -> memref<10240x64xf32, #tpu.memory_space<vmem_shared>>
    tpu.enqueue_indirect_dma source(%dma_start3A_122 : memref<10240x64xf32, #tpu.memory_space<vmem_shared>>) target(%arg8 : memref<128x64xf32, #tpu.memory_space<vmem>>) offsets(%dma_start3A_119 : memref<128xi32, #tpu.memory_space<vmem>>) semaphore(%arg12 : memref<!tpu.dma_semaphore, #tpu.memory_space<semaphore_mem>>)
    %scan3A_123 = arith.constant 0 : i32
    %scan3A_124 = arith.constant 0 : i32
    %scan3A_125 = arith.constant 40 : i32
    %scan3A_126 = arith.addi %scan3A_124, %scan3A_125 : i32
    %scan3A_127 = arith.constant 1 : i32
    %scan3A_128 = scf.for %scan3A_187 = %scan3A_124 to %scan3A_126 step %scan3A_127 iter_args(%scan3A_188 = %scan3A_123) -> (i32)  : i32 {
      %mul3A_189 = arith.constant 4 : i32
      %mul3A_190 = arith.muli %mul3A_189, %scan3A_187 : i32
      %add3A_191 = arith.constant 0 : i32
      %add3A_192 = arith.addi %mul3A_190, %add3A_191 : i32
      %dma_wait3A_193 = arith.constant 0 : i32
      %dma_wait3A_194 = arith.constant 0 : i32
      %dma_wait3A_195 = arith.constant 0 : i32
      %dma_wait3A_196 = tpu.memref_slice %arg6[%dma_wait3A_193, %dma_wait3A_194, %dma_wait3A_195] : memref<4x3x128xi32, #tpu.memory_space<vmem>> -> memref<1x1x128xi32, #tpu.memory_space<vmem>>
      %dma_wait3A_197 = tpu.memref_squeeze %dma_wait3A_196 : memref<1x1x128xi32, #tpu.memory_space<vmem>> -> memref<128xi32, #tpu.memory_space<vmem>>
      %dma_wait3A_198 = arith.constant 0 : i32
      %dma_wait3A_199 = arith.constant 0 : i32
      %dma_wait3A_200 = tpu.memref_slice %arg23[%dma_wait3A_198, %dma_wait3A_199] : memref<10240x64xf32, #tpu.memory_space<vmem_shared>> -> memref<10240x64xf32, #tpu.memory_space<vmem_shared>>
      tpu.wait_indirect_dma semaphore(%arg11 : memref<!tpu.dma_semaphore, #tpu.memory_space<semaphore_mem>>) src(%dma_wait3A_200 : memref<10240x64xf32, #tpu.memory_space<vmem_shared>>) dst(%arg7 : memref<128x64xf32, #tpu.memory_space<vmem>>)
      %broadcast_in_dim3A = arith.constant 0 : i32
      %broadcast_in_dim3A_201 = vector.broadcast %broadcast_in_dim3A : i32 to vector<16xi32>
      %broadcast_in_dim3A_202 = arith.constant 2 : i32
      %broadcast_in_dim3A_203 = vector.broadcast %broadcast_in_dim3A_202 : i32 to vector<16xi32>
      %scan3A_204 = arith.constant 0 : i32
      %scan3A_205 = arith.constant 0 : i32
      %scan3A_206 = arith.constant 32 : i32
      %scan3A_207 = arith.addi %scan3A_205, %scan3A_206 : i32
      %scan3A_208 = arith.constant 1 : i32
      %scan3A_209 = scf.for %scan3A_351 = %scan3A_205 to %scan3A_207 step %scan3A_208 iter_args(%scan3A_352 = %scan3A_204) -> (i32)  : i32 {
        %mul3A_353 = arith.constant 4 : i32
        %mul3A_354 = arith.muli %scan3A_351, %mul3A_353 : i32
        %add3A_355 = arith.constant 0 : i32
        %add3A_356 = arith.addi %mul3A_354, %add3A_355 : i32
        %broadcast_in_dim3A_357 = arith.constant 0 : i32
        %broadcast_in_dim3A_358 = vector.broadcast %broadcast_in_dim3A_357 : i32 to vector<16xi32>
        %add3A_359 = vector.broadcast %add3A_356 : i32 to vector<16xi32>
        %add3A_360 = arith.addi %broadcast_in_dim3A_358, %add3A_359 : vector<16xi32>
        %gather3A = tpu.vector_load_idx %arg6[%broadcast_in_dim3A_201, %broadcast_in_dim3A_203, %add3A_360] : memref<4x3x128xi32, #tpu.memory_space<vmem>>[vector<16xi32>, vector<16xi32>, vector<16xi32>], vector<16xi32>,
        %bitcast3A = vector.bitcast %gather3A : vector<16xi32> to vector<16xf32>
        %get3A = arith.index_cast %add3A_356 : i32 to index
        %get3A_361 = arith.constant 0 : index
        %get3A_362 = tpu.vector_load %arg7[%get3A, %get3A_361] {strides = array<i32>} : memref<128x64xf32, #tpu.memory_space<vmem>>, vector<16xf32>,
        %mul3A_363 = arith.mulf %get3A_362, %bitcast3A : vector<16xf32>
        %swap3A = arith.index_cast %add3A_356 : i32 to index
        %swap3A_364 = arith.constant 0 : index
        %swap3A_365 = tpu.vector_load %arg7[%swap3A, %swap3A_364] {strides = array<i32>} : memref<128x64xf32, #tpu.memory_space<vmem>>, vector<16xf32>,
        tpu.vector_store %arg7[%swap3A, %swap3A_364], %mul3A_363 {strides = array<i32>} : memref<128x64xf32, #tpu.memory_space<vmem>>, vector<16xf32>,
        %get3A_366 = arith.index_cast %add3A_356 : i32 to index
        %get3A_367 = arith.constant 16 : index
        %get3A_368 = tpu.vector_load %arg7[%get3A_366, %get3A_367] {strides = array<i32>} : memref<128x64xf32, #tpu.memory_space<vmem>>, vector<16xf32>,
        %mul3A_369 = arith.mulf %get3A_368, %bitcast3A : vector<16xf32>
        %swap3A_370 = arith.index_cast %add3A_356 : i32 to index
        %swap3A_371 = arith.constant 16 : index
        %swap3A_372 = tpu.vector_load %arg7[%swap3A_370, %swap3A_371] {strides = array<i32>} : memref<128x64xf32, #tpu.memory_space<vmem>>, vector<16xf32>,
        tpu.vector_store %arg7[%swap3A_370, %swap3A_371], %mul3A_369 {strides = array<i32>} : memref<128x64xf32, #tpu.memory_space<vmem>>, vector<16xf32>,
        %get3A_373 = arith.index_cast %add3A_356 : i32 to index
        %get3A_374 = arith.constant 32 : index
        %get3A_375 = tpu.vector_load %arg7[%get3A_373, %get3A_374] {strides = array<i32>} : memref<128x64xf32, #tpu.memory_space<vmem>>, vector<16xf32>,
        %mul3A_376 = arith.mulf %get3A_375, %bitcast3A : vector<16xf32>
        %swap3A_377 = arith.index_cast %add3A_356 : i32 to index
        %swap3A_378 = arith.constant 32 : index
        %swap3A_379 = tpu.vector_load %arg7[%swap3A_377, %swap3A_378] {strides = array<i32>} : memref<128x64xf32, #tpu.memory_space<vmem>>, vector<16xf32>,
        tpu.vector_store %arg7[%swap3A_377, %swap3A_378], %mul3A_376 {strides = array<i32>} : memref<128x64xf32, #tpu.memory_space<vmem>>, vector<16xf32>,
        %get3A_380 = arith.index_cast %add3A_356 : i32 to index
        %get3A_381 = arith.constant 48 : index
        %get3A_382 = tpu.vector_load %arg7[%get3A_380, %get3A_381] {strides = array<i32>} : memref<128x64xf32, #tpu.memory_space<vmem>>, vector<16xf32>,
        %mul3A_383 = arith.mulf %get3A_382, %bitcast3A : vector<16xf32>
        %swap3A_384 = arith.index_cast %add3A_356 : i32 to index
        %swap3A_385 = arith.constant 48 : index
        %swap3A_386 = tpu.vector_load %arg7[%swap3A_384, %swap3A_385] {strides = array<i32>} : memref<128x64xf32, #tpu.memory_space<vmem>>, vector<16xf32>,
        tpu.vector_store %arg7[%swap3A_384, %swap3A_385], %mul3A_383 {strides = array<i32>} : memref<128x64xf32, #tpu.memory_space<vmem>>, vector<16xf32>,
        %mul3A_387 = arith.constant 4 : i32
        %mul3A_388 = arith.muli %scan3A_351, %mul3A_387 : i32
        %add3A_389 = arith.constant 1 : i32
        %add3A_390 = arith.addi %mul3A_388, %add3A_389 : i32
        %broadcast_in_dim3A_391 = arith.constant 0 : i32
        %broadcast_in_dim3A_392 = vector.broadcast %broadcast_in_dim3A_391 : i32 to vector<16xi32>
        %add3A_393 = vector.broadcast %add3A_390 : i32 to vector<16xi32>
        %add3A_394 = arith.addi %broadcast_in_dim3A_392, %add3A_393 : vector<16xi32>
        %gather3A_395 = tpu.vector_load_idx %arg6[%broadcast_in_dim3A_201, %broadcast_in_dim3A_203, %add3A_394] : memref<4x3x128xi32, #tpu.memory_space<vmem>>[vector<16xi32>, vector<16xi32>, vector<16xi32>], vector<16xi32>,
        %bitcast3A_396 = vector.bitcast %gather3A_395 : vector<16xi32> to vector<16xf32>
        %get3A_397 = arith.index_cast %add3A_390 : i32 to index
        %get3A_398 = arith.constant 0 : index
        %get3A_399 = tpu.vector_load %arg7[%get3A_397, %get3A_398] {strides = array<i32>} : memref<128x64xf32, #tpu.memory_space<vmem>>, vector<16xf32>,
        %mul3A_400 = arith.mulf %get3A_399, %bitcast3A_396 : vector<16xf32>
        %swap3A_401 = arith.index_cast %add3A_390 : i32 to index
        %swap3A_402 = arith.constant 0 : index
        %swap3A_403 = tpu.vector_load %arg7[%swap3A_401, %swap3A_402] {strides = array<i32>} : memref<128x64xf32, #tpu.memory_space<vmem>>, vector<16xf32>,
        tpu.vector_store %arg7[%swap3A_401, %swap3A_402], %mul3A_400 {strides = array<i32>} : memref<128x64xf32, #tpu.memory_space<vmem>>, vector<16xf32>,
        %get3A_404 = arith.index_cast %add3A_390 : i32 to index
        %get3A_405 = arith.constant 16 : index
        %get3A_406 = tpu.vector_load %arg7[%get3A_404, %get3A_405] {strides = array<i32>} : memref<128x64xf32, #tpu.memory_space<vmem>>, vector<16xf32>,
        %mul3A_407 = arith.mulf %get3A_406, %bitcast3A_396 : vector<16xf32>
        %swap3A_408 = arith.index_cast %add3A_390 : i32 to index
        %swap3A_409 = arith.constant 16 : index
        %swap3A_410 = tpu.vector_load %arg7[%swap3A_408, %swap3A_409] {strides = array<i32>} : memref<128x64xf32, #tpu.memory_space<vmem>>, vector<16xf32>,
        tpu.vector_store %arg7[%swap3A_408, %swap3A_409], %mul3A_407 {strides = array<i32>} : memref<128x64xf32, #tpu.memory_space<vmem>>, vector<16xf32>,
        %get3A_411 = arith.index_cast %add3A_390 : i32 to index
        %get3A_412 = arith.constant 32 : index
        %get3A_413 = tpu.vector_load %arg7[%get3A_411, %get3A_412] {strides = array<i32>} : memref<128x64xf32, #tpu.memory_space<vmem>>, vector<16xf32>,
        %mul3A_414 = arith.mulf %get3A_413, %bitcast3A_396 : vector<16xf32>
        %swap3A_415 = arith.index_cast %add3A_390 : i32 to index
        %swap3A_416 = arith.constant 32 : index
        %swap3A_417 = tpu.vector_load %arg7[%swap3A_415, %swap3A_416] {strides = array<i32>} : memref<128x64xf32, #tpu.memory_space<vmem>>, vector<16xf32>,
        tpu.vector_store %arg7[%swap3A_415, %swap3A_416], %mul3A_414 {strides = array<i32>} : memref<128x64xf32, #tpu.memory_space<vmem>>, vector<16xf32>,
        %get3A_418 = arith.index_cast %add3A_390 : i32 to index
        %get3A_419 = arith.constant 48 : index
        %get3A_420 = tpu.vector_load %arg7[%get3A_418, %get3A_419] {strides = array<i32>} : memref<128x64xf32, #tpu.memory_space<vmem>>, vector<16xf32>,
        %mul3A_421 = arith.mulf %get3A_420, %bitcast3A_396 : vector<16xf32>
        %swap3A_422 = arith.index_cast %add3A_390 : i32 to index
        %swap3A_423 = arith.constant 48 : index
        %swap3A_424 = tpu.vector_load %arg7[%swap3A_422, %swap3A_423] {strides = array<i32>} : memref<128x64xf32, #tpu.memory_space<vmem>>, vector<16xf32>,
        tpu.vector_store %arg7[%swap3A_422, %swap3A_423], %mul3A_421 {strides = array<i32>} : memref<128x64xf32, #tpu.memory_space<vmem>>, vector<16xf32>,
        %mul3A_425 = arith.constant 4 : i32
        %mul3A_426 = arith.muli %scan3A_351, %mul3A_425 : i32
        %add3A_427 = arith.constant 2 : i32
        %add3A_428 = arith.addi %mul3A_426, %add3A_427 : i32
        %broadcast_in_dim3A_429 = arith.constant 0 : i32
        %broadcast_in_dim3A_430 = vector.broadcast %broadcast_in_dim3A_429 : i32 to vector<16xi32>
        %add3A_431 = vector.broadcast %add3A_428 : i32 to vector<16xi32>
        %add3A_432 = arith.addi %broadcast_in_dim3A_430, %add3A_431 : vector<16xi32>
        %gather3A_433 = tpu.vector_load_idx %arg6[%broadcast_in_dim3A_201, %broadcast_in_dim3A_203, %add3A_432] : memref<4x3x128xi32, #tpu.memory_space<vmem>>[vector<16xi32>, vector<16xi32>, vector<16xi32>], vector<16xi32>,
        %bitcast3A_434 = vector.bitcast %gather3A_433 : vector<16xi32> to vector<16xf32>
        %get3A_435 = arith.index_cast %add3A_428 : i32 to index
        %get3A_436 = arith.constant 0 : index
        %get3A_437 = tpu.vector_load %arg7[%get3A_435, %get3A_436] {strides = array<i32>} : memref<128x64xf32, #tpu.memory_space<vmem>>, vector<16xf32>,
        %mul3A_438 = arith.mulf %get3A_437, %bitcast3A_434 : vector<16xf32>
        %swap3A_439 = arith.index_cast %add3A_428 : i32 to index
        %swap3A_440 = arith.constant 0 : index
        %swap3A_441 = tpu.vector_load %arg7[%swap3A_439, %swap3A_440] {strides = array<i32>} : memref<128x64xf32, #tpu.memory_space<vmem>>, vector<16xf32>,
        tpu.vector_store %arg7[%swap3A_439, %swap3A_440], %mul3A_438 {strides = array<i32>} : memref<128x64xf32, #tpu.memory_space<vmem>>, vector<16xf32>,
        %get3A_442 = arith.index_cast %add3A_428 : i32 to index
        %get3A_443 = arith.constant 16 : index
        %get3A_444 = tpu.vector_load %arg7[%get3A_442, %get3A_443] {strides = array<i32>} : memref<128x64xf32, #tpu.memory_space<vmem>>, vector<16xf32>,
        %mul3A_445 = arith.mulf %get3A_444, %bitcast3A_434 : vector<16xf32>
        %swap3A_446 = arith.index_cast %add3A_428 : i32 to index
        %swap3A_447 = arith.constant 16 : index
        %swap3A_448 = tpu.vector_load %arg7[%swap3A_446, %swap3A_447] {strides = array<i32>} : memref<128x64xf32, #tpu.memory_space<vmem>>, vector<16xf32>,
        tpu.vector_store %arg7[%swap3A_446, %swap3A_447], %mul3A_445 {strides = array<i32>} : memref<128x64xf32, #tpu.memory_space<vmem>>, vector<16xf32>,
        %get3A_449 = arith.index_cast %add3A_428 : i32 to index
        %get3A_450 = arith.constant 32 : index
        %get3A_451 = tpu.vector_load %arg7[%get3A_449, %get3A_450] {strides = array<i32>} : memref<128x64xf32, #tpu.memory_space<vmem>>, vector<16xf32>,
        %mul3A_452 = arith.mulf %get3A_451, %bitcast3A_434 : vector<16xf32>
        %swap3A_453 = arith.index_cast %add3A_428 : i32 to index
        %swap3A_454 = arith.constant 32 : index
        %swap3A_455 = tpu.vector_load %arg7[%swap3A_453, %swap3A_454] {strides = array<i32>} : memref<128x64xf32, #tpu.memory_space<vmem>>, vector<16xf32>,
        tpu.vector_store %arg7[%swap3A_453, %swap3A_454], %mul3A_452 {strides = array<i32>} : memref<128x64xf32, #tpu.memory_space<vmem>>, vector<16xf32>,
        %get3A_456 = arith.index_cast %add3A_428 : i32 to index
        %get3A_457 = arith.constant 48 : index
        %get3A_458 = tpu.vector_load %arg7[%get3A_456, %get3A_457] {strides = array<i32>} : memref<128x64xf32, #tpu.memory_space<vmem>>, vector<16xf32>,
        %mul3A_459 = arith.mulf %get3A_458, %bitcast3A_434 : vector<16xf32>
        %swap3A_460 = arith.index_cast %add3A_428 : i32 to index
        %swap3A_461 = arith.constant 48 : index
        %swap3A_462 = tpu.vector_load %arg7[%swap3A_460, %swap3A_461] {strides = array<i32>} : memref<128x64xf32, #tpu.memory_space<vmem>>, vector<16xf32>,
        tpu.vector_store %arg7[%swap3A_460, %swap3A_461], %mul3A_459 {strides = array<i32>} : memref<128x64xf32, #tpu.memory_space<vmem>>, vector<16xf32>,
        %mul3A_463 = arith.constant 4 : i32
        %mul3A_464 = arith.muli %scan3A_351, %mul3A_463 : i32
        %add3A_465 = arith.constant 3 : i32
        %add3A_466 = arith.addi %mul3A_464, %add3A_465 : i32
        %broadcast_in_dim3A_467 = arith.constant 0 : i32
        %broadcast_in_dim3A_468 = vector.broadcast %broadcast_in_dim3A_467 : i32 to vector<16xi32>
        %add3A_469 = vector.broadcast %add3A_466 : i32 to vector<16xi32>
        %add3A_470 = arith.addi %broadcast_in_dim3A_468, %add3A_469 : vector<16xi32>
        %gather3A_471 = tpu.vector_load_idx %arg6[%broadcast_in_dim3A_201, %broadcast_in_dim3A_203, %add3A_470] : memref<4x3x128xi32, #tpu.memory_space<vmem>>[vector<16xi32>, vector<16xi32>, vector<16xi32>], vector<16xi32>,
        %bitcast3A_472 = vector.bitcast %gather3A_471 : vector<16xi32> to vector<16xf32>
        %get3A_473 = arith.index_cast %add3A_466 : i32 to index
        %get3A_474 = arith.constant 0 : index
        %get3A_475 = tpu.vector_load %arg7[%get3A_473, %get3A_474] {strides = array<i32>} : memref<128x64xf32, #tpu.memory_space<vmem>>, vector<16xf32>,
        %mul3A_476 = arith.mulf %get3A_475, %bitcast3A_472 : vector<16xf32>
        %swap3A_477 = arith.index_cast %add3A_466 : i32 to index
        %swap3A_478 = arith.constant 0 : index
        %swap3A_479 = tpu.vector_load %arg7[%swap3A_477, %swap3A_478] {strides = array<i32>} : memref<128x64xf32, #tpu.memory_space<vmem>>, vector<16xf32>,
        tpu.vector_store %arg7[%swap3A_477, %swap3A_478], %mul3A_476 {strides = array<i32>} : memref<128x64xf32, #tpu.memory_space<vmem>>, vector<16xf32>,
        %get3A_480 = arith.index_cast %add3A_466 : i32 to index
        %get3A_481 = arith.constant 16 : index
        %get3A_482 = tpu.vector_load %arg7[%get3A_480, %get3A_481] {strides = array<i32>} : memref<128x64xf32, #tpu.memory_space<vmem>>, vector<16xf32>,
        %mul3A_483 = arith.mulf %get3A_482, %bitcast3A_472 : vector<16xf32>
        %swap3A_484 = arith.index_cast %add3A_466 : i32 to index
        %swap3A_485 = arith.constant 16 : index
        %swap3A_486 = tpu.vector_load %arg7[%swap3A_484, %swap3A_485] {strides = array<i32>} : memref<128x64xf32, #tpu.memory_space<vmem>>, vector<16xf32>,
        tpu.vector_store %arg7[%swap3A_484, %swap3A_485], %mul3A_483 {strides = array<i32>} : memref<128x64xf32, #tpu.memory_space<vmem>>, vector<16xf32>,
        %get3A_487 = arith.index_cast %add3A_466 : i32 to index
        %get3A_488 = arith.constant 32 : index
        %get3A_489 = tpu.vector_load %arg7[%get3A_487, %get3A_488] {strides = array<i32>} : memref<128x64xf32, #tpu.memory_space<vmem>>, vector<16xf32>,
        %mul3A_490 = arith.mulf %get3A_489, %bitcast3A_472 : vector<16xf32>
        %swap3A_491 = arith.index_cast %add3A_466 : i32 to index
        %swap3A_492 = arith.constant 32 : index
        %swap3A_493 = tpu.vector_load %arg7[%swap3A_491, %swap3A_492] {strides = array<i32>} : memref<128x64xf32, #tpu.memory_space<vmem>>, vector<16xf32>,
        tpu.vector_store %arg7[%swap3A_491, %swap3A_492], %mul3A_490 {strides = array<i32>} : memref<128x64xf32, #tpu.memory_space<vmem>>, vector<16xf32>,
        %get3A_494 = arith.index_cast %add3A_466 : i32 to index
        %get3A_495 = arith.constant 48 : index
        %get3A_496 = tpu.vector_load %arg7[%get3A_494, %get3A_495] {strides = array<i32>} : memref<128x64xf32, #tpu.memory_space<vmem>>, vector<16xf32>,
        %mul3A_497 = arith.mulf %get3A_496, %bitcast3A_472 : vector<16xf32>
        %swap3A_498 = arith.index_cast %add3A_466 : i32 to index
        %swap3A_499 = arith.constant 48 : index
        %swap3A_500 = tpu.vector_load %arg7[%swap3A_498, %swap3A_499] {strides = array<i32>} : memref<128x64xf32, #tpu.memory_space<vmem>>, vector<16xf32>,
        tpu.vector_store %arg7[%swap3A_498, %swap3A_499], %mul3A_497 {strides = array<i32>} : memref<128x64xf32, #tpu.memory_space<vmem>>, vector<16xf32>,
        %scan3A_501 = arith.constant 0 : i32
        scf.yield %scan3A_501 : i32
      }
      %scan3A_210 = arith.constant 32 : i32
      %dma_start3A_211 = arith.constant 0 : i32
      %dma_start3A_212 = arith.constant 1 : i32
      %dma_start3A_213 = arith.constant 0 : i32
      %dma_start3A_214 = tpu.memref_slice %arg6[%dma_start3A_211, %dma_start3A_212, %dma_start3A_213] : memref<4x3x128xi32, #tpu.memory_space<vmem>> -> memref<1x1x128xi32, #tpu.memory_space<vmem>>
      %dma_start3A_215 = tpu.memref_squeeze %dma_start3A_214 : memref<1x1x128xi32, #tpu.memory_space<vmem>> -> memref<128xi32, #tpu.memory_space<vmem>>
      %dma_start3A_216 = arith.constant 0 : i32
      %dma_start3A_217 = arith.constant 0 : i32
      %dma_start3A_218 = tpu.memref_slice %arg24[%dma_start3A_216, %dma_start3A_217] : memref<10240x64xf32, #tpu.memory_space<vmem_shared>> -> memref<10240x64xf32, #tpu.memory_space<vmem_shared>>
      tpu.enqueue_indirect_dma source(%arg7 : memref<128x64xf32, #tpu.memory_space<vmem>>) target(%dma_start3A_218 : memref<10240x64xf32, #tpu.memory_space<vmem_shared>>) offsets(%dma_start3A_215 : memref<128xi32, #tpu.memory_space<vmem>>) semaphore(%arg15 : memref<!tpu.dma_semaphore, #tpu.memory_space<semaphore_mem>>) {add = true}
      %ge3A = arith.constant 2 : i32
      %ge3A_219 = arith.cmpi sge, %add3A_192, %ge3A : i32
      %convert_element_type3A_220 = arith.extui %ge3A_219 : i1 to i32
      %cond3A_221 = arith.constant 0 : i32
      %cond3A_222 = arith.cmpi ne, %convert_element_type3A_220, %cond3A_221 : i32
      scf.if %cond3A_222 {
        %dma_wait3A_351 = arith.constant 2 : i32
        %dma_wait3A_352 = arith.constant 1 : i32
        %dma_wait3A_353 = arith.constant 0 : i32
        %dma_wait3A_354 = tpu.memref_slice %arg6[%dma_wait3A_351, %dma_wait3A_352, %dma_wait3A_353] : memref<4x3x128xi32, #tpu.memory_space<vmem>> -> memref<1x1x128xi32, #tpu.memory_space<vmem>>
        %dma_wait3A_355 = tpu.memref_squeeze %dma_wait3A_354 : memref<1x1x128xi32, #tpu.memory_space<vmem>> -> memref<128xi32, #tpu.memory_space<vmem>>
        %dma_wait3A_356 = arith.constant 0 : i32
        %dma_wait3A_357 = arith.constant 0 : i32
        %dma_wait3A_358 = tpu.memref_slice %arg24[%dma_wait3A_356, %dma_wait3A_357] : memref<10240x64xf32, #tpu.memory_space<vmem_shared>> -> memref<10240x64xf32, #tpu.memory_space<vmem_shared>>
        tpu.wait_indirect_dma semaphore(%arg17 : memref<!tpu.dma_semaphore, #tpu.memory_space<semaphore_mem>>) src(%arg9 : memref<128x64xf32, #tpu.memory_space<vmem>>) dst(%dma_wait3A_358 : memref<10240x64xf32, #tpu.memory_space<vmem_shared>>)
      } else {
      }
      %lt3A = arith.constant 158 : i32
      %lt3A_223 = arith.cmpi slt, %add3A_192, %lt3A : i32
      %convert_element_type3A_224 = arith.extui %lt3A_223 : i1 to i32
      %cond3A_225 = arith.constant 0 : i32
      %cond3A_226 = arith.cmpi ne, %convert_element_type3A_224, %cond3A_225 : i32
      scf.if %cond3A_226 {
        %add3A_351 = arith.addi %mul3A_0, %add3A_192 : i32
        %add3A_352 = arith.constant 2 : i32
        %add3A_353 = arith.addi %add3A_351, %add3A_352 : i32
        %dma_start3A_354 = arith.constant 2 : i32
        %dma_start3A_355 = arith.constant 0 : i32
        %dma_start3A_356 = arith.constant 0 : i32
        %dma_start3A_357 = tpu.memref_slice %arg6[%dma_start3A_354, %dma_start3A_355, %dma_start3A_356] : memref<4x3x128xi32, #tpu.memory_space<vmem>> -> memref<1x3x128xi32, #tpu.memory_space<vmem>>
        %dma_start3A_358 = tpu.memref_squeeze %dma_start3A_357 : memref<1x3x128xi32, #tpu.memory_space<vmem>> -> memref<3x128xi32, #tpu.memory_space<vmem>>
        %dma_start3A_359 = arith.constant 0 : i32
        %dma_start3A_360 = arith.constant 0 : i32
        %dma_start3A_361 = tpu.memref_slice %arg4[%add3A_353, %dma_start3A_359, %dma_start3A_360] : memref<2560x3x128xi32, #tpu.memory_space<hbm>> -> memref<1x3x128xi32, #tpu.memory_space<hbm>>
        %dma_start3A_362 = tpu.memref_squeeze %dma_start3A_361 : memref<1x3x128xi32, #tpu.memory_space<hbm>> -> memref<3x128xi32, #tpu.memory_space<hbm>>
        %dma_start3A_363 = arith.constant 0 : i32
        %dma_start3A_364 = arith.constant 0 : i32
        %dma_start3A_365 = tpu.memref_slice %arg6[%dma_start3A_354, %dma_start3A_363, %dma_start3A_364] : memref<4x3x128xi32, #tpu.memory_space<vmem>> -> memref<1x3x128xi32, #tpu.memory_space<vmem>>
        %dma_start3A_366 = tpu.memref_squeeze %dma_start3A_365 : memref<1x3x128xi32, #tpu.memory_space<vmem>> -> memref<3x128xi32, #tpu.memory_space<vmem>>
        %dma_start3A_367 = arith.constant 0 : i32
        %dma_start3A_368 = arith.constant 0 : i32
        %dma_start3A_369 = tpu.memref_slice %arg4[%add3A_353, %dma_start3A_367, %dma_start3A_368] : memref<2560x3x128xi32, #tpu.memory_space<hbm>> -> memref<1x3x128xi32, #tpu.memory_space<hbm>>
        %dma_start3A_370 = tpu.memref_squeeze %dma_start3A_369 : memref<1x3x128xi32, #tpu.memory_space<hbm>> -> memref<3x128xi32, #tpu.memory_space<hbm>>
        tpu.enqueue_dma source(%dma_start3A_370 : memref<3x128xi32, #tpu.memory_space<hbm>>) target(%dma_start3A_366 : memref<3x128xi32, #tpu.memory_space<vmem>>) target_semaphore(%arg21 : memref<!tpu.dma_semaphore, #tpu.memory_space<semaphore_mem>>)
        %add3A_371 = arith.addi %mul3A_0, %add3A_192 : i32
        %add3A_372 = arith.constant 2 : i32
        %add3A_373 = arith.addi %add3A_371, %add3A_372 : i32
        %dma_wait3A_374 = arith.constant 2 : i32
        %dma_wait3A_375 = arith.constant 0 : i32
        %dma_wait3A_376 = arith.constant 0 : i32
        %dma_wait3A_377 = tpu.memref_slice %arg6[%dma_wait3A_374, %dma_wait3A_375, %dma_wait3A_376] : memref<4x3x128xi32, #tpu.memory_space<vmem>> -> memref<1x3x128xi32, #tpu.memory_space<vmem>>
        %dma_wait3A_378 = tpu.memref_squeeze %dma_wait3A_377 : memref<1x3x128xi32, #tpu.memory_space<vmem>> -> memref<3x128xi32, #tpu.memory_space<vmem>>
        %dma_wait3A_379 = arith.constant 0 : i32
        %dma_wait3A_380 = arith.constant 0 : i32
        %dma_wait3A_381 = tpu.memref_slice %arg4[%add3A_373, %dma_wait3A_379, %dma_wait3A_380] : memref<2560x3x128xi32, #tpu.memory_space<hbm>> -> memref<1x3x128xi32, #tpu.memory_space<hbm>>
        %dma_wait3A_382 = tpu.memref_squeeze %dma_wait3A_381 : memref<1x3x128xi32, #tpu.memory_space<hbm>> -> memref<3x128xi32, #tpu.memory_space<hbm>>
        %dma_wait3A_383 = arith.constant 0 : i32
        %dma_wait3A_384 = arith.constant 0 : i32
        %dma_wait3A_385 = tpu.memref_slice %arg6[%dma_wait3A_374, %dma_wait3A_383, %dma_wait3A_384] : memref<4x3x128xi32, #tpu.memory_space<vmem>> -> memref<1x3x128xi32, #tpu.memory_space<vmem>>
        %dma_wait3A_386 = tpu.memref_squeeze %dma_wait3A_385 : memref<1x3x128xi32, #tpu.memory_space<vmem>> -> memref<3x128xi32, #tpu.memory_space<vmem>>
        %dma_wait3A_387 = arith.constant 0 : i32
        %dma_wait3A_388 = arith.constant 0 : i32
        %dma_wait3A_389 = tpu.memref_slice %arg4[%add3A_373, %dma_wait3A_387, %dma_wait3A_388] : memref<2560x3x128xi32, #tpu.memory_space<hbm>> -> memref<1x3x128xi32, #tpu.memory_space<hbm>>
        %dma_wait3A_390 = tpu.memref_squeeze %dma_wait3A_389 : memref<1x3x128xi32, #tpu.memory_space<hbm>> -> memref<3x128xi32, #tpu.memory_space<hbm>>
        tpu.wait_dma2 semaphore(%arg21 : memref<!tpu.dma_semaphore, #tpu.memory_space<semaphore_mem>>) src(%dma_wait3A_390 : memref<3x128xi32, #tpu.memory_space<hbm>>) dst(%dma_wait3A_386 : memref<3x128xi32, #tpu.memory_space<vmem>>)
        %dma_start3A_391 = arith.constant 2 : i32
        %dma_start3A_392 = arith.constant 0 : i32
        %dma_start3A_393 = arith.constant 0 : i32
        %dma_start3A_394 = tpu.memref_slice %arg6[%dma_start3A_391, %dma_start3A_392, %dma_start3A_393] : memref<4x3x128xi32, #tpu.memory_space<vmem>> -> memref<1x1x128xi32, #tpu.memory_space<vmem>>
        %dma_start3A_395 = tpu.memref_squeeze %dma_start3A_394 : memref<1x1x128xi32, #tpu.memory_space<vmem>> -> memref<128xi32, #tpu.memory_space<vmem>>
        %dma_start3A_396 = arith.constant 0 : i32
        %dma_start3A_397 = arith.constant 0 : i32
        %dma_start3A_398 = tpu.memref_slice %arg23[%dma_start3A_396, %dma_start3A_397] : memref<10240x64xf32, #tpu.memory_space<vmem_shared>> -> memref<10240x64xf32, #tpu.memory_space<vmem_shared>>
        tpu.enqueue_indirect_dma source(%dma_start3A_398 : memref<10240x64xf32, #tpu.memory_space<vmem_shared>>) target(%arg9 : memref<128x64xf32, #tpu.memory_space<vmem>>) offsets(%dma_start3A_395 : memref<128xi32, #tpu.memory_space<vmem>>) semaphore(%arg13 : memref<!tpu.dma_semaphore, #tpu.memory_space<semaphore_mem>>)
      } else {
      }
      %mul3A_227 = arith.constant 4 : i32
      %mul3A_228 = arith.muli %mul3A_227, %scan3A_187 : i32
      %add3A_229 = arith.constant 1 : i32
      %add3A_230 = arith.addi %mul3A_228, %add3A_229 : i32
      %dma_wait3A_231 = arith.constant 1 : i32
      %dma_wait3A_232 = arith.constant 0 : i32
      %dma_wait3A_233 = arith.constant 0 : i32
      %dma_wait3A_234 = tpu.memref_slice %arg6[%dma_wait3A_231, %dma_wait3A_232, %dma_wait3A_233] : memref<4x3x128xi32, #tpu.memory_space<vmem>> -> memref<1x1x128xi32, #tpu.memory_space<vmem>>
      %dma_wait3A_235 = tpu.memref_squeeze %dma_wait3A_234 : memref<1x1x128xi32, #tpu.memory_space<vmem>> -> memref<128xi32, #tpu.memory_space<vmem>>
      %dma_wait3A_236 = arith.constant 0 : i32
      %dma_wait3A_237 = arith.constant 0 : i32
      %dma_wait3A_238 = tpu.memref_slice %arg23[%dma_wait3A_236, %dma_wait3A_237] : memref<10240x64xf32, #tpu.memory_space<vmem_shared>> -> memref<10240x64xf32, #tpu.memory_space<vmem_shared>>
      tpu.wait_indirect_dma semaphore(%arg12 : memref<!tpu.dma_semaphore, #tpu.memory_space<semaphore_mem>>) src(%dma_wait3A_238 : memref<10240x64xf32, #tpu.memory_space<vmem_shared>>) dst(%arg8 : memref<128x64xf32, #tpu.memory_space<vmem>>)
      %broadcast_in_dim3A_239 = arith.constant 1 : i32
      %broadcast_in_dim3A_240 = vector.broadcast %broadcast_in_dim3A_239 : i32 to vector<16xi32>
      %broadcast_in_dim3A_241 = arith.constant 2 : i32
      %broadcast_in_dim3A_242 = vector.broadcast %broadcast_in_dim3A_241 : i32 to vector<16xi32>
      %scan3A_243 = arith.constant 0 : i32
      %scan3A_244 = arith.constant 0 : i32
      %scan3A_245 = arith.constant 32 : i32
      %scan3A_246 = arith.addi %scan3A_244, %scan3A_245 : i32
      %scan3A_247 = arith.constant 1 : i32
      %scan3A_248 = scf.for %scan3A_351 = %scan3A_244 to %scan3A_246 step %scan3A_247 iter_args(%scan3A_352 = %scan3A_243) -> (i32)  : i32 {
        %mul3A_353 = arith.constant 4 : i32
        %mul3A_354 = arith.muli %scan3A_351, %mul3A_353 : i32
        %add3A_355 = arith.constant 0 : i32
        %add3A_356 = arith.addi %mul3A_354, %add3A_355 : i32
        %broadcast_in_dim3A_357 = arith.constant 0 : i32
        %broadcast_in_dim3A_358 = vector.broadcast %broadcast_in_dim3A_357 : i32 to vector<16xi32>
        %add3A_359 = vector.broadcast %add3A_356 : i32 to vector<16xi32>
        %add3A_360 = arith.addi %broadcast_in_dim3A_358, %add3A_359 : vector<16xi32>
        %gather3A = tpu.vector_load_idx %arg6[%broadcast_in_dim3A_240, %broadcast_in_dim3A_242, %add3A_360] : memref<4x3x128xi32, #tpu.memory_space<vmem>>[vector<16xi32>, vector<16xi32>, vector<16xi32>], vector<16xi32>,
        %bitcast3A = vector.bitcast %gather3A : vector<16xi32> to vector<16xf32>
        %get3A = arith.index_cast %add3A_356 : i32 to index
        %get3A_361 = arith.constant 0 : index
        %get3A_362 = tpu.vector_load %arg8[%get3A, %get3A_361] {strides = array<i32>} : memref<128x64xf32, #tpu.memory_space<vmem>>, vector<16xf32>,
        %mul3A_363 = arith.mulf %get3A_362, %bitcast3A : vector<16xf32>
        %swap3A = arith.index_cast %add3A_356 : i32 to index
        %swap3A_364 = arith.constant 0 : index
        %swap3A_365 = tpu.vector_load %arg8[%swap3A, %swap3A_364] {strides = array<i32>} : memref<128x64xf32, #tpu.memory_space<vmem>>, vector<16xf32>,
        tpu.vector_store %arg8[%swap3A, %swap3A_364], %mul3A_363 {strides = array<i32>} : memref<128x64xf32, #tpu.memory_space<vmem>>, vector<16xf32>,
        %get3A_366 = arith.index_cast %add3A_356 : i32 to index
        %get3A_367 = arith.constant 16 : index
        %get3A_368 = tpu.vector_load %arg8[%get3A_366, %get3A_367] {strides = array<i32>} : memref<128x64xf32, #tpu.memory_space<vmem>>, vector<16xf32>,
        %mul3A_369 = arith.mulf %get3A_368, %bitcast3A : vector<16xf32>
        %swap3A_370 = arith.index_cast %add3A_356 : i32 to index
        %swap3A_371 = arith.constant 16 : index
        %swap3A_372 = tpu.vector_load %arg8[%swap3A_370, %swap3A_371] {strides = array<i32>} : memref<128x64xf32, #tpu.memory_space<vmem>>, vector<16xf32>,
        tpu.vector_store %arg8[%swap3A_370, %swap3A_371], %mul3A_369 {strides = array<i32>} : memref<128x64xf32, #tpu.memory_space<vmem>>, vector<16xf32>,
        %get3A_373 = arith.index_cast %add3A_356 : i32 to index
        %get3A_374 = arith.constant 32 : index
        %get3A_375 = tpu.vector_load %arg8[%get3A_373, %get3A_374] {strides = array<i32>} : memref<128x64xf32, #tpu.memory_space<vmem>>, vector<16xf32>,
        %mul3A_376 = arith.mulf %get3A_375, %bitcast3A : vector<16xf32>
        %swap3A_377 = arith.index_cast %add3A_356 : i32 to index
        %swap3A_378 = arith.constant 32 : index
        %swap3A_379 = tpu.vector_load %arg8[%swap3A_377, %swap3A_378] {strides = array<i32>} : memref<128x64xf32, #tpu.memory_space<vmem>>, vector<16xf32>,
        tpu.vector_store %arg8[%swap3A_377, %swap3A_378], %mul3A_376 {strides = array<i32>} : memref<128x64xf32, #tpu.memory_space<vmem>>, vector<16xf32>,
        %get3A_380 = arith.index_cast %add3A_356 : i32 to index
        %get3A_381 = arith.constant 48 : index
        %get3A_382 = tpu.vector_load %arg8[%get3A_380, %get3A_381] {strides = array<i32>} : memref<128x64xf32, #tpu.memory_space<vmem>>, vector<16xf32>,
        %mul3A_383 = arith.mulf %get3A_382, %bitcast3A : vector<16xf32>
        %swap3A_384 = arith.index_cast %add3A_356 : i32 to index
        %swap3A_385 = arith.constant 48 : index
        %swap3A_386 = tpu.vector_load %arg8[%swap3A_384, %swap3A_385] {strides = array<i32>} : memref<128x64xf32, #tpu.memory_space<vmem>>, vector<16xf32>,
        tpu.vector_store %arg8[%swap3A_384, %swap3A_385], %mul3A_383 {strides = array<i32>} : memref<128x64xf32, #tpu.memory_space<vmem>>, vector<16xf32>,
        %mul3A_387 = arith.constant 4 : i32
        %mul3A_388 = arith.muli %scan3A_351, %mul3A_387 : i32
        %add3A_389 = arith.constant 1 : i32
        %add3A_390 = arith.addi %mul3A_388, %add3A_389 : i32
        %broadcast_in_dim3A_391 = arith.constant 0 : i32
        %broadcast_in_dim3A_392 = vector.broadcast %broadcast_in_dim3A_391 : i32 to vector<16xi32>
        %add3A_393 = vector.broadcast %add3A_390 : i32 to vector<16xi32>
        %add3A_394 = arith.addi %broadcast_in_dim3A_392, %add3A_393 : vector<16xi32>
        %gather3A_395 = tpu.vector_load_idx %arg6[%broadcast_in_dim3A_240, %broadcast_in_dim3A_242, %add3A_394] : memref<4x3x128xi32, #tpu.memory_space<vmem>>[vector<16xi32>, vector<16xi32>, vector<16xi32>], vector<16xi32>,
        %bitcast3A_396 = vector.bitcast %gather3A_395 : vector<16xi32> to vector<16xf32>
        %get3A_397 = arith.index_cast %add3A_390 : i32 to index
        %get3A_398 = arith.constant 0 : index
        %get3A_399 = tpu.vector_load %arg8[%get3A_397, %get3A_398] {strides = array<i32>} : memref<128x64xf32, #tpu.memory_space<vmem>>, vector<16xf32>,
        %mul3A_400 = arith.mulf %get3A_399, %bitcast3A_396 : vector<16xf32>
        %swap3A_401 = arith.index_cast %add3A_390 : i32 to index
        %swap3A_402 = arith.constant 0 : index
        %swap3A_403 = tpu.vector_load %arg8[%swap3A_401, %swap3A_402] {strides = array<i32>} : memref<128x64xf32, #tpu.memory_space<vmem>>, vector<16xf32>,
        tpu.vector_store %arg8[%swap3A_401, %swap3A_402], %mul3A_400 {strides = array<i32>} : memref<128x64xf32, #tpu.memory_space<vmem>>, vector<16xf32>,
        %get3A_404 = arith.index_cast %add3A_390 : i32 to index
        %get3A_405 = arith.constant 16 : index
        %get3A_406 = tpu.vector_load %arg8[%get3A_404, %get3A_405] {strides = array<i32>} : memref<128x64xf32, #tpu.memory_space<vmem>>, vector<16xf32>,
        %mul3A_407 = arith.mulf %get3A_406, %bitcast3A_396 : vector<16xf32>
        %swap3A_408 = arith.index_cast %add3A_390 : i32 to index
        %swap3A_409 = arith.constant 16 : index
        %swap3A_410 = tpu.vector_load %arg8[%swap3A_408, %swap3A_409] {strides = array<i32>} : memref<128x64xf32, #tpu.memory_space<vmem>>, vector<16xf32>,
        tpu.vector_store %arg8[%swap3A_408, %swap3A_409], %mul3A_407 {strides = array<i32>} : memref<128x64xf32, #tpu.memory_space<vmem>>, vector<16xf32>,
        %get3A_411 = arith.index_cast %add3A_390 : i32 to index
        %get3A_412 = arith.constant 32 : index
        %get3A_413 = tpu.vector_load %arg8[%get3A_411, %get3A_412] {strides = array<i32>} : memref<128x64xf32, #tpu.memory_space<vmem>>, vector<16xf32>,
        %mul3A_414 = arith.mulf %get3A_413, %bitcast3A_396 : vector<16xf32>
        %swap3A_415 = arith.index_cast %add3A_390 : i32 to index
        %swap3A_416 = arith.constant 32 : index
        %swap3A_417 = tpu.vector_load %arg8[%swap3A_415, %swap3A_416] {strides = array<i32>} : memref<128x64xf32, #tpu.memory_space<vmem>>, vector<16xf32>,
        tpu.vector_store %arg8[%swap3A_415, %swap3A_416], %mul3A_414 {strides = array<i32>} : memref<128x64xf32, #tpu.memory_space<vmem>>, vector<16xf32>,
        %get3A_418 = arith.index_cast %add3A_390 : i32 to index
        %get3A_419 = arith.constant 48 : index
        %get3A_420 = tpu.vector_load %arg8[%get3A_418, %get3A_419] {strides = array<i32>} : memref<128x64xf32, #tpu.memory_space<vmem>>, vector<16xf32>,
        %mul3A_421 = arith.mulf %get3A_420, %bitcast3A_396 : vector<16xf32>
        %swap3A_422 = arith.index_cast %add3A_390 : i32 to index
        %swap3A_423 = arith.constant 48 : index
        %swap3A_424 = tpu.vector_load %arg8[%swap3A_422, %swap3A_423] {strides = array<i32>} : memref<128x64xf32, #tpu.memory_space<vmem>>, vector<16xf32>,
        tpu.vector_store %arg8[%swap3A_422, %swap3A_423], %mul3A_421 {strides = array<i32>} : memref<128x64xf32, #tpu.memory_space<vmem>>, vector<16xf32>,
        %mul3A_425 = arith.constant 4 : i32
        %mul3A_426 = arith.muli %scan3A_351, %mul3A_425 : i32
        %add3A_427 = arith.constant 2 : i32
        %add3A_428 = arith.addi %mul3A_426, %add3A_427 : i32
        %broadcast_in_dim3A_429 = arith.constant 0 : i32
        %broadcast_in_dim3A_430 = vector.broadcast %broadcast_in_dim3A_429 : i32 to vector<16xi32>
        %add3A_431 = vector.broadcast %add3A_428 : i32 to vector<16xi32>
        %add3A_432 = arith.addi %broadcast_in_dim3A_430, %add3A_431 : vector<16xi32>
        %gather3A_433 = tpu.vector_load_idx %arg6[%broadcast_in_dim3A_240, %broadcast_in_dim3A_242, %add3A_432] : memref<4x3x128xi32, #tpu.memory_space<vmem>>[vector<16xi32>, vector<16xi32>, vector<16xi32>], vector<16xi32>,
        %bitcast3A_434 = vector.bitcast %gather3A_433 : vector<16xi32> to vector<16xf32>
        %get3A_435 = arith.index_cast %add3A_428 : i32 to index
        %get3A_436 = arith.constant 0 : index
        %get3A_437 = tpu.vector_load %arg8[%get3A_435, %get3A_436] {strides = array<i32>} : memref<128x64xf32, #tpu.memory_space<vmem>>, vector<16xf32>,
        %mul3A_438 = arith.mulf %get3A_437, %bitcast3A_434 : vector<16xf32>
        %swap3A_439 = arith.index_cast %add3A_428 : i32 to index
        %swap3A_440 = arith.constant 0 : index
        %swap3A_441 = tpu.vector_load %arg8[%swap3A_439, %swap3A_440] {strides = array<i32>} : memref<128x64xf32, #tpu.memory_space<vmem>>, vector<16xf32>,
        tpu.vector_store %arg8[%swap3A_439, %swap3A_440], %mul3A_438 {strides = array<i32>} : memref<128x64xf32, #tpu.memory_space<vmem>>, vector<16xf32>,
        %get3A_442 = arith.index_cast %add3A_428 : i32 to index
        %get3A_443 = arith.constant 16 : index
        %get3A_444 = tpu.vector_load %arg8[%get3A_442, %get3A_443] {strides = array<i32>} : memref<128x64xf32, #tpu.memory_space<vmem>>, vector<16xf32>,
        %mul3A_445 = arith.mulf %get3A_444, %bitcast3A_434 : vector<16xf32>
        %swap3A_446 = arith.index_cast %add3A_428 : i32 to index
        %swap3A_447 = arith.constant 16 : index
        %swap3A_448 = tpu.vector_load %arg8[%swap3A_446, %swap3A_447] {strides = array<i32>} : memref<128x64xf32, #tpu.memory_space<vmem>>, vector<16xf32>,
        tpu.vector_store %arg8[%swap3A_446, %swap3A_447], %mul3A_445 {strides = array<i32>} : memref<128x64xf32, #tpu.memory_space<vmem>>, vector<16xf32>,
        %get3A_449 = arith.index_cast %add3A_428 : i32 to index
        %get3A_450 = arith.constant 32 : index
        %get3A_451 = tpu.vector_load %arg8[%get3A_449, %get3A_450] {strides = array<i32>} : memref<128x64xf32, #tpu.memory_space<vmem>>, vector<16xf32>,
        %mul3A_452 = arith.mulf %get3A_451, %bitcast3A_434 : vector<16xf32>
        %swap3A_453 = arith.index_cast %add3A_428 : i32 to index
        %swap3A_454 = arith.constant 32 : index
        %swap3A_455 = tpu.vector_load %arg8[%swap3A_453, %swap3A_454] {strides = array<i32>} : memref<128x64xf32, #tpu.memory_space<vmem>>, vector<16xf32>,
        tpu.vector_store %arg8[%swap3A_453, %swap3A_454], %mul3A_452 {strides = array<i32>} : memref<128x64xf32, #tpu.memory_space<vmem>>, vector<16xf32>,
        %get3A_456 = arith.index_cast %add3A_428 : i32 to index
        %get3A_457 = arith.constant 48 : index
        %get3A_458 = tpu.vector_load %arg8[%get3A_456, %get3A_457] {strides = array<i32>} : memref<128x64xf32, #tpu.memory_space<vmem>>, vector<16xf32>,
        %mul3A_459 = arith.mulf %get3A_458, %bitcast3A_434 : vector<16xf32>
        %swap3A_460 = arith.index_cast %add3A_428 : i32 to index
        %swap3A_461 = arith.constant 48 : index
        %swap3A_462 = tpu.vector_load %arg8[%swap3A_460, %swap3A_461] {strides = array<i32>} : memref<128x64xf32, #tpu.memory_space<vmem>>, vector<16xf32>,
        tpu.vector_store %arg8[%swap3A_460, %swap3A_461], %mul3A_459 {strides = array<i32>} : memref<128x64xf32, #tpu.memory_space<vmem>>, vector<16xf32>,
        %mul3A_463 = arith.constant 4 : i32
        %mul3A_464 = arith.muli %scan3A_351, %mul3A_463 : i32
        %add3A_465 = arith.constant 3 : i32
        %add3A_466 = arith.addi %mul3A_464, %add3A_465 : i32
        %broadcast_in_dim3A_467 = arith.constant 0 : i32
        %broadcast_in_dim3A_468 = vector.broadcast %broadcast_in_dim3A_467 : i32 to vector<16xi32>
        %add3A_469 = vector.broadcast %add3A_466 : i32 to vector<16xi32>
        %add3A_470 = arith.addi %broadcast_in_dim3A_468, %add3A_469 : vector<16xi32>
        %gather3A_471 = tpu.vector_load_idx %arg6[%broadcast_in_dim3A_240, %broadcast_in_dim3A_242, %add3A_470] : memref<4x3x128xi32, #tpu.memory_space<vmem>>[vector<16xi32>, vector<16xi32>, vector<16xi32>], vector<16xi32>,
        %bitcast3A_472 = vector.bitcast %gather3A_471 : vector<16xi32> to vector<16xf32>
        %get3A_473 = arith.index_cast %add3A_466 : i32 to index
        %get3A_474 = arith.constant 0 : index
        %get3A_475 = tpu.vector_load %arg8[%get3A_473, %get3A_474] {strides = array<i32>} : memref<128x64xf32, #tpu.memory_space<vmem>>, vector<16xf32>,
        %mul3A_476 = arith.mulf %get3A_475, %bitcast3A_472 : vector<16xf32>
        %swap3A_477 = arith.index_cast %add3A_466 : i32 to index
        %swap3A_478 = arith.constant 0 : index
        %swap3A_479 = tpu.vector_load %arg8[%swap3A_477, %swap3A_478] {strides = array<i32>} : memref<128x64xf32, #tpu.memory_space<vmem>>, vector<16xf32>,
        tpu.vector_store %arg8[%swap3A_477, %swap3A_478], %mul3A_476 {strides = array<i32>} : memref<128x64xf32, #tpu.memory_space<vmem>>, vector<16xf32>,
        %get3A_480 = arith.index_cast %add3A_466 : i32 to index
        %get3A_481 = arith.constant 16 : index
        %get3A_482 = tpu.vector_load %arg8[%get3A_480, %get3A_481] {strides = array<i32>} : memref<128x64xf32, #tpu.memory_space<vmem>>, vector<16xf32>,
        %mul3A_483 = arith.mulf %get3A_482, %bitcast3A_472 : vector<16xf32>
        %swap3A_484 = arith.index_cast %add3A_466 : i32 to index
        %swap3A_485 = arith.constant 16 : index
        %swap3A_486 = tpu.vector_load %arg8[%swap3A_484, %swap3A_485] {strides = array<i32>} : memref<128x64xf32, #tpu.memory_space<vmem>>, vector<16xf32>,
        tpu.vector_store %arg8[%swap3A_484, %swap3A_485], %mul3A_483 {strides = array<i32>} : memref<128x64xf32, #tpu.memory_space<vmem>>, vector<16xf32>,
        %get3A_487 = arith.index_cast %add3A_466 : i32 to index
        %get3A_488 = arith.constant 32 : index
        %get3A_489 = tpu.vector_load %arg8[%get3A_487, %get3A_488] {strides = array<i32>} : memref<128x64xf32, #tpu.memory_space<vmem>>, vector<16xf32>,
        %mul3A_490 = arith.mulf %get3A_489, %bitcast3A_472 : vector<16xf32>
        %swap3A_491 = arith.index_cast %add3A_466 : i32 to index
        %swap3A_492 = arith.constant 32 : index
        %swap3A_493 = tpu.vector_load %arg8[%swap3A_491, %swap3A_492] {strides = array<i32>} : memref<128x64xf32, #tpu.memory_space<vmem>>, vector<16xf32>,
        tpu.vector_store %arg8[%swap3A_491, %swap3A_492], %mul3A_490 {strides = array<i32>} : memref<128x64xf32, #tpu.memory_space<vmem>>, vector<16xf32>,
        %get3A_494 = arith.index_cast %add3A_466 : i32 to index
        %get3A_495 = arith.constant 48 : index
        %get3A_496 = tpu.vector_load %arg8[%get3A_494, %get3A_495] {strides = array<i32>} : memref<128x64xf32, #tpu.memory_space<vmem>>, vector<16xf32>,
        %mul3A_497 = arith.mulf %get3A_496, %bitcast3A_472 : vector<16xf32>
        %swap3A_498 = arith.index_cast %add3A_466 : i32 to index
        %swap3A_499 = arith.constant 48 : index
        %swap3A_500 = tpu.vector_load %arg8[%swap3A_498, %swap3A_499] {strides = array<i32>} : memref<128x64xf32, #tpu.memory_space<vmem>>, vector<16xf32>,
        tpu.vector_store %arg8[%swap3A_498, %swap3A_499], %mul3A_497 {strides = array<i32>} : memref<128x64xf32, #tpu.memory_space<vmem>>, vector<16xf32>,
        %scan3A_501 = arith.constant 0 : i32
        scf.yield %scan3A_501 : i32
      }
      %scan3A_249 = arith.constant 32 : i32
      %dma_start3A_250 = arith.constant 1 : i32
      %dma_start3A_251 = arith.constant 1 : i32
      %dma_start3A_252 = arith.constant 0 : i32
      %dma_start3A_253 = tpu.memref_slice %arg6[%dma_start3A_250, %dma_start3A_251, %dma_start3A_252] : memref<4x3x128xi32, #tpu.memory_space<vmem>> -> memref<1x1x128xi32, #tpu.memory_space<vmem>>
      %dma_start3A_254 = tpu.memref_squeeze %dma_start3A_253 : memref<1x1x128xi32, #tpu.memory_space<vmem>> -> memref<128xi32, #tpu.memory_space<vmem>>
      %dma_start3A_255 = arith.constant 0 : i32
      %dma_start3A_256 = arith.constant 0 : i32
      %dma_start3A_257 = tpu.memref_slice %arg24[%dma_start3A_255, %dma_start3A_256] : memref<10240x64xf32, #tpu.memory_space<vmem_shared>> -> memref<10240x64xf32, #tpu.memory_space<vmem_shared>>
      tpu.enqueue_indirect_dma source(%arg8 : memref<128x64xf32, #tpu.memory_space<vmem>>) target(%dma_start3A_257 : memref<10240x64xf32, #tpu.memory_space<vmem_shared>>) offsets(%dma_start3A_254 : memref<128xi32, #tpu.memory_space<vmem>>) semaphore(%arg16 : memref<!tpu.dma_semaphore, #tpu.memory_space<semaphore_mem>>) {add = true}
      %ge3A_258 = arith.constant 2 : i32
      %ge3A_259 = arith.cmpi sge, %add3A_230, %ge3A_258 : i32
      %convert_element_type3A_260 = arith.extui %ge3A_259 : i1 to i32
      %cond3A_261 = arith.constant 0 : i32
      %cond3A_262 = arith.cmpi ne, %convert_element_type3A_260, %cond3A_261 : i32
      scf.if %cond3A_262 {
        %dma_wait3A_351 = arith.constant 3 : i32
        %dma_wait3A_352 = arith.constant 1 : i32
        %dma_wait3A_353 = arith.constant 0 : i32
        %dma_wait3A_354 = tpu.memref_slice %arg6[%dma_wait3A_351, %dma_wait3A_352, %dma_wait3A_353] : memref<4x3x128xi32, #tpu.memory_space<vmem>> -> memref<1x1x128xi32, #tpu.memory_space<vmem>>
        %dma_wait3A_355 = tpu.memref_squeeze %dma_wait3A_354 : memref<1x1x128xi32, #tpu.memory_space<vmem>> -> memref<128xi32, #tpu.memory_space<vmem>>
        %dma_wait3A_356 = arith.constant 0 : i32
        %dma_wait3A_357 = arith.constant 0 : i32
        %dma_wait3A_358 = tpu.memref_slice %arg24[%dma_wait3A_356, %dma_wait3A_357] : memref<10240x64xf32, #tpu.memory_space<vmem_shared>> -> memref<10240x64xf32, #tpu.memory_space<vmem_shared>>
        tpu.wait_indirect_dma semaphore(%arg18 : memref<!tpu.dma_semaphore, #tpu.memory_space<semaphore_mem>>) src(%arg10 : memref<128x64xf32, #tpu.memory_space<vmem>>) dst(%dma_wait3A_358 : memref<10240x64xf32, #tpu.memory_space<vmem_shared>>)
      } else {
      }
      %lt3A_263 = arith.constant 158 : i32
      %lt3A_264 = arith.cmpi slt, %add3A_230, %lt3A_263 : i32
      %convert_element_type3A_265 = arith.extui %lt3A_264 : i1 to i32
      %cond3A_266 = arith.constant 0 : i32
      %cond3A_267 = arith.cmpi ne, %convert_element_type3A_265, %cond3A_266 : i32
      scf.if %cond3A_267 {
        %add3A_351 = arith.addi %mul3A_0, %add3A_230 : i32
        %add3A_352 = arith.constant 2 : i32
        %add3A_353 = arith.addi %add3A_351, %add3A_352 : i32
        %dma_start3A_354 = arith.constant 3 : i32
        %dma_start3A_355 = arith.constant 0 : i32
        %dma_start3A_356 = arith.constant 0 : i32
        %dma_start3A_357 = tpu.memref_slice %arg6[%dma_start3A_354, %dma_start3A_355, %dma_start3A_356] : memref<4x3x128xi32, #tpu.memory_space<vmem>> -> memref<1x3x128xi32, #tpu.memory_space<vmem>>
        %dma_start3A_358 = tpu.memref_squeeze %dma_start3A_357 : memref<1x3x128xi32, #tpu.memory_space<vmem>> -> memref<3x128xi32, #tpu.memory_space<vmem>>
        %dma_start3A_359 = arith.constant 0 : i32
        %dma_start3A_360 = arith.constant 0 : i32
        %dma_start3A_361 = tpu.memref_slice %arg4[%add3A_353, %dma_start3A_359, %dma_start3A_360] : memref<2560x3x128xi32, #tpu.memory_space<hbm>> -> memref<1x3x128xi32, #tpu.memory_space<hbm>>
        %dma_start3A_362 = tpu.memref_squeeze %dma_start3A_361 : memref<1x3x128xi32, #tpu.memory_space<hbm>> -> memref<3x128xi32, #tpu.memory_space<hbm>>
        %dma_start3A_363 = arith.constant 0 : i32
        %dma_start3A_364 = arith.constant 0 : i32
        %dma_start3A_365 = tpu.memref_slice %arg6[%dma_start3A_354, %dma_start3A_363, %dma_start3A_364] : memref<4x3x128xi32, #tpu.memory_space<vmem>> -> memref<1x3x128xi32, #tpu.memory_space<vmem>>
        %dma_start3A_366 = tpu.memref_squeeze %dma_start3A_365 : memref<1x3x128xi32, #tpu.memory_space<vmem>> -> memref<3x128xi32, #tpu.memory_space<vmem>>
        %dma_start3A_367 = arith.constant 0 : i32
        %dma_start3A_368 = arith.constant 0 : i32
        %dma_start3A_369 = tpu.memref_slice %arg4[%add3A_353, %dma_start3A_367, %dma_start3A_368] : memref<2560x3x128xi32, #tpu.memory_space<hbm>> -> memref<1x3x128xi32, #tpu.memory_space<hbm>>
        %dma_start3A_370 = tpu.memref_squeeze %dma_start3A_369 : memref<1x3x128xi32, #tpu.memory_space<hbm>> -> memref<3x128xi32, #tpu.memory_space<hbm>>
        tpu.enqueue_dma source(%dma_start3A_370 : memref<3x128xi32, #tpu.memory_space<hbm>>) target(%dma_start3A_366 : memref<3x128xi32, #tpu.memory_space<vmem>>) target_semaphore(%arg22 : memref<!tpu.dma_semaphore, #tpu.memory_space<semaphore_mem>>)
        %add3A_371 = arith.addi %mul3A_0, %add3A_230 : i32
        %add3A_372 = arith.constant 2 : i32
        %add3A_373 = arith.addi %add3A_371, %add3A_372 : i32
        %dma_wait3A_374 = arith.constant 3 : i32
        %dma_wait3A_375 = arith.constant 0 : i32
        %dma_wait3A_376 = arith.constant 0 : i32
        %dma_wait3A_377 = tpu.memref_slice %arg6[%dma_wait3A_374, %dma_wait3A_375, %dma_wait3A_376] : memref<4x3x128xi32, #tpu.memory_space<vmem>> -> memref<1x3x128xi32, #tpu.memory_space<vmem>>
        %dma_wait3A_378 = tpu.memref_squeeze %dma_wait3A_377 : memref<1x3x128xi32, #tpu.memory_space<vmem>> -> memref<3x128xi32, #tpu.memory_space<vmem>>
        %dma_wait3A_379 = arith.constant 0 : i32
        %dma_wait3A_380 = arith.constant 0 : i32
        %dma_wait3A_381 = tpu.memref_slice %arg4[%add3A_373, %dma_wait3A_379, %dma_wait3A_380] : memref<2560x3x128xi32, #tpu.memory_space<hbm>> -> memref<1x3x128xi32, #tpu.memory_space<hbm>>
        %dma_wait3A_382 = tpu.memref_squeeze %dma_wait3A_381 : memref<1x3x128xi32, #tpu.memory_space<hbm>> -> memref<3x128xi32, #tpu.memory_space<hbm>>
        %dma_wait3A_383 = arith.constant 0 : i32
        %dma_wait3A_384 = arith.constant 0 : i32
        %dma_wait3A_385 = tpu.memref_slice %arg6[%dma_wait3A_374, %dma_wait3A_383, %dma_wait3A_384] : memref<4x3x128xi32, #tpu.memory_space<vmem>> -> memref<1x3x128xi32, #tpu.memory_space<vmem>>
        %dma_wait3A_386 = tpu.memref_squeeze %dma_wait3A_385 : memref<1x3x128xi32, #tpu.memory_space<vmem>> -> memref<3x128xi32, #tpu.memory_space<vmem>>
        %dma_wait3A_387 = arith.constant 0 : i32
        %dma_wait3A_388 = arith.constant 0 : i32
        %dma_wait3A_389 = tpu.memref_slice %arg4[%add3A_373, %dma_wait3A_387, %dma_wait3A_388] : memref<2560x3x128xi32, #tpu.memory_space<hbm>> -> memref<1x3x128xi32, #tpu.memory_space<hbm>>
        %dma_wait3A_390 = tpu.memref_squeeze %dma_wait3A_389 : memref<1x3x128xi32, #tpu.memory_space<hbm>> -> memref<3x128xi32, #tpu.memory_space<hbm>>
        tpu.wait_dma2 semaphore(%arg22 : memref<!tpu.dma_semaphore, #tpu.memory_space<semaphore_mem>>) src(%dma_wait3A_390 : memref<3x128xi32, #tpu.memory_space<hbm>>) dst(%dma_wait3A_386 : memref<3x128xi32, #tpu.memory_space<vmem>>)
        %dma_start3A_391 = arith.constant 3 : i32
        %dma_start3A_392 = arith.constant 0 : i32
        %dma_start3A_393 = arith.constant 0 : i32
        %dma_start3A_394 = tpu.memref_slice %arg6[%dma_start3A_391, %dma_start3A_392, %dma_start3A_393] : memref<4x3x128xi32, #tpu.memory_space<vmem>> -> memref<1x1x128xi32, #tpu.memory_space<vmem>>
        %dma_start3A_395 = tpu.memref_squeeze %dma_start3A_394 : memref<1x1x128xi32, #tpu.memory_space<vmem>> -> memref<128xi32, #tpu.memory_space<vmem>>
        %dma_start3A_396 = arith.constant 0 : i32
        %dma_start3A_397 = arith.constant 0 : i32
        %dma_start3A_398 = tpu.memref_slice %arg23[%dma_start3A_396, %dma_start3A_397] : memref<10240x64xf32, #tpu.memory_space<vmem_shared>> -> memref<10240x64xf32, #tpu.memory_space<vmem_shared>>
        tpu.enqueue_indirect_dma source(%dma_start3A_398 : memref<10240x64xf32, #tpu.memory_space<vmem_shared>>) target(%arg10 : memref<128x64xf32, #tpu.memory_space<vmem>>) offsets(%dma_start3A_395 : memref<128xi32, #tpu.memory_space<vmem>>) semaphore(%arg14 : memref<!tpu.dma_semaphore, #tpu.memory_space<semaphore_mem>>)
      } else {
      }
      %mul3A_268 = arith.constant 4 : i32
      %mul3A_269 = arith.muli %mul3A_268, %scan3A_187 : i32
      %add3A_270 = arith.constant 2 : i32
      %add3A_271 = arith.addi %mul3A_269, %add3A_270 : i32
      %dma_wait3A_272 = arith.constant 2 : i32
      %dma_wait3A_273 = arith.constant 0 : i32
      %dma_wait3A_274 = arith.constant 0 : i32
      %dma_wait3A_275 = tpu.memref_slice %arg6[%dma_wait3A_272, %dma_wait3A_273, %dma_wait3A_274] : memref<4x3x128xi32, #tpu.memory_space<vmem>> -> memref<1x1x128xi32, #tpu.memory_space<vmem>>
      %dma_wait3A_276 = tpu.memref_squeeze %dma_wait3A_275 : memref<1x1x128xi32, #tpu.memory_space<vmem>> -> memref<128xi32, #tpu.memory_space<vmem>>
      %dma_wait3A_277 = arith.constant 0 : i32
      %dma_wait3A_278 = arith.constant 0 : i32
      %dma_wait3A_279 = tpu.memref_slice %arg23[%dma_wait3A_277, %dma_wait3A_278] : memref<10240x64xf32, #tpu.memory_space<vmem_shared>> -> memref<10240x64xf32, #tpu.memory_space<vmem_shared>>
      tpu.wait_indirect_dma semaphore(%arg13 : memref<!tpu.dma_semaphore, #tpu.memory_space<semaphore_mem>>) src(%dma_wait3A_279 : memref<10240x64xf32, #tpu.memory_space<vmem_shared>>) dst(%arg9 : memref<128x64xf32, #tpu.memory_space<vmem>>)
      %broadcast_in_dim3A_280 = arith.constant 2 : i32
      %broadcast_in_dim3A_281 = vector.broadcast %broadcast_in_dim3A_280 : i32 to vector<16xi32>
      %broadcast_in_dim3A_282 = arith.constant 2 : i32
      %broadcast_in_dim3A_283 = vector.broadcast %broadcast_in_dim3A_282 : i32 to vector<16xi32>
      %scan3A_284 = arith.constant 0 : i32
      %scan3A_285 = arith.constant 0 : i32
      %scan3A_286 = arith.constant 32 : i32
      %scan3A_287 = arith.addi %scan3A_285, %scan3A_286 : i32
      %scan3A_288 = arith.constant 1 : i32
      %scan3A_289 = scf.for %scan3A_351 = %scan3A_285 to %scan3A_287 step %scan3A_288 iter_args(%scan3A_352 = %scan3A_284) -> (i32)  : i32 {
        %mul3A_353 = arith.constant 4 : i32
        %mul3A_354 = arith.muli %scan3A_351, %mul3A_353 : i32
        %add3A_355 = arith.constant 0 : i32
        %add3A_356 = arith.addi %mul3A_354, %add3A_355 : i32
        %broadcast_in_dim3A_357 = arith.constant 0 : i32
        %broadcast_in_dim3A_358 = vector.broadcast %broadcast_in_dim3A_357 : i32 to vector<16xi32>
        %add3A_359 = vector.broadcast %add3A_356 : i32 to vector<16xi32>
        %add3A_360 = arith.addi %broadcast_in_dim3A_358, %add3A_359 : vector<16xi32>
        %gather3A = tpu.vector_load_idx %arg6[%broadcast_in_dim3A_281, %broadcast_in_dim3A_283, %add3A_360] : memref<4x3x128xi32, #tpu.memory_space<vmem>>[vector<16xi32>, vector<16xi32>, vector<16xi32>], vector<16xi32>,
        %bitcast3A = vector.bitcast %gather3A : vector<16xi32> to vector<16xf32>
        %get3A = arith.index_cast %add3A_356 : i32 to index
        %get3A_361 = arith.constant 0 : index
        %get3A_362 = tpu.vector_load %arg9[%get3A, %get3A_361] {strides = array<i32>} : memref<128x64xf32, #tpu.memory_space<vmem>>, vector<16xf32>,
        %mul3A_363 = arith.mulf %get3A_362, %bitcast3A : vector<16xf32>
        %swap3A = arith.index_cast %add3A_356 : i32 to index
        %swap3A_364 = arith.constant 0 : index
        %swap3A_365 = tpu.vector_load %arg9[%swap3A, %swap3A_364] {strides = array<i32>} : memref<128x64xf32, #tpu.memory_space<vmem>>, vector<16xf32>,
        tpu.vector_store %arg9[%swap3A, %swap3A_364], %mul3A_363 {strides = array<i32>} : memref<128x64xf32, #tpu.memory_space<vmem>>, vector<16xf32>,
        %get3A_366 = arith.index_cast %add3A_356 : i32 to index
        %get3A_367 = arith.constant 16 : index
        %get3A_368 = tpu.vector_load %arg9[%get3A_366, %get3A_367] {strides = array<i32>} : memref<128x64xf32, #tpu.memory_space<vmem>>, vector<16xf32>,
        %mul3A_369 = arith.mulf %get3A_368, %bitcast3A : vector<16xf32>
        %swap3A_370 = arith.index_cast %add3A_356 : i32 to index
        %swap3A_371 = arith.constant 16 : index
        %swap3A_372 = tpu.vector_load %arg9[%swap3A_370, %swap3A_371] {strides = array<i32>} : memref<128x64xf32, #tpu.memory_space<vmem>>, vector<16xf32>,
        tpu.vector_store %arg9[%swap3A_370, %swap3A_371], %mul3A_369 {strides = array<i32>} : memref<128x64xf32, #tpu.memory_space<vmem>>, vector<16xf32>,
        %get3A_373 = arith.index_cast %add3A_356 : i32 to index
        %get3A_374 = arith.constant 32 : index
        %get3A_375 = tpu.vector_load %arg9[%get3A_373, %get3A_374] {strides = array<i32>} : memref<128x64xf32, #tpu.memory_space<vmem>>, vector<16xf32>,
        %mul3A_376 = arith.mulf %get3A_375, %bitcast3A : vector<16xf32>
        %swap3A_377 = arith.index_cast %add3A_356 : i32 to index
        %swap3A_378 = arith.constant 32 : index
        %swap3A_379 = tpu.vector_load %arg9[%swap3A_377, %swap3A_378] {strides = array<i32>} : memref<128x64xf32, #tpu.memory_space<vmem>>, vector<16xf32>,
        tpu.vector_store %arg9[%swap3A_377, %swap3A_378], %mul3A_376 {strides = array<i32>} : memref<128x64xf32, #tpu.memory_space<vmem>>, vector<16xf32>,
        %get3A_380 = arith.index_cast %add3A_356 : i32 to index
        %get3A_381 = arith.constant 48 : index
        %get3A_382 = tpu.vector_load %arg9[%get3A_380, %get3A_381] {strides = array<i32>} : memref<128x64xf32, #tpu.memory_space<vmem>>, vector<16xf32>,
        %mul3A_383 = arith.mulf %get3A_382, %bitcast3A : vector<16xf32>
        %swap3A_384 = arith.index_cast %add3A_356 : i32 to index
        %swap3A_385 = arith.constant 48 : index
        %swap3A_386 = tpu.vector_load %arg9[%swap3A_384, %swap3A_385] {strides = array<i32>} : memref<128x64xf32, #tpu.memory_space<vmem>>, vector<16xf32>,
        tpu.vector_store %arg9[%swap3A_384, %swap3A_385], %mul3A_383 {strides = array<i32>} : memref<128x64xf32, #tpu.memory_space<vmem>>, vector<16xf32>,
        %mul3A_387 = arith.constant 4 : i32
        %mul3A_388 = arith.muli %scan3A_351, %mul3A_387 : i32
        %add3A_389 = arith.constant 1 : i32
        %add3A_390 = arith.addi %mul3A_388, %add3A_389 : i32
        %broadcast_in_dim3A_391 = arith.constant 0 : i32
        %broadcast_in_dim3A_392 = vector.broadcast %broadcast_in_dim3A_391 : i32 to vector<16xi32>
        %add3A_393 = vector.broadcast %add3A_390 : i32 to vector<16xi32>
        %add3A_394 = arith.addi %broadcast_in_dim3A_392, %add3A_393 : vector<16xi32>
        %gather3A_395 = tpu.vector_load_idx %arg6[%broadcast_in_dim3A_281, %broadcast_in_dim3A_283, %add3A_394] : memref<4x3x128xi32, #tpu.memory_space<vmem>>[vector<16xi32>, vector<16xi32>, vector<16xi32>], vector<16xi32>,
        %bitcast3A_396 = vector.bitcast %gather3A_395 : vector<16xi32> to vector<16xf32>
        %get3A_397 = arith.index_cast %add3A_390 : i32 to index
        %get3A_398 = arith.constant 0 : index
        %get3A_399 = tpu.vector_load %arg9[%get3A_397, %get3A_398] {strides = array<i32>} : memref<128x64xf32, #tpu.memory_space<vmem>>, vector<16xf32>,
        %mul3A_400 = arith.mulf %get3A_399, %bitcast3A_396 : vector<16xf32>
        %swap3A_401 = arith.index_cast %add3A_390 : i32 to index
        %swap3A_402 = arith.constant 0 : index
        %swap3A_403 = tpu.vector_load %arg9[%swap3A_401, %swap3A_402] {strides = array<i32>} : memref<128x64xf32, #tpu.memory_space<vmem>>, vector<16xf32>,
        tpu.vector_store %arg9[%swap3A_401, %swap3A_402], %mul3A_400 {strides = array<i32>} : memref<128x64xf32, #tpu.memory_space<vmem>>, vector<16xf32>,
        %get3A_404 = arith.index_cast %add3A_390 : i32 to index
        %get3A_405 = arith.constant 16 : index
        %get3A_406 = tpu.vector_load %arg9[%get3A_404, %get3A_405] {strides = array<i32>} : memref<128x64xf32, #tpu.memory_space<vmem>>, vector<16xf32>,
        %mul3A_407 = arith.mulf %get3A_406, %bitcast3A_396 : vector<16xf32>
        %swap3A_408 = arith.index_cast %add3A_390 : i32 to index
        %swap3A_409 = arith.constant 16 : index
        %swap3A_410 = tpu.vector_load %arg9[%swap3A_408, %swap3A_409] {strides = array<i32>} : memref<128x64xf32, #tpu.memory_space<vmem>>, vector<16xf32>,
        tpu.vector_store %arg9[%swap3A_408, %swap3A_409], %mul3A_407 {strides = array<i32>} : memref<128x64xf32, #tpu.memory_space<vmem>>, vector<16xf32>,
        %get3A_411 = arith.index_cast %add3A_390 : i32 to index
        %get3A_412 = arith.constant 32 : index
        %get3A_413 = tpu.vector_load %arg9[%get3A_411, %get3A_412] {strides = array<i32>} : memref<128x64xf32, #tpu.memory_space<vmem>>, vector<16xf32>,
        %mul3A_414 = arith.mulf %get3A_413, %bitcast3A_396 : vector<16xf32>
        %swap3A_415 = arith.index_cast %add3A_390 : i32 to index
        %swap3A_416 = arith.constant 32 : index
        %swap3A_417 = tpu.vector_load %arg9[%swap3A_415, %swap3A_416] {strides = array<i32>} : memref<128x64xf32, #tpu.memory_space<vmem>>, vector<16xf32>,
        tpu.vector_store %arg9[%swap3A_415, %swap3A_416], %mul3A_414 {strides = array<i32>} : memref<128x64xf32, #tpu.memory_space<vmem>>, vector<16xf32>,
        %get3A_418 = arith.index_cast %add3A_390 : i32 to index
        %get3A_419 = arith.constant 48 : index
        %get3A_420 = tpu.vector_load %arg9[%get3A_418, %get3A_419] {strides = array<i32>} : memref<128x64xf32, #tpu.memory_space<vmem>>, vector<16xf32>,
        %mul3A_421 = arith.mulf %get3A_420, %bitcast3A_396 : vector<16xf32>
        %swap3A_422 = arith.index_cast %add3A_390 : i32 to index
        %swap3A_423 = arith.constant 48 : index
        %swap3A_424 = tpu.vector_load %arg9[%swap3A_422, %swap3A_423] {strides = array<i32>} : memref<128x64xf32, #tpu.memory_space<vmem>>, vector<16xf32>,
        tpu.vector_store %arg9[%swap3A_422, %swap3A_423], %mul3A_421 {strides = array<i32>} : memref<128x64xf32, #tpu.memory_space<vmem>>, vector<16xf32>,
        %mul3A_425 = arith.constant 4 : i32
        %mul3A_426 = arith.muli %scan3A_351, %mul3A_425 : i32
        %add3A_427 = arith.constant 2 : i32
        %add3A_428 = arith.addi %mul3A_426, %add3A_427 : i32
        %broadcast_in_dim3A_429 = arith.constant 0 : i32
        %broadcast_in_dim3A_430 = vector.broadcast %broadcast_in_dim3A_429 : i32 to vector<16xi32>
        %add3A_431 = vector.broadcast %add3A_428 : i32 to vector<16xi32>
        %add3A_432 = arith.addi %broadcast_in_dim3A_430, %add3A_431 : vector<16xi32>
        %gather3A_433 = tpu.vector_load_idx %arg6[%broadcast_in_dim3A_281, %broadcast_in_dim3A_283, %add3A_432] : memref<4x3x128xi32, #tpu.memory_space<vmem>>[vector<16xi32>, vector<16xi32>, vector<16xi32>], vector<16xi32>,
        %bitcast3A_434 = vector.bitcast %gather3A_433 : vector<16xi32> to vector<16xf32>
        %get3A_435 = arith.index_cast %add3A_428 : i32 to index
        %get3A_436 = arith.constant 0 : index
        %get3A_437 = tpu.vector_load %arg9[%get3A_435, %get3A_436] {strides = array<i32>} : memref<128x64xf32, #tpu.memory_space<vmem>>, vector<16xf32>,
        %mul3A_438 = arith.mulf %get3A_437, %bitcast3A_434 : vector<16xf32>
        %swap3A_439 = arith.index_cast %add3A_428 : i32 to index
        %swap3A_440 = arith.constant 0 : index
        %swap3A_441 = tpu.vector_load %arg9[%swap3A_439, %swap3A_440] {strides = array<i32>} : memref<128x64xf32, #tpu.memory_space<vmem>>, vector<16xf32>,
        tpu.vector_store %arg9[%swap3A_439, %swap3A_440], %mul3A_438 {strides = array<i32>} : memref<128x64xf32, #tpu.memory_space<vmem>>, vector<16xf32>,
        %get3A_442 = arith.index_cast %add3A_428 : i32 to index
        %get3A_443 = arith.constant 16 : index
        %get3A_444 = tpu.vector_load %arg9[%get3A_442, %get3A_443] {strides = array<i32>} : memref<128x64xf32, #tpu.memory_space<vmem>>, vector<16xf32>,
        %mul3A_445 = arith.mulf %get3A_444, %bitcast3A_434 : vector<16xf32>
        %swap3A_446 = arith.index_cast %add3A_428 : i32 to index
        %swap3A_447 = arith.constant 16 : index
        %swap3A_448 = tpu.vector_load %arg9[%swap3A_446, %swap3A_447] {strides = array<i32>} : memref<128x64xf32, #tpu.memory_space<vmem>>, vector<16xf32>,
        tpu.vector_store %arg9[%swap3A_446, %swap3A_447], %mul3A_445 {strides = array<i32>} : memref<128x64xf32, #tpu.memory_space<vmem>>, vector<16xf32>,
        %get3A_449 = arith.index_cast %add3A_428 : i32 to index
        %get3A_450 = arith.constant 32 : index
        %get3A_451 = tpu.vector_load %arg9[%get3A_449, %get3A_450] {strides = array<i32>} : memref<128x64xf32, #tpu.memory_space<vmem>>, vector<16xf32>,
        %mul3A_452 = arith.mulf %get3A_451, %bitcast3A_434 : vector<16xf32>
        %swap3A_453 = arith.index_cast %add3A_428 : i32 to index
        %swap3A_454 = arith.constant 32 : index
        %swap3A_455 = tpu.vector_load %arg9[%swap3A_453, %swap3A_454] {strides = array<i32>} : memref<128x64xf32, #tpu.memory_space<vmem>>, vector<16xf32>,
        tpu.vector_store %arg9[%swap3A_453, %swap3A_454], %mul3A_452 {strides = array<i32>} : memref<128x64xf32, #tpu.memory_space<vmem>>, vector<16xf32>,
        %get3A_456 = arith.index_cast %add3A_428 : i32 to index
        %get3A_457 = arith.constant 48 : index
        %get3A_458 = tpu.vector_load %arg9[%get3A_456, %get3A_457] {strides = array<i32>} : memref<128x64xf32, #tpu.memory_space<vmem>>, vector<16xf32>,
        %mul3A_459 = arith.mulf %get3A_458, %bitcast3A_434 : vector<16xf32>
        %swap3A_460 = arith.index_cast %add3A_428 : i32 to index
        %swap3A_461 = arith.constant 48 : index
        %swap3A_462 = tpu.vector_load %arg9[%swap3A_460, %swap3A_461] {strides = array<i32>} : memref<128x64xf32, #tpu.memory_space<vmem>>, vector<16xf32>,
        tpu.vector_store %arg9[%swap3A_460, %swap3A_461], %mul3A_459 {strides = array<i32>} : memref<128x64xf32, #tpu.memory_space<vmem>>, vector<16xf32>,
        %mul3A_463 = arith.constant 4 : i32
        %mul3A_464 = arith.muli %scan3A_351, %mul3A_463 : i32
        %add3A_465 = arith.constant 3 : i32
        %add3A_466 = arith.addi %mul3A_464, %add3A_465 : i32
        %broadcast_in_dim3A_467 = arith.constant 0 : i32
        %broadcast_in_dim3A_468 = vector.broadcast %broadcast_in_dim3A_467 : i32 to vector<16xi32>
        %add3A_469 = vector.broadcast %add3A_466 : i32 to vector<16xi32>
        %add3A_470 = arith.addi %broadcast_in_dim3A_468, %add3A_469 : vector<16xi32>
        %gather3A_471 = tpu.vector_load_idx %arg6[%broadcast_in_dim3A_281, %broadcast_in_dim3A_283, %add3A_470] : memref<4x3x128xi32, #tpu.memory_space<vmem>>[vector<16xi32>, vector<16xi32>, vector<16xi32>], vector<16xi32>,
        %bitcast3A_472 = vector.bitcast %gather3A_471 : vector<16xi32> to vector<16xf32>
        %get3A_473 = arith.index_cast %add3A_466 : i32 to index
        %get3A_474 = arith.constant 0 : index
        %get3A_475 = tpu.vector_load %arg9[%get3A_473, %get3A_474] {strides = array<i32>} : memref<128x64xf32, #tpu.memory_space<vmem>>, vector<16xf32>,
        %mul3A_476 = arith.mulf %get3A_475, %bitcast3A_472 : vector<16xf32>
        %swap3A_477 = arith.index_cast %add3A_466 : i32 to index
        %swap3A_478 = arith.constant 0 : index
        %swap3A_479 = tpu.vector_load %arg9[%swap3A_477, %swap3A_478] {strides = array<i32>} : memref<128x64xf32, #tpu.memory_space<vmem>>, vector<16xf32>,
        tpu.vector_store %arg9[%swap3A_477, %swap3A_478], %mul3A_476 {strides = array<i32>} : memref<128x64xf32, #tpu.memory_space<vmem>>, vector<16xf32>,
        %get3A_480 = arith.index_cast %add3A_466 : i32 to index
        %get3A_481 = arith.constant 16 : index
        %get3A_482 = tpu.vector_load %arg9[%get3A_480, %get3A_481] {strides = array<i32>} : memref<128x64xf32, #tpu.memory_space<vmem>>, vector<16xf32>,
        %mul3A_483 = arith.mulf %get3A_482, %bitcast3A_472 : vector<16xf32>
        %swap3A_484 = arith.index_cast %add3A_466 : i32 to index
        %swap3A_485 = arith.constant 16 : index
        %swap3A_486 = tpu.vector_load %arg9[%swap3A_484, %swap3A_485] {strides = array<i32>} : memref<128x64xf32, #tpu.memory_space<vmem>>, vector<16xf32>,
        tpu.vector_store %arg9[%swap3A_484, %swap3A_485], %mul3A_483 {strides = array<i32>} : memref<128x64xf32, #tpu.memory_space<vmem>>, vector<16xf32>,
        %get3A_487 = arith.index_cast %add3A_466 : i32 to index
        %get3A_488 = arith.constant 32 : index
        %get3A_489 = tpu.vector_load %arg9[%get3A_487, %get3A_488] {strides = array<i32>} : memref<128x64xf32, #tpu.memory_space<vmem>>, vector<16xf32>,
        %mul3A_490 = arith.mulf %get3A_489, %bitcast3A_472 : vector<16xf32>
        %swap3A_491 = arith.index_cast %add3A_466 : i32 to index
        %swap3A_492 = arith.constant 32 : index
        %swap3A_493 = tpu.vector_load %arg9[%swap3A_491, %swap3A_492] {strides = array<i32>} : memref<128x64xf32, #tpu.memory_space<vmem>>, vector<16xf32>,
        tpu.vector_store %arg9[%swap3A_491, %swap3A_492], %mul3A_490 {strides = array<i32>} : memref<128x64xf32, #tpu.memory_space<vmem>>, vector<16xf32>,
        %get3A_494 = arith.index_cast %add3A_466 : i32 to index
        %get3A_495 = arith.constant 48 : index
        %get3A_496 = tpu.vector_load %arg9[%get3A_494, %get3A_495] {strides = array<i32>} : memref<128x64xf32, #tpu.memory_space<vmem>>, vector<16xf32>,
        %mul3A_497 = arith.mulf %get3A_496, %bitcast3A_472 : vector<16xf32>
        %swap3A_498 = arith.index_cast %add3A_466 : i32 to index
        %swap3A_499 = arith.constant 48 : index
        %swap3A_500 = tpu.vector_load %arg9[%swap3A_498, %swap3A_499] {strides = array<i32>} : memref<128x64xf32, #tpu.memory_space<vmem>>, vector<16xf32>,
        tpu.vector_store %arg9[%swap3A_498, %swap3A_499], %mul3A_497 {strides = array<i32>} : memref<128x64xf32, #tpu.memory_space<vmem>>, vector<16xf32>,
        %scan3A_501 = arith.constant 0 : i32
        scf.yield %scan3A_501 : i32
      }
      %scan3A_290 = arith.constant 32 : i32
      %dma_start3A_291 = arith.constant 2 : i32
      %dma_start3A_292 = arith.constant 1 : i32
      %dma_start3A_293 = arith.constant 0 : i32
      %dma_start3A_294 = tpu.memref_slice %arg6[%dma_start3A_291, %dma_start3A_292, %dma_start3A_293] : memref<4x3x128xi32, #tpu.memory_space<vmem>> -> memref<1x1x128xi32, #tpu.memory_space<vmem>>
      %dma_start3A_295 = tpu.memref_squeeze %dma_start3A_294 : memref<1x1x128xi32, #tpu.memory_space<vmem>> -> memref<128xi32, #tpu.memory_space<vmem>>
      %dma_start3A_296 = arith.constant 0 : i32
      %dma_start3A_297 = arith.constant 0 : i32
      %dma_start3A_298 = tpu.memref_slice %arg24[%dma_start3A_296, %dma_start3A_297] : memref<10240x64xf32, #tpu.memory_space<vmem_shared>> -> memref<10240x64xf32, #tpu.memory_space<vmem_shared>>
      tpu.enqueue_indirect_dma source(%arg9 : memref<128x64xf32, #tpu.memory_space<vmem>>) target(%dma_start3A_298 : memref<10240x64xf32, #tpu.memory_space<vmem_shared>>) offsets(%dma_start3A_295 : memref<128xi32, #tpu.memory_space<vmem>>) semaphore(%arg17 : memref<!tpu.dma_semaphore, #tpu.memory_space<semaphore_mem>>) {add = true}
      %ge3A_299 = arith.constant 2 : i32
      %ge3A_300 = arith.cmpi sge, %add3A_271, %ge3A_299 : i32
      %convert_element_type3A_301 = arith.extui %ge3A_300 : i1 to i32
      %cond3A_302 = arith.constant 0 : i32
      %cond3A_303 = arith.cmpi ne, %convert_element_type3A_301, %cond3A_302 : i32
      scf.if %cond3A_303 {
        %dma_wait3A_351 = arith.constant 0 : i32
        %dma_wait3A_352 = arith.constant 1 : i32
        %dma_wait3A_353 = arith.constant 0 : i32
        %dma_wait3A_354 = tpu.memref_slice %arg6[%dma_wait3A_351, %dma_wait3A_352, %dma_wait3A_353] : memref<4x3x128xi32, #tpu.memory_space<vmem>> -> memref<1x1x128xi32, #tpu.memory_space<vmem>>
        %dma_wait3A_355 = tpu.memref_squeeze %dma_wait3A_354 : memref<1x1x128xi32, #tpu.memory_space<vmem>> -> memref<128xi32, #tpu.memory_space<vmem>>
        %dma_wait3A_356 = arith.constant 0 : i32
        %dma_wait3A_357 = arith.constant 0 : i32
        %dma_wait3A_358 = tpu.memref_slice %arg24[%dma_wait3A_356, %dma_wait3A_357] : memref<10240x64xf32, #tpu.memory_space<vmem_shared>> -> memref<10240x64xf32, #tpu.memory_space<vmem_shared>>
        tpu.wait_indirect_dma semaphore(%arg15 : memref<!tpu.dma_semaphore, #tpu.memory_space<semaphore_mem>>) src(%arg7 : memref<128x64xf32, #tpu.memory_space<vmem>>) dst(%dma_wait3A_358 : memref<10240x64xf32, #tpu.memory_space<vmem_shared>>)
      } else {
      }
      %lt3A_304 = arith.constant 158 : i32
      %lt3A_305 = arith.cmpi slt, %add3A_271, %lt3A_304 : i32
      %convert_element_type3A_306 = arith.extui %lt3A_305 : i1 to i32
      %cond3A_307 = arith.constant 0 : i32
      %cond3A_308 = arith.cmpi ne, %convert_element_type3A_306, %cond3A_307 : i32
      scf.if %cond3A_308 {
        %add3A_351 = arith.addi %mul3A_0, %add3A_271 : i32
        %add3A_352 = arith.constant 2 : i32
        %add3A_353 = arith.addi %add3A_351, %add3A_352 : i32
        %dma_start3A_354 = arith.constant 0 : i32
        %dma_start3A_355 = arith.constant 0 : i32
        %dma_start3A_356 = arith.constant 0 : i32
        %dma_start3A_357 = tpu.memref_slice %arg6[%dma_start3A_354, %dma_start3A_355, %dma_start3A_356] : memref<4x3x128xi32, #tpu.memory_space<vmem>> -> memref<1x3x128xi32, #tpu.memory_space<vmem>>
        %dma_start3A_358 = tpu.memref_squeeze %dma_start3A_357 : memref<1x3x128xi32, #tpu.memory_space<vmem>> -> memref<3x128xi32, #tpu.memory_space<vmem>>
        %dma_start3A_359 = arith.constant 0 : i32
        %dma_start3A_360 = arith.constant 0 : i32
        %dma_start3A_361 = tpu.memref_slice %arg4[%add3A_353, %dma_start3A_359, %dma_start3A_360] : memref<2560x3x128xi32, #tpu.memory_space<hbm>> -> memref<1x3x128xi32, #tpu.memory_space<hbm>>
        %dma_start3A_362 = tpu.memref_squeeze %dma_start3A_361 : memref<1x3x128xi32, #tpu.memory_space<hbm>> -> memref<3x128xi32, #tpu.memory_space<hbm>>
        %dma_start3A_363 = arith.constant 0 : i32
        %dma_start3A_364 = arith.constant 0 : i32
        %dma_start3A_365 = tpu.memref_slice %arg6[%dma_start3A_354, %dma_start3A_363, %dma_start3A_364] : memref<4x3x128xi32, #tpu.memory_space<vmem>> -> memref<1x3x128xi32, #tpu.memory_space<vmem>>
        %dma_start3A_366 = tpu.memref_squeeze %dma_start3A_365 : memref<1x3x128xi32, #tpu.memory_space<vmem>> -> memref<3x128xi32, #tpu.memory_space<vmem>>
        %dma_start3A_367 = arith.constant 0 : i32
        %dma_start3A_368 = arith.constant 0 : i32
        %dma_start3A_369 = tpu.memref_slice %arg4[%add3A_353, %dma_start3A_367, %dma_start3A_368] : memref<2560x3x128xi32, #tpu.memory_space<hbm>> -> memref<1x3x128xi32, #tpu.memory_space<hbm>>
        %dma_start3A_370 = tpu.memref_squeeze %dma_start3A_369 : memref<1x3x128xi32, #tpu.memory_space<hbm>> -> memref<3x128xi32, #tpu.memory_space<hbm>>
        tpu.enqueue_dma source(%dma_start3A_370 : memref<3x128xi32, #tpu.memory_space<hbm>>) target(%dma_start3A_366 : memref<3x128xi32, #tpu.memory_space<vmem>>) target_semaphore(%arg19 : memref<!tpu.dma_semaphore, #tpu.memory_space<semaphore_mem>>)
        %add3A_371 = arith.addi %mul3A_0, %add3A_271 : i32
        %add3A_372 = arith.constant 2 : i32
        %add3A_373 = arith.addi %add3A_371, %add3A_372 : i32
        %dma_wait3A_374 = arith.constant 0 : i32
        %dma_wait3A_375 = arith.constant 0 : i32
        %dma_wait3A_376 = arith.constant 0 : i32
        %dma_wait3A_377 = tpu.memref_slice %arg6[%dma_wait3A_374, %dma_wait3A_375, %dma_wait3A_376] : memref<4x3x128xi32, #tpu.memory_space<vmem>> -> memref<1x3x128xi32, #tpu.memory_space<vmem>>
        %dma_wait3A_378 = tpu.memref_squeeze %dma_wait3A_377 : memref<1x3x128xi32, #tpu.memory_space<vmem>> -> memref<3x128xi32, #tpu.memory_space<vmem>>
        %dma_wait3A_379 = arith.constant 0 : i32
        %dma_wait3A_380 = arith.constant 0 : i32
        %dma_wait3A_381 = tpu.memref_slice %arg4[%add3A_373, %dma_wait3A_379, %dma_wait3A_380] : memref<2560x3x128xi32, #tpu.memory_space<hbm>> -> memref<1x3x128xi32, #tpu.memory_space<hbm>>
        %dma_wait3A_382 = tpu.memref_squeeze %dma_wait3A_381 : memref<1x3x128xi32, #tpu.memory_space<hbm>> -> memref<3x128xi32, #tpu.memory_space<hbm>>
        %dma_wait3A_383 = arith.constant 0 : i32
        %dma_wait3A_384 = arith.constant 0 : i32
        %dma_wait3A_385 = tpu.memref_slice %arg6[%dma_wait3A_374, %dma_wait3A_383, %dma_wait3A_384] : memref<4x3x128xi32, #tpu.memory_space<vmem>> -> memref<1x3x128xi32, #tpu.memory_space<vmem>>
        %dma_wait3A_386 = tpu.memref_squeeze %dma_wait3A_385 : memref<1x3x128xi32, #tpu.memory_space<vmem>> -> memref<3x128xi32, #tpu.memory_space<vmem>>
        %dma_wait3A_387 = arith.constant 0 : i32
        %dma_wait3A_388 = arith.constant 0 : i32
        %dma_wait3A_389 = tpu.memref_slice %arg4[%add3A_373, %dma_wait3A_387, %dma_wait3A_388] : memref<2560x3x128xi32, #tpu.memory_space<hbm>> -> memref<1x3x128xi32, #tpu.memory_space<hbm>>
        %dma_wait3A_390 = tpu.memref_squeeze %dma_wait3A_389 : memref<1x3x128xi32, #tpu.memory_space<hbm>> -> memref<3x128xi32, #tpu.memory_space<hbm>>
        tpu.wait_dma2 semaphore(%arg19 : memref<!tpu.dma_semaphore, #tpu.memory_space<semaphore_mem>>) src(%dma_wait3A_390 : memref<3x128xi32, #tpu.memory_space<hbm>>) dst(%dma_wait3A_386 : memref<3x128xi32, #tpu.memory_space<vmem>>)
        %dma_start3A_391 = arith.constant 0 : i32
        %dma_start3A_392 = arith.constant 0 : i32
        %dma_start3A_393 = arith.constant 0 : i32
        %dma_start3A_394 = tpu.memref_slice %arg6[%dma_start3A_391, %dma_start3A_392, %dma_start3A_393] : memref<4x3x128xi32, #tpu.memory_space<vmem>> -> memref<1x1x128xi32, #tpu.memory_space<vmem>>
        %dma_start3A_395 = tpu.memref_squeeze %dma_start3A_394 : memref<1x1x128xi32, #tpu.memory_space<vmem>> -> memref<128xi32, #tpu.memory_space<vmem>>
        %dma_start3A_396 = arith.constant 0 : i32
        %dma_start3A_397 = arith.constant 0 : i32
        %dma_start3A_398 = tpu.memref_slice %arg23[%dma_start3A_396, %dma_start3A_397] : memref<10240x64xf32, #tpu.memory_space<vmem_shared>> -> memref<10240x64xf32, #tpu.memory_space<vmem_shared>>
        tpu.enqueue_indirect_dma source(%dma_start3A_398 : memref<10240x64xf32, #tpu.memory_space<vmem_shared>>) target(%arg7 : memref<128x64xf32, #tpu.memory_space<vmem>>) offsets(%dma_start3A_395 : memref<128xi32, #tpu.memory_space<vmem>>) semaphore(%arg11 : memref<!tpu.dma_semaphore, #tpu.memory_space<semaphore_mem>>)
      } else {
      }
      %mul3A_309 = arith.constant 4 : i32
      %mul3A_310 = arith.muli %mul3A_309, %scan3A_187 : i32
      %add3A_311 = arith.constant 3 : i32
      %add3A_312 = arith.addi %mul3A_310, %add3A_311 : i32
      %dma_wait3A_313 = arith.constant 3 : i32
      %dma_wait3A_314 = arith.constant 0 : i32
      %dma_wait3A_315 = arith.constant 0 : i32
      %dma_wait3A_316 = tpu.memref_slice %arg6[%dma_wait3A_313, %dma_wait3A_314, %dma_wait3A_315] : memref<4x3x128xi32, #tpu.memory_space<vmem>> -> memref<1x1x128xi32, #tpu.memory_space<vmem>>
      %dma_wait3A_317 = tpu.memref_squeeze %dma_wait3A_316 : memref<1x1x128xi32, #tpu.memory_space<vmem>> -> memref<128xi32, #tpu.memory_space<vmem>>
      %dma_wait3A_318 = arith.constant 0 : i32
      %dma_wait3A_319 = arith.constant 0 : i32
      %dma_wait3A_320 = tpu.memref_slice %arg23[%dma_wait3A_318, %dma_wait3A_319] : memref<10240x64xf32, #tpu.memory_space<vmem_shared>> -> memref<10240x64xf32, #tpu.memory_space<vmem_shared>>
      tpu.wait_indirect_dma semaphore(%arg14 : memref<!tpu.dma_semaphore, #tpu.memory_space<semaphore_mem>>) src(%dma_wait3A_320 : memref<10240x64xf32, #tpu.memory_space<vmem_shared>>) dst(%arg10 : memref<128x64xf32, #tpu.memory_space<vmem>>)
      %broadcast_in_dim3A_321 = arith.constant 3 : i32
      %broadcast_in_dim3A_322 = vector.broadcast %broadcast_in_dim3A_321 : i32 to vector<16xi32>
      %broadcast_in_dim3A_323 = arith.constant 2 : i32
      %broadcast_in_dim3A_324 = vector.broadcast %broadcast_in_dim3A_323 : i32 to vector<16xi32>
      %scan3A_325 = arith.constant 0 : i32
      %scan3A_326 = arith.constant 0 : i32
      %scan3A_327 = arith.constant 32 : i32
      %scan3A_328 = arith.addi %scan3A_326, %scan3A_327 : i32
      %scan3A_329 = arith.constant 1 : i32
      %scan3A_330 = scf.for %scan3A_351 = %scan3A_326 to %scan3A_328 step %scan3A_329 iter_args(%scan3A_352 = %scan3A_325) -> (i32)  : i32 {
        %mul3A_353 = arith.constant 4 : i32
        %mul3A_354 = arith.muli %scan3A_351, %mul3A_353 : i32
        %add3A_355 = arith.constant 0 : i32
        %add3A_356 = arith.addi %mul3A_354, %add3A_355 : i32
        %broadcast_in_dim3A_357 = arith.constant 0 : i32
        %broadcast_in_dim3A_358 = vector.broadcast %broadcast_in_dim3A_357 : i32 to vector<16xi32>
        %add3A_359 = vector.broadcast %add3A_356 : i32 to vector<16xi32>
        %add3A_360 = arith.addi %broadcast_in_dim3A_358, %add3A_359 : vector<16xi32>
        %gather3A = tpu.vector_load_idx %arg6[%broadcast_in_dim3A_322, %broadcast_in_dim3A_324, %add3A_360] : memref<4x3x128xi32, #tpu.memory_space<vmem>>[vector<16xi32>, vector<16xi32>, vector<16xi32>], vector<16xi32>,
        %bitcast3A = vector.bitcast %gather3A : vector<16xi32> to vector<16xf32>
        %get3A = arith.index_cast %add3A_356 : i32 to index
        %get3A_361 = arith.constant 0 : index
        %get3A_362 = tpu.vector_load %arg10[%get3A, %get3A_361] {strides = array<i32>} : memref<128x64xf32, #tpu.memory_space<vmem>>, vector<16xf32>,
        %mul3A_363 = arith.mulf %get3A_362, %bitcast3A : vector<16xf32>
        %swap3A = arith.index_cast %add3A_356 : i32 to index
        %swap3A_364 = arith.constant 0 : index
        %swap3A_365 = tpu.vector_load %arg10[%swap3A, %swap3A_364] {strides = array<i32>} : memref<128x64xf32, #tpu.memory_space<vmem>>, vector<16xf32>,
        tpu.vector_store %arg10[%swap3A, %swap3A_364], %mul3A_363 {strides = array<i32>} : memref<128x64xf32, #tpu.memory_space<vmem>>, vector<16xf32>,
        %get3A_366 = arith.index_cast %add3A_356 : i32 to index
        %get3A_367 = arith.constant 16 : index
        %get3A_368 = tpu.vector_load %arg10[%get3A_366, %get3A_367] {strides = array<i32>} : memref<128x64xf32, #tpu.memory_space<vmem>>, vector<16xf32>,
        %mul3A_369 = arith.mulf %get3A_368, %bitcast3A : vector<16xf32>
        %swap3A_370 = arith.index_cast %add3A_356 : i32 to index
        %swap3A_371 = arith.constant 16 : index
        %swap3A_372 = tpu.vector_load %arg10[%swap3A_370, %swap3A_371] {strides = array<i32>} : memref<128x64xf32, #tpu.memory_space<vmem>>, vector<16xf32>,
        tpu.vector_store %arg10[%swap3A_370, %swap3A_371], %mul3A_369 {strides = array<i32>} : memref<128x64xf32, #tpu.memory_space<vmem>>, vector<16xf32>,
        %get3A_373 = arith.index_cast %add3A_356 : i32 to index
        %get3A_374 = arith.constant 32 : index
        %get3A_375 = tpu.vector_load %arg10[%get3A_373, %get3A_374] {strides = array<i32>} : memref<128x64xf32, #tpu.memory_space<vmem>>, vector<16xf32>,
        %mul3A_376 = arith.mulf %get3A_375, %bitcast3A : vector<16xf32>
        %swap3A_377 = arith.index_cast %add3A_356 : i32 to index
        %swap3A_378 = arith.constant 32 : index
        %swap3A_379 = tpu.vector_load %arg10[%swap3A_377, %swap3A_378] {strides = array<i32>} : memref<128x64xf32, #tpu.memory_space<vmem>>, vector<16xf32>,
        tpu.vector_store %arg10[%swap3A_377, %swap3A_378], %mul3A_376 {strides = array<i32>} : memref<128x64xf32, #tpu.memory_space<vmem>>, vector<16xf32>,
        %get3A_380 = arith.index_cast %add3A_356 : i32 to index
        %get3A_381 = arith.constant 48 : index
        %get3A_382 = tpu.vector_load %arg10[%get3A_380, %get3A_381] {strides = array<i32>} : memref<128x64xf32, #tpu.memory_space<vmem>>, vector<16xf32>,
        %mul3A_383 = arith.mulf %get3A_382, %bitcast3A : vector<16xf32>
        %swap3A_384 = arith.index_cast %add3A_356 : i32 to index
        %swap3A_385 = arith.constant 48 : index
        %swap3A_386 = tpu.vector_load %arg10[%swap3A_384, %swap3A_385] {strides = array<i32>} : memref<128x64xf32, #tpu.memory_space<vmem>>, vector<16xf32>,
        tpu.vector_store %arg10[%swap3A_384, %swap3A_385], %mul3A_383 {strides = array<i32>} : memref<128x64xf32, #tpu.memory_space<vmem>>, vector<16xf32>,
        %mul3A_387 = arith.constant 4 : i32
        %mul3A_388 = arith.muli %scan3A_351, %mul3A_387 : i32
        %add3A_389 = arith.constant 1 : i32
        %add3A_390 = arith.addi %mul3A_388, %add3A_389 : i32
        %broadcast_in_dim3A_391 = arith.constant 0 : i32
        %broadcast_in_dim3A_392 = vector.broadcast %broadcast_in_dim3A_391 : i32 to vector<16xi32>
        %add3A_393 = vector.broadcast %add3A_390 : i32 to vector<16xi32>
        %add3A_394 = arith.addi %broadcast_in_dim3A_392, %add3A_393 : vector<16xi32>
        %gather3A_395 = tpu.vector_load_idx %arg6[%broadcast_in_dim3A_322, %broadcast_in_dim3A_324, %add3A_394] : memref<4x3x128xi32, #tpu.memory_space<vmem>>[vector<16xi32>, vector<16xi32>, vector<16xi32>], vector<16xi32>,
        %bitcast3A_396 = vector.bitcast %gather3A_395 : vector<16xi32> to vector<16xf32>
        %get3A_397 = arith.index_cast %add3A_390 : i32 to index
        %get3A_398 = arith.constant 0 : index
        %get3A_399 = tpu.vector_load %arg10[%get3A_397, %get3A_398] {strides = array<i32>} : memref<128x64xf32, #tpu.memory_space<vmem>>, vector<16xf32>,
        %mul3A_400 = arith.mulf %get3A_399, %bitcast3A_396 : vector<16xf32>
        %swap3A_401 = arith.index_cast %add3A_390 : i32 to index
        %swap3A_402 = arith.constant 0 : index
        %swap3A_403 = tpu.vector_load %arg10[%swap3A_401, %swap3A_402] {strides = array<i32>} : memref<128x64xf32, #tpu.memory_space<vmem>>, vector<16xf32>,
        tpu.vector_store %arg10[%swap3A_401, %swap3A_402], %mul3A_400 {strides = array<i32>} : memref<128x64xf32, #tpu.memory_space<vmem>>, vector<16xf32>,
        %get3A_404 = arith.index_cast %add3A_390 : i32 to index
        %get3A_405 = arith.constant 16 : index
        %get3A_406 = tpu.vector_load %arg10[%get3A_404, %get3A_405] {strides = array<i32>} : memref<128x64xf32, #tpu.memory_space<vmem>>, vector<16xf32>,
        %mul3A_407 = arith.mulf %get3A_406, %bitcast3A_396 : vector<16xf32>
        %swap3A_408 = arith.index_cast %add3A_390 : i32 to index
        %swap3A_409 = arith.constant 16 : index
        %swap3A_410 = tpu.vector_load %arg10[%swap3A_408, %swap3A_409] {strides = array<i32>} : memref<128x64xf32, #tpu.memory_space<vmem>>, vector<16xf32>,
        tpu.vector_store %arg10[%swap3A_408, %swap3A_409], %mul3A_407 {strides = array<i32>} : memref<128x64xf32, #tpu.memory_space<vmem>>, vector<16xf32>,
        %get3A_411 = arith.index_cast %add3A_390 : i32 to index
        %get3A_412 = arith.constant 32 : index
        %get3A_413 = tpu.vector_load %arg10[%get3A_411, %get3A_412] {strides = array<i32>} : memref<128x64xf32, #tpu.memory_space<vmem>>, vector<16xf32>,
        %mul3A_414 = arith.mulf %get3A_413, %bitcast3A_396 : vector<16xf32>
        %swap3A_415 = arith.index_cast %add3A_390 : i32 to index
        %swap3A_416 = arith.constant 32 : index
        %swap3A_417 = tpu.vector_load %arg10[%swap3A_415, %swap3A_416] {strides = array<i32>} : memref<128x64xf32, #tpu.memory_space<vmem>>, vector<16xf32>,
        tpu.vector_store %arg10[%swap3A_415, %swap3A_416], %mul3A_414 {strides = array<i32>} : memref<128x64xf32, #tpu.memory_space<vmem>>, vector<16xf32>,
        %get3A_418 = arith.index_cast %add3A_390 : i32 to index
        %get3A_419 = arith.constant 48 : index
        %get3A_420 = tpu.vector_load %arg10[%get3A_418, %get3A_419] {strides = array<i32>} : memref<128x64xf32, #tpu.memory_space<vmem>>, vector<16xf32>,
        %mul3A_421 = arith.mulf %get3A_420, %bitcast3A_396 : vector<16xf32>
        %swap3A_422 = arith.index_cast %add3A_390 : i32 to index
        %swap3A_423 = arith.constant 48 : index
        %swap3A_424 = tpu.vector_load %arg10[%swap3A_422, %swap3A_423] {strides = array<i32>} : memref<128x64xf32, #tpu.memory_space<vmem>>, vector<16xf32>,
        tpu.vector_store %arg10[%swap3A_422, %swap3A_423], %mul3A_421 {strides = array<i32>} : memref<128x64xf32, #tpu.memory_space<vmem>>, vector<16xf32>,
        %mul3A_425 = arith.constant 4 : i32
        %mul3A_426 = arith.muli %scan3A_351, %mul3A_425 : i32
        %add3A_427 = arith.constant 2 : i32
        %add3A_428 = arith.addi %mul3A_426, %add3A_427 : i32
        %broadcast_in_dim3A_429 = arith.constant 0 : i32
        %broadcast_in_dim3A_430 = vector.broadcast %broadcast_in_dim3A_429 : i32 to vector<16xi32>
        %add3A_431 = vector.broadcast %add3A_428 : i32 to vector<16xi32>
        %add3A_432 = arith.addi %broadcast_in_dim3A_430, %add3A_431 : vector<16xi32>
        %gather3A_433 = tpu.vector_load_idx %arg6[%broadcast_in_dim3A_322, %broadcast_in_dim3A_324, %add3A_432] : memref<4x3x128xi32, #tpu.memory_space<vmem>>[vector<16xi32>, vector<16xi32>, vector<16xi32>], vector<16xi32>,
        %bitcast3A_434 = vector.bitcast %gather3A_433 : vector<16xi32> to vector<16xf32>
        %get3A_435 = arith.index_cast %add3A_428 : i32 to index
        %get3A_436 = arith.constant 0 : index
        %get3A_437 = tpu.vector_load %arg10[%get3A_435, %get3A_436] {strides = array<i32>} : memref<128x64xf32, #tpu.memory_space<vmem>>, vector<16xf32>,
        %mul3A_438 = arith.mulf %get3A_437, %bitcast3A_434 : vector<16xf32>
        %swap3A_439 = arith.index_cast %add3A_428 : i32 to index
        %swap3A_440 = arith.constant 0 : index
        %swap3A_441 = tpu.vector_load %arg10[%swap3A_439, %swap3A_440] {strides = array<i32>} : memref<128x64xf32, #tpu.memory_space<vmem>>, vector<16xf32>,
        tpu.vector_store %arg10[%swap3A_439, %swap3A_440], %mul3A_438 {strides = array<i32>} : memref<128x64xf32, #tpu.memory_space<vmem>>, vector<16xf32>,
        %get3A_442 = arith.index_cast %add3A_428 : i32 to index
        %get3A_443 = arith.constant 16 : index
        %get3A_444 = tpu.vector_load %arg10[%get3A_442, %get3A_443] {strides = array<i32>} : memref<128x64xf32, #tpu.memory_space<vmem>>, vector<16xf32>,
        %mul3A_445 = arith.mulf %get3A_444, %bitcast3A_434 : vector<16xf32>
        %swap3A_446 = arith.index_cast %add3A_428 : i32 to index
        %swap3A_447 = arith.constant 16 : index
        %swap3A_448 = tpu.vector_load %arg10[%swap3A_446, %swap3A_447] {strides = array<i32>} : memref<128x64xf32, #tpu.memory_space<vmem>>, vector<16xf32>,
        tpu.vector_store %arg10[%swap3A_446, %swap3A_447], %mul3A_445 {strides = array<i32>} : memref<128x64xf32, #tpu.memory_space<vmem>>, vector<16xf32>,
        %get3A_449 = arith.index_cast %add3A_428 : i32 to index
        %get3A_450 = arith.constant 32 : index
        %get3A_451 = tpu.vector_load %arg10[%get3A_449, %get3A_450] {strides = array<i32>} : memref<128x64xf32, #tpu.memory_space<vmem>>, vector<16xf32>,
        %mul3A_452 = arith.mulf %get3A_451, %bitcast3A_434 : vector<16xf32>
        %swap3A_453 = arith.index_cast %add3A_428 : i32 to index
        %swap3A_454 = arith.constant 32 : index
        %swap3A_455 = tpu.vector_load %arg10[%swap3A_453, %swap3A_454] {strides = array<i32>} : memref<128x64xf32, #tpu.memory_space<vmem>>, vector<16xf32>,
        tpu.vector_store %arg10[%swap3A_453, %swap3A_454], %mul3A_452 {strides = array<i32>} : memref<128x64xf32, #tpu.memory_space<vmem>>, vector<16xf32>,
        %get3A_456 = arith.index_cast %add3A_428 : i32 to index
        %get3A_457 = arith.constant 48 : index
        %get3A_458 = tpu.vector_load %arg10[%get3A_456, %get3A_457] {strides = array<i32>} : memref<128x64xf32, #tpu.memory_space<vmem>>, vector<16xf32>,
        %mul3A_459 = arith.mulf %get3A_458, %bitcast3A_434 : vector<16xf32>
        %swap3A_460 = arith.index_cast %add3A_428 : i32 to index
        %swap3A_461 = arith.constant 48 : index
        %swap3A_462 = tpu.vector_load %arg10[%swap3A_460, %swap3A_461] {strides = array<i32>} : memref<128x64xf32, #tpu.memory_space<vmem>>, vector<16xf32>,
        tpu.vector_store %arg10[%swap3A_460, %swap3A_461], %mul3A_459 {strides = array<i32>} : memref<128x64xf32, #tpu.memory_space<vmem>>, vector<16xf32>,
        %mul3A_463 = arith.constant 4 : i32
        %mul3A_464 = arith.muli %scan3A_351, %mul3A_463 : i32
        %add3A_465 = arith.constant 3 : i32
        %add3A_466 = arith.addi %mul3A_464, %add3A_465 : i32
        %broadcast_in_dim3A_467 = arith.constant 0 : i32
        %broadcast_in_dim3A_468 = vector.broadcast %broadcast_in_dim3A_467 : i32 to vector<16xi32>
        %add3A_469 = vector.broadcast %add3A_466 : i32 to vector<16xi32>
        %add3A_470 = arith.addi %broadcast_in_dim3A_468, %add3A_469 : vector<16xi32>
        %gather3A_471 = tpu.vector_load_idx %arg6[%broadcast_in_dim3A_322, %broadcast_in_dim3A_324, %add3A_470] : memref<4x3x128xi32, #tpu.memory_space<vmem>>[vector<16xi32>, vector<16xi32>, vector<16xi32>], vector<16xi32>,
        %bitcast3A_472 = vector.bitcast %gather3A_471 : vector<16xi32> to vector<16xf32>
        %get3A_473 = arith.index_cast %add3A_466 : i32 to index
        %get3A_474 = arith.constant 0 : index
        %get3A_475 = tpu.vector_load %arg10[%get3A_473, %get3A_474] {strides = array<i32>} : memref<128x64xf32, #tpu.memory_space<vmem>>, vector<16xf32>,
        %mul3A_476 = arith.mulf %get3A_475, %bitcast3A_472 : vector<16xf32>
        %swap3A_477 = arith.index_cast %add3A_466 : i32 to index
        %swap3A_478 = arith.constant 0 : index
        %swap3A_479 = tpu.vector_load %arg10[%swap3A_477, %swap3A_478] {strides = array<i32>} : memref<128x64xf32, #tpu.memory_space<vmem>>, vector<16xf32>,
        tpu.vector_store %arg10[%swap3A_477, %swap3A_478], %mul3A_476 {strides = array<i32>} : memref<128x64xf32, #tpu.memory_space<vmem>>, vector<16xf32>,
        %get3A_480 = arith.index_cast %add3A_466 : i32 to index
        %get3A_481 = arith.constant 16 : index
        %get3A_482 = tpu.vector_load %arg10[%get3A_480, %get3A_481] {strides = array<i32>} : memref<128x64xf32, #tpu.memory_space<vmem>>, vector<16xf32>,
        %mul3A_483 = arith.mulf %get3A_482, %bitcast3A_472 : vector<16xf32>
        %swap3A_484 = arith.index_cast %add3A_466 : i32 to index
        %swap3A_485 = arith.constant 16 : index
        %swap3A_486 = tpu.vector_load %arg10[%swap3A_484, %swap3A_485] {strides = array<i32>} : memref<128x64xf32, #tpu.memory_space<vmem>>, vector<16xf32>,
        tpu.vector_store %arg10[%swap3A_484, %swap3A_485], %mul3A_483 {strides = array<i32>} : memref<128x64xf32, #tpu.memory_space<vmem>>, vector<16xf32>,
        %get3A_487 = arith.index_cast %add3A_466 : i32 to index
        %get3A_488 = arith.constant 32 : index
        %get3A_489 = tpu.vector_load %arg10[%get3A_487, %get3A_488] {strides = array<i32>} : memref<128x64xf32, #tpu.memory_space<vmem>>, vector<16xf32>,
        %mul3A_490 = arith.mulf %get3A_489, %bitcast3A_472 : vector<16xf32>
        %swap3A_491 = arith.index_cast %add3A_466 : i32 to index
        %swap3A_492 = arith.constant 32 : index
        %swap3A_493 = tpu.vector_load %arg10[%swap3A_491, %swap3A_492] {strides = array<i32>} : memref<128x64xf32, #tpu.memory_space<vmem>>, vector<16xf32>,
        tpu.vector_store %arg10[%swap3A_491, %swap3A_492], %mul3A_490 {strides = array<i32>} : memref<128x64xf32, #tpu.memory_space<vmem>>, vector<16xf32>,
        %get3A_494 = arith.index_cast %add3A_466 : i32 to index
        %get3A_495 = arith.constant 48 : index
        %get3A_496 = tpu.vector_load %arg10[%get3A_494, %get3A_495] {strides = array<i32>} : memref<128x64xf32, #tpu.memory_space<vmem>>, vector<16xf32>,
        %mul3A_497 = arith.mulf %get3A_496, %bitcast3A_472 : vector<16xf32>
        %swap3A_498 = arith.index_cast %add3A_466 : i32 to index
        %swap3A_499 = arith.constant 48 : index
        %swap3A_500 = tpu.vector_load %arg10[%swap3A_498, %swap3A_499] {strides = array<i32>} : memref<128x64xf32, #tpu.memory_space<vmem>>, vector<16xf32>,
        tpu.vector_store %arg10[%swap3A_498, %swap3A_499], %mul3A_497 {strides = array<i32>} : memref<128x64xf32, #tpu.memory_space<vmem>>, vector<16xf32>,
        %scan3A_501 = arith.constant 0 : i32
        scf.yield %scan3A_501 : i32
      }
      %scan3A_331 = arith.constant 32 : i32
      %dma_start3A_332 = arith.constant 3 : i32
      %dma_start3A_333 = arith.constant 1 : i32
      %dma_start3A_334 = arith.constant 0 : i32
      %dma_start3A_335 = tpu.memref_slice %arg6[%dma_start3A_332, %dma_start3A_333, %dma_start3A_334] : memref<4x3x128xi32, #tpu.memory_space<vmem>> -> memref<1x1x128xi32, #tpu.memory_space<vmem>>
      %dma_start3A_336 = tpu.memref_squeeze %dma_start3A_335 : memref<1x1x128xi32, #tpu.memory_space<vmem>> -> memref<128xi32, #tpu.memory_space<vmem>>
      %dma_start3A_337 = arith.constant 0 : i32
      %dma_start3A_338 = arith.constant 0 : i32
      %dma_start3A_339 = tpu.memref_slice %arg24[%dma_start3A_337, %dma_start3A_338] : memref<10240x64xf32, #tpu.memory_space<vmem_shared>> -> memref<10240x64xf32, #tpu.memory_space<vmem_shared>>
      tpu.enqueue_indirect_dma source(%arg10 : memref<128x64xf32, #tpu.memory_space<vmem>>) target(%dma_start3A_339 : memref<10240x64xf32, #tpu.memory_space<vmem_shared>>) offsets(%dma_start3A_336 : memref<128xi32, #tpu.memory_space<vmem>>) semaphore(%arg18 : memref<!tpu.dma_semaphore, #tpu.memory_space<semaphore_mem>>) {add = true}
      %ge3A_340 = arith.constant 2 : i32
      %ge3A_341 = arith.cmpi sge, %add3A_312, %ge3A_340 : i32
      %convert_element_type3A_342 = arith.extui %ge3A_341 : i1 to i32
      %cond3A_343 = arith.constant 0 : i32
      %cond3A_344 = arith.cmpi ne, %convert_element_type3A_342, %cond3A_343 : i32
      scf.if %cond3A_344 {
        %dma_wait3A_351 = arith.constant 1 : i32
        %dma_wait3A_352 = arith.constant 1 : i32
        %dma_wait3A_353 = arith.constant 0 : i32
        %dma_wait3A_354 = tpu.memref_slice %arg6[%dma_wait3A_351, %dma_wait3A_352, %dma_wait3A_353] : memref<4x3x128xi32, #tpu.memory_space<vmem>> -> memref<1x1x128xi32, #tpu.memory_space<vmem>>
        %dma_wait3A_355 = tpu.memref_squeeze %dma_wait3A_354 : memref<1x1x128xi32, #tpu.memory_space<vmem>> -> memref<128xi32, #tpu.memory_space<vmem>>
        %dma_wait3A_356 = arith.constant 0 : i32
        %dma_wait3A_357 = arith.constant 0 : i32
        %dma_wait3A_358 = tpu.memref_slice %arg24[%dma_wait3A_356, %dma_wait3A_357] : memref<10240x64xf32, #tpu.memory_space<vmem_shared>> -> memref<10240x64xf32, #tpu.memory_space<vmem_shared>>
        tpu.wait_indirect_dma semaphore(%arg16 : memref<!tpu.dma_semaphore, #tpu.memory_space<semaphore_mem>>) src(%arg8 : memref<128x64xf32, #tpu.memory_space<vmem>>) dst(%dma_wait3A_358 : memref<10240x64xf32, #tpu.memory_space<vmem_shared>>)
      } else {
      }
      %lt3A_345 = arith.constant 158 : i32
      %lt3A_346 = arith.cmpi slt, %add3A_312, %lt3A_345 : i32
      %convert_element_type3A_347 = arith.extui %lt3A_346 : i1 to i32
      %cond3A_348 = arith.constant 0 : i32
      %cond3A_349 = arith.cmpi ne, %convert_element_type3A_347, %cond3A_348 : i32
      scf.if %cond3A_349 {
        %add3A_351 = arith.addi %mul3A_0, %add3A_312 : i32
        %add3A_352 = arith.constant 2 : i32
        %add3A_353 = arith.addi %add3A_351, %add3A_352 : i32
        %dma_start3A_354 = arith.constant 1 : i32
        %dma_start3A_355 = arith.constant 0 : i32
        %dma_start3A_356 = arith.constant 0 : i32
        %dma_start3A_357 = tpu.memref_slice %arg6[%dma_start3A_354, %dma_start3A_355, %dma_start3A_356] : memref<4x3x128xi32, #tpu.memory_space<vmem>> -> memref<1x3x128xi32, #tpu.memory_space<vmem>>
        %dma_start3A_358 = tpu.memref_squeeze %dma_start3A_357 : memref<1x3x128xi32, #tpu.memory_space<vmem>> -> memref<3x128xi32, #tpu.memory_space<vmem>>
        %dma_start3A_359 = arith.constant 0 : i32
        %dma_start3A_360 = arith.constant 0 : i32
        %dma_start3A_361 = tpu.memref_slice %arg4[%add3A_353, %dma_start3A_359, %dma_start3A_360] : memref<2560x3x128xi32, #tpu.memory_space<hbm>> -> memref<1x3x128xi32, #tpu.memory_space<hbm>>
        %dma_start3A_362 = tpu.memref_squeeze %dma_start3A_361 : memref<1x3x128xi32, #tpu.memory_space<hbm>> -> memref<3x128xi32, #tpu.memory_space<hbm>>
        %dma_start3A_363 = arith.constant 0 : i32
        %dma_start3A_364 = arith.constant 0 : i32
        %dma_start3A_365 = tpu.memref_slice %arg6[%dma_start3A_354, %dma_start3A_363, %dma_start3A_364] : memref<4x3x128xi32, #tpu.memory_space<vmem>> -> memref<1x3x128xi32, #tpu.memory_space<vmem>>
        %dma_start3A_366 = tpu.memref_squeeze %dma_start3A_365 : memref<1x3x128xi32, #tpu.memory_space<vmem>> -> memref<3x128xi32, #tpu.memory_space<vmem>>
        %dma_start3A_367 = arith.constant 0 : i32
        %dma_start3A_368 = arith.constant 0 : i32
        %dma_start3A_369 = tpu.memref_slice %arg4[%add3A_353, %dma_start3A_367, %dma_start3A_368] : memref<2560x3x128xi32, #tpu.memory_space<hbm>> -> memref<1x3x128xi32, #tpu.memory_space<hbm>>
        %dma_start3A_370 = tpu.memref_squeeze %dma_start3A_369 : memref<1x3x128xi32, #tpu.memory_space<hbm>> -> memref<3x128xi32, #tpu.memory_space<hbm>>
        tpu.enqueue_dma source(%dma_start3A_370 : memref<3x128xi32, #tpu.memory_space<hbm>>) target(%dma_start3A_366 : memref<3x128xi32, #tpu.memory_space<vmem>>) target_semaphore(%arg20 : memref<!tpu.dma_semaphore, #tpu.memory_space<semaphore_mem>>)
        %add3A_371 = arith.addi %mul3A_0, %add3A_312 : i32
        %add3A_372 = arith.constant 2 : i32
        %add3A_373 = arith.addi %add3A_371, %add3A_372 : i32
        %dma_wait3A_374 = arith.constant 1 : i32
        %dma_wait3A_375 = arith.constant 0 : i32
        %dma_wait3A_376 = arith.constant 0 : i32
        %dma_wait3A_377 = tpu.memref_slice %arg6[%dma_wait3A_374, %dma_wait3A_375, %dma_wait3A_376] : memref<4x3x128xi32, #tpu.memory_space<vmem>> -> memref<1x3x128xi32, #tpu.memory_space<vmem>>
        %dma_wait3A_378 = tpu.memref_squeeze %dma_wait3A_377 : memref<1x3x128xi32, #tpu.memory_space<vmem>> -> memref<3x128xi32, #tpu.memory_space<vmem>>
        %dma_wait3A_379 = arith.constant 0 : i32
        %dma_wait3A_380 = arith.constant 0 : i32
        %dma_wait3A_381 = tpu.memref_slice %arg4[%add3A_373, %dma_wait3A_379, %dma_wait3A_380] : memref<2560x3x128xi32, #tpu.memory_space<hbm>> -> memref<1x3x128xi32, #tpu.memory_space<hbm>>
        %dma_wait3A_382 = tpu.memref_squeeze %dma_wait3A_381 : memref<1x3x128xi32, #tpu.memory_space<hbm>> -> memref<3x128xi32, #tpu.memory_space<hbm>>
        %dma_wait3A_383 = arith.constant 0 : i32
        %dma_wait3A_384 = arith.constant 0 : i32
        %dma_wait3A_385 = tpu.memref_slice %arg6[%dma_wait3A_374, %dma_wait3A_383, %dma_wait3A_384] : memref<4x3x128xi32, #tpu.memory_space<vmem>> -> memref<1x3x128xi32, #tpu.memory_space<vmem>>
        %dma_wait3A_386 = tpu.memref_squeeze %dma_wait3A_385 : memref<1x3x128xi32, #tpu.memory_space<vmem>> -> memref<3x128xi32, #tpu.memory_space<vmem>>
        %dma_wait3A_387 = arith.constant 0 : i32
        %dma_wait3A_388 = arith.constant 0 : i32
        %dma_wait3A_389 = tpu.memref_slice %arg4[%add3A_373, %dma_wait3A_387, %dma_wait3A_388] : memref<2560x3x128xi32, #tpu.memory_space<hbm>> -> memref<1x3x128xi32, #tpu.memory_space<hbm>>
        %dma_wait3A_390 = tpu.memref_squeeze %dma_wait3A_389 : memref<1x3x128xi32, #tpu.memory_space<hbm>> -> memref<3x128xi32, #tpu.memory_space<hbm>>
        tpu.wait_dma2 semaphore(%arg20 : memref<!tpu.dma_semaphore, #tpu.memory_space<semaphore_mem>>) src(%dma_wait3A_390 : memref<3x128xi32, #tpu.memory_space<hbm>>) dst(%dma_wait3A_386 : memref<3x128xi32, #tpu.memory_space<vmem>>)
        %dma_start3A_391 = arith.constant 1 : i32
        %dma_start3A_392 = arith.constant 0 : i32
        %dma_start3A_393 = arith.constant 0 : i32
        %dma_start3A_394 = tpu.memref_slice %arg6[%dma_start3A_391, %dma_start3A_392, %dma_start3A_393] : memref<4x3x128xi32, #tpu.memory_space<vmem>> -> memref<1x1x128xi32, #tpu.memory_space<vmem>>
        %dma_start3A_395 = tpu.memref_squeeze %dma_start3A_394 : memref<1x1x128xi32, #tpu.memory_space<vmem>> -> memref<128xi32, #tpu.memory_space<vmem>>
        %dma_start3A_396 = arith.constant 0 : i32
        %dma_start3A_397 = arith.constant 0 : i32
        %dma_start3A_398 = tpu.memref_slice %arg23[%dma_start3A_396, %dma_start3A_397] : memref<10240x64xf32, #tpu.memory_space<vmem_shared>> -> memref<10240x64xf32, #tpu.memory_space<vmem_shared>>
        tpu.enqueue_indirect_dma source(%dma_start3A_398 : memref<10240x64xf32, #tpu.memory_space<vmem_shared>>) target(%arg8 : memref<128x64xf32, #tpu.memory_space<vmem>>) offsets(%dma_start3A_395 : memref<128xi32, #tpu.memory_space<vmem>>) semaphore(%arg12 : memref<!tpu.dma_semaphore, #tpu.memory_space<semaphore_mem>>)
      } else {
      }
      %scan3A_350 = arith.constant 0 : i32
      scf.yield %scan3A_350 : i32
    }
    %scan3A_129 = arith.constant 40 : i32
    %dma_wait3A_130 = arith.constant 2 : i32
    %dma_wait3A_131 = arith.constant 1 : i32
    %dma_wait3A_132 = arith.constant 0 : i32
    %dma_wait3A_133 = tpu.memref_slice %arg6[%dma_wait3A_130, %dma_wait3A_131, %dma_wait3A_132] : memref<4x3x128xi32, #tpu.memory_space<vmem>> -> memref<1x1x128xi32, #tpu.memory_space<vmem>>
    %dma_wait3A_134 = tpu.memref_squeeze %dma_wait3A_133 : memref<1x1x128xi32, #tpu.memory_space<vmem>> -> memref<128xi32, #tpu.memory_space<vmem>>
    %dma_wait3A_135 = arith.constant 0 : i32
    %dma_wait3A_136 = arith.constant 0 : i32
    %dma_wait3A_137 = tpu.memref_slice %arg24[%dma_wait3A_135, %dma_wait3A_136] : memref<10240x64xf32, #tpu.memory_space<vmem_shared>> -> memref<10240x64xf32, #tpu.memory_space<vmem_shared>>
    tpu.wait_indirect_dma semaphore(%arg17 : memref<!tpu.dma_semaphore, #tpu.memory_space<semaphore_mem>>) src(%arg9 : memref<128x64xf32, #tpu.memory_space<vmem>>) dst(%dma_wait3A_137 : memref<10240x64xf32, #tpu.memory_space<vmem_shared>>)
    %dma_wait3A_138 = arith.constant 3 : i32
    %dma_wait3A_139 = arith.constant 1 : i32
    %dma_wait3A_140 = arith.constant 0 : i32
    %dma_wait3A_141 = tpu.memref_slice %arg6[%dma_wait3A_138, %dma_wait3A_139, %dma_wait3A_140] : memref<4x3x128xi32, #tpu.memory_space<vmem>> -> memref<1x1x128xi32, #tpu.memory_space<vmem>>
    %dma_wait3A_142 = tpu.memref_squeeze %dma_wait3A_141 : memref<1x1x128xi32, #tpu.memory_space<vmem>> -> memref<128xi32, #tpu.memory_space<vmem>>
    %dma_wait3A_143 = arith.constant 0 : i32
    %dma_wait3A_144 = arith.constant 0 : i32
    %dma_wait3A_145 = tpu.memref_slice %arg24[%dma_wait3A_143, %dma_wait3A_144] : memref<10240x64xf32, #tpu.memory_space<vmem_shared>> -> memref<10240x64xf32, #tpu.memory_space<vmem_shared>>
    tpu.wait_indirect_dma semaphore(%arg18 : memref<!tpu.dma_semaphore, #tpu.memory_space<semaphore_mem>>) src(%arg10 : memref<128x64xf32, #tpu.memory_space<vmem>>) dst(%dma_wait3A_145 : memref<10240x64xf32, #tpu.memory_space<vmem_shared>>)
    %barrier3A_146 = arith.constant 0 : index
    tpu.barrier barrier_id(%barrier3A_146)
    %mul3A_147 = arith.constant 640 : i32
    %mul3A_148 = arith.muli %arg1, %mul3A_147 : i32
    %add3A_149 = arith.constant 0 : i32
    %add3A_150 = arith.addi %mul3A_148, %add3A_149 : i32
    %mul3A_151 = arith.constant 640 : i32
    %mul3A_152 = arith.muli %arg1, %mul3A_151 : i32
    %add3A_153 = arith.constant 0 : i32
    %add3A_154 = arith.addi %mul3A_152, %add3A_153 : i32
    "tpu.region"() ({
      %run_scoped3A = tpu.sem_alloc : memref<!tpu.dma_semaphore, #tpu.memory_space<semaphore_mem>>
      %dma_start3A_187 = arith.constant 0 : i32
      %dma_start3A_188 = tpu.memref_slice %arg5[%arg0, %add3A_154, %dma_start3A_187] : memref<2x10240x64xf32, #tpu.memory_space<hbm>> -> memref<1x128x64xf32, #tpu.memory_space<hbm>>
      %dma_start3A_189 = tpu.memref_squeeze %dma_start3A_188 : memref<1x128x64xf32, #tpu.memory_space<hbm>> -> memref<128x64xf32, #tpu.memory_space<hbm>>
      %dma_start3A_190 = arith.constant 0 : i32
      %dma_start3A_191 = tpu.memref_slice %arg24[%add3A_150, %dma_start3A_190] : memref<10240x64xf32, #tpu.memory_space<vmem_shared>> -> memref<128x64xf32, #tpu.memory_space<vmem_shared>>
      tpu.enqueue_dma source(%dma_start3A_191 : memref<128x64xf32, #tpu.memory_space<vmem_shared>>) target(%dma_start3A_189 : memref<128x64xf32, #tpu.memory_space<hbm>>) target_semaphore(%run_scoped3A : memref<!tpu.dma_semaphore, #tpu.memory_space<semaphore_mem>>)
      %dma_wait3A_192 = arith.constant 0 : i32
      %dma_wait3A_193 = tpu.memref_slice %arg5[%arg0, %add3A_154, %dma_wait3A_192] : memref<2x10240x64xf32, #tpu.memory_space<hbm>> -> memref<1x128x64xf32, #tpu.memory_space<hbm>>
      %dma_wait3A_194 = tpu.memref_squeeze %dma_wait3A_193 : memref<1x128x64xf32, #tpu.memory_space<hbm>> -> memref<128x64xf32, #tpu.memory_space<hbm>>
      %dma_wait3A_195 = arith.constant 0 : i32
      %dma_wait3A_196 = tpu.memref_slice %arg24[%add3A_150, %dma_wait3A_195] : memref<10240x64xf32, #tpu.memory_space<vmem_shared>> -> memref<128x64xf32, #tpu.memory_space<vmem_shared>>
      tpu.wait_dma2 semaphore(%run_scoped3A : memref<!tpu.dma_semaphore, #tpu.memory_space<semaphore_mem>>) src(%dma_wait3A_196 : memref<128x64xf32, #tpu.memory_space<vmem_shared>>) dst(%dma_wait3A_194 : memref<128x64xf32, #tpu.memory_space<hbm>>)
      tpu.yield
    }) : () -> ()
    %mul3A_155 = arith.constant 640 : i32
    %mul3A_156 = arith.muli %arg1, %mul3A_155 : i32
    %add3A_157 = arith.constant 128 : i32
    %add3A_158 = arith.addi %mul3A_156, %add3A_157 : i32
    %mul3A_159 = arith.constant 640 : i32
    %mul3A_160 = arith.muli %arg1, %mul3A_159 : i32
    %add3A_161 = arith.constant 128 : i32
    %add3A_162 = arith.addi %mul3A_160, %add3A_161 : i32
    "tpu.region"() ({
      %run_scoped3A = tpu.sem_alloc : memref<!tpu.dma_semaphore, #tpu.memory_space<semaphore_mem>>
      %dma_start3A_187 = arith.constant 0 : i32
      %dma_start3A_188 = tpu.memref_slice %arg5[%arg0, %add3A_162, %dma_start3A_187] : memref<2x10240x64xf32, #tpu.memory_space<hbm>> -> memref<1x128x64xf32, #tpu.memory_space<hbm>>
      %dma_start3A_189 = tpu.memref_squeeze %dma_start3A_188 : memref<1x128x64xf32, #tpu.memory_space<hbm>> -> memref<128x64xf32, #tpu.memory_space<hbm>>
      %dma_start3A_190 = arith.constant 0 : i32
      %dma_start3A_191 = tpu.memref_slice %arg24[%add3A_158, %dma_start3A_190] : memref<10240x64xf32, #tpu.memory_space<vmem_shared>> -> memref<128x64xf32, #tpu.memory_space<vmem_shared>>
      tpu.enqueue_dma source(%dma_start3A_191 : memref<128x64xf32, #tpu.memory_space<vmem_shared>>) target(%dma_start3A_189 : memref<128x64xf32, #tpu.memory_space<hbm>>) target_semaphore(%run_scoped3A : memref<!tpu.dma_semaphore, #tpu.memory_space<semaphore_mem>>)
      %dma_wait3A_192 = arith.constant 0 : i32
      %dma_wait3A_193 = tpu.memref_slice %arg5[%arg0, %add3A_162, %dma_wait3A_192] : memref<2x10240x64xf32, #tpu.memory_space<hbm>> -> memref<1x128x64xf32, #tpu.memory_space<hbm>>
      %dma_wait3A_194 = tpu.memref_squeeze %dma_wait3A_193 : memref<1x128x64xf32, #tpu.memory_space<hbm>> -> memref<128x64xf32, #tpu.memory_space<hbm>>
      %dma_wait3A_195 = arith.constant 0 : i32
      %dma_wait3A_196 = tpu.memref_slice %arg24[%add3A_158, %dma_wait3A_195] : memref<10240x64xf32, #tpu.memory_space<vmem_shared>> -> memref<128x64xf32, #tpu.memory_space<vmem_shared>>
      tpu.wait_dma2 semaphore(%run_scoped3A : memref<!tpu.dma_semaphore, #tpu.memory_space<semaphore_mem>>) src(%dma_wait3A_196 : memref<128x64xf32, #tpu.memory_space<vmem_shared>>) dst(%dma_wait3A_194 : memref<128x64xf32, #tpu.memory_space<hbm>>)
      tpu.yield
    }) : () -> ()
    %mul3A_163 = arith.constant 640 : i32
    %mul3A_164 = arith.muli %arg1, %mul3A_163 : i32
    %add3A_165 = arith.constant 256 : i32
    %add3A_166 = arith.addi %mul3A_164, %add3A_165 : i32
    %mul3A_167 = arith.constant 640 : i32
    %mul3A_168 = arith.muli %arg1, %mul3A_167 : i32
    %add3A_169 = arith.constant 256 : i32
    %add3A_170 = arith.addi %mul3A_168, %add3A_169 : i32
    "tpu.region"() ({
      %run_scoped3A = tpu.sem_alloc : memref<!tpu.dma_semaphore, #tpu.memory_space<semaphore_mem>>
      %dma_start3A_187 = arith.constant 0 : i32
      %dma_start3A_188 = tpu.memref_slice %arg5[%arg0, %add3A_170, %dma_start3A_187] : memref<2x10240x64xf32, #tpu.memory_space<hbm>> -> memref<1x128x64xf32, #tpu.memory_space<hbm>>
      %dma_start3A_189 = tpu.memref_squeeze %dma_start3A_188 : memref<1x128x64xf32, #tpu.memory_space<hbm>> -> memref<128x64xf32, #tpu.memory_space<hbm>>
      %dma_start3A_190 = arith.constant 0 : i32
      %dma_start3A_191 = tpu.memref_slice %arg24[%add3A_166, %dma_start3A_190] : memref<10240x64xf32, #tpu.memory_space<vmem_shared>> -> memref<128x64xf32, #tpu.memory_space<vmem_shared>>
      tpu.enqueue_dma source(%dma_start3A_191 : memref<128x64xf32, #tpu.memory_space<vmem_shared>>) target(%dma_start3A_189 : memref<128x64xf32, #tpu.memory_space<hbm>>) target_semaphore(%run_scoped3A : memref<!tpu.dma_semaphore, #tpu.memory_space<semaphore_mem>>)
      %dma_wait3A_192 = arith.constant 0 : i32
      %dma_wait3A_193 = tpu.memref_slice %arg5[%arg0, %add3A_170, %dma_wait3A_192] : memref<2x10240x64xf32, #tpu.memory_space<hbm>> -> memref<1x128x64xf32, #tpu.memory_space<hbm>>
      %dma_wait3A_194 = tpu.memref_squeeze %dma_wait3A_193 : memref<1x128x64xf32, #tpu.memory_space<hbm>> -> memref<128x64xf32, #tpu.memory_space<hbm>>
      %dma_wait3A_195 = arith.constant 0 : i32
      %dma_wait3A_196 = tpu.memref_slice %arg24[%add3A_166, %dma_wait3A_195] : memref<10240x64xf32, #tpu.memory_space<vmem_shared>> -> memref<128x64xf32, #tpu.memory_space<vmem_shared>>
      tpu.wait_dma2 semaphore(%run_scoped3A : memref<!tpu.dma_semaphore, #tpu.memory_space<semaphore_mem>>) src(%dma_wait3A_196 : memref<128x64xf32, #tpu.memory_space<vmem_shared>>) dst(%dma_wait3A_194 : memref<128x64xf32, #tpu.memory_space<hbm>>)
      tpu.yield
    }) : () -> ()
    %mul3A_171 = arith.constant 640 : i32
    %mul3A_172 = arith.muli %arg1, %mul3A_171 : i32
    %add3A_173 = arith.constant 384 : i32
    %add3A_174 = arith.addi %mul3A_172, %add3A_173 : i32
    %mul3A_175 = arith.constant 640 : i32
    %mul3A_176 = arith.muli %arg1, %mul3A_175 : i32
    %add3A_177 = arith.constant 384 : i32
    %add3A_178 = arith.addi %mul3A_176, %add3A_177 : i32
    "tpu.region"() ({
      %run_scoped3A = tpu.sem_alloc : memref<!tpu.dma_semaphore, #tpu.memory_space<semaphore_mem>>
      %dma_start3A_187 = arith.constant 0 : i32
      %dma_start3A_188 = tpu.memref_slice %arg5[%arg0, %add3A_178, %dma_start3A_187] : memref<2x10240x64xf32, #tpu.memory_space<hbm>> -> memref<1x128x64xf32, #tpu.memory_space<hbm>>
      %dma_start3A_189 = tpu.memref_squeeze %dma_start3A_188 : memref<1x128x64xf32, #tpu.memory_space<hbm>> -> memref<128x64xf32, #tpu.memory_space<hbm>>
      %dma_start3A_190 = arith.constant 0 : i32
      %dma_start3A_191 = tpu.memref_slice %arg24[%add3A_174, %dma_start3A_190] : memref<10240x64xf32, #tpu.memory_space<vmem_shared>> -> memref<128x64xf32, #tpu.memory_space<vmem_shared>>
      tpu.enqueue_dma source(%dma_start3A_191 : memref<128x64xf32, #tpu.memory_space<vmem_shared>>) target(%dma_start3A_189 : memref<128x64xf32, #tpu.memory_space<hbm>>) target_semaphore(%run_scoped3A : memref<!tpu.dma_semaphore, #tpu.memory_space<semaphore_mem>>)
      %dma_wait3A_192 = arith.constant 0 : i32
      %dma_wait3A_193 = tpu.memref_slice %arg5[%arg0, %add3A_178, %dma_wait3A_192] : memref<2x10240x64xf32, #tpu.memory_space<hbm>> -> memref<1x128x64xf32, #tpu.memory_space<hbm>>
      %dma_wait3A_194 = tpu.memref_squeeze %dma_wait3A_193 : memref<1x128x64xf32, #tpu.memory_space<hbm>> -> memref<128x64xf32, #tpu.memory_space<hbm>>
      %dma_wait3A_195 = arith.constant 0 : i32
      %dma_wait3A_196 = tpu.memref_slice %arg24[%add3A_174, %dma_wait3A_195] : memref<10240x64xf32, #tpu.memory_space<vmem_shared>> -> memref<128x64xf32, #tpu.memory_space<vmem_shared>>
      tpu.wait_dma2 semaphore(%run_scoped3A : memref<!tpu.dma_semaphore, #tpu.memory_space<semaphore_mem>>) src(%dma_wait3A_196 : memref<128x64xf32, #tpu.memory_space<vmem_shared>>) dst(%dma_wait3A_194 : memref<128x64xf32, #tpu.memory_space<hbm>>)
      tpu.yield
    }) : () -> ()
    %mul3A_179 = arith.constant 640 : i32
    %mul3A_180 = arith.muli %arg1, %mul3A_179 : i32
    %add3A_181 = arith.constant 512 : i32
    %add3A_182 = arith.addi %mul3A_180, %add3A_181 : i32
    %mul3A_183 = arith.constant 640 : i32
    %mul3A_184 = arith.muli %arg1, %mul3A_183 : i32
    %add3A_185 = arith.constant 512 : i32
    %add3A_186 = arith.addi %mul3A_184, %add3A_185 : i32
    "tpu.region"() ({
      %run_scoped3A = tpu.sem_alloc : memref<!tpu.dma_semaphore, #tpu.memory_space<semaphore_mem>>
      %dma_start3A_187 = arith.constant 0 : i32
      %dma_start3A_188 = tpu.memref_slice %arg5[%arg0, %add3A_186, %dma_start3A_187] : memref<2x10240x64xf32, #tpu.memory_space<hbm>> -> memref<1x128x64xf32, #tpu.memory_space<hbm>>
      %dma_start3A_189 = tpu.memref_squeeze %dma_start3A_188 : memref<1x128x64xf32, #tpu.memory_space<hbm>> -> memref<128x64xf32, #tpu.memory_space<hbm>>
      %dma_start3A_190 = arith.constant 0 : i32
      %dma_start3A_191 = tpu.memref_slice %arg24[%add3A_182, %dma_start3A_190] : memref<10240x64xf32, #tpu.memory_space<vmem_shared>> -> memref<128x64xf32, #tpu.memory_space<vmem_shared>>
      tpu.enqueue_dma source(%dma_start3A_191 : memref<128x64xf32, #tpu.memory_space<vmem_shared>>) target(%dma_start3A_189 : memref<128x64xf32, #tpu.memory_space<hbm>>) target_semaphore(%run_scoped3A : memref<!tpu.dma_semaphore, #tpu.memory_space<semaphore_mem>>)
      %dma_wait3A_192 = arith.constant 0 : i32
      %dma_wait3A_193 = tpu.memref_slice %arg5[%arg0, %add3A_186, %dma_wait3A_192] : memref<2x10240x64xf32, #tpu.memory_space<hbm>> -> memref<1x128x64xf32, #tpu.memory_space<hbm>>
      %dma_wait3A_194 = tpu.memref_squeeze %dma_wait3A_193 : memref<1x128x64xf32, #tpu.memory_space<hbm>> -> memref<128x64xf32, #tpu.memory_space<hbm>>
      %dma_wait3A_195 = arith.constant 0 : i32
      %dma_wait3A_196 = tpu.memref_slice %arg24[%add3A_182, %dma_wait3A_195] : memref<10240x64xf32, #tpu.memory_space<vmem_shared>> -> memref<128x64xf32, #tpu.memory_space<vmem_shared>>
      tpu.wait_dma2 semaphore(%run_scoped3A : memref<!tpu.dma_semaphore, #tpu.memory_space<semaphore_mem>>) src(%dma_wait3A_196 : memref<128x64xf32, #tpu.memory_space<vmem_shared>>) dst(%dma_wait3A_194 : memref<128x64xf32, #tpu.memory_space<hbm>>)
      tpu.yield
    }) : () -> ()
    return
  }
}

module attributes {stable_mosaic.version = 14 : i64} {
  func.func @_norm_kernel(%arg0: memref<32x2x80x128xf32, #tpu.memory_space<vmem>>, %arg1: memref<2x80x128xf32, #tpu.memory_space<vmem>>) attributes {dimension_semantics = [], scalar_prefetch = 0 : i64, scratch_operands = 0 : i64, tpu.core_type = #tpu.core_type<tc>} {
    %get3A = arith.constant 0 : index
    %get3A_0 = arith.constant 0 : index
    %get3A_1 = arith.constant 0 : index
    %get3A_2 = arith.constant 0 : index
    %get3A_3 = vector.load %arg0[%get3A, %get3A_0, %get3A_1, %get3A_2] : memref<32x2x80x128xf32, #tpu.memory_space<vmem>>, vector<32x2x80x128xf32>
    %reduce_sum3A = arith.constant dense<0.000000e+00> : vector<2x80x128xf32>
    %reduce_sum3A_4 = vector.multi_reduction <add>, %get3A_3, %reduce_sum3A [0] : vector<32x2x80x128xf32> to vector<2x80x128xf32>
    %jit3A = arith.constant 1.000000e+00 : f32
    %max3A = vector.broadcast %jit3A : f32 to vector<2x80x128xf32>
    %max3A_5 = arith.maximumf %max3A, %reduce_sum3A_4 : vector<2x80x128xf32>
    %rsqrt3A = math.rsqrt %max3A_5 : vector<2x80x128xf32>
    %swap3A = arith.constant 0 : index
    %swap3A_6 = arith.constant 0 : index
    %swap3A_7 = arith.constant 0 : index
    %swap3A_8 = vector.load %arg1[%swap3A, %swap3A_6, %swap3A_7] : memref<2x80x128xf32, #tpu.memory_space<vmem>>, vector<2x80x128xf32>
    tpu.vector_store %arg1[%swap3A, %swap3A_6, %swap3A_7], %rsqrt3A {strides = array<i32>} : memref<2x80x128xf32, #tpu.memory_space<vmem>>, vector<2x80x128xf32>,
    return
  }
}

module attributes {stable_mosaic.version = 14 : i64} {
  func.func @_mm_kernel(%arg0: i32, %arg1: memref<1024x128xf32, #tpu.memory_space<vmem>>, %arg2: memref<128x128xf32, #tpu.memory_space<vmem>>, %arg3: memref<1024x128xf32, #tpu.memory_space<vmem>>) attributes {dimension_semantics = [#tpu.dimension_semantics<arbitrary>], iteration_bounds = array<i64: 10>, scalar_prefetch = 0 : i64, scratch_operands = 0 : i64, tpu.core_type = #tpu.core_type<tc>, window_params = [{transform_indices = @transform_0, window_bounds = array<i64: 1024, 128>}, {pipeline_mode = #tpu.pipeline_mode<synchronous>, transform_indices = @transform_1, window_bounds = array<i64: 128, 128>}, {transform_indices = @transform_2, window_bounds = array<i64: 1024, 128>}]} {
    %get3A = arith.constant 0 : index
    %get3A_0 = arith.constant 0 : index
    %get3A_1 = vector.load %arg1[%get3A, %get3A_0] : memref<1024x128xf32, #tpu.memory_space<vmem>>, vector<1024x128xf32>
    %get3A_2 = arith.constant 0 : index
    %get3A_3 = arith.constant 0 : index
    %get3A_4 = vector.load %arg2[%get3A_2, %get3A_3] : memref<128x128xf32, #tpu.memory_space<vmem>>, vector<128x128xf32>
    %dot_general3A = arith.constant dense<0.000000e+00> : vector<1024x128xf32>
    %dot_general3A_5 = tpu.matmul %get3A_1, %get3A_4, %dot_general3A {dimension_numbers = #tpu.dot_dimension_numbers<[1], [0], [0], [1], [0, 0, 1, 1], [], []>, transpose_lhs_hint = false} : vector<1024x128xf32>, vector<128x128xf32>, vector<1024x128xf32> -> vector<1024x128xf32>
    %swap3A = arith.constant 0 : index
    %swap3A_6 = arith.constant 0 : index
    %swap3A_7 = vector.load %arg3[%swap3A, %swap3A_6] : memref<1024x128xf32, #tpu.memory_space<vmem>>, vector<1024x128xf32>
    tpu.vector_store %arg3[%swap3A, %swap3A_6], %dot_general3A_5 {strides = array<i32>} : memref<1024x128xf32, #tpu.memory_space<vmem>>, vector<1024x128xf32>,
    return
  }
  func.func @transform_0(%arg0: i32) -> (i32, i32) {
    %c0_i32 = arith.constant 0 : i32
    %c0_i32_0 = arith.constant 0 : i32
    return %arg0, %c0_i32 : i32, i32
  }
  func.func @transform_1(%arg0: i32) -> (i32, i32) {
    %c0_i32 = arith.constant 0 : i32
    %c0_i32_0 = arith.constant 0 : i32
    %c0_i32_1 = arith.constant 0 : i32
    return %c0_i32, %c0_i32_0 : i32, i32
  }
  func.func @transform_2(%arg0: i32) -> (i32, i32) {
    %c0_i32 = arith.constant 0 : i32
    %c0_i32_0 = arith.constant 0 : i32
    return %arg0, %c0_i32 : i32, i32
  }
}

module attributes {stable_mosaic.version = 14 : i64} {
  func.func @_stats_kernel(%arg0: i32, %arg1: memref<1024x64xf32, #tpu.memory_space<vmem>>, %arg2: memref<1024x64xf32, #tpu.memory_space<vmem>>, %arg3: memref<1024x128xf32, #tpu.memory_space<vmem>>, %arg4: memref<8x128xf32, #tpu.memory_space<vmem>>) attributes {dimension_semantics = [#tpu.dimension_semantics<arbitrary>], iteration_bounds = array<i64: 10>, scalar_prefetch = 0 : i64, scratch_operands = 0 : i64, tpu.core_type = #tpu.core_type<tc>, window_params = [{transform_indices = @transform_0, window_bounds = array<i64: 1024, 64>}, {transform_indices = @transform_1, window_bounds = array<i64: 1024, 64>}, {transform_indices = @transform_2, window_bounds = array<i64: 1024, 128>}, {pipeline_mode = #tpu.pipeline_mode<synchronous>, transform_indices = @transform_3, window_bounds = array<i64: 8, 128>}]} {
    %get3A = arith.constant 0 : index
    %get3A_0 = arith.constant 0 : index
    %get3A_1 = vector.load %arg1[%get3A, %get3A_0] : memref<1024x64xf32, #tpu.memory_space<vmem>>, vector<1024x64xf32>
    %get3A_2 = arith.constant 0 : index
    %get3A_3 = arith.constant 0 : index
    %get3A_4 = vector.load %arg2[%get3A_2, %get3A_3] : memref<1024x64xf32, #tpu.memory_space<vmem>>, vector<1024x64xf32>
    %concatenate3A = tpu.concatenate %get3A_1, %get3A_4 in 1 : vector<1024x64xf32>, vector<1024x64xf32> -> vector<1024x128xf32>
    %ge3A = arith.constant 0.000000e+00 : f32
    %ge3A_5 = vector.broadcast %ge3A : f32 to vector<1024x128xf32>
    %ge3A_6 = arith.cmpf oge, %concatenate3A, %ge3A_5 : vector<1024x128xf32>
    %mul3A = arith.constant 0.00999999977 : f32
    %mul3A_7 = vector.broadcast %mul3A : f32 to vector<1024x128xf32>
    %mul3A_8 = arith.mulf %mul3A_7, %concatenate3A : vector<1024x128xf32>
    %select_n3A = arith.select %ge3A_6, %concatenate3A, %mul3A_8 : vector<1024x128xi1>, vector<1024x128xf32>
    %swap3A = arith.constant 0 : index
    %swap3A_9 = arith.constant 0 : index
    %swap3A_10 = vector.load %arg3[%swap3A, %swap3A_9] : memref<1024x128xf32, #tpu.memory_space<vmem>>, vector<1024x128xf32>
    tpu.vector_store %arg3[%swap3A, %swap3A_9], %select_n3A {strides = array<i32>} : memref<1024x128xf32, #tpu.memory_space<vmem>>, vector<1024x128xf32>,
    %eq3A = arith.constant 0 : i32
    %eq3A_11 = arith.cmpi eq, %arg0, %eq3A : i32
    %convert_element_type3A = arith.extui %eq3A_11 : i1 to i32
    %cond3A = arith.constant 0 : i32
    %cond3A_12 = arith.cmpi ne, %convert_element_type3A, %cond3A : i32
    scf.if %cond3A_12 {
      %broadcast_in_dim3A_31 = arith.constant 0.000000e+00 : f32
      %broadcast_in_dim3A_32 = vector.broadcast %broadcast_in_dim3A_31 : f32 to vector<8x128xf32>
      %swap3A_33 = arith.constant 0 : index
      %swap3A_34 = arith.constant 0 : index
      %swap3A_35 = vector.load %arg4[%swap3A_33, %swap3A_34] : memref<8x128xf32, #tpu.memory_space<vmem>>, vector<8x128xf32>
      tpu.vector_store %arg4[%swap3A_33, %swap3A_34], %broadcast_in_dim3A_32 {strides = array<i32>} : memref<8x128xf32, #tpu.memory_space<vmem>>, vector<8x128xf32>,
    } else {
    }
    %get3A_13 = arith.constant 0 : index
    %get3A_14 = arith.constant 0 : index
    %get3A_15 = vector.load %arg4[%get3A_13, %get3A_14] : memref<8x128xf32, #tpu.memory_space<vmem>>, vector<1x128xf32>
    %reduce_sum3A = arith.constant dense<0.000000e+00> : vector<128xf32>
    %reduce_sum3A_16 = vector.multi_reduction <add>, %select_n3A, %reduce_sum3A [0] : vector<1024x128xf32> to vector<128xf32>
    %broadcast_in_dim3A = vector.shape_cast %reduce_sum3A_16 : vector<128xf32> to vector<1x128xf32>
    %add3A = arith.addf %get3A_15, %broadcast_in_dim3A : vector<1x128xf32>
    %swap3A_17 = arith.constant 0 : index
    %swap3A_18 = arith.constant 0 : index
    %swap3A_19 = vector.load %arg4[%swap3A_17, %swap3A_18] : memref<8x128xf32, #tpu.memory_space<vmem>>, vector<1x128xf32>
    tpu.vector_store %arg4[%swap3A_17, %swap3A_18], %add3A {strides = array<i32>} : memref<8x128xf32, #tpu.memory_space<vmem>>, vector<1x128xf32>,
    %get3A_20 = arith.constant 1 : index
    %get3A_21 = arith.constant 0 : index
    %get3A_22 = vector.load %arg4[%get3A_20, %get3A_21] : memref<8x128xf32, #tpu.memory_space<vmem>>, vector<1x128xf32>
    %mul3A_23 = arith.mulf %select_n3A, %select_n3A : vector<1024x128xf32>
    %reduce_sum3A_24 = arith.constant dense<0.000000e+00> : vector<128xf32>
    %reduce_sum3A_25 = vector.multi_reduction <add>, %mul3A_23, %reduce_sum3A_24 [0] : vector<1024x128xf32> to vector<128xf32>
    %broadcast_in_dim3A_26 = vector.shape_cast %reduce_sum3A_25 : vector<128xf32> to vector<1x128xf32>
    %add3A_27 = arith.addf %get3A_22, %broadcast_in_dim3A_26 : vector<1x128xf32>
    %swap3A_28 = arith.constant 1 : index
    %swap3A_29 = arith.constant 0 : index
    %swap3A_30 = vector.load %arg4[%swap3A_28, %swap3A_29] : memref<8x128xf32, #tpu.memory_space<vmem>>, vector<1x128xf32>
    tpu.vector_store %arg4[%swap3A_28, %swap3A_29], %add3A_27 {strides = array<i32>} : memref<8x128xf32, #tpu.memory_space<vmem>>, vector<1x128xf32>,
    return
  }
  func.func @transform_0(%arg0: i32) -> (i32, i32) {
    %c0_i32 = arith.constant 0 : i32
    %c0_i32_0 = arith.constant 0 : i32
    return %arg0, %c0_i32 : i32, i32
  }
  func.func @transform_1(%arg0: i32) -> (i32, i32) {
    %c0_i32 = arith.constant 0 : i32
    %c0_i32_0 = arith.constant 0 : i32
    return %arg0, %c0_i32 : i32, i32
  }
  func.func @transform_2(%arg0: i32) -> (i32, i32) {
    %c0_i32 = arith.constant 0 : i32
    %c0_i32_0 = arith.constant 0 : i32
    return %arg0, %c0_i32 : i32, i32
  }
  func.func @transform_3(%arg0: i32) -> (i32, i32) {
    %c0_i32 = arith.constant 0 : i32
    %c0_i32_0 = arith.constant 0 : i32
    %c0_i32_1 = arith.constant 0 : i32
    return %c0_i32, %c0_i32_0 : i32, i32
  }
}

module attributes {stable_mosaic.version = 14 : i64} {
  func.func @_gnmm_kernel(%arg0: i32, %arg1: memref<1024x128xf32, #tpu.memory_space<vmem>>, %arg2: memref<8x128xf32, #tpu.memory_space<vmem>>, %arg3: memref<1x128xf32, #tpu.memory_space<vmem>>, %arg4: memref<1x128xf32, #tpu.memory_space<vmem>>, %arg5: memref<1x128xf32, #tpu.memory_space<vmem>>, %arg6: memref<128x64xf32, #tpu.memory_space<vmem>>, %arg7: memref<1024x64xf32, #tpu.memory_space<vmem>>) attributes {dimension_semantics = [#tpu.dimension_semantics<arbitrary>], iteration_bounds = array<i64: 10>, scalar_prefetch = 0 : i64, scratch_operands = 0 : i64, tpu.core_type = #tpu.core_type<tc>, window_params = [{transform_indices = @transform_0, window_bounds = array<i64: 1024, 128>}, {pipeline_mode = #tpu.pipeline_mode<synchronous>, transform_indices = @transform_1, window_bounds = array<i64: 8, 128>}, {pipeline_mode = #tpu.pipeline_mode<synchronous>, transform_indices = @transform_2, window_bounds = array<i64: 1, 128>}, {pipeline_mode = #tpu.pipeline_mode<synchronous>, transform_indices = @transform_3, window_bounds = array<i64: 1, 128>}, {pipeline_mode = #tpu.pipeline_mode<synchronous>, transform_indices = @transform_4, window_bounds = array<i64: 1, 128>}, {pipeline_mode = #tpu.pipeline_mode<synchronous>, transform_indices = @transform_5, window_bounds = array<i64: 128, 64>}, {transform_indices = @transform_6, window_bounds = array<i64: 1024, 64>}]} {
    %get3A = arith.constant 0 : index
    %get3A_0 = arith.constant 0 : index
    %get3A_1 = vector.load %arg2[%get3A, %get3A_0] : memref<8x128xf32, #tpu.memory_space<vmem>>, vector<1x128xf32>
    %mul3A = arith.constant 9.99999974E-5 : f32
    %mul3A_2 = vector.broadcast %mul3A : f32 to vector<1x128xf32>
    %mul3A_3 = arith.mulf %get3A_1, %mul3A_2 : vector<1x128xf32>
    %get3A_4 = arith.constant 1 : index
    %get3A_5 = arith.constant 0 : index
    %get3A_6 = vector.load %arg2[%get3A_4, %get3A_5] : memref<8x128xf32, #tpu.memory_space<vmem>>, vector<1x128xf32>
    %mul3A_7 = arith.constant 9.99999974E-5 : f32
    %mul3A_8 = vector.broadcast %mul3A_7 : f32 to vector<1x128xf32>
    %mul3A_9 = arith.mulf %get3A_6, %mul3A_8 : vector<1x128xf32>
    %get3A_10 = arith.constant 0 : index
    %get3A_11 = arith.constant 0 : index
    %get3A_12 = vector.load %arg4[%get3A_10, %get3A_11] : memref<1x128xf32, #tpu.memory_space<vmem>>, vector<1x128xf32>
    %mul3A_13 = arith.constant 2.000000e+00 : f32
    %mul3A_14 = vector.broadcast %mul3A_13 : f32 to vector<1x128xf32>
    %mul3A_15 = arith.mulf %mul3A_14, %get3A_12 : vector<1x128xf32>
    %mul3A_16 = arith.mulf %get3A_12, %get3A_12 : vector<1x128xf32>
    %sub3A = arith.subf %mul3A_15, %mul3A_16 : vector<1x128xf32>
    %mul3A_17 = arith.mulf %sub3A, %mul3A_3 : vector<1x128xf32>
    %mul3A_18 = arith.mulf %mul3A_17, %mul3A_3 : vector<1x128xf32>
    %sub3A_19 = arith.subf %mul3A_9, %mul3A_18 : vector<1x128xf32>
    %get3A_20 = arith.constant 0 : index
    %get3A_21 = arith.constant 0 : index
    %get3A_22 = vector.load %arg3[%get3A_20, %get3A_21] : memref<1x128xf32, #tpu.memory_space<vmem>>, vector<1x128xf32>
    %add3A = arith.constant 9.99999974E-6 : f32
    %add3A_23 = vector.broadcast %add3A : f32 to vector<1x128xf32>
    %add3A_24 = arith.addf %sub3A_19, %add3A_23 : vector<1x128xf32>
    %rsqrt3A = math.rsqrt %add3A_24 : vector<1x128xf32>
    %mul3A_25 = arith.mulf %get3A_22, %rsqrt3A : vector<1x128xf32>
    %get3A_26 = arith.constant 0 : index
    %get3A_27 = arith.constant 0 : index
    %get3A_28 = vector.load %arg5[%get3A_26, %get3A_27] : memref<1x128xf32, #tpu.memory_space<vmem>>, vector<1x128xf32>
    %mul3A_29 = arith.mulf %mul3A_25, %get3A_12 : vector<1x128xf32>
    %mul3A_30 = arith.mulf %mul3A_29, %mul3A_3 : vector<1x128xf32>
    %sub3A_31 = arith.subf %get3A_28, %mul3A_30 : vector<1x128xf32>
    %get3A_32 = arith.constant 0 : index
    %get3A_33 = arith.constant 0 : index
    %get3A_34 = vector.load %arg1[%get3A_32, %get3A_33] : memref<1024x128xf32, #tpu.memory_space<vmem>>, vector<1024x128xf32>
    %mul3A_35 = vector.broadcast %mul3A_25 : vector<1x128xf32> to vector<1024x128xf32>
    %mul3A_36 = arith.mulf %get3A_34, %mul3A_35 : vector<1024x128xf32>
    %add3A_37 = vector.broadcast %sub3A_31 : vector<1x128xf32> to vector<1024x128xf32>
    %add3A_38 = arith.addf %mul3A_36, %add3A_37 : vector<1024x128xf32>
    %get3A_39 = arith.constant 0 : index
    %get3A_40 = arith.constant 0 : index
    %get3A_41 = vector.load %arg6[%get3A_39, %get3A_40] : memref<128x64xf32, #tpu.memory_space<vmem>>, vector<128x64xf32>
    %dot_general3A = arith.constant dense<0.000000e+00> : vector<1024x64xf32>
    %dot_general3A_42 = tpu.matmul %add3A_38, %get3A_41, %dot_general3A {dimension_numbers = #tpu.dot_dimension_numbers<[1], [0], [0], [1], [0, 0, 1, 1], [], []>, transpose_lhs_hint = false} : vector<1024x128xf32>, vector<128x64xf32>, vector<1024x64xf32> -> vector<1024x64xf32>
    %swap3A = arith.constant 0 : index
    %swap3A_43 = arith.constant 0 : index
    %swap3A_44 = vector.load %arg7[%swap3A, %swap3A_43] : memref<1024x64xf32, #tpu.memory_space<vmem>>, vector<1024x64xf32>
    tpu.vector_store %arg7[%swap3A, %swap3A_43], %dot_general3A_42 {strides = array<i32>} : memref<1024x64xf32, #tpu.memory_space<vmem>>, vector<1024x64xf32>,
    return
  }
  func.func @transform_0(%arg0: i32) -> (i32, i32) {
    %c0_i32 = arith.constant 0 : i32
    %c0_i32_0 = arith.constant 0 : i32
    return %arg0, %c0_i32 : i32, i32
  }
  func.func @transform_1(%arg0: i32) -> (i32, i32) {
    %c0_i32 = arith.constant 0 : i32
    %c0_i32_0 = arith.constant 0 : i32
    %c0_i32_1 = arith.constant 0 : i32
    return %c0_i32, %c0_i32_0 : i32, i32
  }
  func.func @transform_2(%arg0: i32) -> (i32, i32) {
    %c0_i32 = arith.constant 0 : i32
    %c0_i32_0 = arith.constant 0 : i32
    %c0_i32_1 = arith.constant 0 : i32
    return %c0_i32, %c0_i32_0 : i32, i32
  }
  func.func @transform_3(%arg0: i32) -> (i32, i32) {
    %c0_i32 = arith.constant 0 : i32
    %c0_i32_0 = arith.constant 0 : i32
    %c0_i32_1 = arith.constant 0 : i32
    return %c0_i32, %c0_i32_0 : i32, i32
  }
  func.func @transform_4(%arg0: i32) -> (i32, i32) {
    %c0_i32 = arith.constant 0 : i32
    %c0_i32_0 = arith.constant 0 : i32
    %c0_i32_1 = arith.constant 0 : i32
    return %c0_i32, %c0_i32_0 : i32, i32
  }
  func.func @transform_5(%arg0: i32) -> (i32, i32) {
    %c0_i32 = arith.constant 0 : i32
    %c0_i32_0 = arith.constant 0 : i32
    %c0_i32_1 = arith.constant 0 : i32
    return %c0_i32, %c0_i32_0 : i32, i32
  }
  func.func @transform_6(%arg0: i32) -> (i32, i32) {
    %c0_i32 = arith.constant 0 : i32
    %c0_i32_0 = arith.constant 0 : i32
    return %arg0, %c0_i32 : i32, i32
  }
}

module attributes {stable_mosaic.version = 14 : i64} {
  func.func @_final_kernel(%arg0: i32, %arg1: memref<1024x64xf32, #tpu.memory_space<vmem>>, %arg2: memref<1024x64xf32, #tpu.memory_space<vmem>>, %arg3: memref<1x64xf32, #tpu.memory_space<vmem>>, %arg4: memref<1x64xf32, #tpu.memory_space<vmem>>, %arg5: memref<1x64xf32, #tpu.memory_space<vmem>>, %arg6: memref<192x10xf32, #tpu.memory_space<vmem>>, %arg7: memref<1x10xf32, #tpu.memory_space<vmem>>, %arg8: memref<8x64xf32, #tpu.memory_space<vmem>>) attributes {dimension_semantics = [#tpu.dimension_semantics<arbitrary>], iteration_bounds = array<i64: 10>, scalar_prefetch = 0 : i64, scratch_operands = 1 : i64, tpu.core_type = #tpu.core_type<tc>, window_params = [{transform_indices = @transform_0, window_bounds = array<i64: 1024, 64>}, {transform_indices = @transform_1, window_bounds = array<i64: 1024, 64>}, {pipeline_mode = #tpu.pipeline_mode<synchronous>, transform_indices = @transform_2, window_bounds = array<i64: 1, 64>}, {pipeline_mode = #tpu.pipeline_mode<synchronous>, transform_indices = @transform_3, window_bounds = array<i64: 1, 64>}, {pipeline_mode = #tpu.pipeline_mode<synchronous>, transform_indices = @transform_4, window_bounds = array<i64: 1, 64>}, {pipeline_mode = #tpu.pipeline_mode<synchronous>, transform_indices = @transform_5, window_bounds = array<i64: 192, 10>}, {pipeline_mode = #tpu.pipeline_mode<synchronous>, transform_indices = @transform_6, window_bounds = array<i64: 1, 10>}]} {
    %get3A = arith.constant 0 : index
    %get3A_0 = arith.constant 0 : index
    %get3A_1 = vector.load %arg1[%get3A, %get3A_0] : memref<1024x64xf32, #tpu.memory_space<vmem>>, vector<1024x64xf32>
    %get3A_2 = arith.constant 0 : index
    %get3A_3 = arith.constant 0 : index
    %get3A_4 = vector.load %arg2[%get3A_2, %get3A_3] : memref<1024x64xf32, #tpu.memory_space<vmem>>, vector<1024x64xf32>
    %add3A = arith.addf %get3A_1, %get3A_4 : vector<1024x64xf32>
    %ge3A = arith.constant 0.000000e+00 : f32
    %ge3A_5 = vector.broadcast %ge3A : f32 to vector<1024x64xf32>
    %ge3A_6 = arith.cmpf oge, %add3A, %ge3A_5 : vector<1024x64xf32>
    %mul3A = arith.constant 0.00999999977 : f32
    %mul3A_7 = vector.broadcast %mul3A : f32 to vector<1024x64xf32>
    %mul3A_8 = arith.mulf %mul3A_7, %add3A : vector<1024x64xf32>
    %select_n3A = arith.select %ge3A_6, %add3A, %mul3A_8 : vector<1024x64xi1>, vector<1024x64xf32>
    %mul3A_9 = arith.constant 1024 : i32
    %mul3A_10 = arith.muli %arg0, %mul3A_9 : i32
    %iota3A = tpu.iota {dimensions = array<i32: 0>} : vector<1024x1xi32>
    %add3A_11 = vector.broadcast %mul3A_10 : i32 to vector<1024x1xi32>
    %add3A_12 = arith.addi %add3A_11, %iota3A : vector<1024x1xi32>
    %lt3A = arith.constant 10000 : i32
    %lt3A_13 = vector.broadcast %lt3A : i32 to vector<1024x1xi32>
    %lt3A_14 = arith.cmpi slt, %add3A_12, %lt3A_13 : vector<1024x1xi32>
    %neg3A = arith.constant 0.000000e+00 : f32
    %neg3A_15 = arith.constant 3.000000e+38 : f32
    %neg3A_16 = arith.subf %neg3A, %neg3A_15 : f32
    %broadcast_in_dim3A = vector.shape_cast %lt3A_14 : vector<1024x1xi1> to vector<1024x1xi1>
    %broadcast_in_dim3A_17 = vector.broadcast %broadcast_in_dim3A : vector<1024x1xi1> to vector<1024x64xi1>
    %broadcast_in_dim3A_18 = vector.broadcast %neg3A_16 : f32 to vector<1024x64xf32>
    %select_n3A_19 = arith.select %broadcast_in_dim3A_17, %select_n3A, %broadcast_in_dim3A_18 : vector<1024x64xi1>, vector<1024x64xf32>
    %jit3A = arith.constant 3.000000e+38 : f32
    %broadcast_in_dim3A_20 = vector.shape_cast %lt3A_14 : vector<1024x1xi1> to vector<1024x1xi1>
    %broadcast_in_dim3A_21 = vector.broadcast %broadcast_in_dim3A_20 : vector<1024x1xi1> to vector<1024x64xi1>
    %broadcast_in_dim3A_22 = vector.broadcast %jit3A : f32 to vector<1024x64xf32>
    %select_n3A_23 = arith.select %broadcast_in_dim3A_21, %select_n3A, %broadcast_in_dim3A_22 : vector<1024x64xi1>, vector<1024x64xf32>
    %eq3A = arith.constant 0 : i32
    %eq3A_24 = arith.cmpi eq, %arg0, %eq3A : i32
    %convert_element_type3A = arith.extui %eq3A_24 : i1 to i32
    %cond3A = arith.constant 3.000000e+38 : f32
    %cond3A_25 = arith.constant 0 : i32
    %cond3A_26 = arith.cmpi ne, %convert_element_type3A, %cond3A_25 : i32
    scf.if %cond3A_26 {
      %broadcast_in_dim3A_67 = arith.constant 0.000000e+00 : f32
      %broadcast_in_dim3A_68 = vector.broadcast %broadcast_in_dim3A_67 : f32 to vector<2x64xf32>
      %swap3A_69 = arith.constant 0 : index
      %swap3A_70 = arith.constant 0 : index
      %swap3A_71 = vector.load %arg8[%swap3A_69, %swap3A_70] : memref<8x64xf32, #tpu.memory_space<vmem>>, vector<2x64xf32>
      tpu.vector_store %arg8[%swap3A_69, %swap3A_70], %broadcast_in_dim3A_68 {strides = array<i32>} : memref<8x64xf32, #tpu.memory_space<vmem>>, vector<2x64xf32>,
      %neg3A_72 = arith.constant 0.000000e+00 : f32
      %neg3A_73 = arith.subf %neg3A_72, %cond3A : f32
      %broadcast_in_dim3A_74 = vector.broadcast %neg3A_73 : f32 to vector<1x64xf32>
      %swap3A_75 = arith.constant 2 : index
      %swap3A_76 = arith.constant 0 : index
      %swap3A_77 = vector.load %arg8[%swap3A_75, %swap3A_76] : memref<8x64xf32, #tpu.memory_space<vmem>>, vector<1x64xf32>
      tpu.vector_store %arg8[%swap3A_75, %swap3A_76], %broadcast_in_dim3A_74 {strides = array<i32>} : memref<8x64xf32, #tpu.memory_space<vmem>>, vector<1x64xf32>,
      %broadcast_in_dim3A_78 = vector.broadcast %cond3A : f32 to vector<1x64xf32>
      %swap3A_79 = arith.constant 3 : index
      %swap3A_80 = arith.constant 0 : index
      %swap3A_81 = vector.load %arg8[%swap3A_79, %swap3A_80] : memref<8x64xf32, #tpu.memory_space<vmem>>, vector<1x64xf32>
      tpu.vector_store %arg8[%swap3A_79, %swap3A_80], %broadcast_in_dim3A_78 {strides = array<i32>} : memref<8x64xf32, #tpu.memory_space<vmem>>, vector<1x64xf32>,
    } else {
    }
    %get3A_27 = arith.constant 0 : index
    %get3A_28 = arith.constant 0 : index
    %get3A_29 = vector.load %arg8[%get3A_27, %get3A_28] : memref<8x64xf32, #tpu.memory_space<vmem>>, vector<1x64xf32>
    %reduce_sum3A = arith.constant dense<0.000000e+00> : vector<64xf32>
    %reduce_sum3A_30 = vector.multi_reduction <add>, %select_n3A, %reduce_sum3A [0] : vector<1024x64xf32> to vector<64xf32>
    %broadcast_in_dim3A_31 = vector.shape_cast %reduce_sum3A_30 : vector<64xf32> to vector<1x64xf32>
    %add3A_32 = arith.addf %get3A_29, %broadcast_in_dim3A_31 : vector<1x64xf32>
    %swap3A = arith.constant 0 : index
    %swap3A_33 = arith.constant 0 : index
    %swap3A_34 = vector.load %arg8[%swap3A, %swap3A_33] : memref<8x64xf32, #tpu.memory_space<vmem>>, vector<1x64xf32>
    tpu.vector_store %arg8[%swap3A, %swap3A_33], %add3A_32 {strides = array<i32>} : memref<8x64xf32, #tpu.memory_space<vmem>>, vector<1x64xf32>,
    %get3A_35 = arith.constant 1 : index
    %get3A_36 = arith.constant 0 : index
    %get3A_37 = vector.load %arg8[%get3A_35, %get3A_36] : memref<8x64xf32, #tpu.memory_space<vmem>>, vector<1x64xf32>
    %mul3A_38 = arith.mulf %select_n3A, %select_n3A : vector<1024x64xf32>
    %reduce_sum3A_39 = arith.constant dense<0.000000e+00> : vector<64xf32>
    %reduce_sum3A_40 = vector.multi_reduction <add>, %mul3A_38, %reduce_sum3A_39 [0] : vector<1024x64xf32> to vector<64xf32>
    %broadcast_in_dim3A_41 = vector.shape_cast %reduce_sum3A_40 : vector<64xf32> to vector<1x64xf32>
    %add3A_42 = arith.addf %get3A_37, %broadcast_in_dim3A_41 : vector<1x64xf32>
    %swap3A_43 = arith.constant 1 : index
    %swap3A_44 = arith.constant 0 : index
    %swap3A_45 = vector.load %arg8[%swap3A_43, %swap3A_44] : memref<8x64xf32, #tpu.memory_space<vmem>>, vector<1x64xf32>
    tpu.vector_store %arg8[%swap3A_43, %swap3A_44], %add3A_42 {strides = array<i32>} : memref<8x64xf32, #tpu.memory_space<vmem>>, vector<1x64xf32>,
    %get3A_46 = arith.constant 2 : index
    %get3A_47 = arith.constant 0 : index
    %get3A_48 = vector.load %arg8[%get3A_46, %get3A_47] : memref<8x64xf32, #tpu.memory_space<vmem>>, vector<1x64xf32>
    %reduce_max3A = arith.constant dense<0xFF800000> : vector<64xf32>
    %reduce_max3A_49 = vector.multi_reduction <maximumf>, %select_n3A_19, %reduce_max3A [0] : vector<1024x64xf32> to vector<64xf32>
    %broadcast_in_dim3A_50 = vector.shape_cast %reduce_max3A_49 : vector<64xf32> to vector<1x64xf32>
    %max3A = arith.maximumf %get3A_48, %broadcast_in_dim3A_50 : vector<1x64xf32>
    %swap3A_51 = arith.constant 2 : index
    %swap3A_52 = arith.constant 0 : index
    %swap3A_53 = vector.load %arg8[%swap3A_51, %swap3A_52] : memref<8x64xf32, #tpu.memory_space<vmem>>, vector<1x64xf32>
    tpu.vector_store %arg8[%swap3A_51, %swap3A_52], %max3A {strides = array<i32>} : memref<8x64xf32, #tpu.memory_space<vmem>>, vector<1x64xf32>,
    %get3A_54 = arith.constant 3 : index
    %get3A_55 = arith.constant 0 : index
    %get3A_56 = vector.load %arg8[%get3A_54, %get3A_55] : memref<8x64xf32, #tpu.memory_space<vmem>>, vector<1x64xf32>
    %reduce_min3A = arith.constant dense<0x7F800000> : vector<64xf32>
    %reduce_min3A_57 = vector.multi_reduction <minimumf>, %select_n3A_23, %reduce_min3A [0] : vector<1024x64xf32> to vector<64xf32>
    %broadcast_in_dim3A_58 = vector.shape_cast %reduce_min3A_57 : vector<64xf32> to vector<1x64xf32>
    %min3A = arith.minimumf %get3A_56, %broadcast_in_dim3A_58 : vector<1x64xf32>
    %swap3A_59 = arith.constant 3 : index
    %swap3A_60 = arith.constant 0 : index
    %swap3A_61 = vector.load %arg8[%swap3A_59, %swap3A_60] : memref<8x64xf32, #tpu.memory_space<vmem>>, vector<1x64xf32>
    tpu.vector_store %arg8[%swap3A_59, %swap3A_60], %min3A {strides = array<i32>} : memref<8x64xf32, #tpu.memory_space<vmem>>, vector<1x64xf32>,
    %eq3A_62 = arith.constant 9 : i32
    %eq3A_63 = arith.cmpi eq, %arg0, %eq3A_62 : i32
    %convert_element_type3A_64 = arith.extui %eq3A_63 : i1 to i32
    %cond3A_65 = arith.constant 0 : i32
    %cond3A_66 = arith.cmpi ne, %convert_element_type3A_64, %cond3A_65 : i32
    scf.if %cond3A_66 {
      %get3A_67 = arith.constant 0 : index
      %get3A_68 = arith.constant 0 : index
      %get3A_69 = vector.load %arg8[%get3A_67, %get3A_68] : memref<8x64xf32, #tpu.memory_space<vmem>>, vector<1x64xf32>
      %mul3A_70 = arith.constant 9.99999974E-5 : f32
      %mul3A_71 = vector.broadcast %mul3A_70 : f32 to vector<1x64xf32>
      %mul3A_72 = arith.mulf %get3A_69, %mul3A_71 : vector<1x64xf32>
      %get3A_73 = arith.constant 1 : index
      %get3A_74 = arith.constant 0 : index
      %get3A_75 = vector.load %arg8[%get3A_73, %get3A_74] : memref<8x64xf32, #tpu.memory_space<vmem>>, vector<1x64xf32>
      %mul3A_76 = arith.constant 9.99999974E-5 : f32
      %mul3A_77 = vector.broadcast %mul3A_76 : f32 to vector<1x64xf32>
      %mul3A_78 = arith.mulf %get3A_75, %mul3A_77 : vector<1x64xf32>
      %get3A_79 = arith.constant 0 : index
      %get3A_80 = arith.constant 0 : index
      %get3A_81 = vector.load %arg4[%get3A_79, %get3A_80] : memref<1x64xf32, #tpu.memory_space<vmem>>, vector<1x64xf32>
      %mul3A_82 = arith.constant 2.000000e+00 : f32
      %mul3A_83 = vector.broadcast %mul3A_82 : f32 to vector<1x64xf32>
      %mul3A_84 = arith.mulf %mul3A_83, %get3A_81 : vector<1x64xf32>
      %mul3A_85 = arith.mulf %get3A_81, %get3A_81 : vector<1x64xf32>
      %sub3A = arith.subf %mul3A_84, %mul3A_85 : vector<1x64xf32>
      %mul3A_86 = arith.mulf %sub3A, %mul3A_72 : vector<1x64xf32>
      %mul3A_87 = arith.mulf %mul3A_86, %mul3A_72 : vector<1x64xf32>
      %sub3A_88 = arith.subf %mul3A_78, %mul3A_87 : vector<1x64xf32>
      %get3A_89 = arith.constant 0 : index
      %get3A_90 = arith.constant 0 : index
      %get3A_91 = vector.load %arg3[%get3A_89, %get3A_90] : memref<1x64xf32, #tpu.memory_space<vmem>>, vector<1x64xf32>
      %add3A_92 = arith.constant 9.99999974E-6 : f32
      %add3A_93 = vector.broadcast %add3A_92 : f32 to vector<1x64xf32>
      %add3A_94 = arith.addf %sub3A_88, %add3A_93 : vector<1x64xf32>
      %rsqrt3A = math.rsqrt %add3A_94 : vector<1x64xf32>
      %mul3A_95 = arith.mulf %get3A_91, %rsqrt3A : vector<1x64xf32>
      %get3A_96 = arith.constant 0 : index
      %get3A_97 = arith.constant 0 : index
      %get3A_98 = vector.load %arg5[%get3A_96, %get3A_97] : memref<1x64xf32, #tpu.memory_space<vmem>>, vector<1x64xf32>
      %mul3A_99 = arith.mulf %mul3A_95, %get3A_81 : vector<1x64xf32>
      %mul3A_100 = arith.mulf %mul3A_99, %mul3A_72 : vector<1x64xf32>
      %sub3A_101 = arith.subf %get3A_98, %mul3A_100 : vector<1x64xf32>
      %ge3A_102 = arith.constant 0.000000e+00 : f32
      %ge3A_103 = vector.broadcast %ge3A_102 : f32 to vector<1x64xf32>
      %ge3A_104 = arith.cmpf oge, %mul3A_95, %ge3A_103 : vector<1x64xf32>
      %mul3A_105 = arith.mulf %mul3A_95, %mul3A_72 : vector<1x64xf32>
      %add3A_106 = arith.addf %mul3A_105, %sub3A_101 : vector<1x64xf32>
      %get3A_107 = arith.constant 2 : index
      %get3A_108 = arith.constant 0 : index
      %get3A_109 = vector.load %arg8[%get3A_107, %get3A_108] : memref<8x64xf32, #tpu.memory_space<vmem>>, vector<1x64xf32>
      %mul3A_110 = arith.mulf %mul3A_95, %get3A_109 : vector<1x64xf32>
      %get3A_111 = arith.constant 3 : index
      %get3A_112 = arith.constant 0 : index
      %get3A_113 = vector.load %arg8[%get3A_111, %get3A_112] : memref<8x64xf32, #tpu.memory_space<vmem>>, vector<1x64xf32>
      %mul3A_114 = arith.mulf %mul3A_95, %get3A_113 : vector<1x64xf32>
      %select_n3A_115 = arith.select %ge3A_104, %mul3A_110, %mul3A_114 : vector<1x64xi1>, vector<1x64xf32>
      %add3A_116 = arith.addf %select_n3A_115, %sub3A_101 : vector<1x64xf32>
      %get3A_117 = arith.constant 3 : index
      %get3A_118 = arith.constant 0 : index
      %get3A_119 = vector.load %arg8[%get3A_117, %get3A_118] : memref<8x64xf32, #tpu.memory_space<vmem>>, vector<1x64xf32>
      %mul3A_120 = arith.mulf %mul3A_95, %get3A_119 : vector<1x64xf32>
      %get3A_121 = arith.constant 2 : index
      %get3A_122 = arith.constant 0 : index
      %get3A_123 = vector.load %arg8[%get3A_121, %get3A_122] : memref<8x64xf32, #tpu.memory_space<vmem>>, vector<1x64xf32>
      %mul3A_124 = arith.mulf %mul3A_95, %get3A_123 : vector<1x64xf32>
      %select_n3A_125 = arith.select %ge3A_104, %mul3A_120, %mul3A_124 : vector<1x64xi1>, vector<1x64xf32>
      %add3A_126 = arith.addf %select_n3A_125, %sub3A_101 : vector<1x64xf32>
      %concatenate3A = tpu.concatenate %add3A_106, %add3A_116, %add3A_126 in 1 : vector<1x64xf32>, vector<1x64xf32>, vector<1x64xf32> -> vector<1x192xf32>
      %get3A_127 = arith.constant 0 : index
      %get3A_128 = arith.constant 0 : index
      %get3A_129 = vector.load %arg6[%get3A_127, %get3A_128] : memref<192x10xf32, #tpu.memory_space<vmem>>, vector<192x10xf32>
      %dot_general3A = arith.constant dense<0.000000e+00> : vector<1x10xf32>
      %dot_general3A_130 = tpu.matmul %concatenate3A, %get3A_129, %dot_general3A {dimension_numbers = #tpu.dot_dimension_numbers<[1], [0], [0], [1], [0, 0, 1, 1], [], []>, transpose_lhs_hint = false} : vector<1x192xf32>, vector<192x10xf32>, vector<1x10xf32> -> vector<1x10xf32>
      %swap3A_131 = arith.constant 0 : index
      %swap3A_132 = arith.constant 0 : index
      %swap3A_133 = vector.load %arg7[%swap3A_131, %swap3A_132] : memref<1x10xf32, #tpu.memory_space<vmem>>, vector<1x10xf32>
      tpu.vector_store %arg7[%swap3A_131, %swap3A_132], %dot_general3A_130 {strides = array<i32>} : memref<1x10xf32, #tpu.memory_space<vmem>>, vector<1x10xf32>,
    } else {
    }
    return
  }
  func.func @transform_0(%arg0: i32) -> (i32, i32) {
    %c0_i32 = arith.constant 0 : i32
    %c0_i32_0 = arith.constant 0 : i32
    return %arg0, %c0_i32 : i32, i32
  }
  func.func @transform_1(%arg0: i32) -> (i32, i32) {
    %c0_i32 = arith.constant 0 : i32
    %c0_i32_0 = arith.constant 0 : i32
    return %arg0, %c0_i32 : i32, i32
  }
  func.func @transform_2(%arg0: i32) -> (i32, i32) {
    %c0_i32 = arith.constant 0 : i32
    %c0_i32_0 = arith.constant 0 : i32
    %c0_i32_1 = arith.constant 0 : i32
    return %c0_i32, %c0_i32_0 : i32, i32
  }
  func.func @transform_3(%arg0: i32) -> (i32, i32) {
    %c0_i32 = arith.constant 0 : i32
    %c0_i32_0 = arith.constant 0 : i32
    %c0_i32_1 = arith.constant 0 : i32
    return %c0_i32, %c0_i32_0 : i32, i32
  }
  func.func @transform_4(%arg0: i32) -> (i32, i32) {
    %c0_i32 = arith.constant 0 : i32
    %c0_i32_0 = arith.constant 0 : i32
    %c0_i32_1 = arith.constant 0 : i32
    return %c0_i32, %c0_i32_0 : i32, i32
  }
  func.func @transform_5(%arg0: i32) -> (i32, i32) {
    %c0_i32 = arith.constant 0 : i32
    %c0_i32_0 = arith.constant 0 : i32
    %c0_i32_1 = arith.constant 0 : i32
    return %c0_i32, %c0_i32_0 : i32, i32
  }
  func.func @transform_6(%arg0: i32) -> (i32, i32) {
    %c0_i32 = arith.constant 0 : i32
    %c0_i32_0 = arith.constant 0 : i32
    %c0_i32_1 = arith.constant 0 : i32
    return %c0_i32, %c0_i32_0 : i32, i32
  }
}

</mosaic_0001>

<sc_bundles>
// kernel: kernel.11.cloned.1.call-start
scs
__scs_entry_jumppad:
0x0: {  	(pc) =	sbr.rel $0x88, $3  }
0x1: {  	(tag) =	ssettag $0x0;
	lr =	simm.s32 $0x1  }
0x2: {  	[smem:$0x3F95] =	sst lr;
	_ =	strace $0xD0000000  }
0x3: {  	_ = 	snop  }
0x4: {  	_ = 	snop  }
0x5: {  	_ = 	snop  }
0x6: {  	_ = 	snop  }
0x7: {  	_ = 	snop  }
__scs_overlays_trampoline_lowered:
0x8: {  	[smem:$0x3FA4] =	sst s0  }
0x9: {  	[smem:$0x3FA5] =	sst s1  }
0xa: {  	[smem:$0x3FA6] =	sst s2  }
0xb: {  	[smem:$0x3FA7] =	sst s3  }
0xc: {  	[smem:$0x3FA8] =	sst s4  }
0xd: {  	[smem:$0x3FA9] =	sst s5  }
0xe: {  	[smem:$0x3FAA] =	sst s6  }
0xf: {  	[smem:$0x3FAB] =	sst s7  }
0x10: {  	[smem:$0x3FAC] =	sst s8  }
0x11: {  	[smem:$0x3FAD] =	sst s9;
	s0 =	simm.s32 @!p0 $0x0  }
0x12: {  	s1 =	sld [smem:$0x3F93];
	s0 =	simm.s32 @p0 $0x1  }
0x13: {  	[smem:$0x3FAE] =	sst s0;
	s0 =	simm.s32 @!p1 $0x0  }
0x14: {  	s2 =	sld [smem:$0x3F92];
	s0 =	simm.s32 @p1 $0x1  }
0x15: {  	[smem:$0x3FAF] =	sst s0;
	s0 =	simm.s32 @!p2 $0x0  }
0x16: {  	s3 =	sld [smem:$0x3FDB];
	s0 =	simm.s32 @p2 $0x1  }
0x17: {  	s4 =	simm.s32 $0x1BF5;
	[smem:$0x3FB1] =	sst s0  }
0x18: {  	s0 =	sld [smem:$0x3F94];
	_ =	swait.ge [sflag:s4], $0x0  }
0x19: {  	s7 =	sld [smem:$0x3F95]  }
0x1a: {  	s8 =	sadd.s32 $0xFFFFE003, lr  }
0x1b: {  	s9 =	sadd.s32 $0xFFFFFEF7, lr;
	s5 =	simm.s32 $0xFFFFFFFF;
	p2 =	slt.u32 s8, $0xFFFFF086  }
0x1c: {  	p1 =	slt.u32 s9, $0xF7A;
	s5 =	simm.s32 @!p2 $0x0  }
0x1d: {  	s5 =	simm.s32 @p1 $0x1;
	p0 =	seq.s32 s7, s2  }
0x1e: {  	s7 =	smul.u32 @!p0 $0xF7A, s2;
	p2 =	seq.s32 @!p0 s5, $0x0  }
0x1f: {  	s9 =	smul.u32 $0xF7A, s1;
	s8 =	simm.s32 @!p0 $0x1BF5;
	p2 =	por !p2, p0  }
0x20: {  	[sflag:s8] =	ssyncset.s32 @!p0 $0xFFFFF086;
	s6 =	sadd.s32 @!p0 s3, s7;
	s7 =	simm.s32 @!p0 $0x108  }
0x21: {  	s3 =	sadd.s32 s3, s9;
	s6 =	sadd.s32 @!p0 $0x88, s6;
	s7 =	simm.s32 @p2 $0x1082  }
0x22: {  	[simem:s7], [sflag:s8] =	dma.local @!p0 [hbm:s6], $0xF7A  }
0x23: {  	s9 =	sor.u32 $0xD0000000, s2;
	s6 =	simm.s32 $0x108;
	_ =	swait.ge @!p0 [sflag:s8], $0x0  }
0x24: {  	s3 =	sadd.s32 $0x88, s3;
	s6 =	simm.s32 @!p1 $0x1082;
	[sflag:s4] =	ssyncset.s32 $0xFFFFF086  }
0x25: {  	[simem:s6], [sflag:s4] =	dma.local [hbm:s3], $0xF7A  }
0x26: {  	[smem:$0x3F95] =	sst s1;
	(tag) =	ssettag s2;
	_ =	strace s9  }
0x27: {  	s1 =	sld [smem:$0x3FA5]  }
0x28: {  	s2 =	sld [smem:$0x3FA6]  }
0x29: {  	s4 =	sld [smem:$0x3FA8]  }
0x2a: {  	p0 =	seq.s32 s5, $0x0;
	s5 =	sld [smem:$0x3FA9]  }
0x2b: {  	s6 =	sld [smem:$0x3FAA]  }
0x2c: {  	s7 =	sld [smem:$0x3FAB]  }
0x2d: {  	s3 =	simm.s32 $0x108;
	s8 =	sld [smem:$0x3FAC]  }
0x2e: {  	s3 =	simm.s32 @!p0 $0x1082;
	s9 =	sld [smem:$0x3FAD]  }
0x2f: {  	lr =	sadd.s32 s0, s3;
	s0 =	sld [smem:$0x3FA4]  }
0x30: {  	s3 =	sld [smem:$0x3FA7]  }
0x31: {  	[smem:$0x3FB0] =	sst s10  }
0x32: {  	s10 =	sld [smem:$0x3FAE];
	_ =	sdelay $0x3  }
0x33: {  	p0 =	seq.s32 s10, $0x1;
	s10 =	sld [smem:$0x3FB0];
	_ =	sdelay $0x3  }
0x34: {  	[smem:$0x3FB0] =	sst s10  }
0x35: {  	s10 =	sld [smem:$0x3FAF];
	_ =	sdelay $0x3  }
0x36: {  	p1 =	seq.s32 s10, $0x1;
	s10 =	sld [smem:$0x3FB0];
	_ =	sdelay $0x3  }
0x37: {  	[smem:$0x3FB0] =	sst s10  }
0x38: {  	s10 =	sld [smem:$0x3FB1]  }
0x39: {  	_ = 	snop;
	(pc) =	sbr.ind lr, $3  }
0x3a: {  	_ = 	snop  }
0x3b: {  	_ = 	snop  }
0x3c: {  	p2 =	seq.s32 s10, $0x1;
	s10 =	sld [smem:$0x3FB0]  }
0x3d: {  	_ =	shalt  }
0x3e: {  	_ =	shalt  }
0x3f: {  	_ =	shalt  }
0x40: {  	_ =	shalt  }
0x41: {  	_ =	shalt  }
0x42: {  	_ =	shalt  }
0x43: {  	_ =	shalt  }
0x44: {  	_ =	shalt  }
0x45: {  	_ =	shalt  }
0x46: {  	_ =	shalt  }
0x47: {  	_ =	shalt  }
0x48: {  	_ =	shalt  }
0x49: {  	_ =	shalt  }
0x4a: {  	_ =	shalt  }
0x4b: {  	_ =	shalt  }
0x4c: {  	_ =	shalt  }
0x4d: {  	_ =	shalt  }
0x4e: {  	_ =	shalt  }
0x4f: {  	_ =	shalt  }
0x50: {  	_ =	shalt  }
0x51: {  	_ =	shalt  }
0x52: {  	_ =	shalt  }
0x53: {  	_ =	shalt  }
0x54: {  	_ =	shalt  }
0x55: {  	_ =	shalt  }
0x56: {  	_ =	shalt  }
0x57: {  	_ =	shalt  }
0x58: {  	_ =	shalt  }
0x59: {  	_ =	shalt  }
0x5a: {  	_ =	shalt  }
0x5b: {  	_ =	shalt  }
0x5c: {  	_ =	shalt  }
0x5d: {  	_ =	shalt  }
0x5e: {  	_ =	shalt  }
0x5f: {  	_ =	shalt  }
0x60: {  	_ =	shalt  }
0x61: {  	_ =	shalt  }
0x62: {  	_ =	shalt  }
0x63: {  	_ =	shalt  }
0x64: {  	_ =	shalt  }
0x65: {  	_ =	shalt  }
0x66: {  	_ =	shalt  }
0x67: {  	_ =	shalt  }
0x68: {  	_ =	shalt  }
0x69: {  	_ =	shalt  }
0x6a: {  	_ =	shalt  }
0x6b: {  	_ =	shalt  }
0x6c: {  	_ =	shalt  }
0x6d: {  	_ =	shalt  }
0x6e: {  	_ =	shalt  }
0x6f: {  	_ =	shalt  }
0x70: {  	_ =	shalt  }
0x71: {  	_ =	shalt  }
0x72: {  	_ =	shalt  }
0x73: {  	_ =	shalt  }
0x74: {  	_ =	shalt  }
0x75: {  	_ =	shalt  }
0x76: {  	_ =	shalt  }
0x77: {  	_ =	shalt  }
0x78: {  	_ =	shalt  }
0x79: {  	_ =	shalt  }
0x7a: {  	_ =	shalt  }
0x7b: {  	_ =	shalt  }
0x7c: {  	_ =	shalt  }
0x7d: {  	_ =	shalt  }
0x7e: {  	_ =	shalt  }
0x7f: {  	_ =	shalt  }
0x80: {  	_ =	shalt  }
0x81: {  	_ =	shalt  }
0x82: {  	_ =	shalt  }
0x83: {  	_ =	shalt  }
0x84: {  	_ =	shalt  }
0x85: {  	_ =	shalt  }
0x86: {  	_ =	shalt  }
0x87: {  	_ =	shalt  }
.Lfunc_end0:
.L_simem_size_0:
called_computation_lowered:
.L_overlay_start_0:
0x88: {  	s2 =	sld [smem:$0x3FD9]  }
0x89: {  	s3 =	sld [smem:$0x3FFE];
	_ =	sdelay $0x1  }
0x8a: {  	s1 =	srdreg.scid  }
0x8b: {  	s0 =	sand.u32 $0x1, s1  }
0x8c: {  	s16 =	sshll.u32 s0, $0xA;
	s2 =	sadd.s32 s3, s2  }
0x8d: {  	s2 =	sadd.s32 s2, s16  }
0x8e: {  	[smem:$0x3FBC] =	sst s2  }
0x8f: {  	_ = 	snop  }
0x90: {  	(tm) =	ssettm $0x1  }
0x91: {  	s17 =	sld [smem:$0x3FFB];
	_ =	sdelay $0x3  }
0x92: {  	_ =	strace s17  }
0x93: {  	s2 =	sld [smem:$0x3FFC];
	_ =	sdelay $0x3  }
0x94: {  	_ =	strace s2  }
0x95: {  	s2 =	sld [smem:$0x3FFD];
	_ =	sdelay $0x3  }
0x96: {  	_ =	strace s2  }
0x97: {  	_ =	strace $0x8FFFFFFF  }
0x98: {  	s18 =	sld [smem:$0x3FDB];
	_ =	sdelay $0x1  }
0x99: {  	s19 =	simm.s32 $_scs_section_size  }
0x9a: {  	s4 =	simm.s32 $_size__tile_overlayer_lowered;
	s5 =	simm.s32 $_tile_overlayer_lowered  }
0x9b: {  	s22 =	simm.s32 $0x1BFF;
	s21 =	sshll.u32 s5, $0x1;
	s2 =	sadd.s32 s19, s18  }
0x9c: {  	s6 =	simm.s32 $0x0;
	s20 =	sshll.u32 s4, $0x1;
	s4 =	sadd.s32 s21, s2  }
0x9d: {  	[timem:s6], [sflag:s22] =	dma.local [hbm:s4], s20  }
0x9e: {  	_ =	swait.ge [sflag:s22], s20  }
0x9f: {  	s3 =	ssub.s32 $0x0, s20;
	[sflag:s22] =	ssyncset.done $0x0  }
0xa0: {  	[sflag:s22] =	ssyncadd.s32 s3;
	_ =	sdelay $0x1  }
0xa1: {  	s23 =	simm.s32 $0x1B8B  }
0xa2: {  	_ =	swait.ge [sflag:s23], $0x1  }
0xa3: {  	[sflag:s23] =	ssyncset.done $0x0  }
0xa4: {  	s25 =	simm.s32 $0x1B8E;
	s24 =	sld [smem:$0x3FFE];
	[sflag:s23] =	ssyncadd.s32 $0xFFFFFFFF  }
0xa5: {  	s26 =	simm.s32 $execute0_lowered;
	[smem:$0x3FD2] =	sst s25  }
0xa6: {  	s4 =	sshll.u32 s26, $0x1;
	_ =	strace $0x80000046;
	[dreg:$0x1] =	wrdreg $0xFFFFFFFF  }
0xa7: {  	s28 =	simm.s32 $_size_execute0_lowered;
	s2 =	sadd.s32 s2, s4;
	[dreg:$0x0] =	wrdreg $0x0  }
0xa8: {  	s4 =	sshll.u32 s28, $0x1;
	[dreg:$0x2] =	wrdreg s2  }
0xa9: {  	[dreg:$0x3] =	wrdreg s4  }
0xaa: {  	[dreg:$0x4] =	wrdreg $0xC0  }
0xab: {  	_ =	task [dreg:s6], $0x5FFFF  }
0xac: {  	[dreg:$0x1] =	wrdreg $0xFFFFFFFF  }
0xad: {  	[dreg:$0x0] =	wrdreg $0x60  }
0xae: {  	[dreg:$0x2] =	wrdreg s24  }
0xaf: {  	[dreg:$0x3] =	wrdreg $0x9  }
0xb0: {  	_ =	task.clear_ibuf [dreg:s6], $0x4FFFF;
	_ =	strace $0x90000046  }
0xb1: {  	s29 =	simm.s32 $0x9;
	_ =	strace $0x80000048  }
0xb2: {  	_ =	swait.ge [sflag:s29], $0x1  }
0xb3: {  	[sflag:s29] =	ssyncadd.s32 $0xFFFFFFFF  }
0xb4: {  	_ =	strace $0x90000048  }
0xb5: {  	_ =	sfence  }
0xb6: {  	s30 =	sld [smem:$0x0];
	_ =	sdelay $0x2  }
0xb7: {  	s31 =	sshll.u32 s1, $0xD;
	s1 =	sshrl.u32 s1, $0x2  }
0xb8: {  	s3 =	sand.u32 $0x4000, s31;
	s1 =	sadd.s32 s1, s30  }
0xb9: {  	s0 =	sor.u32 s3, s0;
	s1 =	sshll.u32 s1, $0x11  }
0xba: {  	s0 =	sor.u32 s1, s0  }
0xbb: {  	s0 =	sadd.s32 $0x8F2B, s0  }
0xbc: {  	[sflag:s0] =	ssyncadd.remote.s32 $0x1  }
0xbd: {  	_ =	sfence.sel $0xFFFF  }
0xbe: {  	[dreg:$0x0] =	wrdreg $0xFFFFFFFF;
	(pc) =	sbr.abs _section_cstart, $3  }
0xbf: {  	[dreg:$0x1] =	wrdreg $0xFFFFFFFF  }
0xc0: {  	_ =	task.clear_ibuf [dreg:s6], $0x2FFFF;
	_ =	strace $0x9FFFFFFF  }
0xc1: {  	(tm) =	ssettm $0x7FFFFFFF  }
tec
execute0_lowered:
.L_overlay_start_1:
0x0: {  	(tag) =	ssettag $0x1  }
0x1: {  	s0 =	srdreg.scid  }
0x2: {  	s5 =	rddreg [dreg:$0x0];
	s3 =	sand.u32 $0x1, s0  }
0x3: {  	s1 =	stileid.u32;
	s2 =	simm.s32 $0x0;
	s4 =	sshll.u32 s3, $0x4  }
0x4: {  	s10 =	simm.s32 $0x1;
	s11 =	simm.s32 $0x5400;
	s6 =	sor.u32 s1, s4  }
0x5: {  	s12 =	simm.s32 $0x2800;
	s0 =	rddreg [dreg:$0x1];
	s4 =	smul.u32 $0x5000, s6  }
0x6: {  	s13 =	simm.s32 $0x0;
	[smem:$0x7FF] =	sst s2;
	s7 =	ssub.s32 $0x2, s3  }
0x7: {  	_ =	strace $0x80000047;
	s9 =	sshrl.u32 s7, $0x1;
	s8 =	sshrl.u32 s4, $0x3  }
0x8: {  	s3 =	sadd.s32 $0xD400, s5;
	s9 =	ssub.s32 s7, s9;
	s8 =	sadd.s32 s8, s5  }
0x9: {  	s4 =	sadd.s32 $0x3400, s5;
	s5 =	smul.u32 $0x2800, s6;
	s6 =	sadd.s32 $0x17400, s8  }
0xa: {  	v0 =	vimm.f32 $0.0e+00;
	v1 =	vimm.f32 $1.000000000e+00;
	s7 =	sadd.s32 $0x17900, s8;
	s8 =	smax.u32 s9, $0x1;
	s9 =	simm.s32 $0x5000  }
.LBB2_1:
0xb: {  	s14 =	simm.s32 $0x40;
	s15 =	simm.s32 $0x0  }
.LBB2_2:
0xc: {  	p0 =	sne.s32 s14, $0x9FC0;
	[tilespmem:s15+$0x0] =	vst v0;
	s16 =	smov.u32 s14;
	s14 =	sadd.s32 $0x40, s14  }
.Ltmp0:
0xd: {  	[tilespmem:s15+$0x2800] =	vst v0;
	(pc) =	sbr.rel @p0 .LBB2_2-.Ltmp0, $2  }
0xe: {  	_ =	sdelay $0x2  }
0xf: {  	s15 =	sshra.s32 s16, $0x2  }
0x10: {  	[tilespmem:s15+$0x0] =	vst v0  }
0x11: {  	s14 =	simm.s32 $0x0;
	[tilespmem:s15+$0x2800] =	vst v0;
	s15 =	simm.s32 $0x0  }
.LBB2_4:
0x12: {  	s16 =	sshll.u32 s15, $0xA  }
0x13: {  	s16 =	sadd.s32 s5, s16  }
0x14: {  	s16 =	sshrl.u32 s16, $0x3  }
0x15: {  	s17 =	sadd.s32 s3, s16  }
0x16: {  	[tilespmem:s9], [sflag:$0x1] =	stream.linear.gather [hbm4b:s17+s14], $0x400, $0x38;
	[tilespmem:$0x5800] =	vst v63  }
0x17: {  	_ =	swait.ge [sflag:s10], $0x400  }
0x18: {  	[sflag:s10] =	ssyncset.done $0x0  }
0x19: {  	s16 =	sadd.s32 s4, s16;
	[sflag:s10] =	ssyncadd.s32 $0xFFFFFC00  }
0x1a: {  	[tilespmem:s11], [sflag:$0x1] =	stream.linear.gather [hbm4b:s16+s14], $0x400, $0x38;
	[tilespmem:$0x5800] =	vst v63  }
0x1b: {  	_ =	swait.ge [sflag:s10], $0x400  }
0x1c: {  	[sflag:s10] =	ssyncset.done $0x0  }
0x1d: {  	s17 =	simm.s32 $0x0;
	[sflag:s10] =	ssyncadd.s32 $0xFFFFFC00  }
0x1e: {  	s16 =	simm.s32 $0x40;
	v2 =	vld [tilespmem:s17+$0x5000]  }
.LBB2_5:
0x1f: {  	p0 =	sne.s32 s16, $0xFC0;
	v3 =	vld [tilespmem:s17+$0x5400];
	_ =	sdelay $0x4  }
.Ltmp1:
0x20: {  	(pc) =	sbr.rel @p0 .LBB2_5-.Ltmp1, $4  }
0x21: {  	_ = 	snop  }
0x22: {  	[tilespmem:v2+s2+$0x0] =	vst.idx.add.f32.msk $0xffff, v1  }
0x23: {  	s17 =	sshra.s32 s16, $0x2;
	[tilespmem:v3+s12+$0x0] =	vst.idx.add.f32.msk $0xffff, v1  }
0x24: {  	s16 =	sadd.s32 $0x40, s16;
	v2 =	vld [tilespmem:s17+$0x5000]  }
0x25: {  	_ = 	snop  }
0x26: {  	v3 =	vld [tilespmem:s17+$0x5400];
	_ =	sdelay $0x1  }
0x27: {  	s15 =	sadd.s32 $0x1, s15  }
0x28: {  	p0 =	sne.s32 s15, $0xA  }
.Ltmp2:
0x29: {  	_ = 	snop;
	(pc) =	sbr.rel @p0 .LBB2_4-.Ltmp2, $3  }
0x2a: {  	_ =	sdelay $0x1  }
0x2b: {  	[tilespmem:v2+s2+$0x0] =	vst.idx.add.f32.msk $0xffff, v1  }
0x2c: {  	[tilespmem:v3+s12+$0x0] =	vst.idx.add.f32.msk $0xffff, v1  }
0x2d: {  	[hbm4b:s6+s2] =	stream.linear.scatter [tilespmem:s2], [sflag:$0x1], $0x2800, $0x38;
	[tilespmem:$0x5800] =	vst v63  }
0x2e: {  	s13 =	sadd.s32 $0x1, s13;
	_ =	swait.ge [sflag:s10], $0x2800  }
0x2f: {  	p0 =	sne.s32 s13, s8;
	[sflag:s10] =	ssyncset.done $0x0  }
.Ltmp3:
0x30: {  	[sflag:s10] =	ssyncadd.s32 $0xFFFFD800;
	(pc) =	sbr.rel @p0 .LBB2_1-.Ltmp3, $4  }
0x31: {  	[hbm4b:s7+s2] =	stream.linear.scatter [tilespmem:s12], [sflag:$0x1], $0x2800, $0x38;
	[tilespmem:$0x5800] =	vst v63  }
0x32: {  	_ =	swait.ge [sflag:s10], $0x2800  }
0x33: {  	[sflag:s10] =	ssyncset.done $0x0  }
0x34: {  	[sflag:s10] =	ssyncadd.s32 $0xFFFFD800  }
0x35: {  	_ =	sfence.sel $0x180000  }
0x36: {  	[bflag:$0x0] =	sbarrier.arrive $0xFFFF  }
0x37: {  	p0 =	sne.s32 s1, $0x0;
	_ =	strace $0x90000047  }
0x38: {  	s0 =	sadd.s32 @!p0 $0x100000, s0;
	[bflag:$0x2] =	sbarrier.arrive $0xFFFF  }
0x39: {  	[sflag:s0] =	ssyncadd.tile.s32 @!p0 $0x1;
	_ =	shalt  }
.Lfunc_end2:
_tile_overlayer_lowered:
.L_overlay_start_2:
0x3a: {  	(tag) =	ssettag $0x2  }
0x3b: {  	s0 =	rddreg [dreg:$0x0];
	s2 =	stileid.u32  }
0x3c: {  	s1 =	rddreg [dreg:$0x1];
	p0 =	sne.s32 s2, $0x0  }
0x3d: {  	s3 =	rddreg [dreg:$0x2];
	[bflag:$0x3] =	sbarrier.arrive $0xFFFF;
	s2 =	simm.s32 @!p0 $0x1C01  }
0x3e: {  	[timem:s3], [sflag:s2] =	dma.local @!p0 [hbm:s0], s1  }
0x3f: {  	s0 =	simm.s32 @!p0 $0x1  }
0x40: {  	_ =	swait.ge @!p0 [sflag:s0], s1  }
0x41: {  	s1 =	ssub.s32 @!p0 $0x0, s1;
	[sflag:s0] =	ssyncset.done @!p0 $0x0  }
0x42: {  	[sflag:s0] =	ssyncadd.s32 @!p0 s1  }
0x43: {  	[bflag:$0x3] =	sbarrier.arrive $0xFFFF  }
0x44: {  	_ =	shalt  }

// kernel: kernel.14.cloned.1.call-start
scs
__scs_entry_jumppad:
0x0: {  	(pc) =	sbr.rel $0x88, $3  }
0x1: {  	(tag) =	ssettag $0x0;
	lr =	simm.s32 $0x1  }
0x2: {  	[smem:$0x3F95] =	sst lr;
	_ =	strace $0xD0000000  }
0x3: {  	_ = 	snop  }
0x4: {  	_ = 	snop  }
0x5: {  	_ = 	snop  }
0x6: {  	_ = 	snop  }
0x7: {  	_ = 	snop  }
__scs_overlays_trampoline_lowered:
0x8: {  	[smem:$0x3FA4] =	sst s0  }
0x9: {  	[smem:$0x3FA5] =	sst s1  }
0xa: {  	[smem:$0x3FA6] =	sst s2  }
0xb: {  	[smem:$0x3FA7] =	sst s3  }
0xc: {  	[smem:$0x3FA8] =	sst s4  }
0xd: {  	[smem:$0x3FA9] =	sst s5  }
0xe: {  	[smem:$0x3FAA] =	sst s6  }
0xf: {  	[smem:$0x3FAB] =	sst s7  }
0x10: {  	[smem:$0x3FAC] =	sst s8  }
0x11: {  	[smem:$0x3FAD] =	sst s9;
	s0 =	simm.s32 @!p0 $0x0  }
0x12: {  	s1 =	sld [smem:$0x3F93];
	s0 =	simm.s32 @p0 $0x1  }
0x13: {  	[smem:$0x3FAE] =	sst s0;
	s0 =	simm.s32 @!p1 $0x0  }
0x14: {  	s2 =	sld [smem:$0x3F92];
	s0 =	simm.s32 @p1 $0x1  }
0x15: {  	[smem:$0x3FAF] =	sst s0;
	s0 =	simm.s32 @!p2 $0x0  }
0x16: {  	s3 =	sld [smem:$0x3FDB];
	s0 =	simm.s32 @p2 $0x1  }
0x17: {  	s4 =	simm.s32 $0x1BF5;
	[smem:$0x3FB1] =	sst s0  }
0x18: {  	s0 =	sld [smem:$0x3F94];
	_ =	swait.ge [sflag:s4], $0x0  }
0x19: {  	s7 =	sld [smem:$0x3F95]  }
0x1a: {  	s8 =	sadd.s32 $0xFFFFE003, lr  }
0x1b: {  	s9 =	sadd.s32 $0xFFFFFEF7, lr;
	s5 =	simm.s32 $0xFFFFFFFF;
	p2 =	slt.u32 s8, $0xFFFFF086  }
0x1c: {  	p1 =	slt.u32 s9, $0xF7A;
	s5 =	simm.s32 @!p2 $0x0  }
0x1d: {  	s5 =	simm.s32 @p1 $0x1;
	p0 =	seq.s32 s7, s2  }
0x1e: {  	s7 =	smul.u32 @!p0 $0xF7A, s2;
	p2 =	seq.s32 @!p0 s5, $0x0  }
0x1f: {  	s9 =	smul.u32 $0xF7A, s1;
	s8 =	simm.s32 @!p0 $0x1BF5;
	p2 =	por !p2, p0  }
0x20: {  	[sflag:s8] =	ssyncset.s32 @!p0 $0xFFFFF086;
	s6 =	sadd.s32 @!p0 s3, s7;
	s7 =	simm.s32 @!p0 $0x108  }
0x21: {  	s3 =	sadd.s32 s3, s9;
	s6 =	sadd.s32 @!p0 $0x88, s6;
	s7 =	simm.s32 @p2 $0x1082  }
0x22: {  	[simem:s7], [sflag:s8] =	dma.local @!p0 [hbm:s6], $0xF7A  }
0x23: {  	s9 =	sor.u32 $0xD0000000, s2;
	s6 =	simm.s32 $0x108;
	_ =	swait.ge @!p0 [sflag:s8], $0x0  }
0x24: {  	s3 =	sadd.s32 $0x88, s3;
	s6 =	simm.s32 @!p1 $0x1082;
	[sflag:s4] =	ssyncset.s32 $0xFFFFF086  }
0x25: {  	[simem:s6], [sflag:s4] =	dma.local [hbm:s3], $0xF7A  }
0x26: {  	[smem:$0x3F95] =	sst s1;
	(tag) =	ssettag s2;
	_ =	strace s9  }
0x27: {  	s1 =	sld [smem:$0x3FA5]  }
0x28: {  	s2 =	sld [smem:$0x3FA6]  }
0x29: {  	s4 =	sld [smem:$0x3FA8]  }
0x2a: {  	p0 =	seq.s32 s5, $0x0;
	s5 =	sld [smem:$0x3FA9]  }
0x2b: {  	s6 =	sld [smem:$0x3FAA]  }
0x2c: {  	s7 =	sld [smem:$0x3FAB]  }
0x2d: {  	s3 =	simm.s32 $0x108;
	s8 =	sld [smem:$0x3FAC]  }
0x2e: {  	s3 =	simm.s32 @!p0 $0x1082;
	s9 =	sld [smem:$0x3FAD]  }
0x2f: {  	lr =	sadd.s32 s0, s3;
	s0 =	sld [smem:$0x3FA4]  }
0x30: {  	s3 =	sld [smem:$0x3FA7]  }
0x31: {  	[smem:$0x3FB0] =	sst s10  }
0x32: {  	s10 =	sld [smem:$0x3FAE];
	_ =	sdelay $0x3  }
0x33: {  	p0 =	seq.s32 s10, $0x1;
	s10 =	sld [smem:$0x3FB0];
	_ =	sdelay $0x3  }
0x34: {  	[smem:$0x3FB0] =	sst s10  }
0x35: {  	s10 =	sld [smem:$0x3FAF];
	_ =	sdelay $0x3  }
0x36: {  	p1 =	seq.s32 s10, $0x1;
	s10 =	sld [smem:$0x3FB0];
	_ =	sdelay $0x3  }
0x37: {  	[smem:$0x3FB0] =	sst s10  }
0x38: {  	s10 =	sld [smem:$0x3FB1]  }
0x39: {  	_ = 	snop;
	(pc) =	sbr.ind lr, $3  }
0x3a: {  	_ = 	snop  }
0x3b: {  	_ = 	snop  }
0x3c: {  	p2 =	seq.s32 s10, $0x1;
	s10 =	sld [smem:$0x3FB0]  }
0x3d: {  	_ =	shalt  }
0x3e: {  	_ =	shalt  }
0x3f: {  	_ =	shalt  }
0x40: {  	_ =	shalt  }
0x41: {  	_ =	shalt  }
0x42: {  	_ =	shalt  }
0x43: {  	_ =	shalt  }
0x44: {  	_ =	shalt  }
0x45: {  	_ =	shalt  }
0x46: {  	_ =	shalt  }
0x47: {  	_ =	shalt  }
0x48: {  	_ =	shalt  }
0x49: {  	_ =	shalt  }
0x4a: {  	_ =	shalt  }
0x4b: {  	_ =	shalt  }
0x4c: {  	_ =	shalt  }
0x4d: {  	_ =	shalt  }
0x4e: {  	_ =	shalt  }
0x4f: {  	_ =	shalt  }
0x50: {  	_ =	shalt  }
0x51: {  	_ =	shalt  }
0x52: {  	_ =	shalt  }
0x53: {  	_ =	shalt  }
0x54: {  	_ =	shalt  }
0x55: {  	_ =	shalt  }
0x56: {  	_ =	shalt  }
0x57: {  	_ =	shalt  }
0x58: {  	_ =	shalt  }
0x59: {  	_ =	shalt  }
0x5a: {  	_ =	shalt  }
0x5b: {  	_ =	shalt  }
0x5c: {  	_ =	shalt  }
0x5d: {  	_ =	shalt  }
0x5e: {  	_ =	shalt  }
0x5f: {  	_ =	shalt  }
0x60: {  	_ =	shalt  }
0x61: {  	_ =	shalt  }
0x62: {  	_ =	shalt  }
0x63: {  	_ =	shalt  }
0x64: {  	_ =	shalt  }
0x65: {  	_ =	shalt  }
0x66: {  	_ =	shalt  }
0x67: {  	_ =	shalt  }
0x68: {  	_ =	shalt  }
0x69: {  	_ =	shalt  }
0x6a: {  	_ =	shalt  }
0x6b: {  	_ =	shalt  }
0x6c: {  	_ =	shalt  }
0x6d: {  	_ =	shalt  }
0x6e: {  	_ =	shalt  }
0x6f: {  	_ =	shalt  }
0x70: {  	_ =	shalt  }
0x71: {  	_ =	shalt  }
0x72: {  	_ =	shalt  }
0x73: {  	_ =	shalt  }
0x74: {  	_ =	shalt  }
0x75: {  	_ =	shalt  }
0x76: {  	_ =	shalt  }
0x77: {  	_ =	shalt  }
0x78: {  	_ =	shalt  }
0x79: {  	_ =	shalt  }
0x7a: {  	_ =	shalt  }
0x7b: {  	_ =	shalt  }
0x7c: {  	_ =	shalt  }
0x7d: {  	_ =	shalt  }
0x7e: {  	_ =	shalt  }
0x7f: {  	_ =	shalt  }
0x80: {  	_ =	shalt  }
0x81: {  	_ =	shalt  }
0x82: {  	_ =	shalt  }
0x83: {  	_ =	shalt  }
0x84: {  	_ =	shalt  }
0x85: {  	_ =	shalt  }
0x86: {  	_ =	shalt  }
0x87: {  	_ =	shalt  }
.Lfunc_end0:
.L_simem_size_0:
called_computation.1_lowered:
.L_overlay_start_0:
0x88: {  	s2 =	sld [smem:$0x3FD9]  }
0x89: {  	s3 =	sld [smem:$0x3FFE];
	_ =	sdelay $0x1  }
0x8a: {  	s1 =	srdreg.scid  }
0x8b: {  	s0 =	sand.u32 $0x1, s1  }
0x8c: {  	s16 =	sshll.u32 s0, $0xA;
	s2 =	sadd.s32 s3, s2  }
0x8d: {  	s2 =	sadd.s32 s2, s16  }
0x8e: {  	[smem:$0x3FBC] =	sst s2  }
0x8f: {  	_ = 	snop  }
0x90: {  	(tm) =	ssettm $0x1  }
0x91: {  	s17 =	sld [smem:$0x3FFB];
	_ =	sdelay $0x3  }
0x92: {  	_ =	strace s17  }
0x93: {  	s2 =	sld [smem:$0x3FFC];
	_ =	sdelay $0x3  }
0x94: {  	_ =	strace s2  }
0x95: {  	s2 =	sld [smem:$0x3FFD];
	_ =	sdelay $0x3  }
0x96: {  	_ =	strace s2  }
0x97: {  	_ =	strace $0x8FFFFFFF  }
0x98: {  	s18 =	sld [smem:$0x3FDB];
	_ =	sdelay $0x1  }
0x99: {  	s19 =	simm.s32 $_scs_section_size  }
0x9a: {  	s4 =	simm.s32 $_size__tile_overlayer_lowered;
	s5 =	simm.s32 $_tile_overlayer_lowered  }
0x9b: {  	s22 =	simm.s32 $0x1BFF;
	s21 =	sshll.u32 s5, $0x1;
	s2 =	sadd.s32 s19, s18  }
0x9c: {  	s6 =	simm.s32 $0x0;
	s20 =	sshll.u32 s4, $0x1;
	s4 =	sadd.s32 s21, s2  }
0x9d: {  	[timem:s6], [sflag:s22] =	dma.local [hbm:s4], s20  }
0x9e: {  	_ =	swait.ge [sflag:s22], s20  }
0x9f: {  	s3 =	ssub.s32 $0x0, s20;
	[sflag:s22] =	ssyncset.done $0x0  }
0xa0: {  	[sflag:s22] =	ssyncadd.s32 s3;
	_ =	sdelay $0x1  }
0xa1: {  	s23 =	simm.s32 $0x1B8B  }
0xa2: {  	_ =	swait.ge [sflag:s23], $0x1  }
0xa3: {  	[sflag:s23] =	ssyncset.done $0x0  }
0xa4: {  	s25 =	simm.s32 $0x1B8E;
	s24 =	sld [smem:$0x3FFE];
	[sflag:s23] =	ssyncadd.s32 $0xFFFFFFFF  }
0xa5: {  	s26 =	simm.s32 $execute0_lowered;
	[smem:$0x3FD2] =	sst s25  }
0xa6: {  	s4 =	sshll.u32 s26, $0x1;
	_ =	strace $0x80000049;
	[dreg:$0x1] =	wrdreg $0xFFFFFFFF  }
0xa7: {  	s28 =	simm.s32 $_size_execute0_lowered;
	s2 =	sadd.s32 s2, s4;
	[dreg:$0x0] =	wrdreg $0x0  }
0xa8: {  	s4 =	sshll.u32 s28, $0x1;
	[dreg:$0x2] =	wrdreg s2  }
0xa9: {  	[dreg:$0x3] =	wrdreg s4  }
0xaa: {  	[dreg:$0x4] =	wrdreg $0xC0  }
0xab: {  	_ =	task [dreg:s6], $0x5FFFF  }
0xac: {  	[dreg:$0x1] =	wrdreg $0xFFFFFFFF  }
0xad: {  	[dreg:$0x0] =	wrdreg $0x60  }
0xae: {  	[dreg:$0x2] =	wrdreg s24  }
0xaf: {  	[dreg:$0x3] =	wrdreg $0x9  }
0xb0: {  	_ =	task.clear_ibuf [dreg:s6], $0x4FFFF;
	_ =	strace $0x90000049  }
0xb1: {  	s29 =	simm.s32 $0x9;
	_ =	strace $0x8000004B  }
0xb2: {  	_ =	swait.ge [sflag:s29], $0x1  }
0xb3: {  	[sflag:s29] =	ssyncadd.s32 $0xFFFFFFFF  }
0xb4: {  	_ =	strace $0x9000004B  }
0xb5: {  	_ =	sfence  }
0xb6: {  	s30 =	sld [smem:$0x0];
	_ =	sdelay $0x2  }
0xb7: {  	s31 =	sshll.u32 s1, $0xD;
	s1 =	sshrl.u32 s1, $0x2  }
0xb8: {  	s3 =	sand.u32 $0x4000, s31;
	s1 =	sadd.s32 s1, s30  }
0xb9: {  	s0 =	sor.u32 s3, s0;
	s1 =	sshll.u32 s1, $0x11  }
0xba: {  	s0 =	sor.u32 s1, s0  }
0xbb: {  	s0 =	sadd.s32 $0x8F2B, s0  }
0xbc: {  	[sflag:s0] =	ssyncadd.remote.s32 $0x1  }
0xbd: {  	_ =	sfence.sel $0xFFFF  }
0xbe: {  	[dreg:$0x0] =	wrdreg $0xFFFFFFFF;
	(pc) =	sbr.abs _section_cstart, $3  }
0xbf: {  	[dreg:$0x1] =	wrdreg $0xFFFFFFFF  }
0xc0: {  	_ =	task.clear_ibuf [dreg:s6], $0x2FFFF;
	_ =	strace $0x9FFFFFFF  }
0xc1: {  	(tm) =	ssettm $0x7FFFFFFF  }
tec
execute0_lowered:
.L_overlay_start_1:
0x0: {  	(tag) =	ssettag $0x1  }
0x1: {  	s0 =	srdreg.scid;
	s5 =	rddreg [dreg:$0x0]  }
0x2: {  	s1 =	stileid.u32;
	s2 =	simm.s32 $0x0;
	s11 =	simm.s32 $0x2800  }
0x3: {  	s12 =	simm.s32 $0x5000;
	s13 =	simm.s32 $0x7800;
	s3 =	sand.u32 $0x1, s0  }
0x4: {  	s14 =	simm.s32 $0xA000;
	s15 =	simm.s32 $0xC800;
	s4 =	sshll.u32 s3, $0x4  }
0x5: {  	s16 =	simm.s32 $0x0;
	s0 =	rddreg [dreg:$0x1];
	s4 =	sor.u32 s1, s4  }
0x6: {  	[smem:$0x7FF] =	sst s2;
	s7 =	ssub.s32 $0x2, s3;
	s6 =	smul.u32 $0x500, s4  }
0x7: {  	_ =	strace $0x8000004A;
	s3 =	sadd.s32 $0x17A00, s5;
	s8 =	sshrl.u32 s7, $0x1  }
0x8: {  	s4 =	sadd.s32 $0x17400, s5;
	s10 =	ssub.s32 s7, s8;
	s9 =	sadd.s32 s6, s5  }
0x9: {  	s5 =	sadd.s32 $0xD400, s9;
	s6 =	sadd.s32 $0x3400, s9;
	s7 =	sadd.s32 $0x2B400, s9  }
0xa: {  	s8 =	sadd.s32 $0x18000, s9;
	s9 =	smax.u32 s10, $0x1;
	s10 =	simm.s32 $0x1  }
.LBB2_1:
0xb: {  	[tilespmem:s2], [sflag:$0x1] =	stream.linear.gather [hbm4b:s3+s2], $0x2800, $0x38;
	[tilespmem:$0xF000] =	vst v63  }
0xc: {  	_ =	swait.ge [sflag:s10], $0x2800  }
0xd: {  	[sflag:s10] =	ssyncset.done $0x0  }
0xe: {  	[sflag:s10] =	ssyncadd.s32 $0xFFFFD800  }
0xf: {  	[tilespmem:s11], [sflag:$0x1] =	stream.linear.gather [hbm4b:s4+s2], $0x2800, $0x38;
	[tilespmem:$0xF000] =	vst v63  }
0x10: {  	_ =	swait.ge [sflag:s10], $0x2800  }
0x11: {  	[sflag:s10] =	ssyncset.done $0x0  }
0x12: {  	[sflag:s10] =	ssyncadd.s32 $0xFFFFD800  }
0x13: {  	[tilespmem:s12], [sflag:$0x1] =	stream.linear.gather [hbm4b:s5+s2], $0x2800, $0x38;
	[tilespmem:$0xF000] =	vst v63  }
0x14: {  	_ =	swait.ge [sflag:s10], $0x2800  }
0x15: {  	[sflag:s10] =	ssyncset.done $0x0  }
0x16: {  	[sflag:s10] =	ssyncadd.s32 $0xFFFFD800  }
0x17: {  	[tilespmem:s13], [sflag:$0x1] =	stream.linear.gather [hbm4b:s6+s2], $0x2800, $0x38;
	[tilespmem:$0xF000] =	vst v63  }
0x18: {  	_ =	swait.ge [sflag:s10], $0x2800  }
0x19: {  	[sflag:s10] =	ssyncset.done $0x0  }
0x1a: {  	[sflag:s10] =	ssyncadd.s32 $0xFFFFD800  }
0x1b: {  	[tilespmem:s14], [sflag:$0x1] =	stream.linear.gather [hbm4b:s7+s2], $0x2800, $0x38;
	[tilespmem:$0xF000] =	vst v63  }
0x1c: {  	_ =	swait.ge [sflag:s10], $0x2800  }
0x1d: {  	[sflag:s10] =	ssyncset.done $0x0  }
0x1e: {  	s17 =	simm.s32 $0x0;
	[sflag:s10] =	ssyncadd.s32 $0xFFFFD800  }
0x1f: {  	v0 =	vld [tilespmem:s17+$0x5000]  }
0x20: {  	v2 =	vld [tilespmem:s17+$0x7800];
	_ =	sdelay $0x5  }
0x21: {  	v1 =	vld [tilespmem:s17+$0xA000]  }
0x22: {  	v0 =	vld.idx.msk [tilespmem:v0+s2+$0x0], $0xffff  }
0x23: {  	s18 =	simm.s32 $0x10;
	s19 =	simm.s32 $0x80;
	v2 =	vld.idx.msk [tilespmem:v2+s11+$0x0], $0xffff  }
.LBB2_2:
0x24: {  	p0 =	sne.s32 s19, $0x9FC0;
	v3 =	vld [tilespmem:s18+$0x5000];
	_ =	sdelay $0x1  }
0x25: {  	v4 =	vld [tilespmem:s18+$0x7800]  }
0x26: {  	v0 =	vmul.f32 v1, v0;
	_ =	sdelay $0x1  }
0x27: {  	v0 =	vmul.f32 v0, v2  }
.Ltmp0:
0x28: {  	(pc) =	sbr.rel @p0 .LBB2_2-.Ltmp0, $4  }
0x29: {  	[tilespmem:s17+$0xC800] =	vst v0;
	s17 =	smov.u32 s18  }
0x2a: {  	v0 =	vld.idx.msk [tilespmem:v3+s2+$0x0], $0xffff  }
0x2b: {  	v1 =	vld [tilespmem:s17+$0xA000]  }
0x2c: {  	s18 =	sshra.s32 s19, $0x2;
	s19 =	sadd.s32 $0x40, s19;
	v2 =	vld.idx.msk [tilespmem:v4+s11+$0x0], $0xffff  }
0x2d: {  	v3 =	vld [tilespmem:s18+$0x5000];
	_ =	sdelay $0x2  }
0x2e: {  	v4 =	vld [tilespmem:s18+$0x7800];
	v0 =	vmul.f32 v1, v0;
	_ =	sdelay $0x1  }
0x2f: {  	v0 =	vmul.f32 v0, v2;
	_ =	sdelay $0x1  }
0x30: {  	[tilespmem:s17+$0xC800] =	vst v0  }
0x31: {  	v0 =	vld.idx.msk [tilespmem:v3+s2+$0x0], $0xffff  }
0x32: {  	v62 =	vld [tilespmem:s18+$0xA000];
	_ =	sdelay $0x1  }
0x33: {  	v63 =	vld.idx.msk [tilespmem:v4+s11+$0x0], $0xffff;
	_ =	sdelay $0x2  }
0x34: {  	v0 =	vmul.f32 v62, v0;
	_ =	sdelay $0x1  }
0x35: {  	s16 =	sadd.s32 $0x1, s16;
	v0 =	vmul.f32 v0, v63  }
0x36: {  	p0 =	sne.s32 s16, s9  }
.Ltmp1:
0x37: {  	[tilespmem:s18+$0xC800] =	vst v0;
	(pc) =	sbr.rel @p0 .LBB2_1-.Ltmp1, $4  }
0x38: {  	[hbm4b:s8+s2] =	stream.linear.scatter [tilespmem:s15], [sflag:$0x1], $0x2800, $0x38;
	[tilespmem:$0xF000] =	vst v63  }
0x39: {  	_ =	swait.ge [sflag:s10], $0x2800  }
0x3a: {  	[sflag:s10] =	ssyncset.done $0x0  }
0x3b: {  	[sflag:s10] =	ssyncadd.s32 $0xFFFFD800  }
0x3c: {  	_ =	sfence.sel $0x180000  }
0x3d: {  	[bflag:$0x0] =	sbarrier.arrive $0xFFFF  }
0x3e: {  	p0 =	sne.s32 s1, $0x0;
	_ =	strace $0x9000004A  }
0x3f: {  	s0 =	sadd.s32 @!p0 $0x100000, s0;
	[bflag:$0x2] =	sbarrier.arrive $0xFFFF  }
0x40: {  	[sflag:s0] =	ssyncadd.tile.s32 @!p0 $0x1;
	_ =	shalt  }
.Lfunc_end2:
_tile_overlayer_lowered:
.L_overlay_start_2:
0x41: {  	(tag) =	ssettag $0x2  }
0x42: {  	s0 =	rddreg [dreg:$0x0];
	s2 =	stileid.u32  }
0x43: {  	s1 =	rddreg [dreg:$0x1];
	p0 =	sne.s32 s2, $0x0  }
0x44: {  	s3 =	rddreg [dreg:$0x2];
	[bflag:$0x3] =	sbarrier.arrive $0xFFFF;
	s2 =	simm.s32 @!p0 $0x1C01  }
0x45: {  	[timem:s3], [sflag:s2] =	dma.local @!p0 [hbm:s0], s1  }
0x46: {  	s0 =	simm.s32 @!p0 $0x1  }
0x47: {  	_ =	swait.ge @!p0 [sflag:s0], s1  }
0x48: {  	s1 =	ssub.s32 @!p0 $0x0, s1;
	[sflag:s0] =	ssyncset.done @!p0 $0x0  }
0x49: {  	[sflag:s0] =	ssyncadd.s32 @!p0 s1  }
0x4a: {  	[bflag:$0x3] =	sbarrier.arrive $0xFFFF  }
0x4b: {  	_ =	shalt  }

// kernel: kernel.17.cloned.1.call-start
scs
__scs_entry_jumppad:
0x0: {  	(pc) =	sbr.rel $0x88, $3  }
0x1: {  	(tag) =	ssettag $0x0;
	lr =	simm.s32 $0x1  }
0x2: {  	[smem:$0x3F95] =	sst lr;
	_ =	strace $0xD0000000  }
0x3: {  	_ = 	snop  }
0x4: {  	_ = 	snop  }
0x5: {  	_ = 	snop  }
0x6: {  	_ = 	snop  }
0x7: {  	_ = 	snop  }
__scs_overlays_trampoline_lowered:
0x8: {  	[smem:$0x3FA4] =	sst s0  }
0x9: {  	[smem:$0x3FA5] =	sst s1  }
0xa: {  	[smem:$0x3FA6] =	sst s2  }
0xb: {  	[smem:$0x3FA7] =	sst s3  }
0xc: {  	[smem:$0x3FA8] =	sst s4  }
0xd: {  	[smem:$0x3FA9] =	sst s5  }
0xe: {  	[smem:$0x3FAA] =	sst s6  }
0xf: {  	[smem:$0x3FAB] =	sst s7  }
0x10: {  	[smem:$0x3FAC] =	sst s8  }
0x11: {  	[smem:$0x3FAD] =	sst s9;
	s0 =	simm.s32 @!p0 $0x0  }
0x12: {  	s1 =	sld [smem:$0x3F93];
	s0 =	simm.s32 @p0 $0x1  }
0x13: {  	[smem:$0x3FAE] =	sst s0;
	s0 =	simm.s32 @!p1 $0x0  }
0x14: {  	s2 =	sld [smem:$0x3F92];
	s0 =	simm.s32 @p1 $0x1  }
0x15: {  	[smem:$0x3FAF] =	sst s0;
	s0 =	simm.s32 @!p2 $0x0  }
0x16: {  	s3 =	sld [smem:$0x3FDB];
	s0 =	simm.s32 @p2 $0x1  }
0x17: {  	s4 =	simm.s32 $0x1BF5;
	[smem:$0x3FB1] =	sst s0  }
0x18: {  	s0 =	sld [smem:$0x3F94];
	_ =	swait.ge [sflag:s4], $0x0  }
0x19: {  	s7 =	sld [smem:$0x3F95]  }
0x1a: {  	s8 =	sadd.s32 $0xFFFFE003, lr  }
0x1b: {  	s9 =	sadd.s32 $0xFFFFFEF7, lr;
	s5 =	simm.s32 $0xFFFFFFFF;
	p2 =	slt.u32 s8, $0xFFFFF086  }
0x1c: {  	p1 =	slt.u32 s9, $0xF7A;
	s5 =	simm.s32 @!p2 $0x0  }
0x1d: {  	s5 =	simm.s32 @p1 $0x1;
	p0 =	seq.s32 s7, s2  }
0x1e: {  	s7 =	smul.u32 @!p0 $0xF7A, s2;
	p2 =	seq.s32 @!p0 s5, $0x0  }
0x1f: {  	s9 =	smul.u32 $0xF7A, s1;
	s8 =	simm.s32 @!p0 $0x1BF5;
	p2 =	por !p2, p0  }
0x20: {  	[sflag:s8] =	ssyncset.s32 @!p0 $0xFFFFF086;
	s6 =	sadd.s32 @!p0 s3, s7;
	s7 =	simm.s32 @!p0 $0x108  }
0x21: {  	s3 =	sadd.s32 s3, s9;
	s6 =	sadd.s32 @!p0 $0x88, s6;
	s7 =	simm.s32 @p2 $0x1082  }
0x22: {  	[simem:s7], [sflag:s8] =	dma.local @!p0 [hbm:s6], $0xF7A  }
0x23: {  	s9 =	sor.u32 $0xD0000000, s2;
	s6 =	simm.s32 $0x108;
	_ =	swait.ge @!p0 [sflag:s8], $0x0  }
0x24: {  	s3 =	sadd.s32 $0x88, s3;
	s6 =	simm.s32 @!p1 $0x1082;
	[sflag:s4] =	ssyncset.s32 $0xFFFFF086  }
0x25: {  	[simem:s6], [sflag:s4] =	dma.local [hbm:s3], $0xF7A  }
0x26: {  	[smem:$0x3F95] =	sst s1;
	(tag) =	ssettag s2;
	_ =	strace s9  }
0x27: {  	s1 =	sld [smem:$0x3FA5]  }
0x28: {  	s2 =	sld [smem:$0x3FA6]  }
0x29: {  	s4 =	sld [smem:$0x3FA8]  }
0x2a: {  	p0 =	seq.s32 s5, $0x0;
	s5 =	sld [smem:$0x3FA9]  }
0x2b: {  	s6 =	sld [smem:$0x3FAA]  }
0x2c: {  	s7 =	sld [smem:$0x3FAB]  }
0x2d: {  	s3 =	simm.s32 $0x108;
	s8 =	sld [smem:$0x3FAC]  }
0x2e: {  	s3 =	simm.s32 @!p0 $0x1082;
	s9 =	sld [smem:$0x3FAD]  }
0x2f: {  	lr =	sadd.s32 s0, s3;
	s0 =	sld [smem:$0x3FA4]  }
0x30: {  	s3 =	sld [smem:$0x3FA7]  }
0x31: {  	[smem:$0x3FB0] =	sst s10  }
0x32: {  	s10 =	sld [smem:$0x3FAE];
	_ =	sdelay $0x3  }
0x33: {  	p0 =	seq.s32 s10, $0x1;
	s10 =	sld [smem:$0x3FB0];
	_ =	sdelay $0x3  }
0x34: {  	[smem:$0x3FB0] =	sst s10  }
0x35: {  	s10 =	sld [smem:$0x3FAF];
	_ =	sdelay $0x3  }
0x36: {  	p1 =	seq.s32 s10, $0x1;
	s10 =	sld [smem:$0x3FB0];
	_ =	sdelay $0x3  }
0x37: {  	[smem:$0x3FB0] =	sst s10  }
0x38: {  	s10 =	sld [smem:$0x3FB1]  }
0x39: {  	_ = 	snop;
	(pc) =	sbr.ind lr, $3  }
0x3a: {  	_ = 	snop  }
0x3b: {  	_ = 	snop  }
0x3c: {  	p2 =	seq.s32 s10, $0x1;
	s10 =	sld [smem:$0x3FB0]  }
0x3d: {  	_ =	shalt  }
0x3e: {  	_ =	shalt  }
0x3f: {  	_ =	shalt  }
0x40: {  	_ =	shalt  }
0x41: {  	_ =	shalt  }
0x42: {  	_ =	shalt  }
0x43: {  	_ =	shalt  }
0x44: {  	_ =	shalt  }
0x45: {  	_ =	shalt  }
0x46: {  	_ =	shalt  }
0x47: {  	_ =	shalt  }
0x48: {  	_ =	shalt  }
0x49: {  	_ =	shalt  }
0x4a: {  	_ =	shalt  }
0x4b: {  	_ =	shalt  }
0x4c: {  	_ =	shalt  }
0x4d: {  	_ =	shalt  }
0x4e: {  	_ =	shalt  }
0x4f: {  	_ =	shalt  }
0x50: {  	_ =	shalt  }
0x51: {  	_ =	shalt  }
0x52: {  	_ =	shalt  }
0x53: {  	_ =	shalt  }
0x54: {  	_ =	shalt  }
0x55: {  	_ =	shalt  }
0x56: {  	_ =	shalt  }
0x57: {  	_ =	shalt  }
0x58: {  	_ =	shalt  }
0x59: {  	_ =	shalt  }
0x5a: {  	_ =	shalt  }
0x5b: {  	_ =	shalt  }
0x5c: {  	_ =	shalt  }
0x5d: {  	_ =	shalt  }
0x5e: {  	_ =	shalt  }
0x5f: {  	_ =	shalt  }
0x60: {  	_ =	shalt  }
0x61: {  	_ =	shalt  }
0x62: {  	_ =	shalt  }
0x63: {  	_ =	shalt  }
0x64: {  	_ =	shalt  }
0x65: {  	_ =	shalt  }
0x66: {  	_ =	shalt  }
0x67: {  	_ =	shalt  }
0x68: {  	_ =	shalt  }
0x69: {  	_ =	shalt  }
0x6a: {  	_ =	shalt  }
0x6b: {  	_ =	shalt  }
0x6c: {  	_ =	shalt  }
0x6d: {  	_ =	shalt  }
0x6e: {  	_ =	shalt  }
0x6f: {  	_ =	shalt  }
0x70: {  	_ =	shalt  }
0x71: {  	_ =	shalt  }
0x72: {  	_ =	shalt  }
0x73: {  	_ =	shalt  }
0x74: {  	_ =	shalt  }
0x75: {  	_ =	shalt  }
0x76: {  	_ =	shalt  }
0x77: {  	_ =	shalt  }
0x78: {  	_ =	shalt  }
0x79: {  	_ =	shalt  }
0x7a: {  	_ =	shalt  }
0x7b: {  	_ =	shalt  }
0x7c: {  	_ =	shalt  }
0x7d: {  	_ =	shalt  }
0x7e: {  	_ =	shalt  }
0x7f: {  	_ =	shalt  }
0x80: {  	_ =	shalt  }
0x81: {  	_ =	shalt  }
0x82: {  	_ =	shalt  }
0x83: {  	_ =	shalt  }
0x84: {  	_ =	shalt  }
0x85: {  	_ =	shalt  }
0x86: {  	_ =	shalt  }
0x87: {  	_ =	shalt  }
.Lfunc_end0:
.L_simem_size_0:
called_computation.2_lowered:
.L_overlay_start_0:
0x88: {  	s2 =	sld [smem:$0x3FD9]  }
0x89: {  	s3 =	sld [smem:$0x3FFE];
	_ =	sdelay $0x1  }
0x8a: {  	s1 =	srdreg.scid  }
0x8b: {  	s0 =	sand.u32 $0x1, s1  }
0x8c: {  	s16 =	sshll.u32 s0, $0xA;
	s2 =	sadd.s32 s3, s2  }
0x8d: {  	s2 =	sadd.s32 s2, s16  }
0x8e: {  	[smem:$0x3FBC] =	sst s2  }
0x8f: {  	_ = 	snop  }
0x90: {  	(tm) =	ssettm $0x1  }
0x91: {  	s17 =	sld [smem:$0x3FFB];
	_ =	sdelay $0x3  }
0x92: {  	_ =	strace s17  }
0x93: {  	s2 =	sld [smem:$0x3FFC];
	_ =	sdelay $0x3  }
0x94: {  	_ =	strace s2  }
0x95: {  	s2 =	sld [smem:$0x3FFD];
	_ =	sdelay $0x3  }
0x96: {  	_ =	strace s2  }
0x97: {  	_ =	strace $0x8FFFFFFF  }
0x98: {  	s18 =	sld [smem:$0x3FDB];
	_ =	sdelay $0x1  }
0x99: {  	s19 =	simm.s32 $_scs_section_size  }
0x9a: {  	s4 =	simm.s32 $_size__tile_overlayer_lowered;
	s5 =	simm.s32 $_tile_overlayer_lowered  }
0x9b: {  	s22 =	simm.s32 $0x1BFF;
	s21 =	sshll.u32 s5, $0x1;
	s2 =	sadd.s32 s19, s18  }
0x9c: {  	s6 =	simm.s32 $0x0;
	s20 =	sshll.u32 s4, $0x1;
	s4 =	sadd.s32 s21, s2  }
0x9d: {  	[timem:s6], [sflag:s22] =	dma.local [hbm:s4], s20  }
0x9e: {  	_ =	swait.ge [sflag:s22], s20  }
0x9f: {  	s3 =	ssub.s32 $0x0, s20;
	[sflag:s22] =	ssyncset.done $0x0  }
0xa0: {  	[sflag:s22] =	ssyncadd.s32 s3;
	_ =	sdelay $0x1  }
0xa1: {  	s23 =	simm.s32 $0x1B8B  }
0xa2: {  	_ =	swait.ge [sflag:s23], $0x1  }
0xa3: {  	[sflag:s23] =	ssyncset.done $0x0  }
0xa4: {  	s25 =	simm.s32 $0x1B8E;
	s24 =	sld [smem:$0x3FFE];
	[sflag:s23] =	ssyncadd.s32 $0xFFFFFFFF  }
0xa5: {  	s26 =	simm.s32 $execute0_lowered;
	[smem:$0x3FD2] =	sst s25  }
0xa6: {  	s4 =	sshll.u32 s26, $0x1;
	_ =	strace $0x8000004C;
	[dreg:$0x1] =	wrdreg $0xFFFFFFFF  }
0xa7: {  	s28 =	simm.s32 $_size_execute0_lowered;
	s2 =	sadd.s32 s2, s4;
	[dreg:$0x0] =	wrdreg $0x0  }
0xa8: {  	s4 =	sshll.u32 s28, $0x1;
	[dreg:$0x2] =	wrdreg s2  }
0xa9: {  	[dreg:$0x3] =	wrdreg s4  }
0xaa: {  	[dreg:$0x4] =	wrdreg $0xC0  }
0xab: {  	_ =	task [dreg:s6], $0x5FFFF  }
0xac: {  	[dreg:$0x1] =	wrdreg $0xFFFFFFFF  }
0xad: {  	[dreg:$0x0] =	wrdreg $0x60  }
0xae: {  	[dreg:$0x2] =	wrdreg s24  }
0xaf: {  	[dreg:$0x3] =	wrdreg $0x86000  }
0xb0: {  	[dreg:$0x4] =	wrdreg $0x126000  }
0xb1: {  	[dreg:$0x5] =	wrdreg $0x9  }
0xb2: {  	_ =	task.clear_ibuf [dreg:s6], $0x6FFFF;
	_ =	strace $0x9000004C  }
0xb3: {  	s29 =	simm.s32 $0x9;
	_ =	strace $0x8000004E  }
0xb4: {  	_ =	swait.ge [sflag:s29], $0x1  }
0xb5: {  	[sflag:s29] =	ssyncadd.s32 $0xFFFFFFFF  }
0xb6: {  	_ =	strace $0x9000004E  }
0xb7: {  	_ =	sfence  }
0xb8: {  	s30 =	sld [smem:$0x0];
	_ =	sdelay $0x2  }
0xb9: {  	s31 =	sshll.u32 s1, $0xD;
	s1 =	sshrl.u32 s1, $0x2  }
0xba: {  	s3 =	sand.u32 $0x4000, s31;
	s1 =	sadd.s32 s1, s30  }
0xbb: {  	s0 =	sor.u32 s3, s0;
	s1 =	sshll.u32 s1, $0x11  }
0xbc: {  	s0 =	sor.u32 s1, s0  }
0xbd: {  	s0 =	sadd.s32 $0x8F2B, s0  }
0xbe: {  	[sflag:s0] =	ssyncadd.remote.s32 $0x1  }
0xbf: {  	_ =	sfence.sel $0xFFFF  }
0xc0: {  	[dreg:$0x0] =	wrdreg $0xFFFFFFFF;
	(pc) =	sbr.abs _section_cstart, $3  }
0xc1: {  	[dreg:$0x1] =	wrdreg $0xFFFFFFFF  }
0xc2: {  	_ =	task.clear_ibuf [dreg:s6], $0x2FFFF;
	_ =	strace $0x9FFFFFFF  }
0xc3: {  	(tm) =	ssettm $0x7FFFFFFF  }
tec
execute0_lowered:
.L_overlay_start_1:
0x0: {  	(tag) =	ssettag $0x1  }
0x1: {  	s0 =	rddreg [dreg:$0x0]  }
0x2: {  	s1 =	rddreg [dreg:$0x1]  }
0x3: {  	s2 =	rddreg [dreg:$0x2]  }
0x4: {  	s3 =	srdreg.scid;
	s4 =	simm.s32 $0x0;
	s17 =	stileid.u32  }
0x5: {  	s29 =	simm.s32 $0x80;
	s31 =	simm.s32 $0x2600;
	s28 =	simm.s32 $0x500  }
0x6: {  	s30 =	simm.s32 $0x6;
	s3 =	sand.u32 $0x1, s3;
	[smem:$0x7FF] =	sst s4  }
0x7: {  	s8 =	smul.u32 $0xA000, s17;
	s5 =	sadd.s32 $0x3400, s0;
	s9 =	sadd.s32 $0x5D400, s0  }
0x8: {  	s14 =	smul.u32 $0x1E00, s17;
	s6 =	ssub.s32 $0x2, s3;
	_ =	strace $0x8000004D  }
0x9: {  	p0 =	seq.s32 s3, $0x1;
	s3 =	smul.u32 $0xA0000, s3;
	s7 =	sshrl.u32 s6, $0x1  }
0xa: {  	s10 =	sadd.s32 s8, s1;
	s11 =	sshrl.u32 s8, $0x3;
	s21 =	sadd.s32 s8, s2  }
0xb: {  	s12 =	sadd.s32 $0x2000, s8;
	s13 =	sadd.s32 $0x4000, s8;
	s15 =	sadd.s32 $0x6000, s8  }
0xc: {  	s26 =	sadd.s32 $0x8000, s8;
	s14 =	sadd.s32 s5, s14;
	s7 =	ssub.s32 s6, s7  }
0xd: {  	s6 =	smul.u32 $0xA0, s17;
	s22 =	sadd.s32 s12, s2;
	s16 =	sadd.s32 s13, s2  }
0xe: {  	s25 =	sadd.s32 s15, s2;
	s18 =	sadd.s32 s26, s2;
	[dreg:$0x8] =	wrdreg s14  }
0xf: {  	s14 =	sadd.s32 $0x30, s14;
	s8 =	sadd.s32 s8, s3;
	[dreg:$0x4] =	wrdreg s21  }
0x10: {  	s12 =	sadd.s32 s3, s12;
	s13 =	sadd.s32 s3, s13;
	[dreg:$0x6] =	wrdreg s16  }
0x11: {  	s23 =	sadd.s32 s3, s15;
	s3 =	sadd.s32 s3, s26;
	[dreg:$0x7] =	wrdreg s25  }
0x12: {  	s26 =	sshrl.u32 s10, $0x3;
	s15 =	simm.s32 $0x4600;
	[dreg:$0x9] =	wrdreg s18  }
0x13: {  	[dreg:$0xa] =	wrdreg s14;
	s8 =	sshrl.u32 s8, $0x3;
	s12 =	sshrl.u32 s12, $0x3  }
0x14: {  	s13 =	sshrl.u32 s13, $0x3;
	s3 =	sshrl.u32 s3, $0x3;
	s24 =	smax.u32 s7, $0x1  }
0x15: {  	s25 =	sshll.u32 s17, $0x6;
	[dreg:$0x13] =	wrdreg s26;
	s16 =	simm.s32 $0x2  }
0x16: {  	s26 =	simm.s32 $0x480;
	s18 =	simm.s32 $0xC;
	[dreg:$0x5] =	wrdreg s22  }
0x17: {  	s14 =	sor.u32 $0x1, s6;
	s8 =	sadd.s32 s9, s8;
	[dreg:$0x10] =	wrdreg s24  }
0x18: {  	s19 =	sadd.s32 s9, s12;
	s20 =	sadd.s32 s9, s13;
	[dreg:$0xb] =	wrdreg s8  }
0x19: {  	s12 =	simm.s32 $0x35400;
	s3 =	sadd.s32 s9, s3;
	[dreg:$0xc] =	wrdreg s19  }
0x1a: {  	s24 =	simm.s32 $0xD;
	s13 =	simm.s32 $0xB;
	[dreg:$0xd] =	wrdreg s20  }
0x1b: {  	s8 =	sshrl.u32 s23, $0x3;
	s12 =	simm.s32 @!p0 $0x49400;
	[dreg:$0xf] =	wrdreg s3  }
0x1c: {  	s3 =	simm.s32 $0x300;
	s19 =	simm.s32 $0x6600;
	s20 =	simm.s32 $0x3  }
0x1d: {  	s23 =	simm.s32 $0x5;
	s8 =	sadd.s32 s9, s8;
	s0 =	sadd.s32 s12, s0  }
0x1e: {  	s9 =	sor.u32 $0x1C0D, s25;
	s25 =	simm.s32 $0x600;
	[dreg:$0xe] =	wrdreg s8  }
0x1f: {  	s0 =	sadd.s32 s0, s11;
	s11 =	simm.s32 $0x4;
	[dreg:$0x12] =	wrdreg s9  }
0x20: {  	v0 =	vimm.f32 $0.0e+00;
	s8 =	simm.s32 $0x0;
	[dreg:$0x11] =	wrdreg s0;
	s0 =	simm.s32 $0x1  }
.LBB2_1:
0x21: {  	[dreg:$0x14] =	wrdreg s8  }
0x22: {  	s7 =	rddreg [dreg:$0x11]  }
0x23: {  	s17 =	rddreg [dreg:$0x13]  }
0x24: {  	[spmem:s17], [sflag:s9] =	dma.local [hbm:s7], $0x1400  }
0x25: {  	_ =	swait.ge [sflag:s24], $0x1400  }
0x26: {  	[sflag:s24] =	ssyncset.done $0x0  }
0x27: {  	s8 =	simm.s32 $0x100;
	s7 =	simm.s32 $0x0;
	[sflag:s24] =	ssyncadd.s32 $0xFFFFEC00  }
.LBB2_2:
0x28: {  	p0 =	sne.s32 s8, $0x7F00;
	[tilespmem:s7+$0x630] =	vst v0;
	s9 =	smov.u32 s8;
	s8 =	sadd.s32 $0x100, s8  }
.Ltmp0:
0x29: {  	[tilespmem:s7+$0x620] =	vst v0;
	(pc) =	sbr.rel @p0 .LBB2_2-.Ltmp0, $3  }
0x2a: {  	[tilespmem:s7+$0x600] =	vst v0  }
0x2b: {  	[tilespmem:s7+$0x610] =	vst v0;
	_ =	sdelay $0x1  }
0x2c: {  	s7 =	sshra.s32 s9, $0x2  }
0x2d: {  	[tilespmem:s7+$0x630] =	vst v0  }
0x2e: {  	[tilespmem:s7+$0x620] =	vst v0  }
0x2f: {  	[tilespmem:s7+$0x600] =	vst v0  }
0x30: {  	[tilespmem:s7+$0x610] =	vst v0  }
0x31: {  	[spmem:s21] =	stream.linear.scatter [tilespmem:s25], [sflag:$0xD], $0x2000, $0x38;
	[tilespmem:$0x1C600] =	vst v63  }
0x32: {  	_ =	swait.ge [sflag:s24], $0x2000  }
0x33: {  	[sflag:s24] =	ssyncset.done $0x0  }
0x34: {  	[sflag:s24] =	ssyncadd.s32 $0xFFFFE000  }
0x35: {  	[spmem:s22] =	stream.linear.scatter [tilespmem:s25], [sflag:$0xD], $0x2000, $0x38;
	[tilespmem:$0x1C600] =	vst v63  }
0x36: {  	_ =	swait.ge [sflag:s24], $0x2000  }
0x37: {  	[sflag:s24] =	ssyncset.done $0x0  }
0x38: {  	s8 =	rddreg [dreg:$0x6];
	[sflag:s24] =	ssyncadd.s32 $0xFFFFE000  }
0x39: {  	[spmem:s8] =	stream.linear.scatter [tilespmem:s25], [sflag:$0xD], $0x2000, $0x38;
	[tilespmem:$0x1C600] =	vst v63  }
0x3a: {  	_ =	swait.ge [sflag:s24], $0x2000  }
0x3b: {  	[sflag:s24] =	ssyncset.done $0x0  }
0x3c: {  	s9 =	rddreg [dreg:$0x7];
	[sflag:s24] =	ssyncadd.s32 $0xFFFFE000  }
0x3d: {  	[spmem:s9] =	stream.linear.scatter [tilespmem:s25], [sflag:$0xD], $0x2000, $0x38;
	[tilespmem:$0x1C600] =	vst v63  }
0x3e: {  	_ =	swait.ge [sflag:s24], $0x2000  }
0x3f: {  	[sflag:s24] =	ssyncset.done $0x0  }
0x40: {  	s10 =	rddreg [dreg:$0x9];
	[sflag:s24] =	ssyncadd.s32 $0xFFFFE000  }
0x41: {  	[spmem:s10] =	stream.linear.scatter [tilespmem:s25], [sflag:$0xD], $0x2000, $0x38;
	[tilespmem:$0x1C600] =	vst v63  }
0x42: {  	_ =	swait.ge [sflag:s24], $0x2000  }
0x43: {  	[sflag:s24] =	ssyncset.done $0x0  }
0x44: {  	[sflag:s24] =	ssyncadd.s32 $0xFFFFE000  }
0x45: {  	[bflag:$0x0] =	sbarrier.arrive $0xFFFF  }
0x46: {  	s8 =	simm.s32 $0x0;
	s12 =	rddreg [dreg:$0x8]  }
0x47: {  	[tilespmem:s8], [sflag:$0x9] =	stream.linear.gather [hbm4b:s12+s8], $0x180, $0x38;
	[tilespmem:$0x1C600] =	vst v63  }
0x48: {  	s21 =	simm.s32 $0x9;
	s9 =	simm.s32 $0x180;
	s17 =	rddreg [dreg:$0xa]  }
0x49: {  	[tilespmem:s9], [sflag:$0xA] =	stream.linear.gather [hbm4b:s17+s8], $0x180, $0x38;
	[tilespmem:$0x1C600] =	vst v63  }
0x4a: {  	_ =	swait.ge [sflag:s21], $0x180  }
0x4b: {  	[sflag:s21] =	ssyncset.done $0x0  }
0x4c: {  	s22 =	simm.s32 $0xA;
	[sflag:s21] =	ssyncadd.s32 $0xFFFFFE80  }
0x4d: {  	[tilespmem:s25], [sflag:$0x1] =	stream.indirect.gather [spmem:s1], $0x40, s8, s29, $0xb8;
	[tilespmem:$0x1C600] =	vst v63  }
0x4e: {  	_ =	swait.ge [sflag:s22], $0x180  }
0x4f: {  	[sflag:s22] =	ssyncset.done $0x0  }
0x50: {  	[sflag:s22] =	ssyncadd.s32 $0xFFFFFE80  }
0x51: {  	[tilespmem:s31], [sflag:$0x2] =	stream.indirect.gather [spmem:s1], $0x40, s9, s29, $0xb8;
	[tilespmem:$0x1C600] =	vst v63  }
0x52: {  	s9 =	simm.s32 $0x0  }
.LBB2_4:
0x53: {  	v1 =	vmov s8  }
0x54: {  	v1 =	vand.u32 $0x7C, v1  }
0x55: {  	v1 =	vor.u32 $0x100, v1  }
0x56: {  	v1 =	vbroadcast v1, $0x0;
	_ =	sdelay $0x1  }
0x57: {  	_ =	swait.ge [sflag:s0], $0x2000  }
0x58: {  	[sflag:s0] =	ssyncset.done $0x0  }
0x59: {  	s10 =	simm.s32 $0x680;
	[sflag:s0] =	ssyncadd.s32 $0xFFFFE000  }
0x5a: {  	v2 =	vld [tilespmem:s10+$0xFFFFFF80]  }
0x5b: {  	v1 =	vld.idx.msk [tilespmem:v1+s4+$0x0], $0xffff  }
0x5c: {  	s7 =	simm.s32 $0x1;
	v3 =	vld [tilespmem:s10+$0xFFFFFF90]  }
0x5d: {  	v5 =	vmov s7;
	v4 =	vld [tilespmem:s10+$0xFFFFFFB0]  }
0x5e: {  	v5 =	vand.u32 $0x7D, v5;
	v6 =	vld [tilespmem:s10+$0xFFFFFFA0]  }
0x5f: {  	v5 =	vor.u32 $0x100, v5  }
0x60: {  	v5 =	vbroadcast v5, $0x0;
	v2 =	vmul.f32 v1, v2  }
0x61: {  	v3 =	vmul.f32 v1, v3  }
0x62: {  	v4 =	vmul.f32 v1, v4;
	[tilespmem:s10+$0xFFFFFF80] =	vst v2  }
0x63: {  	v1 =	vmul.f32 v1, v6;
	[tilespmem:s10+$0xFFFFFF90] =	vst v3  }
0x64: {  	[tilespmem:s10+$0xFFFFFFB0] =	vst v4  }
0x65: {  	[tilespmem:s10+$0xFFFFFFA0] =	vst v1;
	v2 =	vld [tilespmem:s10+$0xFFFFFFC0]  }
0x66: {  	v1 =	vld.idx.msk [tilespmem:v5+s4+$0x0], $0xffff  }
0x67: {  	s21 =	simm.s32 $0x2;
	v3 =	vld [tilespmem:s10+$0xFFFFFFD0]  }
0x68: {  	v4 =	vld [tilespmem:s10+$0xFFFFFFE0];
	v5 =	vmov s21  }
0x69: {  	v6 =	vld [tilespmem:s10+$0xFFFFFFF0];
	v5 =	vand.u32 $0x7E, v5  }
0x6a: {  	v5 =	vor.u32 $0x100, v5  }
0x6b: {  	v5 =	vbroadcast v5, $0x0;
	v2 =	vmul.f32 v1, v2  }
0x6c: {  	v3 =	vmul.f32 v1, v3  }
0x6d: {  	v4 =	vmul.f32 v1, v4;
	[tilespmem:s10+$0xFFFFFFC0] =	vst v2  }
0x6e: {  	v1 =	vmul.f32 v1, v6;
	[tilespmem:s10+$0xFFFFFFD0] =	vst v3  }
0x6f: {  	[tilespmem:s10+$0xFFFFFFE0] =	vst v4  }
0x70: {  	v2 =	vld [tilespmem:s10+$0x0];
	[tilespmem:s10+$0xFFFFFFF0] =	vst v1  }
0x71: {  	v1 =	vld.idx.msk [tilespmem:v5+s4+$0x0], $0xffff  }
0x72: {  	s22 =	simm.s32 $0x3;
	v3 =	vld [tilespmem:s10+$0x20]  }
0x73: {  	v4 =	vmov s22;
	v5 =	vld [tilespmem:s10+$0x10]  }
0x74: {  	v4 =	vand.u32 $0x7F, v4  }
0x75: {  	v7 =	vor.u32 $0x100, v4;
	v4 =	vld [tilespmem:s10+$0x30]  }
0x76: {  	s12 =	simm.s32 $0x680;
	s22 =	simm.s32 $0x4;
	v6 =	vmul.f32 v1, v2;
	v2 =	vbroadcast v7, $0x0  }
.LBB2_5:
0x77: {  	p0 =	sne.s32 s22, $0x7C  }
0x78: {  	v5 =	vmul.f32 v1, v5;
	v3 =	vmul.f32 v1, v3;
	s10 =	sadd.s32 $0x100, s10;
	s7 =	smov.u32 s22;
	s22 =	sadd.s32 $0x4, s22  }
0x79: {  	[tilespmem:s12+$0x0] =	vst v6  }
0x7a: {  	v1 =	vmul.f32 v1, v4;
	[tilespmem:s12+$0x10] =	vst v5  }
0x7b: {  	[tilespmem:s12+$0x20] =	vst v3;
	v3 =	vld [tilespmem:s12+$0x70]  }
0x7c: {  	v4 =	vmov s7;
	[tilespmem:s12+$0x30] =	vst v1;
	v1 =	vld [tilespmem:s12+$0x40]  }
0x7d: {  	v4 =	vand.u32 $0x7C, v4;
	v2 =	vld.idx.msk [tilespmem:v2+s4+$0x0], $0xffff  }
0x7e: {  	v4 =	vor.u32 $0x100, v4;
	v5 =	vld [tilespmem:s12+$0x50]  }
0x7f: {  	v4 =	vbroadcast v4, $0x0;
	v6 =	vld [tilespmem:s12+$0x60];
	_ =	sdelay $0x3  }
0x80: {  	v1 =	vmul.f32 v2, v1;
	v7 =	vld [tilespmem:s10+$0xFFFFFFA0];
	v5 =	vmul.f32 v2, v5  }
0x81: {  	v8 =	vld [tilespmem:s10+$0xFFFFFFB0];
	v6 =	vmul.f32 v2, v6;
	v2 =	vmul.f32 v2, v3  }
0x82: {  	[tilespmem:s12+$0x40] =	vst v1  }
0x83: {  	[tilespmem:s12+$0x70] =	vst v2  }
0x84: {  	s17 =	sadd.s32 $0x1, s7;
	[tilespmem:s12+$0x60] =	vst v6  }
0x85: {  	v1 =	vmov s17;
	[tilespmem:s12+$0x50] =	vst v5;
	s12 =	smov.u32 s10  }
0x86: {  	v1 =	vand.u32 $0x7D, v1;
	v2 =	vld.idx.msk [tilespmem:v4+s4+$0x0], $0xffff  }
0x87: {  	v1 =	vor.u32 $0x100, v1;
	v3 =	vld [tilespmem:s10+$0xFFFFFF80]  }
0x88: {  	v1 =	vbroadcast v1, $0x0;
	v4 =	vld [tilespmem:s10+$0xFFFFFF90];
	_ =	sdelay $0x3  }
0x89: {  	v5 =	vmul.f32 v2, v8;
	v3 =	vmul.f32 v2, v3  }
0x8a: {  	v4 =	vmul.f32 v2, v4;
	v2 =	vmul.f32 v2, v7  }
0x8b: {  	[tilespmem:s10+$0xFFFFFF80] =	vst v3  }
0x8c: {  	[tilespmem:s10+$0xFFFFFF90] =	vst v4  }
0x8d: {  	[tilespmem:s10+$0xFFFFFFB0] =	vst v5  }
0x8e: {  	[tilespmem:s10+$0xFFFFFFA0] =	vst v2;
	v2 =	vld [tilespmem:s10+$0xFFFFFFE0]  }
0x8f: {  	v1 =	vld.idx.msk [tilespmem:v1+s4+$0x0], $0xffff  }
0x90: {  	v3 =	vld [tilespmem:s10+$0xFFFFFFC0]  }
0x91: {  	s17 =	sadd.s32 $0x2, s7;
	v4 =	vld [tilespmem:s10+$0xFFFFFFD0]  }
0x92: {  	v5 =	vmov s17  }
0x93: {  	v5 =	vand.u32 $0x7E, v5;
	v6 =	vld [tilespmem:s10+$0xFFFFFFF0]  }
0x94: {  	v5 =	vor.u32 $0x100, v5  }
0x95: {  	v5 =	vbroadcast v5, $0x0;
	v3 =	vmul.f32 v1, v3  }
0x96: {  	v2 =	vmul.f32 v1, v2;
	v4 =	vmul.f32 v1, v4  }
0x97: {  	[tilespmem:s10+$0xFFFFFFC0] =	vst v3  }
0x98: {  	[tilespmem:s10+$0xFFFFFFD0] =	vst v4;
	v1 =	vmul.f32 v1, v6  }
0x99: {  	[tilespmem:s10+$0xFFFFFFE0] =	vst v2;
	v2 =	vld [tilespmem:s10+$0x0]  }
0x9a: {  	[tilespmem:s10+$0xFFFFFFF0] =	vst v1;
	v3 =	vld [tilespmem:s10+$0x20]  }
0x9b: {  	v1 =	vld.idx.msk [tilespmem:v5+s4+$0x0], $0xffff  }
0x9c: {  	v5 =	vld [tilespmem:s10+$0x10]  }
.Ltmp1:
0x9d: {  	s7 =	sadd.s32 $0x3, s7;
	v4 =	vld [tilespmem:s10+$0x30];
	(pc) =	sbr.rel @p0 .LBB2_5-.Ltmp1, $4  }
0x9e: {  	v6 =	vmov s7  }
0x9f: {  	v6 =	vand.u32 $0x7F, v6  }
0xa0: {  	v7 =	vor.u32 $0x100, v6  }
0xa1: {  	v6 =	vmul.f32 v1, v2;
	v2 =	vbroadcast v7, $0x0  }
0xa2: {  	v5 =	vmul.f32 v1, v5  }
0xa3: {  	v3 =	vmul.f32 v1, v3;
	[tilespmem:s12+$0x0] =	vst v6  }
0xa4: {  	v1 =	vmul.f32 v1, v4;
	[tilespmem:s12+$0x10] =	vst v5  }
0xa5: {  	[tilespmem:s12+$0x20] =	vst v3  }
0xa6: {  	[tilespmem:s12+$0x30] =	vst v1;
	v1 =	vld [tilespmem:s12+$0x40]  }
0xa7: {  	v2 =	vld.idx.msk [tilespmem:v2+s4+$0x0], $0xffff  }
0xa8: {  	v3 =	vld [tilespmem:s12+$0x70]  }
0xa9: {  	v4 =	vld [tilespmem:s12+$0x60]  }
0xaa: {  	v5 =	vld [tilespmem:s12+$0x50];
	_ =	sdelay $0x1  }
0xab: {  	v1 =	vmul.f32 v2, v1  }
0xac: {  	v3 =	vmul.f32 v2, v3  }
0xad: {  	v4 =	vmul.f32 v2, v4;
	[tilespmem:s12+$0x40] =	vst v1  }
0xae: {  	s10 =	sshll.u32 s9, $0x2;
	v1 =	vmul.f32 v2, v5;
	[tilespmem:s12+$0x70] =	vst v3  }
0xaf: {  	p0 =	seq.s32 s9, $0x0;
	s7 =	sadd.s32 s6, s10;
	[tilespmem:s12+$0x60] =	vst v4  }
0xb0: {  	s7 =	smul.u32 $0x180, s7;
	[tilespmem:s12+$0x50] =	vst v1;
	s12 =	simm.s32 @!p0 $0x7  }
0xb1: {  	[spmem:s2] =	stream.indirect.scatter.add.f32 [tilespmem:s25], [sflag:$0x5], $0x40, s29, s29, $0xb8;
	[tilespmem:$0x1C600] =	vst v63  }
0xb2: {  	s7 =	sshrl.u32 s7, $0x3;
	_ =	swait.ge @!p0 [sflag:s12], $0x2000  }
0xb3: {  	s17 =	simm.s32 $0x0;
	s7 =	sadd.s32 s5, s7;
	[sflag:s12] =	ssyncset.done @!p0 $0x0  }
0xb4: {  	s7 =	sadd.s32 $0x60, s7;
	v1 =	vmov s17;
	[sflag:s12] =	ssyncadd.s32 @!p0 $0xFFFFE000  }
0xb5: {  	v1 =	vand.u32 $0x7C, v1;
	[tilespmem:s3], [sflag:$0xB] =	stream.linear.gather [hbm4b:s7+s17], $0x180, $0x38;
	[tilespmem:$0x1C600] =	vst v63  }
0xb6: {  	v1 =	vor.u32 $0x280, v1;
	_ =	swait.ge [sflag:s13], $0x180  }
0xb7: {  	v1 =	vbroadcast v1, $0x0;
	[sflag:s13] =	ssyncset.done $0x0  }
0xb8: {  	[sflag:s13] =	ssyncadd.s32 $0xFFFFFE80  }
0xb9: {  	[tilespmem:s15], [sflag:$0x3] =	stream.indirect.gather [spmem:s1], $0x40, s3, s29, $0xb8;
	[tilespmem:$0x1C600] =	vst v63  }
0xba: {  	_ =	swait.ge [sflag:s16], $0x2000  }
0xbb: {  	[sflag:s16] =	ssyncset.done $0x0  }
0xbc: {  	[sflag:s16] =	ssyncadd.s32 $0xFFFFE000  }
0xbd: {  	s12 =	simm.s32 $0x2680;
	v1 =	vld.idx.msk [tilespmem:v1+s4+$0x0], $0xffff  }
0xbe: {  	v2 =	vld [tilespmem:s12+$0xFFFFFF80]  }
0xbf: {  	s17 =	simm.s32 $0x1;
	v3 =	vld [tilespmem:s12+$0xFFFFFF90]  }
0xc0: {  	v5 =	vmov s17;
	v4 =	vld [tilespmem:s12+$0xFFFFFFB0]  }
0xc1: {  	v5 =	vand.u32 $0x7D, v5;
	v6 =	vld [tilespmem:s12+$0xFFFFFFA0]  }
0xc2: {  	v5 =	vor.u32 $0x280, v5  }
0xc3: {  	v5 =	vbroadcast v5, $0x0;
	v2 =	vmul.f32 v1, v2  }
0xc4: {  	v3 =	vmul.f32 v1, v3  }
0xc5: {  	v4 =	vmul.f32 v1, v4;
	[tilespmem:s12+$0xFFFFFF80] =	vst v2  }
0xc6: {  	v1 =	vmul.f32 v1, v6;
	[tilespmem:s12+$0xFFFFFF90] =	vst v3  }
0xc7: {  	[tilespmem:s12+$0xFFFFFFB0] =	vst v4  }
0xc8: {  	[tilespmem:s12+$0xFFFFFFA0] =	vst v1;
	v2 =	vld [tilespmem:s12+$0xFFFFFFC0]  }
0xc9: {  	v1 =	vld.idx.msk [tilespmem:v5+s4+$0x0], $0xffff  }
0xca: {  	s21 =	simm.s32 $0x2;
	v3 =	vld [tilespmem:s12+$0xFFFFFFD0]  }
0xcb: {  	v4 =	vld [tilespmem:s12+$0xFFFFFFE0];
	v5 =	vmov s21  }
0xcc: {  	v6 =	vld [tilespmem:s12+$0xFFFFFFF0];
	v5 =	vand.u32 $0x7E, v5  }
0xcd: {  	v5 =	vor.u32 $0x280, v5  }
0xce: {  	v5 =	vbroadcast v5, $0x0;
	v2 =	vmul.f32 v1, v2  }
0xcf: {  	v3 =	vmul.f32 v1, v3  }
0xd0: {  	v4 =	vmul.f32 v1, v4;
	[tilespmem:s12+$0xFFFFFFC0] =	vst v2  }
0xd1: {  	v1 =	vmul.f32 v1, v6;
	[tilespmem:s12+$0xFFFFFFD0] =	vst v3  }
0xd2: {  	[tilespmem:s12+$0xFFFFFFE0] =	vst v4  }
0xd3: {  	v2 =	vld [tilespmem:s12+$0x0];
	[tilespmem:s12+$0xFFFFFFF0] =	vst v1  }
0xd4: {  	v1 =	vld.idx.msk [tilespmem:v5+s4+$0x0], $0xffff  }
0xd5: {  	s22 =	simm.s32 $0x3;
	v3 =	vld [tilespmem:s12+$0x20]  }
0xd6: {  	v4 =	vmov s22;
	v5 =	vld [tilespmem:s12+$0x10]  }
0xd7: {  	v4 =	vand.u32 $0x7F, v4  }
0xd8: {  	v7 =	vor.u32 $0x280, v4;
	v4 =	vld [tilespmem:s12+$0x30]  }
0xd9: {  	s7 =	simm.s32 $0x4;
	s22 =	simm.s32 $0x2680;
	v6 =	vmul.f32 v1, v2;
	v2 =	vbroadcast v7, $0x0  }
.LBB2_7:
0xda: {  	p1 =	sne.s32 s7, $0x7C  }
0xdb: {  	v5 =	vmul.f32 v1, v5;
	v3 =	vmul.f32 v1, v3;
	s12 =	sadd.s32 $0x100, s12;
	s17 =	smov.u32 s7;
	s7 =	sadd.s32 $0x4, s7  }
0xdc: {  	[tilespmem:s22+$0x0] =	vst v6  }
0xdd: {  	v1 =	vmul.f32 v1, v4;
	[tilespmem:s22+$0x10] =	vst v5  }
0xde: {  	[tilespmem:s22+$0x20] =	vst v3;
	v3 =	vld [tilespmem:s22+$0x70]  }
0xdf: {  	v4 =	vmov s17;
	[tilespmem:s22+$0x30] =	vst v1;
	v1 =	vld [tilespmem:s22+$0x40]  }
0xe0: {  	v4 =	vand.u32 $0x7C, v4;
	v2 =	vld.idx.msk [tilespmem:v2+s4+$0x0], $0xffff  }
0xe1: {  	v4 =	vor.u32 $0x280, v4;
	v5 =	vld [tilespmem:s22+$0x50]  }
0xe2: {  	v4 =	vbroadcast v4, $0x0;
	v6 =	vld [tilespmem:s22+$0x60];
	_ =	sdelay $0x3  }
0xe3: {  	v1 =	vmul.f32 v2, v1;
	v7 =	vld [tilespmem:s12+$0xFFFFFFA0];
	v5 =	vmul.f32 v2, v5  }
0xe4: {  	v8 =	vld [tilespmem:s12+$0xFFFFFFB0];
	v6 =	vmul.f32 v2, v6;
	v2 =	vmul.f32 v2, v3  }
0xe5: {  	[tilespmem:s22+$0x40] =	vst v1  }
0xe6: {  	[tilespmem:s22+$0x70] =	vst v2  }
0xe7: {  	s21 =	sadd.s32 $0x1, s17;
	[tilespmem:s22+$0x60] =	vst v6  }
0xe8: {  	v1 =	vmov s21;
	[tilespmem:s22+$0x50] =	vst v5;
	s22 =	smov.u32 s12  }
0xe9: {  	v1 =	vand.u32 $0x7D, v1;
	v2 =	vld.idx.msk [tilespmem:v4+s4+$0x0], $0xffff  }
0xea: {  	v1 =	vor.u32 $0x280, v1;
	v3 =	vld [tilespmem:s12+$0xFFFFFF80]  }
0xeb: {  	v1 =	vbroadcast v1, $0x0;
	v4 =	vld [tilespmem:s12+$0xFFFFFF90];
	_ =	sdelay $0x3  }
0xec: {  	v5 =	vmul.f32 v2, v8;
	v3 =	vmul.f32 v2, v3  }
0xed: {  	v4 =	vmul.f32 v2, v4;
	v2 =	vmul.f32 v2, v7  }
0xee: {  	[tilespmem:s12+$0xFFFFFF80] =	vst v3  }
0xef: {  	[tilespmem:s12+$0xFFFFFF90] =	vst v4  }
0xf0: {  	[tilespmem:s12+$0xFFFFFFB0] =	vst v5  }
0xf1: {  	[tilespmem:s12+$0xFFFFFFA0] =	vst v2;
	v2 =	vld [tilespmem:s12+$0xFFFFFFE0]  }
0xf2: {  	v1 =	vld.idx.msk [tilespmem:v1+s4+$0x0], $0xffff  }
0xf3: {  	v3 =	vld [tilespmem:s12+$0xFFFFFFC0]  }
0xf4: {  	s21 =	sadd.s32 $0x2, s17;
	v4 =	vld [tilespmem:s12+$0xFFFFFFD0]  }
0xf5: {  	v5 =	vmov s21  }
0xf6: {  	v5 =	vand.u32 $0x7E, v5;
	v6 =	vld [tilespmem:s12+$0xFFFFFFF0]  }
0xf7: {  	v5 =	vor.u32 $0x280, v5  }
0xf8: {  	v5 =	vbroadcast v5, $0x0;
	v3 =	vmul.f32 v1, v3  }
0xf9: {  	v2 =	vmul.f32 v1, v2;
	v4 =	vmul.f32 v1, v4  }
0xfa: {  	[tilespmem:s12+$0xFFFFFFC0] =	vst v3  }
0xfb: {  	[tilespmem:s12+$0xFFFFFFD0] =	vst v4;
	v1 =	vmul.f32 v1, v6  }
0xfc: {  	[tilespmem:s12+$0xFFFFFFE0] =	vst v2;
	v2 =	vld [tilespmem:s12+$0x0]  }
0xfd: {  	[tilespmem:s12+$0xFFFFFFF0] =	vst v1;
	v3 =	vld [tilespmem:s12+$0x20]  }
0xfe: {  	v1 =	vld.idx.msk [tilespmem:v5+s4+$0x0], $0xffff  }
0xff: {  	v5 =	vld [tilespmem:s12+$0x10]  }
.Ltmp2:
0x100: {  	s17 =	sadd.s32 $0x3, s17;
	v4 =	vld [tilespmem:s12+$0x30];
	(pc) =	sbr.rel @p1 .LBB2_7-.Ltmp2, $4  }
0x101: {  	v6 =	vmov s17  }
0x102: {  	v6 =	vand.u32 $0x7F, v6  }
0x103: {  	v7 =	vor.u32 $0x280, v6  }
0x104: {  	v6 =	vmul.f32 v1, v2;
	v2 =	vbroadcast v7, $0x0  }
0x105: {  	v5 =	vmul.f32 v1, v5  }
0x106: {  	v3 =	vmul.f32 v1, v3;
	[tilespmem:s22+$0x0] =	vst v6  }
0x107: {  	v1 =	vmul.f32 v1, v4;
	[tilespmem:s22+$0x10] =	vst v5  }
0x108: {  	[tilespmem:s22+$0x20] =	vst v3  }
0x109: {  	[tilespmem:s22+$0x30] =	vst v1;
	v1 =	vld [tilespmem:s22+$0x40]  }
0x10a: {  	v2 =	vld.idx.msk [tilespmem:v2+s4+$0x0], $0xffff  }
0x10b: {  	v3 =	vld [tilespmem:s22+$0x70]  }
0x10c: {  	v4 =	vld [tilespmem:s22+$0x60]  }
0x10d: {  	v5 =	vld [tilespmem:s22+$0x50];
	_ =	sdelay $0x1  }
0x10e: {  	v1 =	vmul.f32 v2, v1  }
0x10f: {  	v3 =	vmul.f32 v2, v3  }
0x110: {  	v4 =	vmul.f32 v2, v4;
	[tilespmem:s22+$0x40] =	vst v1  }
0x111: {  	v1 =	vmul.f32 v2, v5;
	[tilespmem:s22+$0x70] =	vst v3  }
0x112: {  	[tilespmem:s22+$0x60] =	vst v4  }
0x113: {  	s7 =	simm.s32 $0x200;
	s12 =	sadd.s32 s10, s14;
	[tilespmem:s22+$0x50] =	vst v1  }
0x114: {  	[spmem:s2] =	stream.indirect.scatter.add.f32 [tilespmem:s31], [sflag:$0x6], $0x40, s7, s29, $0xb8;
	[tilespmem:$0x1C600] =	vst v63  }
0x115: {  	s7 =	smul.u32 $0x180, s12  }
0x116: {  	s12 =	simm.s32 @!p0 $0x8  }
0x117: {  	_ =	swait.ge @!p0 [sflag:s12], $0x2000;
	s7 =	sshrl.u32 s7, $0x3  }
0x118: {  	s17 =	simm.s32 $0x0;
	[sflag:s12] =	ssyncset.done @!p0 $0x0;
	s7 =	sadd.s32 s5, s7  }
0x119: {  	v1 =	vmov s17;
	[sflag:s12] =	ssyncadd.s32 @!p0 $0xFFFFE000;
	s7 =	sadd.s32 $0x60, s7  }
0x11a: {  	v1 =	vand.u32 $0x7C, v1;
	[tilespmem:s26], [sflag:$0xC] =	stream.linear.gather [hbm4b:s7+s17], $0x180, $0x38;
	[tilespmem:$0x1C600] =	vst v63  }
0x11b: {  	v1 =	vor.u32 $0x400, v1;
	_ =	swait.ge [sflag:s18], $0x180  }
0x11c: {  	v1 =	vbroadcast v1, $0x0;
	[sflag:s18] =	ssyncset.done $0x0  }
0x11d: {  	[sflag:s18] =	ssyncadd.s32 $0xFFFFFE80  }
0x11e: {  	[tilespmem:s19], [sflag:$0x4] =	stream.indirect.gather [spmem:s1], $0x40, s26, s29, $0xb8;
	[tilespmem:$0x1C600] =	vst v63  }
0x11f: {  	_ =	swait.ge [sflag:s20], $0x2000  }
0x120: {  	[sflag:s20] =	ssyncset.done $0x0  }
0x121: {  	[sflag:s20] =	ssyncadd.s32 $0xFFFFE000  }
0x122: {  	s12 =	simm.s32 $0x4680;
	v1 =	vld.idx.msk [tilespmem:v1+s4+$0x0], $0xffff  }
0x123: {  	v2 =	vld [tilespmem:s12+$0xFFFFFF80]  }
0x124: {  	s17 =	simm.s32 $0x1;
	v3 =	vld [tilespmem:s12+$0xFFFFFF90]  }
0x125: {  	v5 =	vmov s17;
	v4 =	vld [tilespmem:s12+$0xFFFFFFB0]  }
0x126: {  	v5 =	vand.u32 $0x7D, v5;
	v6 =	vld [tilespmem:s12+$0xFFFFFFA0]  }
0x127: {  	v5 =	vor.u32 $0x400, v5  }
0x128: {  	v5 =	vbroadcast v5, $0x0;
	v2 =	vmul.f32 v1, v2  }
0x129: {  	v3 =	vmul.f32 v1, v3  }
0x12a: {  	v4 =	vmul.f32 v1, v4;
	[tilespmem:s12+$0xFFFFFF80] =	vst v2  }
0x12b: {  	v1 =	vmul.f32 v1, v6;
	[tilespmem:s12+$0xFFFFFF90] =	vst v3  }
0x12c: {  	[tilespmem:s12+$0xFFFFFFB0] =	vst v4  }
0x12d: {  	[tilespmem:s12+$0xFFFFFFA0] =	vst v1;
	v2 =	vld [tilespmem:s12+$0xFFFFFFC0]  }
0x12e: {  	v1 =	vld.idx.msk [tilespmem:v5+s4+$0x0], $0xffff  }
0x12f: {  	s21 =	simm.s32 $0x2;
	v3 =	vld [tilespmem:s12+$0xFFFFFFD0]  }
0x130: {  	v4 =	vld [tilespmem:s12+$0xFFFFFFE0];
	v5 =	vmov s21  }
0x131: {  	v6 =	vld [tilespmem:s12+$0xFFFFFFF0];
	v5 =	vand.u32 $0x7E, v5  }
0x132: {  	v5 =	vor.u32 $0x400, v5  }
0x133: {  	v5 =	vbroadcast v5, $0x0;
	v2 =	vmul.f32 v1, v2  }
0x134: {  	v3 =	vmul.f32 v1, v3  }
0x135: {  	v4 =	vmul.f32 v1, v4;
	[tilespmem:s12+$0xFFFFFFC0] =	vst v2  }
0x136: {  	v1 =	vmul.f32 v1, v6;
	[tilespmem:s12+$0xFFFFFFD0] =	vst v3  }
0x137: {  	[tilespmem:s12+$0xFFFFFFE0] =	vst v4  }
0x138: {  	v2 =	vld [tilespmem:s12+$0x0];
	[tilespmem:s12+$0xFFFFFFF0] =	vst v1  }
0x139: {  	v1 =	vld.idx.msk [tilespmem:v5+s4+$0x0], $0xffff  }
0x13a: {  	s22 =	simm.s32 $0x3;
	v3 =	vld [tilespmem:s12+$0x20]  }
0x13b: {  	v4 =	vmov s22;
	v5 =	vld [tilespmem:s12+$0x10]  }
0x13c: {  	v4 =	vand.u32 $0x7F, v4  }
0x13d: {  	v7 =	vor.u32 $0x400, v4;
	v4 =	vld [tilespmem:s12+$0x30]  }
0x13e: {  	s7 =	simm.s32 $0x4;
	s22 =	simm.s32 $0x4680;
	v6 =	vmul.f32 v1, v2;
	v2 =	vbroadcast v7, $0x0  }
.LBB2_9:
0x13f: {  	p0 =	sne.s32 s7, $0x7C  }
0x140: {  	v5 =	vmul.f32 v1, v5;
	v3 =	vmul.f32 v1, v3;
	s12 =	sadd.s32 $0x100, s12;
	s17 =	smov.u32 s7;
	s7 =	sadd.s32 $0x4, s7  }
0x141: {  	[tilespmem:s22+$0x0] =	vst v6  }
0x142: {  	v1 =	vmul.f32 v1, v4;
	[tilespmem:s22+$0x10] =	vst v5  }
0x143: {  	[tilespmem:s22+$0x20] =	vst v3;
	v3 =	vld [tilespmem:s22+$0x70]  }
0x144: {  	v4 =	vmov s17;
	[tilespmem:s22+$0x30] =	vst v1;
	v1 =	vld [tilespmem:s22+$0x40]  }
0x145: {  	v4 =	vand.u32 $0x7C, v4;
	v2 =	vld.idx.msk [tilespmem:v2+s4+$0x0], $0xffff  }
0x146: {  	v4 =	vor.u32 $0x400, v4;
	v5 =	vld [tilespmem:s22+$0x50]  }
0x147: {  	v4 =	vbroadcast v4, $0x0;
	v6 =	vld [tilespmem:s22+$0x60];
	_ =	sdelay $0x3  }
0x148: {  	v1 =	vmul.f32 v2, v1;
	v7 =	vld [tilespmem:s12+$0xFFFFFFA0];
	v5 =	vmul.f32 v2, v5  }
0x149: {  	v8 =	vld [tilespmem:s12+$0xFFFFFFB0];
	v6 =	vmul.f32 v2, v6;
	v2 =	vmul.f32 v2, v3  }
0x14a: {  	[tilespmem:s22+$0x40] =	vst v1  }
0x14b: {  	[tilespmem:s22+$0x70] =	vst v2  }
0x14c: {  	s21 =	sadd.s32 $0x1, s17;
	[tilespmem:s22+$0x60] =	vst v6  }
0x14d: {  	v1 =	vmov s21;
	[tilespmem:s22+$0x50] =	vst v5;
	s22 =	smov.u32 s12  }
0x14e: {  	v1 =	vand.u32 $0x7D, v1;
	v2 =	vld.idx.msk [tilespmem:v4+s4+$0x0], $0xffff  }
0x14f: {  	v1 =	vor.u32 $0x400, v1;
	v3 =	vld [tilespmem:s12+$0xFFFFFF80]  }
0x150: {  	v1 =	vbroadcast v1, $0x0;
	v4 =	vld [tilespmem:s12+$0xFFFFFF90];
	_ =	sdelay $0x3  }
0x151: {  	v5 =	vmul.f32 v2, v8;
	v3 =	vmul.f32 v2, v3  }
0x152: {  	v4 =	vmul.f32 v2, v4;
	v2 =	vmul.f32 v2, v7  }
0x153: {  	[tilespmem:s12+$0xFFFFFF80] =	vst v3  }
0x154: {  	[tilespmem:s12+$0xFFFFFF90] =	vst v4  }
0x155: {  	[tilespmem:s12+$0xFFFFFFB0] =	vst v5  }
0x156: {  	[tilespmem:s12+$0xFFFFFFA0] =	vst v2;
	v2 =	vld [tilespmem:s12+$0xFFFFFFE0]  }
0x157: {  	v1 =	vld.idx.msk [tilespmem:v1+s4+$0x0], $0xffff  }
0x158: {  	v3 =	vld [tilespmem:s12+$0xFFFFFFC0]  }
0x159: {  	s21 =	sadd.s32 $0x2, s17;
	v4 =	vld [tilespmem:s12+$0xFFFFFFD0]  }
0x15a: {  	v5 =	vmov s21  }
0x15b: {  	v5 =	vand.u32 $0x7E, v5;
	v6 =	vld [tilespmem:s12+$0xFFFFFFF0]  }
0x15c: {  	v5 =	vor.u32 $0x400, v5  }
0x15d: {  	v5 =	vbroadcast v5, $0x0;
	v3 =	vmul.f32 v1, v3  }
0x15e: {  	v2 =	vmul.f32 v1, v2;
	v4 =	vmul.f32 v1, v4  }
0x15f: {  	[tilespmem:s12+$0xFFFFFFC0] =	vst v3  }
0x160: {  	[tilespmem:s12+$0xFFFFFFD0] =	vst v4;
	v1 =	vmul.f32 v1, v6  }
0x161: {  	[tilespmem:s12+$0xFFFFFFE0] =	vst v2;
	v2 =	vld [tilespmem:s12+$0x0]  }
0x162: {  	[tilespmem:s12+$0xFFFFFFF0] =	vst v1;
	v3 =	vld [tilespmem:s12+$0x20]  }
0x163: {  	v1 =	vld.idx.msk [tilespmem:v5+s4+$0x0], $0xffff  }
0x164: {  	v5 =	vld [tilespmem:s12+$0x10]  }
.Ltmp3:
0x165: {  	s17 =	sadd.s32 $0x3, s17;
	v4 =	vld [tilespmem:s12+$0x30];
	(pc) =	sbr.rel @p0 .LBB2_9-.Ltmp3, $4  }
0x166: {  	v6 =	vmov s17  }
0x167: {  	v6 =	vand.u32 $0x7F, v6  }
0x168: {  	v7 =	vor.u32 $0x400, v6  }
0x169: {  	v6 =	vmul.f32 v1, v2;
	v2 =	vbroadcast v7, $0x0  }
0x16a: {  	v5 =	vmul.f32 v1, v5  }
0x16b: {  	v3 =	vmul.f32 v1, v3;
	[tilespmem:s22+$0x0] =	vst v6  }
0x16c: {  	v1 =	vmul.f32 v1, v4;
	[tilespmem:s22+$0x10] =	vst v5  }
0x16d: {  	[tilespmem:s22+$0x20] =	vst v3  }
0x16e: {  	[tilespmem:s22+$0x30] =	vst v1;
	v1 =	vld [tilespmem:s22+$0x40]  }
0x16f: {  	v2 =	vld.idx.msk [tilespmem:v2+s4+$0x0], $0xffff  }
0x170: {  	v3 =	vld [tilespmem:s22+$0x70]  }
0x171: {  	v4 =	vld [tilespmem:s22+$0x60]  }
0x172: {  	v5 =	vld [tilespmem:s22+$0x50];
	_ =	sdelay $0x1  }
0x173: {  	v1 =	vmul.f32 v2, v1  }
0x174: {  	v3 =	vmul.f32 v2, v3  }
0x175: {  	s7 =	sor.u32 $0x2, s10;
	v4 =	vmul.f32 v2, v4;
	[tilespmem:s22+$0x40] =	vst v1  }
0x176: {  	p0 =	sgt.u32 s7, $0x9D;
	v1 =	vmul.f32 v2, v5;
	[tilespmem:s22+$0x70] =	vst v3  }
0x177: {  	s7 =	sadd.s32 @!p0 s6, s7;
	[tilespmem:s22+$0x60] =	vst v4  }
0x178: {  	s12 =	simm.s32 $0x380;
	s7 =	smul.u32 @!p0 $0x180, s7;
	[tilespmem:s22+$0x50] =	vst v1  }
0x179: {  	[spmem:s2] =	stream.indirect.scatter.add.f32 [tilespmem:s15], [sflag:$0x7], $0x40, s12, s29, $0xb8;
	[tilespmem:$0x1C600] =	vst v63  }
0x17a: {  	s7 =	sshrl.u32 @!p0 s7, $0x3;
	_ =	swait.ge [sflag:s23], $0x2000  }
0x17b: {  	s17 =	simm.s32 $0x0;
	s7 =	sadd.s32 @!p0 s5, s7;
	[sflag:s23] =	ssyncset.done $0x0  }
0x17c: {  	s7 =	sadd.s32 @!p0 $0x60, s7;
	s12 =	simm.s32 @!p0 $0x0;
	[sflag:s23] =	ssyncadd.s32 $0xFFFFE000  }
0x17d: {  	v1 =	vmov s17;
	[tilespmem:s12], [sflag:$0x9] =	stream.linear.gather @!p0 [hbm4b:s7+s12], $0x180, $0x38;
	[tilespmem:$0x1C600] =	vst v63  }
0x17e: {  	v1 =	vand.u32 $0x7C, v1;
	s7 =	simm.s32 @!p0 $0x9  }
0x17f: {  	v1 =	vor.u32 $0x580, v1;
	_ =	swait.ge @!p0 [sflag:s7], $0x180  }
0x180: {  	v1 =	vbroadcast v1, $0x0;
	[sflag:s7] =	ssyncset.done @!p0 $0x0  }
0x181: {  	s17 =	simm.s32 @!p0 $0x600;
	[sflag:s7] =	ssyncadd.s32 @!p0 $0xFFFFFE80;
	s7 =	simm.s32 @!p0 $0x80  }
0x182: {  	[tilespmem:s17], [sflag:$0x1] =	stream.indirect.gather @!p0 [spmem:s1], $0x40, s12, s7, $0xb8;
	[tilespmem:$0x1C600] =	vst v63  }
0x183: {  	_ =	swait.ge [sflag:s11], $0x2000  }
0x184: {  	[sflag:s11] =	ssyncset.done $0x0  }
0x185: {  	[sflag:s11] =	ssyncadd.s32 $0xFFFFE000  }
0x186: {  	s12 =	simm.s32 $0x6680;
	v1 =	vld.idx.msk [tilespmem:v1+s4+$0x0], $0xffff  }
0x187: {  	v2 =	vld [tilespmem:s12+$0xFFFFFF80]  }
0x188: {  	s17 =	simm.s32 $0x1;
	v3 =	vld [tilespmem:s12+$0xFFFFFF90]  }
0x189: {  	v5 =	vmov s17;
	v4 =	vld [tilespmem:s12+$0xFFFFFFB0]  }
0x18a: {  	v5 =	vand.u32 $0x7D, v5;
	v6 =	vld [tilespmem:s12+$0xFFFFFFA0]  }
0x18b: {  	v5 =	vor.u32 $0x580, v5  }
0x18c: {  	v5 =	vbroadcast v5, $0x0;
	v2 =	vmul.f32 v1, v2  }
0x18d: {  	v3 =	vmul.f32 v1, v3  }
0x18e: {  	v4 =	vmul.f32 v1, v4;
	[tilespmem:s12+$0xFFFFFF80] =	vst v2  }
0x18f: {  	v1 =	vmul.f32 v1, v6;
	[tilespmem:s12+$0xFFFFFF90] =	vst v3  }
0x190: {  	[tilespmem:s12+$0xFFFFFFB0] =	vst v4  }
0x191: {  	[tilespmem:s12+$0xFFFFFFA0] =	vst v1;
	v2 =	vld [tilespmem:s12+$0xFFFFFFC0]  }
0x192: {  	v1 =	vld.idx.msk [tilespmem:v5+s4+$0x0], $0xffff  }
0x193: {  	s21 =	simm.s32 $0x2;
	v3 =	vld [tilespmem:s12+$0xFFFFFFD0]  }
0x194: {  	v4 =	vld [tilespmem:s12+$0xFFFFFFE0];
	v5 =	vmov s21  }
0x195: {  	v6 =	vld [tilespmem:s12+$0xFFFFFFF0];
	v5 =	vand.u32 $0x7E, v5  }
0x196: {  	v5 =	vor.u32 $0x580, v5  }
0x197: {  	v5 =	vbroadcast v5, $0x0;
	v2 =	vmul.f32 v1, v2  }
0x198: {  	v3 =	vmul.f32 v1, v3  }
0x199: {  	v4 =	vmul.f32 v1, v4;
	[tilespmem:s12+$0xFFFFFFC0] =	vst v2  }
0x19a: {  	v1 =	vmul.f32 v1, v6;
	[tilespmem:s12+$0xFFFFFFD0] =	vst v3  }
0x19b: {  	[tilespmem:s12+$0xFFFFFFE0] =	vst v4  }
0x19c: {  	v2 =	vld [tilespmem:s12+$0x0];
	[tilespmem:s12+$0xFFFFFFF0] =	vst v1  }
0x19d: {  	v1 =	vld.idx.msk [tilespmem:v5+s4+$0x0], $0xffff  }
0x19e: {  	s22 =	simm.s32 $0x3;
	v3 =	vld [tilespmem:s12+$0x20]  }
0x19f: {  	v4 =	vmov s22;
	v5 =	vld [tilespmem:s12+$0x10]  }
0x1a0: {  	v4 =	vand.u32 $0x7F, v4  }
0x1a1: {  	v7 =	vor.u32 $0x580, v4;
	v4 =	vld [tilespmem:s12+$0x30]  }
0x1a2: {  	s7 =	simm.s32 $0x4;
	s22 =	simm.s32 $0x6680;
	v6 =	vmul.f32 v1, v2;
	v2 =	vbroadcast v7, $0x0  }
.LBB2_11:
0x1a3: {  	p0 =	sne.s32 s7, $0x7C  }
0x1a4: {  	v5 =	vmul.f32 v1, v5;
	v3 =	vmul.f32 v1, v3;
	s12 =	sadd.s32 $0x100, s12;
	s17 =	smov.u32 s7;
	s7 =	sadd.s32 $0x4, s7  }
0x1a5: {  	[tilespmem:s22+$0x0] =	vst v6  }
0x1a6: {  	v1 =	vmul.f32 v1, v4;
	[tilespmem:s22+$0x10] =	vst v5  }
0x1a7: {  	[tilespmem:s22+$0x20] =	vst v3;
	v3 =	vld [tilespmem:s22+$0x70]  }
0x1a8: {  	v4 =	vmov s17;
	[tilespmem:s22+$0x30] =	vst v1;
	v1 =	vld [tilespmem:s22+$0x40]  }
0x1a9: {  	v4 =	vand.u32 $0x7C, v4;
	v2 =	vld.idx.msk [tilespmem:v2+s4+$0x0], $0xffff  }
0x1aa: {  	v4 =	vor.u32 $0x580, v4;
	v5 =	vld [tilespmem:s22+$0x50]  }
0x1ab: {  	v4 =	vbroadcast v4, $0x0;
	v6 =	vld [tilespmem:s22+$0x60];
	_ =	sdelay $0x3  }
0x1ac: {  	v1 =	vmul.f32 v2, v1;
	v7 =	vld [tilespmem:s12+$0xFFFFFFA0];
	v5 =	vmul.f32 v2, v5  }
0x1ad: {  	v8 =	vld [tilespmem:s12+$0xFFFFFFB0];
	v6 =	vmul.f32 v2, v6;
	v2 =	vmul.f32 v2, v3  }
0x1ae: {  	[tilespmem:s22+$0x40] =	vst v1  }
0x1af: {  	[tilespmem:s22+$0x70] =	vst v2  }
0x1b0: {  	s21 =	sadd.s32 $0x1, s17;
	[tilespmem:s22+$0x60] =	vst v6  }
0x1b1: {  	v1 =	vmov s21;
	[tilespmem:s22+$0x50] =	vst v5;
	s22 =	smov.u32 s12  }
0x1b2: {  	v1 =	vand.u32 $0x7D, v1;
	v2 =	vld.idx.msk [tilespmem:v4+s4+$0x0], $0xffff  }
0x1b3: {  	v1 =	vor.u32 $0x580, v1;
	v3 =	vld [tilespmem:s12+$0xFFFFFF80]  }
0x1b4: {  	v1 =	vbroadcast v1, $0x0;
	v4 =	vld [tilespmem:s12+$0xFFFFFF90];
	_ =	sdelay $0x3  }
0x1b5: {  	v5 =	vmul.f32 v2, v8;
	v3 =	vmul.f32 v2, v3  }
0x1b6: {  	v4 =	vmul.f32 v2, v4;
	v2 =	vmul.f32 v2, v7  }
0x1b7: {  	[tilespmem:s12+$0xFFFFFF80] =	vst v3  }
0x1b8: {  	[tilespmem:s12+$0xFFFFFF90] =	vst v4  }
0x1b9: {  	[tilespmem:s12+$0xFFFFFFB0] =	vst v5  }
0x1ba: {  	[tilespmem:s12+$0xFFFFFFA0] =	vst v2;
	v2 =	vld [tilespmem:s12+$0xFFFFFFE0]  }
0x1bb: {  	v1 =	vld.idx.msk [tilespmem:v1+s4+$0x0], $0xffff  }
0x1bc: {  	v3 =	vld [tilespmem:s12+$0xFFFFFFC0]  }
0x1bd: {  	s21 =	sadd.s32 $0x2, s17;
	v4 =	vld [tilespmem:s12+$0xFFFFFFD0]  }
0x1be: {  	v5 =	vmov s21  }
0x1bf: {  	v5 =	vand.u32 $0x7E, v5;
	v6 =	vld [tilespmem:s12+$0xFFFFFFF0]  }
0x1c0: {  	v5 =	vor.u32 $0x580, v5  }
0x1c1: {  	v5 =	vbroadcast v5, $0x0;
	v3 =	vmul.f32 v1, v3  }
0x1c2: {  	v2 =	vmul.f32 v1, v2;
	v4 =	vmul.f32 v1, v4  }
0x1c3: {  	[tilespmem:s12+$0xFFFFFFC0] =	vst v3  }
0x1c4: {  	[tilespmem:s12+$0xFFFFFFD0] =	vst v4;
	v1 =	vmul.f32 v1, v6  }
0x1c5: {  	[tilespmem:s12+$0xFFFFFFE0] =	vst v2;
	v2 =	vld [tilespmem:s12+$0x0]  }
0x1c6: {  	[tilespmem:s12+$0xFFFFFFF0] =	vst v1;
	v3 =	vld [tilespmem:s12+$0x20]  }
0x1c7: {  	v1 =	vld.idx.msk [tilespmem:v5+s4+$0x0], $0xffff  }
0x1c8: {  	v5 =	vld [tilespmem:s12+$0x10]  }
.Ltmp4:
0x1c9: {  	s17 =	sadd.s32 $0x3, s17;
	v4 =	vld [tilespmem:s12+$0x30];
	(pc) =	sbr.rel @p0 .LBB2_11-.Ltmp4, $4  }
0x1ca: {  	v6 =	vmov s17  }
0x1cb: {  	v6 =	vand.u32 $0x7F, v6  }
0x1cc: {  	v7 =	vor.u32 $0x580, v6  }
0x1cd: {  	v6 =	vmul.f32 v1, v2;
	v2 =	vbroadcast v7, $0x0  }
0x1ce: {  	v5 =	vmul.f32 v1, v5  }
0x1cf: {  	v3 =	vmul.f32 v1, v3;
	[tilespmem:s22+$0x0] =	vst v6  }
0x1d0: {  	v1 =	vmul.f32 v1, v4;
	[tilespmem:s22+$0x10] =	vst v5  }
0x1d1: {  	[tilespmem:s22+$0x20] =	vst v3  }
0x1d2: {  	[tilespmem:s22+$0x30] =	vst v1;
	v1 =	vld [tilespmem:s22+$0x40]  }
0x1d3: {  	v2 =	vld.idx.msk [tilespmem:v2+s4+$0x0], $0xffff  }
0x1d4: {  	v3 =	vld [tilespmem:s22+$0x70]  }
0x1d5: {  	v62 =	vld [tilespmem:s22+$0x60]  }
0x1d6: {  	v63 =	vld [tilespmem:s22+$0x50];
	_ =	sdelay $0x1  }
0x1d7: {  	v1 =	vmul.f32 v2, v1  }
0x1d8: {  	v3 =	vmul.f32 v2, v3  }
0x1d9: {  	s7 =	sor.u32 $0x3, s10;
	v4 =	vmul.f32 v2, v62;
	[tilespmem:s22+$0x40] =	vst v1  }
0x1da: {  	p0 =	sgt.u32 s7, $0x9D;
	v1 =	vmul.f32 v2, v63;
	[tilespmem:s22+$0x70] =	vst v3  }
0x1db: {  	s7 =	sadd.s32 @!p0 s6, s7;
	[tilespmem:s22+$0x60] =	vst v4  }
0x1dc: {  	s7 =	smul.u32 @!p0 $0x180, s7;
	[tilespmem:s22+$0x50] =	vst v1  }
0x1dd: {  	[spmem:s2] =	stream.indirect.scatter.add.f32 [tilespmem:s19], [sflag:$0x8], $0x40, s28, s29, $0xb8;
	[tilespmem:$0x1C600] =	vst v63  }
0x1de: {  	s7 =	sshrl.u32 @!p0 s7, $0x3;
	_ =	swait.ge [sflag:s30], $0x2000  }
0x1df: {  	s10 =	simm.s32 @!p0 $0x0;
	s7 =	sadd.s32 @!p0 s5, s7;
	[sflag:s30] =	ssyncset.done $0x0  }
0x1e0: {  	s12 =	simm.s32 @!p0 $0x180;
	s7 =	sadd.s32 @!p0 $0x60, s7;
	[sflag:s30] =	ssyncadd.s32 $0xFFFFE000  }
0x1e1: {  	[tilespmem:s12], [sflag:$0xA] =	stream.linear.gather @!p0 [hbm4b:s7+s10], $0x180, $0x38;
	[tilespmem:$0x1C600] =	vst v63  }
0x1e2: {  	s7 =	simm.s32 @!p0 $0xA  }
0x1e3: {  	_ =	swait.ge @!p0 [sflag:s7], $0x180  }
0x1e4: {  	s9 =	sadd.s32 $0x1, s9;
	[sflag:s7] =	ssyncset.done @!p0 $0x0  }
0x1e5: {  	s10 =	simm.s32 @!p0 $0x2600;
	[sflag:s7] =	ssyncadd.s32 @!p0 $0xFFFFFE80;
	s7 =	simm.s32 @!p0 $0x80  }
0x1e6: {  	[tilespmem:s10], [sflag:$0x2] =	stream.indirect.gather @!p0 [spmem:s1], $0x40, s12, s7, $0xb8;
	[tilespmem:$0x1C600] =	vst v63  }
0x1e7: {  	p0 =	sne.s32 s9, $0x28  }
.Ltmp5:
0x1e8: {  	_ = 	snop;
	(pc) =	sbr.rel @p0 .LBB2_4-.Ltmp5, $1  }
0x1e9: {  	_ =	sdelay $0x3  }
0x1ea: {  	s7 =	simm.s32 $0x7  }
0x1eb: {  	_ =	swait.ge [sflag:s7], $0x2000  }
0x1ec: {  	[sflag:s7] =	ssyncset.done $0x0  }
0x1ed: {  	s9 =	simm.s32 $0x8;
	[sflag:s7] =	ssyncadd.s32 $0xFFFFE000  }
0x1ee: {  	_ =	swait.ge [sflag:s9], $0x2000  }
0x1ef: {  	[sflag:s9] =	ssyncset.done $0x0  }
0x1f0: {  	[sflag:s9] =	ssyncadd.s32 $0xFFFFE000  }
0x1f1: {  	[bflag:$0x0] =	sbarrier.arrive $0xFFFF  }
0x1f2: {  	s21 =	rddreg [dreg:$0x4]  }
0x1f3: {  	s8 =	rddreg [dreg:$0xb]  }
0x1f4: {  	s9 =	rddreg [dreg:$0x12];
	s10 =	sshrl.u32 s21, $0x3  }
0x1f5: {  	[hbm:s8], [sflag:s9] =	dma.local [spmem:s10], $0x400  }
0x1f6: {  	_ =	swait.ge [sflag:s24], $0x400  }
0x1f7: {  	[sflag:s24] =	ssyncset.done $0x0;
	s22 =	rddreg [dreg:$0x5]  }
0x1f8: {  	s17 =	rddreg [dreg:$0xc];
	[sflag:s24] =	ssyncadd.s32 $0xFFFFFC00;
	s12 =	sshrl.u32 s22, $0x3  }
0x1f9: {  	[hbm:s17], [sflag:s9] =	dma.local [spmem:s12], $0x400  }
0x1fa: {  	_ =	swait.ge [sflag:s24], $0x400  }
0x1fb: {  	[sflag:s24] =	ssyncset.done $0x0;
	s8 =	rddreg [dreg:$0x6]  }
0x1fc: {  	s10 =	rddreg [dreg:$0xd];
	[sflag:s24] =	ssyncadd.s32 $0xFFFFFC00;
	s7 =	sshrl.u32 s8, $0x3  }
0x1fd: {  	[hbm:s10], [sflag:s9] =	dma.local [spmem:s7], $0x400  }
0x1fe: {  	_ =	swait.ge [sflag:s24], $0x400  }
0x1ff: {  	[sflag:s24] =	ssyncset.done $0x0;
	s12 =	rddreg [dreg:$0x7]  }
0x200: {  	s17 =	rddreg [dreg:$0xe];
	[sflag:s24] =	ssyncadd.s32 $0xFFFFFC00;
	s7 =	sshrl.u32 s12, $0x3  }
0x201: {  	[hbm:s17], [sflag:s9] =	dma.local [spmem:s7], $0x400  }
0x202: {  	_ =	swait.ge [sflag:s24], $0x400  }
0x203: {  	[sflag:s24] =	ssyncset.done $0x0;
	s8 =	rddreg [dreg:$0x9]  }
0x204: {  	s10 =	rddreg [dreg:$0xf];
	[sflag:s24] =	ssyncadd.s32 $0xFFFFFC00;
	s7 =	sshrl.u32 s8, $0x3  }
0x205: {  	[hbm:s10], [sflag:s9] =	dma.local [spmem:s7], $0x400  }
0x206: {  	_ =	swait.ge [sflag:s24], $0x400  }
0x207: {  	s12 =	rddreg [dreg:$0x14]  }
0x208: {  	s17 =	rddreg [dreg:$0x10];
	s8 =	sadd.s32 $0x1, s12  }
0x209: {  	p0 =	sne.s32 s8, s17  }
.Ltmp6:
0x20a: {  	_ = 	snop;
	(pc) =	sbr.rel @p0 .LBB2_1-.Ltmp6, $3  }
0x20b: {  	_ =	sdelay $0x1  }
0x20c: {  	[sflag:s24] =	ssyncset.done $0x0  }
0x20d: {  	[sflag:s24] =	ssyncadd.s32 $0xFFFFFC00  }
0x20e: {  	_ =	sfence.sel $0x180000  }
0x20f: {  	[bflag:$0x0] =	sbarrier.arrive $0xFFFF  }
0x210: {  	_ =	strace $0x9000004D  }
0x211: {  	s0 =	stileid.u32;
	[bflag:$0x2] =	sbarrier.arrive $0xFFFF  }
0x212: {  	p0 =	sne.s32 s0, $0x0;
	s0 =	rddreg [dreg:$0x3]  }
0x213: {  	s0 =	sadd.s32 @!p0 $0x100000, s0  }
0x214: {  	[sflag:s0] =	ssyncadd.tile.s32 @!p0 $0x1;
	_ =	shalt  }
.Lfunc_end2:
_tile_overlayer_lowered:
.L_overlay_start_2:
0x215: {  	(tag) =	ssettag $0x2  }
0x216: {  	s0 =	rddreg [dreg:$0x0];
	s2 =	stileid.u32  }
0x217: {  	s1 =	rddreg [dreg:$0x1];
	p0 =	sne.s32 s2, $0x0  }
0x218: {  	s3 =	rddreg [dreg:$0x2];
	[bflag:$0x3] =	sbarrier.arrive $0xFFFF;
	s2 =	simm.s32 @!p0 $0x1C0D  }
0x219: {  	[timem:s3], [sflag:s2] =	dma.local @!p0 [hbm:s0], s1  }
0x21a: {  	s0 =	simm.s32 @!p0 $0xD  }
0x21b: {  	_ =	swait.ge @!p0 [sflag:s0], s1  }
0x21c: {  	s1 =	ssub.s32 @!p0 $0x0, s1;
	[sflag:s0] =	ssyncset.done @!p0 $0x0  }
0x21d: {  	[sflag:s0] =	ssyncadd.s32 @!p0 s1  }
0x21e: {  	[bflag:$0x3] =	sbarrier.arrive $0xFFFF  }
0x21f: {  	_ =	shalt  }

// kernel: kernel.20.cloned.1.call-start
scs
__scs_entry_jumppad:
0x0: {  	(pc) =	sbr.rel $0x88, $3  }
0x1: {  	(tag) =	ssettag $0x0;
	lr =	simm.s32 $0x1  }
0x2: {  	[smem:$0x3F95] =	sst lr;
	_ =	strace $0xD0000000  }
0x3: {  	_ = 	snop  }
0x4: {  	_ = 	snop  }
0x5: {  	_ = 	snop  }
0x6: {  	_ = 	snop  }
0x7: {  	_ = 	snop  }
__scs_overlays_trampoline_lowered:
0x8: {  	[smem:$0x3FA4] =	sst s0  }
0x9: {  	[smem:$0x3FA5] =	sst s1  }
0xa: {  	[smem:$0x3FA6] =	sst s2  }
0xb: {  	[smem:$0x3FA7] =	sst s3  }
0xc: {  	[smem:$0x3FA8] =	sst s4  }
0xd: {  	[smem:$0x3FA9] =	sst s5  }
0xe: {  	[smem:$0x3FAA] =	sst s6  }
0xf: {  	[smem:$0x3FAB] =	sst s7  }
0x10: {  	[smem:$0x3FAC] =	sst s8  }
0x11: {  	[smem:$0x3FAD] =	sst s9;
	s0 =	simm.s32 @!p0 $0x0  }
0x12: {  	s1 =	sld [smem:$0x3F93];
	s0 =	simm.s32 @p0 $0x1  }
0x13: {  	[smem:$0x3FAE] =	sst s0;
	s0 =	simm.s32 @!p1 $0x0  }
0x14: {  	s2 =	sld [smem:$0x3F92];
	s0 =	simm.s32 @p1 $0x1  }
0x15: {  	[smem:$0x3FAF] =	sst s0;
	s0 =	simm.s32 @!p2 $0x0  }
0x16: {  	s3 =	sld [smem:$0x3FDB];
	s0 =	simm.s32 @p2 $0x1  }
0x17: {  	s4 =	simm.s32 $0x1BF5;
	[smem:$0x3FB1] =	sst s0  }
0x18: {  	s0 =	sld [smem:$0x3F94];
	_ =	swait.ge [sflag:s4], $0x0  }
0x19: {  	s7 =	sld [smem:$0x3F95]  }
0x1a: {  	s8 =	sadd.s32 $0xFFFFE003, lr  }
0x1b: {  	s9 =	sadd.s32 $0xFFFFFEF7, lr;
	s5 =	simm.s32 $0xFFFFFFFF;
	p2 =	slt.u32 s8, $0xFFFFF086  }
0x1c: {  	p1 =	slt.u32 s9, $0xF7A;
	s5 =	simm.s32 @!p2 $0x0  }
0x1d: {  	s5 =	simm.s32 @p1 $0x1;
	p0 =	seq.s32 s7, s2  }
0x1e: {  	s7 =	smul.u32 @!p0 $0xF7A, s2;
	p2 =	seq.s32 @!p0 s5, $0x0  }
0x1f: {  	s9 =	smul.u32 $0xF7A, s1;
	s8 =	simm.s32 @!p0 $0x1BF5;
	p2 =	por !p2, p0  }
0x20: {  	[sflag:s8] =	ssyncset.s32 @!p0 $0xFFFFF086;
	s6 =	sadd.s32 @!p0 s3, s7;
	s7 =	simm.s32 @!p0 $0x108  }
0x21: {  	s3 =	sadd.s32 s3, s9;
	s6 =	sadd.s32 @!p0 $0x88, s6;
	s7 =	simm.s32 @p2 $0x1082  }
0x22: {  	[simem:s7], [sflag:s8] =	dma.local @!p0 [hbm:s6], $0xF7A  }
0x23: {  	s9 =	sor.u32 $0xD0000000, s2;
	s6 =	simm.s32 $0x108;
	_ =	swait.ge @!p0 [sflag:s8], $0x0  }
0x24: {  	s3 =	sadd.s32 $0x88, s3;
	s6 =	simm.s32 @!p1 $0x1082;
	[sflag:s4] =	ssyncset.s32 $0xFFFFF086  }
0x25: {  	[simem:s6], [sflag:s4] =	dma.local [hbm:s3], $0xF7A  }
0x26: {  	[smem:$0x3F95] =	sst s1;
	(tag) =	ssettag s2;
	_ =	strace s9  }
0x27: {  	s1 =	sld [smem:$0x3FA5]  }
0x28: {  	s2 =	sld [smem:$0x3FA6]  }
0x29: {  	s4 =	sld [smem:$0x3FA8]  }
0x2a: {  	p0 =	seq.s32 s5, $0x0;
	s5 =	sld [smem:$0x3FA9]  }
0x2b: {  	s6 =	sld [smem:$0x3FAA]  }
0x2c: {  	s7 =	sld [smem:$0x3FAB]  }
0x2d: {  	s3 =	simm.s32 $0x108;
	s8 =	sld [smem:$0x3FAC]  }
0x2e: {  	s3 =	simm.s32 @!p0 $0x1082;
	s9 =	sld [smem:$0x3FAD]  }
0x2f: {  	lr =	sadd.s32 s0, s3;
	s0 =	sld [smem:$0x3FA4]  }
0x30: {  	s3 =	sld [smem:$0x3FA7]  }
0x31: {  	[smem:$0x3FB0] =	sst s10  }
0x32: {  	s10 =	sld [smem:$0x3FAE];
	_ =	sdelay $0x3  }
0x33: {  	p0 =	seq.s32 s10, $0x1;
	s10 =	sld [smem:$0x3FB0];
	_ =	sdelay $0x3  }
0x34: {  	[smem:$0x3FB0] =	sst s10  }
0x35: {  	s10 =	sld [smem:$0x3FAF];
	_ =	sdelay $0x3  }
0x36: {  	p1 =	seq.s32 s10, $0x1;
	s10 =	sld [smem:$0x3FB0];
	_ =	sdelay $0x3  }
0x37: {  	[smem:$0x3FB0] =	sst s10  }
0x38: {  	s10 =	sld [smem:$0x3FB1]  }
0x39: {  	_ = 	snop;
	(pc) =	sbr.ind lr, $3  }
0x3a: {  	_ = 	snop  }
0x3b: {  	_ = 	snop  }
0x3c: {  	p2 =	seq.s32 s10, $0x1;
	s10 =	sld [smem:$0x3FB0]  }
0x3d: {  	_ =	shalt  }
0x3e: {  	_ =	shalt  }
0x3f: {  	_ =	shalt  }
0x40: {  	_ =	shalt  }
0x41: {  	_ =	shalt  }
0x42: {  	_ =	shalt  }
0x43: {  	_ =	shalt  }
0x44: {  	_ =	shalt  }
0x45: {  	_ =	shalt  }
0x46: {  	_ =	shalt  }
0x47: {  	_ =	shalt  }
0x48: {  	_ =	shalt  }
0x49: {  	_ =	shalt  }
0x4a: {  	_ =	shalt  }
0x4b: {  	_ =	shalt  }
0x4c: {  	_ =	shalt  }
0x4d: {  	_ =	shalt  }
0x4e: {  	_ =	shalt  }
0x4f: {  	_ =	shalt  }
0x50: {  	_ =	shalt  }
0x51: {  	_ =	shalt  }
0x52: {  	_ =	shalt  }
0x53: {  	_ =	shalt  }
0x54: {  	_ =	shalt  }
0x55: {  	_ =	shalt  }
0x56: {  	_ =	shalt  }
0x57: {  	_ =	shalt  }
0x58: {  	_ =	shalt  }
0x59: {  	_ =	shalt  }
0x5a: {  	_ =	shalt  }
0x5b: {  	_ =	shalt  }
0x5c: {  	_ =	shalt  }
0x5d: {  	_ =	shalt  }
0x5e: {  	_ =	shalt  }
0x5f: {  	_ =	shalt  }
0x60: {  	_ =	shalt  }
0x61: {  	_ =	shalt  }
0x62: {  	_ =	shalt  }
0x63: {  	_ =	shalt  }
0x64: {  	_ =	shalt  }
0x65: {  	_ =	shalt  }
0x66: {  	_ =	shalt  }
0x67: {  	_ =	shalt  }
0x68: {  	_ =	shalt  }
0x69: {  	_ =	shalt  }
0x6a: {  	_ =	shalt  }
0x6b: {  	_ =	shalt  }
0x6c: {  	_ =	shalt  }
0x6d: {  	_ =	shalt  }
0x6e: {  	_ =	shalt  }
0x6f: {  	_ =	shalt  }
0x70: {  	_ =	shalt  }
0x71: {  	_ =	shalt  }
0x72: {  	_ =	shalt  }
0x73: {  	_ =	shalt  }
0x74: {  	_ =	shalt  }
0x75: {  	_ =	shalt  }
0x76: {  	_ =	shalt  }
0x77: {  	_ =	shalt  }
0x78: {  	_ =	shalt  }
0x79: {  	_ =	shalt  }
0x7a: {  	_ =	shalt  }
0x7b: {  	_ =	shalt  }
0x7c: {  	_ =	shalt  }
0x7d: {  	_ =	shalt  }
0x7e: {  	_ =	shalt  }
0x7f: {  	_ =	shalt  }
0x80: {  	_ =	shalt  }
0x81: {  	_ =	shalt  }
0x82: {  	_ =	shalt  }
0x83: {  	_ =	shalt  }
0x84: {  	_ =	shalt  }
0x85: {  	_ =	shalt  }
0x86: {  	_ =	shalt  }
0x87: {  	_ =	shalt  }
.Lfunc_end0:
.L_simem_size_0:
called_computation.3_lowered:
.L_overlay_start_0:
0x88: {  	s2 =	sld [smem:$0x3FD9]  }
0x89: {  	s3 =	sld [smem:$0x3FFE];
	_ =	sdelay $0x1  }
0x8a: {  	s1 =	srdreg.scid  }
0x8b: {  	s0 =	sand.u32 $0x1, s1  }
0x8c: {  	s16 =	sshll.u32 s0, $0xA;
	s2 =	sadd.s32 s3, s2  }
0x8d: {  	s2 =	sadd.s32 s2, s16  }
0x8e: {  	[smem:$0x3FBC] =	sst s2  }
0x8f: {  	_ = 	snop  }
0x90: {  	(tm) =	ssettm $0x1  }
0x91: {  	s17 =	sld [smem:$0x3FFB];
	_ =	sdelay $0x3  }
0x92: {  	_ =	strace s17  }
0x93: {  	s2 =	sld [smem:$0x3FFC];
	_ =	sdelay $0x3  }
0x94: {  	_ =	strace s2  }
0x95: {  	s2 =	sld [smem:$0x3FFD];
	_ =	sdelay $0x3  }
0x96: {  	_ =	strace s2  }
0x97: {  	_ =	strace $0x8FFFFFFF  }
0x98: {  	s18 =	sld [smem:$0x3FDB];
	_ =	sdelay $0x1  }
0x99: {  	s19 =	simm.s32 $_scs_section_size  }
0x9a: {  	s4 =	simm.s32 $_size__tile_overlayer_lowered;
	s5 =	simm.s32 $_tile_overlayer_lowered  }
0x9b: {  	s22 =	simm.s32 $0x1BFF;
	s21 =	sshll.u32 s5, $0x1;
	s2 =	sadd.s32 s19, s18  }
0x9c: {  	s6 =	simm.s32 $0x0;
	s20 =	sshll.u32 s4, $0x1;
	s4 =	sadd.s32 s21, s2  }
0x9d: {  	[timem:s6], [sflag:s22] =	dma.local [hbm:s4], s20  }
0x9e: {  	_ =	swait.ge [sflag:s22], s20  }
0x9f: {  	s3 =	ssub.s32 $0x0, s20;
	[sflag:s22] =	ssyncset.done $0x0  }
0xa0: {  	[sflag:s22] =	ssyncadd.s32 s3;
	_ =	sdelay $0x1  }
0xa1: {  	s23 =	simm.s32 $0x1B8B  }
0xa2: {  	_ =	swait.ge [sflag:s23], $0x1  }
0xa3: {  	[sflag:s23] =	ssyncset.done $0x0  }
0xa4: {  	s25 =	simm.s32 $0x1B8E;
	s24 =	sld [smem:$0x3FFE];
	[sflag:s23] =	ssyncadd.s32 $0xFFFFFFFF  }
0xa5: {  	s26 =	simm.s32 $execute0_lowered;
	[smem:$0x3FD2] =	sst s25  }
0xa6: {  	s4 =	sshll.u32 s26, $0x1;
	_ =	strace $0x8000004F;
	[dreg:$0x1] =	wrdreg $0xFFFFFFFF  }
0xa7: {  	s28 =	simm.s32 $_size_execute0_lowered;
	s2 =	sadd.s32 s2, s4;
	[dreg:$0x0] =	wrdreg $0x0  }
0xa8: {  	s4 =	sshll.u32 s28, $0x1;
	[dreg:$0x2] =	wrdreg s2  }
0xa9: {  	[dreg:$0x3] =	wrdreg s4  }
0xaa: {  	[dreg:$0x4] =	wrdreg $0xC0  }
0xab: {  	_ =	task [dreg:s6], $0x5FFFF  }
0xac: {  	[dreg:$0x1] =	wrdreg $0xFFFFFFFF  }
0xad: {  	[dreg:$0x0] =	wrdreg $0x60  }
0xae: {  	[dreg:$0x2] =	wrdreg s24  }
0xaf: {  	[dreg:$0x3] =	wrdreg $0x86000  }
0xb0: {  	[dreg:$0x4] =	wrdreg $0x126000  }
0xb1: {  	[dreg:$0x5] =	wrdreg $0x9  }
0xb2: {  	_ =	task.clear_ibuf [dreg:s6], $0x6FFFF;
	_ =	strace $0x9000004F  }
0xb3: {  	s29 =	simm.s32 $0x9;
	_ =	strace $0x80000051  }
0xb4: {  	_ =	swait.ge [sflag:s29], $0x1  }
0xb5: {  	[sflag:s29] =	ssyncadd.s32 $0xFFFFFFFF  }
0xb6: {  	_ =	strace $0x90000051  }
0xb7: {  	_ =	sfence  }
0xb8: {  	s30 =	sld [smem:$0x0];
	_ =	sdelay $0x2  }
0xb9: {  	s31 =	sshll.u32 s1, $0xD;
	s1 =	sshrl.u32 s1, $0x2  }
0xba: {  	s3 =	sand.u32 $0x4000, s31;
	s1 =	sadd.s32 s1, s30  }
0xbb: {  	s0 =	sor.u32 s3, s0;
	s1 =	sshll.u32 s1, $0x11  }
0xbc: {  	s0 =	sor.u32 s1, s0  }
0xbd: {  	s0 =	sadd.s32 $0x8F2B, s0  }
0xbe: {  	[sflag:s0] =	ssyncadd.remote.s32 $0x1  }
0xbf: {  	_ =	sfence.sel $0xFFFF  }
0xc0: {  	[dreg:$0x0] =	wrdreg $0xFFFFFFFF;
	(pc) =	sbr.abs _section_cstart, $3  }
0xc1: {  	[dreg:$0x1] =	wrdreg $0xFFFFFFFF  }
0xc2: {  	_ =	task.clear_ibuf [dreg:s6], $0x2FFFF;
	_ =	strace $0x9FFFFFFF  }
0xc3: {  	(tm) =	ssettm $0x7FFFFFFF  }
tec
execute0_lowered:
.L_overlay_start_1:
0x0: {  	(tag) =	ssettag $0x1  }
0x1: {  	s0 =	rddreg [dreg:$0x0]  }
0x2: {  	s2 =	rddreg [dreg:$0x1]  }
0x3: {  	s3 =	rddreg [dreg:$0x2];
	s16 =	stileid.u32;
	s4 =	simm.s32 $0x0  }
0x4: {  	s5 =	srdreg.scid;
	s29 =	simm.s32 $0x80;
	s31 =	simm.s32 $0x2600  }
0x5: {  	s28 =	simm.s32 $0x500;
	s30 =	simm.s32 $0x6;
	s1 =	smul.u32 $0xA000, s16  }
0x6: {  	[smem:$0x7FF] =	sst s4;
	s7 =	sand.u32 $0x1, s5;
	s5 =	sadd.s32 $0x3400, s0  }
0x7: {  	_ =	strace $0x80000050;
	s23 =	ssub.s32 $0x2, s7;
	s9 =	sshll.u32 s7, $0x4  }
0x8: {  	s7 =	smul.u32 $0xA0000, s7;
	s6 =	sshrl.u32 s1, $0x3;
	s10 =	sshrl.u32 s23, $0x1  }
0x9: {  	s9 =	sor.u32 s16, s9;
	s11 =	sadd.s32 s1, s2;
	s24 =	sadd.s32 $0x2000, s1  }
0xa: {  	s21 =	sadd.s32 s1, s3;
	s12 =	sadd.s32 $0x4000, s1;
	s13 =	sadd.s32 $0x6000, s1  }
0xb: {  	s25 =	sadd.s32 $0x8000, s1;
	s8 =	sadd.s32 s6, s0;
	s0 =	sadd.s32 $0x35400, s0  }
0xc: {  	s10 =	ssub.s32 s23, s10;
	s6 =	smul.u32 $0x50, s9;
	s22 =	sadd.s32 s24, s3  }
0xd: {  	s9 =	smul.u32 $0xF00, s9;
	s14 =	sadd.s32 s13, s3;
	[dreg:$0x5] =	wrdreg s21  }
0xe: {  	s26 =	sadd.s32 s12, s3;
	s15 =	sadd.s32 s25, s3;
	[dreg:$0x8] =	wrdreg s14  }
0xf: {  	s1 =	sadd.s32 s1, s7;
	s17 =	sadd.s32 s7, s12;
	[dreg:$0x9] =	wrdreg s15  }
0x10: {  	s18 =	sadd.s32 s7, s13;
	s13 =	simm.s32 $0x4;
	[dreg:$0x6] =	wrdreg s22  }
0x11: {  	s8 =	sadd.s32 $0x21400, s8;
	s1 =	sshrl.u32 s1, $0x3;
	[dreg:$0x7] =	wrdreg s26  }
0x12: {  	s23 =	smax.u32 s10, $0x1;
	s14 =	simm.s32 $0x4600;
	[dreg:$0x4] =	wrdreg s8  }
0x13: {  	s9 =	sadd.s32 s5, s9;
	s8 =	sadd.s32 s7, s24;
	s15 =	sor.u32 $0x1, s6  }
0x14: {  	s1 =	sadd.s32 s0, s1;
	s7 =	sadd.s32 s7, s25;
	[dreg:$0x11] =	wrdreg s23  }
0x15: {  	s24 =	sshll.u32 s16, $0x6;
	s25 =	sshrl.u32 s11, $0x3;
	s16 =	simm.s32 $0x2  }
0x16: {  	s23 =	simm.s32 $0x5;
	[dreg:$0xa] =	wrdreg s9;
	s9 =	sadd.s32 $0x30, s9  }
0x17: {  	[dreg:$0xc] =	wrdreg s1;
	s20 =	sshrl.u32 s7, $0x3;
	s10 =	sor.u32 $0x1C0D, s24  }
0x18: {  	[dreg:$0x13] =	wrdreg s25;
	s24 =	simm.s32 $0xD;
	s25 =	simm.s32 $0x600  }
0x19: {  	s7 =	simm.s32 $0xB;
	[dreg:$0xb] =	wrdreg s9;
	s9 =	sshrl.u32 s8, $0x3  }
0x1a: {  	s8 =	sshrl.u32 s18, $0x3;
	[dreg:$0x12] =	wrdreg s10;
	s1 =	sadd.s32 s0, s9  }
0x1b: {  	s18 =	simm.s32 $0xC;
	s19 =	sadd.s32 s0, s8;
	[dreg:$0xd] =	wrdreg s1  }
0x1c: {  	s9 =	simm.s32 $0x0;
	s1 =	sshrl.u32 s17, $0x3;
	[dreg:$0xf] =	wrdreg s19  }
0x1d: {  	s17 =	simm.s32 $0x480;
	s19 =	simm.s32 $0x6600;
	s1 =	sadd.s32 s0, s1  }
0x1e: {  	s0 =	sadd.s32 s0, s20;
	s20 =	simm.s32 $0x3;
	[dreg:$0xe] =	wrdreg s1  }
0x1f: {  	v0 =	vimm.f32 $0.0e+00;
	[dreg:$0x10] =	wrdreg s0;
	s0 =	simm.s32 $0x1;
	s1 =	simm.s32 $0x300  }
.LBB2_1:
0x20: {  	[dreg:$0x14] =	wrdreg s9  }
0x21: {  	s8 =	rddreg [dreg:$0x4]  }
0x22: {  	s12 =	rddreg [dreg:$0x13]  }
0x23: {  	[spmem:s12], [sflag:s10] =	dma.local [hbm:s8], $0x1400  }
0x24: {  	_ =	swait.ge [sflag:s24], $0x1400  }
0x25: {  	[sflag:s24] =	ssyncset.done $0x0  }
0x26: {  	s9 =	simm.s32 $0x100;
	s8 =	simm.s32 $0x0;
	[sflag:s24] =	ssyncadd.s32 $0xFFFFEC00  }
.LBB2_2:
0x27: {  	p0 =	sne.s32 s9, $0x7F00;
	[tilespmem:s8+$0x630] =	vst v0;
	s10 =	smov.u32 s9;
	s9 =	sadd.s32 $0x100, s9  }
.Ltmp0:
0x28: {  	[tilespmem:s8+$0x620] =	vst v0;
	(pc) =	sbr.rel @p0 .LBB2_2-.Ltmp0, $3  }
0x29: {  	[tilespmem:s8+$0x600] =	vst v0  }
0x2a: {  	[tilespmem:s8+$0x610] =	vst v0;
	_ =	sdelay $0x1  }
0x2b: {  	s8 =	sshra.s32 s10, $0x2  }
0x2c: {  	[tilespmem:s8+$0x630] =	vst v0  }
0x2d: {  	[tilespmem:s8+$0x620] =	vst v0  }
0x2e: {  	[tilespmem:s8+$0x600] =	vst v0  }
0x2f: {  	[tilespmem:s8+$0x610] =	vst v0  }
0x30: {  	[spmem:s21] =	stream.linear.scatter [tilespmem:s25], [sflag:$0xD], $0x2000, $0x38;
	[tilespmem:$0x1C600] =	vst v63  }
0x31: {  	_ =	swait.ge [sflag:s24], $0x2000  }
0x32: {  	[sflag:s24] =	ssyncset.done $0x0  }
0x33: {  	[sflag:s24] =	ssyncadd.s32 $0xFFFFE000  }
0x34: {  	[spmem:s22] =	stream.linear.scatter [tilespmem:s25], [sflag:$0xD], $0x2000, $0x38;
	[tilespmem:$0x1C600] =	vst v63  }
0x35: {  	_ =	swait.ge [sflag:s24], $0x2000  }
0x36: {  	[sflag:s24] =	ssyncset.done $0x0  }
0x37: {  	[sflag:s24] =	ssyncadd.s32 $0xFFFFE000  }
0x38: {  	[spmem:s26] =	stream.linear.scatter [tilespmem:s25], [sflag:$0xD], $0x2000, $0x38;
	[tilespmem:$0x1C600] =	vst v63  }
0x39: {  	_ =	swait.ge [sflag:s24], $0x2000  }
0x3a: {  	[sflag:s24] =	ssyncset.done $0x0  }
0x3b: {  	s10 =	rddreg [dreg:$0x8];
	[sflag:s24] =	ssyncadd.s32 $0xFFFFE000  }
0x3c: {  	[spmem:s10] =	stream.linear.scatter [tilespmem:s25], [sflag:$0xD], $0x2000, $0x38;
	[tilespmem:$0x1C600] =	vst v63  }
0x3d: {  	_ =	swait.ge [sflag:s24], $0x2000  }
0x3e: {  	[sflag:s24] =	ssyncset.done $0x0  }
0x3f: {  	s11 =	rddreg [dreg:$0x9];
	[sflag:s24] =	ssyncadd.s32 $0xFFFFE000  }
0x40: {  	[spmem:s11] =	stream.linear.scatter [tilespmem:s25], [sflag:$0xD], $0x2000, $0x38;
	[tilespmem:$0x1C600] =	vst v63  }
0x41: {  	_ =	swait.ge [sflag:s24], $0x2000  }
0x42: {  	[sflag:s24] =	ssyncset.done $0x0  }
0x43: {  	[sflag:s24] =	ssyncadd.s32 $0xFFFFE000  }
0x44: {  	[bflag:$0x0] =	sbarrier.arrive $0xFFFF  }
0x45: {  	s9 =	simm.s32 $0x0;
	s12 =	rddreg [dreg:$0xa]  }
0x46: {  	[tilespmem:s9], [sflag:$0x9] =	stream.linear.gather [hbm4b:s12+s9], $0x180, $0x38;
	[tilespmem:$0x1C600] =	vst v63  }
0x47: {  	s22 =	simm.s32 $0x9;
	s10 =	simm.s32 $0x180;
	s21 =	rddreg [dreg:$0xb]  }
0x48: {  	[tilespmem:s10], [sflag:$0xA] =	stream.linear.gather [hbm4b:s21+s9], $0x180, $0x38;
	[tilespmem:$0x1C600] =	vst v63  }
0x49: {  	_ =	swait.ge [sflag:s22], $0x180  }
0x4a: {  	[sflag:s22] =	ssyncset.done $0x0  }
0x4b: {  	s26 =	simm.s32 $0xA;
	[sflag:s22] =	ssyncadd.s32 $0xFFFFFE80  }
0x4c: {  	[tilespmem:s25], [sflag:$0x1] =	stream.indirect.gather [spmem:s2], $0x40, s9, s29, $0xb8;
	[tilespmem:$0x1C600] =	vst v63  }
0x4d: {  	_ =	swait.ge [sflag:s26], $0x180  }
0x4e: {  	[sflag:s26] =	ssyncset.done $0x0  }
0x4f: {  	[sflag:s26] =	ssyncadd.s32 $0xFFFFFE80  }
0x50: {  	[tilespmem:s31], [sflag:$0x2] =	stream.indirect.gather [spmem:s2], $0x40, s10, s29, $0xb8;
	[tilespmem:$0x1C600] =	vst v63  }
0x51: {  	s10 =	simm.s32 $0x0  }
.LBB2_4:
0x52: {  	v1 =	vmov s9  }
0x53: {  	v1 =	vand.u32 $0x7C, v1  }
0x54: {  	v1 =	vor.u32 $0x100, v1  }
0x55: {  	v1 =	vbroadcast v1, $0x0;
	_ =	sdelay $0x1  }
0x56: {  	_ =	swait.ge [sflag:s0], $0x2000  }
0x57: {  	[sflag:s0] =	ssyncset.done $0x0  }
0x58: {  	s11 =	simm.s32 $0x680;
	[sflag:s0] =	ssyncadd.s32 $0xFFFFE000  }
0x59: {  	v2 =	vld [tilespmem:s11+$0xFFFFFF80]  }
0x5a: {  	v1 =	vld.idx.msk [tilespmem:v1+s4+$0x0], $0xffff  }
0x5b: {  	s8 =	simm.s32 $0x1;
	v3 =	vld [tilespmem:s11+$0xFFFFFF90]  }
0x5c: {  	v5 =	vmov s8;
	v4 =	vld [tilespmem:s11+$0xFFFFFFB0]  }
0x5d: {  	v5 =	vand.u32 $0x7D, v5;
	v6 =	vld [tilespmem:s11+$0xFFFFFFA0]  }
0x5e: {  	v5 =	vor.u32 $0x100, v5  }
0x5f: {  	v5 =	vbroadcast v5, $0x0;
	v2 =	vmul.f32 v1, v2  }
0x60: {  	v3 =	vmul.f32 v1, v3  }
0x61: {  	v4 =	vmul.f32 v1, v4;
	[tilespmem:s11+$0xFFFFFF80] =	vst v2  }
0x62: {  	v1 =	vmul.f32 v1, v6;
	[tilespmem:s11+$0xFFFFFF90] =	vst v3  }
0x63: {  	[tilespmem:s11+$0xFFFFFFB0] =	vst v4  }
0x64: {  	[tilespmem:s11+$0xFFFFFFA0] =	vst v1;
	v2 =	vld [tilespmem:s11+$0xFFFFFFC0]  }
0x65: {  	v1 =	vld.idx.msk [tilespmem:v5+s4+$0x0], $0xffff  }
0x66: {  	s22 =	simm.s32 $0x2;
	v3 =	vld [tilespmem:s11+$0xFFFFFFD0]  }
0x67: {  	v4 =	vld [tilespmem:s11+$0xFFFFFFE0];
	v5 =	vmov s22  }
0x68: {  	v6 =	vld [tilespmem:s11+$0xFFFFFFF0];
	v5 =	vand.u32 $0x7E, v5  }
0x69: {  	v5 =	vor.u32 $0x100, v5  }
0x6a: {  	v5 =	vbroadcast v5, $0x0;
	v2 =	vmul.f32 v1, v2  }
0x6b: {  	v3 =	vmul.f32 v1, v3  }
0x6c: {  	v4 =	vmul.f32 v1, v4;
	[tilespmem:s11+$0xFFFFFFC0] =	vst v2  }
0x6d: {  	v1 =	vmul.f32 v1, v6;
	[tilespmem:s11+$0xFFFFFFD0] =	vst v3  }
0x6e: {  	[tilespmem:s11+$0xFFFFFFE0] =	vst v4  }
0x6f: {  	v2 =	vld [tilespmem:s11+$0x0];
	[tilespmem:s11+$0xFFFFFFF0] =	vst v1  }
0x70: {  	v1 =	vld.idx.msk [tilespmem:v5+s4+$0x0], $0xffff  }
0x71: {  	s26 =	simm.s32 $0x3;
	v3 =	vld [tilespmem:s11+$0x20]  }
0x72: {  	v4 =	vmov s26;
	v5 =	vld [tilespmem:s11+$0x10]  }
0x73: {  	v4 =	vand.u32 $0x7F, v4  }
0x74: {  	v7 =	vor.u32 $0x100, v4;
	v4 =	vld [tilespmem:s11+$0x30]  }
0x75: {  	s12 =	simm.s32 $0x680;
	s22 =	simm.s32 $0x4;
	v6 =	vmul.f32 v1, v2;
	v2 =	vbroadcast v7, $0x0  }
.LBB2_5:
0x76: {  	p0 =	sne.s32 s22, $0x7C  }
0x77: {  	v5 =	vmul.f32 v1, v5;
	v3 =	vmul.f32 v1, v3;
	s11 =	sadd.s32 $0x100, s11;
	s8 =	smov.u32 s22;
	s22 =	sadd.s32 $0x4, s22  }
0x78: {  	[tilespmem:s12+$0x0] =	vst v6  }
0x79: {  	v1 =	vmul.f32 v1, v4;
	[tilespmem:s12+$0x10] =	vst v5  }
0x7a: {  	[tilespmem:s12+$0x20] =	vst v3;
	v3 =	vld [tilespmem:s12+$0x70]  }
0x7b: {  	v4 =	vmov s8;
	[tilespmem:s12+$0x30] =	vst v1;
	v1 =	vld [tilespmem:s12+$0x40]  }
0x7c: {  	v4 =	vand.u32 $0x7C, v4;
	v2 =	vld.idx.msk [tilespmem:v2+s4+$0x0], $0xffff  }
0x7d: {  	v4 =	vor.u32 $0x100, v4;
	v5 =	vld [tilespmem:s12+$0x50]  }
0x7e: {  	v4 =	vbroadcast v4, $0x0;
	v6 =	vld [tilespmem:s12+$0x60];
	_ =	sdelay $0x3  }
0x7f: {  	v1 =	vmul.f32 v2, v1;
	v7 =	vld [tilespmem:s11+$0xFFFFFFA0];
	v5 =	vmul.f32 v2, v5  }
0x80: {  	v8 =	vld [tilespmem:s11+$0xFFFFFFB0];
	v6 =	vmul.f32 v2, v6;
	v2 =	vmul.f32 v2, v3  }
0x81: {  	[tilespmem:s12+$0x40] =	vst v1  }
0x82: {  	[tilespmem:s12+$0x70] =	vst v2  }
0x83: {  	s26 =	sadd.s32 $0x1, s8;
	[tilespmem:s12+$0x60] =	vst v6  }
0x84: {  	v1 =	vmov s26;
	[tilespmem:s12+$0x50] =	vst v5;
	s12 =	smov.u32 s11  }
0x85: {  	v1 =	vand.u32 $0x7D, v1;
	v2 =	vld.idx.msk [tilespmem:v4+s4+$0x0], $0xffff  }
0x86: {  	v1 =	vor.u32 $0x100, v1;
	v3 =	vld [tilespmem:s11+$0xFFFFFF80]  }
0x87: {  	v1 =	vbroadcast v1, $0x0;
	v4 =	vld [tilespmem:s11+$0xFFFFFF90];
	_ =	sdelay $0x3  }
0x88: {  	v5 =	vmul.f32 v2, v8;
	v3 =	vmul.f32 v2, v3  }
0x89: {  	v4 =	vmul.f32 v2, v4;
	v2 =	vmul.f32 v2, v7  }
0x8a: {  	[tilespmem:s11+$0xFFFFFF80] =	vst v3  }
0x8b: {  	[tilespmem:s11+$0xFFFFFF90] =	vst v4  }
0x8c: {  	[tilespmem:s11+$0xFFFFFFB0] =	vst v5  }
0x8d: {  	[tilespmem:s11+$0xFFFFFFA0] =	vst v2;
	v2 =	vld [tilespmem:s11+$0xFFFFFFE0]  }
0x8e: {  	v1 =	vld.idx.msk [tilespmem:v1+s4+$0x0], $0xffff  }
0x8f: {  	v3 =	vld [tilespmem:s11+$0xFFFFFFC0]  }
0x90: {  	s26 =	sadd.s32 $0x2, s8;
	v4 =	vld [tilespmem:s11+$0xFFFFFFD0]  }
0x91: {  	v5 =	vmov s26  }
0x92: {  	v5 =	vand.u32 $0x7E, v5;
	v6 =	vld [tilespmem:s11+$0xFFFFFFF0]  }
0x93: {  	v5 =	vor.u32 $0x100, v5  }
0x94: {  	v5 =	vbroadcast v5, $0x0;
	v3 =	vmul.f32 v1, v3  }
0x95: {  	v2 =	vmul.f32 v1, v2;
	v4 =	vmul.f32 v1, v4  }
0x96: {  	[tilespmem:s11+$0xFFFFFFC0] =	vst v3  }
0x97: {  	[tilespmem:s11+$0xFFFFFFD0] =	vst v4;
	v1 =	vmul.f32 v1, v6  }
0x98: {  	[tilespmem:s11+$0xFFFFFFE0] =	vst v2;
	v2 =	vld [tilespmem:s11+$0x0]  }
0x99: {  	[tilespmem:s11+$0xFFFFFFF0] =	vst v1;
	v3 =	vld [tilespmem:s11+$0x20]  }
0x9a: {  	v1 =	vld.idx.msk [tilespmem:v5+s4+$0x0], $0xffff  }
0x9b: {  	v5 =	vld [tilespmem:s11+$0x10]  }
.Ltmp1:
0x9c: {  	s8 =	sadd.s32 $0x3, s8;
	v4 =	vld [tilespmem:s11+$0x30];
	(pc) =	sbr.rel @p0 .LBB2_5-.Ltmp1, $4  }
0x9d: {  	v6 =	vmov s8  }
0x9e: {  	v6 =	vand.u32 $0x7F, v6  }
0x9f: {  	v7 =	vor.u32 $0x100, v6  }
0xa0: {  	v6 =	vmul.f32 v1, v2;
	v2 =	vbroadcast v7, $0x0  }
0xa1: {  	v5 =	vmul.f32 v1, v5  }
0xa2: {  	v3 =	vmul.f32 v1, v3;
	[tilespmem:s12+$0x0] =	vst v6  }
0xa3: {  	v1 =	vmul.f32 v1, v4;
	[tilespmem:s12+$0x10] =	vst v5  }
0xa4: {  	[tilespmem:s12+$0x20] =	vst v3  }
0xa5: {  	[tilespmem:s12+$0x30] =	vst v1;
	v1 =	vld [tilespmem:s12+$0x40]  }
0xa6: {  	v2 =	vld.idx.msk [tilespmem:v2+s4+$0x0], $0xffff  }
0xa7: {  	v3 =	vld [tilespmem:s12+$0x70]  }
0xa8: {  	v4 =	vld [tilespmem:s12+$0x60]  }
0xa9: {  	v5 =	vld [tilespmem:s12+$0x50];
	_ =	sdelay $0x1  }
0xaa: {  	v1 =	vmul.f32 v2, v1  }
0xab: {  	v3 =	vmul.f32 v2, v3  }
0xac: {  	v4 =	vmul.f32 v2, v4;
	[tilespmem:s12+$0x40] =	vst v1  }
0xad: {  	s11 =	sshll.u32 s10, $0x2;
	v1 =	vmul.f32 v2, v5;
	[tilespmem:s12+$0x70] =	vst v3  }
0xae: {  	p0 =	seq.s32 s10, $0x0;
	s8 =	sadd.s32 s6, s11;
	[tilespmem:s12+$0x60] =	vst v4  }
0xaf: {  	s8 =	smul.u32 $0x180, s8;
	[tilespmem:s12+$0x50] =	vst v1;
	s12 =	simm.s32 @!p0 $0x7  }
0xb0: {  	[spmem:s3] =	stream.indirect.scatter.add.f32 [tilespmem:s25], [sflag:$0x5], $0x40, s29, s29, $0xb8;
	[tilespmem:$0x1C600] =	vst v63  }
0xb1: {  	s8 =	sshrl.u32 s8, $0x3;
	_ =	swait.ge @!p0 [sflag:s12], $0x2000  }
0xb2: {  	s22 =	simm.s32 $0x0;
	s8 =	sadd.s32 s5, s8;
	[sflag:s12] =	ssyncset.done @!p0 $0x0  }
0xb3: {  	s8 =	sadd.s32 $0x60, s8;
	v1 =	vmov s22;
	[sflag:s12] =	ssyncadd.s32 @!p0 $0xFFFFE000  }
0xb4: {  	v1 =	vand.u32 $0x7C, v1;
	[tilespmem:s1], [sflag:$0xB] =	stream.linear.gather [hbm4b:s8+s22], $0x180, $0x38;
	[tilespmem:$0x1C600] =	vst v63  }
0xb5: {  	v1 =	vor.u32 $0x280, v1;
	_ =	swait.ge [sflag:s7], $0x180  }
0xb6: {  	v1 =	vbroadcast v1, $0x0;
	[sflag:s7] =	ssyncset.done $0x0  }
0xb7: {  	[sflag:s7] =	ssyncadd.s32 $0xFFFFFE80  }
0xb8: {  	[tilespmem:s14], [sflag:$0x3] =	stream.indirect.gather [spmem:s2], $0x40, s1, s29, $0xb8;
	[tilespmem:$0x1C600] =	vst v63  }
0xb9: {  	_ =	swait.ge [sflag:s16], $0x2000  }
0xba: {  	[sflag:s16] =	ssyncset.done $0x0  }
0xbb: {  	[sflag:s16] =	ssyncadd.s32 $0xFFFFE000  }
0xbc: {  	s12 =	simm.s32 $0x2680;
	v1 =	vld.idx.msk [tilespmem:v1+s4+$0x0], $0xffff  }
0xbd: {  	v2 =	vld [tilespmem:s12+$0xFFFFFF80]  }
0xbe: {  	s21 =	simm.s32 $0x1;
	v3 =	vld [tilespmem:s12+$0xFFFFFF90]  }
0xbf: {  	v5 =	vmov s21;
	v4 =	vld [tilespmem:s12+$0xFFFFFFB0]  }
0xc0: {  	v5 =	vand.u32 $0x7D, v5;
	v6 =	vld [tilespmem:s12+$0xFFFFFFA0]  }
0xc1: {  	v5 =	vor.u32 $0x280, v5  }
0xc2: {  	v5 =	vbroadcast v5, $0x0;
	v2 =	vmul.f32 v1, v2  }
0xc3: {  	v3 =	vmul.f32 v1, v3  }
0xc4: {  	v4 =	vmul.f32 v1, v4;
	[tilespmem:s12+$0xFFFFFF80] =	vst v2  }
0xc5: {  	v1 =	vmul.f32 v1, v6;
	[tilespmem:s12+$0xFFFFFF90] =	vst v3  }
0xc6: {  	[tilespmem:s12+$0xFFFFFFB0] =	vst v4  }
0xc7: {  	[tilespmem:s12+$0xFFFFFFA0] =	vst v1;
	v2 =	vld [tilespmem:s12+$0xFFFFFFC0]  }
0xc8: {  	v1 =	vld.idx.msk [tilespmem:v5+s4+$0x0], $0xffff  }
0xc9: {  	s22 =	simm.s32 $0x2;
	v3 =	vld [tilespmem:s12+$0xFFFFFFD0]  }
0xca: {  	v4 =	vld [tilespmem:s12+$0xFFFFFFE0];
	v5 =	vmov s22  }
0xcb: {  	v6 =	vld [tilespmem:s12+$0xFFFFFFF0];
	v5 =	vand.u32 $0x7E, v5  }
0xcc: {  	v5 =	vor.u32 $0x280, v5  }
0xcd: {  	v5 =	vbroadcast v5, $0x0;
	v2 =	vmul.f32 v1, v2  }
0xce: {  	v3 =	vmul.f32 v1, v3  }
0xcf: {  	v4 =	vmul.f32 v1, v4;
	[tilespmem:s12+$0xFFFFFFC0] =	vst v2  }
0xd0: {  	v1 =	vmul.f32 v1, v6;
	[tilespmem:s12+$0xFFFFFFD0] =	vst v3  }
0xd1: {  	[tilespmem:s12+$0xFFFFFFE0] =	vst v4  }
0xd2: {  	v2 =	vld [tilespmem:s12+$0x0];
	[tilespmem:s12+$0xFFFFFFF0] =	vst v1  }
0xd3: {  	v1 =	vld.idx.msk [tilespmem:v5+s4+$0x0], $0xffff  }
0xd4: {  	s26 =	simm.s32 $0x3;
	v3 =	vld [tilespmem:s12+$0x20]  }
0xd5: {  	v4 =	vmov s26;
	v5 =	vld [tilespmem:s12+$0x10]  }
0xd6: {  	v4 =	vand.u32 $0x7F, v4  }
0xd7: {  	v7 =	vor.u32 $0x280, v4;
	v4 =	vld [tilespmem:s12+$0x30]  }
0xd8: {  	s8 =	simm.s32 $0x4;
	s22 =	simm.s32 $0x2680;
	v6 =	vmul.f32 v1, v2;
	v2 =	vbroadcast v7, $0x0  }
.LBB2_7:
0xd9: {  	p1 =	sne.s32 s8, $0x7C  }
0xda: {  	v5 =	vmul.f32 v1, v5;
	v3 =	vmul.f32 v1, v3;
	s12 =	sadd.s32 $0x100, s12;
	s26 =	smov.u32 s8;
	s8 =	sadd.s32 $0x4, s8  }
0xdb: {  	[tilespmem:s22+$0x0] =	vst v6  }
0xdc: {  	v1 =	vmul.f32 v1, v4;
	[tilespmem:s22+$0x10] =	vst v5  }
0xdd: {  	[tilespmem:s22+$0x20] =	vst v3;
	v3 =	vld [tilespmem:s22+$0x70]  }
0xde: {  	v4 =	vmov s26;
	[tilespmem:s22+$0x30] =	vst v1;
	v1 =	vld [tilespmem:s22+$0x40]  }
0xdf: {  	v4 =	vand.u32 $0x7C, v4;
	v2 =	vld.idx.msk [tilespmem:v2+s4+$0x0], $0xffff  }
0xe0: {  	v4 =	vor.u32 $0x280, v4;
	v5 =	vld [tilespmem:s22+$0x50]  }
0xe1: {  	v4 =	vbroadcast v4, $0x0;
	v6 =	vld [tilespmem:s22+$0x60];
	_ =	sdelay $0x3  }
0xe2: {  	v1 =	vmul.f32 v2, v1;
	v7 =	vld [tilespmem:s12+$0xFFFFFFA0];
	v5 =	vmul.f32 v2, v5  }
0xe3: {  	v8 =	vld [tilespmem:s12+$0xFFFFFFB0];
	v6 =	vmul.f32 v2, v6;
	v2 =	vmul.f32 v2, v3  }
0xe4: {  	[tilespmem:s22+$0x40] =	vst v1  }
0xe5: {  	[tilespmem:s22+$0x70] =	vst v2  }
0xe6: {  	s21 =	sadd.s32 $0x1, s26;
	[tilespmem:s22+$0x60] =	vst v6  }
0xe7: {  	v1 =	vmov s21;
	[tilespmem:s22+$0x50] =	vst v5;
	s22 =	smov.u32 s12  }
0xe8: {  	v1 =	vand.u32 $0x7D, v1;
	v2 =	vld.idx.msk [tilespmem:v4+s4+$0x0], $0xffff  }
0xe9: {  	v1 =	vor.u32 $0x280, v1;
	v3 =	vld [tilespmem:s12+$0xFFFFFF80]  }
0xea: {  	v1 =	vbroadcast v1, $0x0;
	v4 =	vld [tilespmem:s12+$0xFFFFFF90];
	_ =	sdelay $0x3  }
0xeb: {  	v5 =	vmul.f32 v2, v8;
	v3 =	vmul.f32 v2, v3  }
0xec: {  	v4 =	vmul.f32 v2, v4;
	v2 =	vmul.f32 v2, v7  }
0xed: {  	[tilespmem:s12+$0xFFFFFF80] =	vst v3  }
0xee: {  	[tilespmem:s12+$0xFFFFFF90] =	vst v4  }
0xef: {  	[tilespmem:s12+$0xFFFFFFB0] =	vst v5  }
0xf0: {  	[tilespmem:s12+$0xFFFFFFA0] =	vst v2;
	v2 =	vld [tilespmem:s12+$0xFFFFFFE0]  }
0xf1: {  	v1 =	vld.idx.msk [tilespmem:v1+s4+$0x0], $0xffff  }
0xf2: {  	v3 =	vld [tilespmem:s12+$0xFFFFFFC0]  }
0xf3: {  	s21 =	sadd.s32 $0x2, s26;
	v4 =	vld [tilespmem:s12+$0xFFFFFFD0]  }
0xf4: {  	v5 =	vmov s21  }
0xf5: {  	v5 =	vand.u32 $0x7E, v5;
	v6 =	vld [tilespmem:s12+$0xFFFFFFF0]  }
0xf6: {  	v5 =	vor.u32 $0x280, v5  }
0xf7: {  	v5 =	vbroadcast v5, $0x0;
	v3 =	vmul.f32 v1, v3  }
0xf8: {  	v2 =	vmul.f32 v1, v2;
	v4 =	vmul.f32 v1, v4  }
0xf9: {  	[tilespmem:s12+$0xFFFFFFC0] =	vst v3  }
0xfa: {  	[tilespmem:s12+$0xFFFFFFD0] =	vst v4;
	v1 =	vmul.f32 v1, v6  }
0xfb: {  	[tilespmem:s12+$0xFFFFFFE0] =	vst v2;
	v2 =	vld [tilespmem:s12+$0x0]  }
0xfc: {  	[tilespmem:s12+$0xFFFFFFF0] =	vst v1;
	v3 =	vld [tilespmem:s12+$0x20]  }
0xfd: {  	v1 =	vld.idx.msk [tilespmem:v5+s4+$0x0], $0xffff  }
0xfe: {  	v5 =	vld [tilespmem:s12+$0x10]  }
.Ltmp2:
0xff: {  	s21 =	sadd.s32 $0x3, s26;
	v4 =	vld [tilespmem:s12+$0x30];
	(pc) =	sbr.rel @p1 .LBB2_7-.Ltmp2, $4  }
0x100: {  	v6 =	vmov s21  }
0x101: {  	v6 =	vand.u32 $0x7F, v6  }
0x102: {  	v7 =	vor.u32 $0x280, v6  }
0x103: {  	v6 =	vmul.f32 v1, v2;
	v2 =	vbroadcast v7, $0x0  }
0x104: {  	v5 =	vmul.f32 v1, v5  }
0x105: {  	v3 =	vmul.f32 v1, v3;
	[tilespmem:s22+$0x0] =	vst v6  }
0x106: {  	v1 =	vmul.f32 v1, v4;
	[tilespmem:s22+$0x10] =	vst v5  }
0x107: {  	[tilespmem:s22+$0x20] =	vst v3  }
0x108: {  	[tilespmem:s22+$0x30] =	vst v1;
	v1 =	vld [tilespmem:s22+$0x40]  }
0x109: {  	v2 =	vld.idx.msk [tilespmem:v2+s4+$0x0], $0xffff  }
0x10a: {  	v3 =	vld [tilespmem:s22+$0x70]  }
0x10b: {  	v4 =	vld [tilespmem:s22+$0x60]  }
0x10c: {  	v5 =	vld [tilespmem:s22+$0x50];
	_ =	sdelay $0x1  }
0x10d: {  	v1 =	vmul.f32 v2, v1  }
0x10e: {  	v3 =	vmul.f32 v2, v3  }
0x10f: {  	v4 =	vmul.f32 v2, v4;
	[tilespmem:s22+$0x40] =	vst v1  }
0x110: {  	v1 =	vmul.f32 v2, v5;
	[tilespmem:s22+$0x70] =	vst v3  }
0x111: {  	[tilespmem:s22+$0x60] =	vst v4  }
0x112: {  	s8 =	simm.s32 $0x200;
	s12 =	sadd.s32 s11, s15;
	[tilespmem:s22+$0x50] =	vst v1  }
0x113: {  	[spmem:s3] =	stream.indirect.scatter.add.f32 [tilespmem:s31], [sflag:$0x6], $0x40, s8, s29, $0xb8;
	[tilespmem:$0x1C600] =	vst v63  }
0x114: {  	s8 =	smul.u32 $0x180, s12  }
0x115: {  	s12 =	simm.s32 @!p0 $0x8  }
0x116: {  	_ =	swait.ge @!p0 [sflag:s12], $0x2000;
	s8 =	sshrl.u32 s8, $0x3  }
0x117: {  	s21 =	simm.s32 $0x0;
	[sflag:s12] =	ssyncset.done @!p0 $0x0;
	s8 =	sadd.s32 s5, s8  }
0x118: {  	v1 =	vmov s21;
	[sflag:s12] =	ssyncadd.s32 @!p0 $0xFFFFE000;
	s8 =	sadd.s32 $0x60, s8  }
0x119: {  	v1 =	vand.u32 $0x7C, v1;
	[tilespmem:s17], [sflag:$0xC] =	stream.linear.gather [hbm4b:s8+s21], $0x180, $0x38;
	[tilespmem:$0x1C600] =	vst v63  }
0x11a: {  	v1 =	vor.u32 $0x400, v1;
	_ =	swait.ge [sflag:s18], $0x180  }
0x11b: {  	v1 =	vbroadcast v1, $0x0;
	[sflag:s18] =	ssyncset.done $0x0  }
0x11c: {  	[sflag:s18] =	ssyncadd.s32 $0xFFFFFE80  }
0x11d: {  	[tilespmem:s19], [sflag:$0x4] =	stream.indirect.gather [spmem:s2], $0x40, s17, s29, $0xb8;
	[tilespmem:$0x1C600] =	vst v63  }
0x11e: {  	_ =	swait.ge [sflag:s20], $0x2000  }
0x11f: {  	[sflag:s20] =	ssyncset.done $0x0  }
0x120: {  	[sflag:s20] =	ssyncadd.s32 $0xFFFFE000  }
0x121: {  	s12 =	simm.s32 $0x4680;
	v1 =	vld.idx.msk [tilespmem:v1+s4+$0x0], $0xffff  }
0x122: {  	v2 =	vld [tilespmem:s12+$0xFFFFFF80]  }
0x123: {  	s21 =	simm.s32 $0x1;
	v3 =	vld [tilespmem:s12+$0xFFFFFF90]  }
0x124: {  	v5 =	vmov s21;
	v4 =	vld [tilespmem:s12+$0xFFFFFFB0]  }
0x125: {  	v5 =	vand.u32 $0x7D, v5;
	v6 =	vld [tilespmem:s12+$0xFFFFFFA0]  }
0x126: {  	v5 =	vor.u32 $0x400, v5  }
0x127: {  	v5 =	vbroadcast v5, $0x0;
	v2 =	vmul.f32 v1, v2  }
0x128: {  	v3 =	vmul.f32 v1, v3  }
0x129: {  	v4 =	vmul.f32 v1, v4;
	[tilespmem:s12+$0xFFFFFF80] =	vst v2  }
0x12a: {  	v1 =	vmul.f32 v1, v6;
	[tilespmem:s12+$0xFFFFFF90] =	vst v3  }
0x12b: {  	[tilespmem:s12+$0xFFFFFFB0] =	vst v4  }
0x12c: {  	[tilespmem:s12+$0xFFFFFFA0] =	vst v1;
	v2 =	vld [tilespmem:s12+$0xFFFFFFC0]  }
0x12d: {  	v1 =	vld.idx.msk [tilespmem:v5+s4+$0x0], $0xffff  }
0x12e: {  	s22 =	simm.s32 $0x2;
	v3 =	vld [tilespmem:s12+$0xFFFFFFD0]  }
0x12f: {  	v4 =	vld [tilespmem:s12+$0xFFFFFFE0];
	v5 =	vmov s22  }
0x130: {  	v6 =	vld [tilespmem:s12+$0xFFFFFFF0];
	v5 =	vand.u32 $0x7E, v5  }
0x131: {  	v5 =	vor.u32 $0x400, v5  }
0x132: {  	v5 =	vbroadcast v5, $0x0;
	v2 =	vmul.f32 v1, v2  }
0x133: {  	v3 =	vmul.f32 v1, v3  }
0x134: {  	v4 =	vmul.f32 v1, v4;
	[tilespmem:s12+$0xFFFFFFC0] =	vst v2  }
0x135: {  	v1 =	vmul.f32 v1, v6;
	[tilespmem:s12+$0xFFFFFFD0] =	vst v3  }
0x136: {  	[tilespmem:s12+$0xFFFFFFE0] =	vst v4  }
0x137: {  	v2 =	vld [tilespmem:s12+$0x0];
	[tilespmem:s12+$0xFFFFFFF0] =	vst v1  }
0x138: {  	v1 =	vld.idx.msk [tilespmem:v5+s4+$0x0], $0xffff  }
0x139: {  	s26 =	simm.s32 $0x3;
	v3 =	vld [tilespmem:s12+$0x20]  }
0x13a: {  	v4 =	vmov s26;
	v5 =	vld [tilespmem:s12+$0x10]  }
0x13b: {  	v4 =	vand.u32 $0x7F, v4  }
0x13c: {  	v7 =	vor.u32 $0x400, v4;
	v4 =	vld [tilespmem:s12+$0x30]  }
0x13d: {  	s8 =	simm.s32 $0x4;
	s22 =	simm.s32 $0x4680;
	v6 =	vmul.f32 v1, v2;
	v2 =	vbroadcast v7, $0x0  }
.LBB2_9:
0x13e: {  	p0 =	sne.s32 s8, $0x7C  }
0x13f: {  	v5 =	vmul.f32 v1, v5;
	v3 =	vmul.f32 v1, v3;
	s12 =	sadd.s32 $0x100, s12;
	s26 =	smov.u32 s8;
	s8 =	sadd.s32 $0x4, s8  }
0x140: {  	[tilespmem:s22+$0x0] =	vst v6  }
0x141: {  	v1 =	vmul.f32 v1, v4;
	[tilespmem:s22+$0x10] =	vst v5  }
0x142: {  	[tilespmem:s22+$0x20] =	vst v3;
	v3 =	vld [tilespmem:s22+$0x70]  }
0x143: {  	v4 =	vmov s26;
	[tilespmem:s22+$0x30] =	vst v1;
	v1 =	vld [tilespmem:s22+$0x40]  }
0x144: {  	v4 =	vand.u32 $0x7C, v4;
	v2 =	vld.idx.msk [tilespmem:v2+s4+$0x0], $0xffff  }
0x145: {  	v4 =	vor.u32 $0x400, v4;
	v5 =	vld [tilespmem:s22+$0x50]  }
0x146: {  	v4 =	vbroadcast v4, $0x0;
	v6 =	vld [tilespmem:s22+$0x60];
	_ =	sdelay $0x3  }
0x147: {  	v1 =	vmul.f32 v2, v1;
	v7 =	vld [tilespmem:s12+$0xFFFFFFA0];
	v5 =	vmul.f32 v2, v5  }
0x148: {  	v8 =	vld [tilespmem:s12+$0xFFFFFFB0];
	v6 =	vmul.f32 v2, v6;
	v2 =	vmul.f32 v2, v3  }
0x149: {  	[tilespmem:s22+$0x40] =	vst v1  }
0x14a: {  	[tilespmem:s22+$0x70] =	vst v2  }
0x14b: {  	s21 =	sadd.s32 $0x1, s26;
	[tilespmem:s22+$0x60] =	vst v6  }
0x14c: {  	v1 =	vmov s21;
	[tilespmem:s22+$0x50] =	vst v5;
	s22 =	smov.u32 s12  }
0x14d: {  	v1 =	vand.u32 $0x7D, v1;
	v2 =	vld.idx.msk [tilespmem:v4+s4+$0x0], $0xffff  }
0x14e: {  	v1 =	vor.u32 $0x400, v1;
	v3 =	vld [tilespmem:s12+$0xFFFFFF80]  }
0x14f: {  	v1 =	vbroadcast v1, $0x0;
	v4 =	vld [tilespmem:s12+$0xFFFFFF90];
	_ =	sdelay $0x3  }
0x150: {  	v5 =	vmul.f32 v2, v8;
	v3 =	vmul.f32 v2, v3  }
0x151: {  	v4 =	vmul.f32 v2, v4;
	v2 =	vmul.f32 v2, v7  }
0x152: {  	[tilespmem:s12+$0xFFFFFF80] =	vst v3  }
0x153: {  	[tilespmem:s12+$0xFFFFFF90] =	vst v4  }
0x154: {  	[tilespmem:s12+$0xFFFFFFB0] =	vst v5  }
0x155: {  	[tilespmem:s12+$0xFFFFFFA0] =	vst v2;
	v2 =	vld [tilespmem:s12+$0xFFFFFFE0]  }
0x156: {  	v1 =	vld.idx.msk [tilespmem:v1+s4+$0x0], $0xffff  }
0x157: {  	v3 =	vld [tilespmem:s12+$0xFFFFFFC0]  }
0x158: {  	s21 =	sadd.s32 $0x2, s26;
	v4 =	vld [tilespmem:s12+$0xFFFFFFD0]  }
0x159: {  	v5 =	vmov s21  }
0x15a: {  	v5 =	vand.u32 $0x7E, v5;
	v6 =	vld [tilespmem:s12+$0xFFFFFFF0]  }
0x15b: {  	v5 =	vor.u32 $0x400, v5  }
0x15c: {  	v5 =	vbroadcast v5, $0x0;
	v3 =	vmul.f32 v1, v3  }
0x15d: {  	v2 =	vmul.f32 v1, v2;
	v4 =	vmul.f32 v1, v4  }
0x15e: {  	[tilespmem:s12+$0xFFFFFFC0] =	vst v3  }
0x15f: {  	[tilespmem:s12+$0xFFFFFFD0] =	vst v4;
	v1 =	vmul.f32 v1, v6  }
0x160: {  	[tilespmem:s12+$0xFFFFFFE0] =	vst v2;
	v2 =	vld [tilespmem:s12+$0x0]  }
0x161: {  	[tilespmem:s12+$0xFFFFFFF0] =	vst v1;
	v3 =	vld [tilespmem:s12+$0x20]  }
0x162: {  	v1 =	vld.idx.msk [tilespmem:v5+s4+$0x0], $0xffff  }
0x163: {  	v5 =	vld [tilespmem:s12+$0x10]  }
.Ltmp3:
0x164: {  	s21 =	sadd.s32 $0x3, s26;
	v4 =	vld [tilespmem:s12+$0x30];
	(pc) =	sbr.rel @p0 .LBB2_9-.Ltmp3, $4  }
0x165: {  	v6 =	vmov s21  }
0x166: {  	v6 =	vand.u32 $0x7F, v6  }
0x167: {  	v7 =	vor.u32 $0x400, v6  }
0x168: {  	v6 =	vmul.f32 v1, v2;
	v2 =	vbroadcast v7, $0x0  }
0x169: {  	v5 =	vmul.f32 v1, v5  }
0x16a: {  	v3 =	vmul.f32 v1, v3;
	[tilespmem:s22+$0x0] =	vst v6  }
0x16b: {  	v1 =	vmul.f32 v1, v4;
	[tilespmem:s22+$0x10] =	vst v5  }
0x16c: {  	[tilespmem:s22+$0x20] =	vst v3  }
0x16d: {  	[tilespmem:s22+$0x30] =	vst v1;
	v1 =	vld [tilespmem:s22+$0x40]  }
0x16e: {  	v2 =	vld.idx.msk [tilespmem:v2+s4+$0x0], $0xffff  }
0x16f: {  	v3 =	vld [tilespmem:s22+$0x70]  }
0x170: {  	v4 =	vld [tilespmem:s22+$0x60]  }
0x171: {  	v5 =	vld [tilespmem:s22+$0x50];
	_ =	sdelay $0x1  }
0x172: {  	v1 =	vmul.f32 v2, v1  }
0x173: {  	v3 =	vmul.f32 v2, v3  }
0x174: {  	s8 =	sor.u32 $0x2, s11;
	v4 =	vmul.f32 v2, v4;
	[tilespmem:s22+$0x40] =	vst v1  }
0x175: {  	p0 =	sgt.u32 s8, $0x4D;
	v1 =	vmul.f32 v2, v5;
	[tilespmem:s22+$0x70] =	vst v3  }
0x176: {  	s8 =	sadd.s32 @!p0 s6, s8;
	[tilespmem:s22+$0x60] =	vst v4  }
0x177: {  	s12 =	simm.s32 $0x380;
	s8 =	smul.u32 @!p0 $0x180, s8;
	[tilespmem:s22+$0x50] =	vst v1  }
0x178: {  	[spmem:s3] =	stream.indirect.scatter.add.f32 [tilespmem:s14], [sflag:$0x7], $0x40, s12, s29, $0xb8;
	[tilespmem:$0x1C600] =	vst v63  }
0x179: {  	s8 =	sshrl.u32 @!p0 s8, $0x3;
	_ =	swait.ge [sflag:s23], $0x2000  }
0x17a: {  	s21 =	simm.s32 $0x0;
	s8 =	sadd.s32 @!p0 s5, s8;
	[sflag:s23] =	ssyncset.done $0x0  }
0x17b: {  	s8 =	sadd.s32 @!p0 $0x60, s8;
	s12 =	simm.s32 @!p0 $0x0;
	[sflag:s23] =	ssyncadd.s32 $0xFFFFE000  }
0x17c: {  	v1 =	vmov s21;
	[tilespmem:s12], [sflag:$0x9] =	stream.linear.gather @!p0 [hbm4b:s8+s12], $0x180, $0x38;
	[tilespmem:$0x1C600] =	vst v63  }
0x17d: {  	v1 =	vand.u32 $0x7C, v1;
	s8 =	simm.s32 @!p0 $0x9  }
0x17e: {  	v1 =	vor.u32 $0x580, v1;
	_ =	swait.ge @!p0 [sflag:s8], $0x180  }
0x17f: {  	v1 =	vbroadcast v1, $0x0;
	[sflag:s8] =	ssyncset.done @!p0 $0x0  }
0x180: {  	s21 =	simm.s32 @!p0 $0x600;
	[sflag:s8] =	ssyncadd.s32 @!p0 $0xFFFFFE80;
	s8 =	simm.s32 @!p0 $0x80  }
0x181: {  	[tilespmem:s21], [sflag:$0x1] =	stream.indirect.gather @!p0 [spmem:s2], $0x40, s12, s8, $0xb8;
	[tilespmem:$0x1C600] =	vst v63  }
0x182: {  	_ =	swait.ge [sflag:s13], $0x2000  }
0x183: {  	[sflag:s13] =	ssyncset.done $0x0  }
0x184: {  	[sflag:s13] =	ssyncadd.s32 $0xFFFFE000  }
0x185: {  	s12 =	simm.s32 $0x6680;
	v1 =	vld.idx.msk [tilespmem:v1+s4+$0x0], $0xffff  }
0x186: {  	v2 =	vld [tilespmem:s12+$0xFFFFFF80]  }
0x187: {  	s21 =	simm.s32 $0x1;
	v3 =	vld [tilespmem:s12+$0xFFFFFF90]  }
0x188: {  	v5 =	vmov s21;
	v4 =	vld [tilespmem:s12+$0xFFFFFFB0]  }
0x189: {  	v5 =	vand.u32 $0x7D, v5;
	v6 =	vld [tilespmem:s12+$0xFFFFFFA0]  }
0x18a: {  	v5 =	vor.u32 $0x580, v5  }
0x18b: {  	v5 =	vbroadcast v5, $0x0;
	v2 =	vmul.f32 v1, v2  }
0x18c: {  	v3 =	vmul.f32 v1, v3  }
0x18d: {  	v4 =	vmul.f32 v1, v4;
	[tilespmem:s12+$0xFFFFFF80] =	vst v2  }
0x18e: {  	v1 =	vmul.f32 v1, v6;
	[tilespmem:s12+$0xFFFFFF90] =	vst v3  }
0x18f: {  	[tilespmem:s12+$0xFFFFFFB0] =	vst v4  }
0x190: {  	[tilespmem:s12+$0xFFFFFFA0] =	vst v1;
	v2 =	vld [tilespmem:s12+$0xFFFFFFC0]  }
0x191: {  	v1 =	vld.idx.msk [tilespmem:v5+s4+$0x0], $0xffff  }
0x192: {  	s22 =	simm.s32 $0x2;
	v3 =	vld [tilespmem:s12+$0xFFFFFFD0]  }
0x193: {  	v4 =	vld [tilespmem:s12+$0xFFFFFFE0];
	v5 =	vmov s22  }
0x194: {  	v6 =	vld [tilespmem:s12+$0xFFFFFFF0];
	v5 =	vand.u32 $0x7E, v5  }
0x195: {  	v5 =	vor.u32 $0x580, v5  }
0x196: {  	v5 =	vbroadcast v5, $0x0;
	v2 =	vmul.f32 v1, v2  }
0x197: {  	v3 =	vmul.f32 v1, v3  }
0x198: {  	v4 =	vmul.f32 v1, v4;
	[tilespmem:s12+$0xFFFFFFC0] =	vst v2  }
0x199: {  	v1 =	vmul.f32 v1, v6;
	[tilespmem:s12+$0xFFFFFFD0] =	vst v3  }
0x19a: {  	[tilespmem:s12+$0xFFFFFFE0] =	vst v4  }
0x19b: {  	v2 =	vld [tilespmem:s12+$0x0];
	[tilespmem:s12+$0xFFFFFFF0] =	vst v1  }
0x19c: {  	v1 =	vld.idx.msk [tilespmem:v5+s4+$0x0], $0xffff  }
0x19d: {  	s26 =	simm.s32 $0x3;
	v3 =	vld [tilespmem:s12+$0x20]  }
0x19e: {  	v4 =	vmov s26;
	v5 =	vld [tilespmem:s12+$0x10]  }
0x19f: {  	v4 =	vand.u32 $0x7F, v4  }
0x1a0: {  	v7 =	vor.u32 $0x580, v4;
	v4 =	vld [tilespmem:s12+$0x30]  }
0x1a1: {  	s8 =	simm.s32 $0x4;
	s22 =	simm.s32 $0x6680;
	v6 =	vmul.f32 v1, v2;
	v2 =	vbroadcast v7, $0x0  }
.LBB2_11:
0x1a2: {  	p0 =	sne.s32 s8, $0x7C  }
0x1a3: {  	v5 =	vmul.f32 v1, v5;
	v3 =	vmul.f32 v1, v3;
	s12 =	sadd.s32 $0x100, s12;
	s26 =	smov.u32 s8;
	s8 =	sadd.s32 $0x4, s8  }
0x1a4: {  	[tilespmem:s22+$0x0] =	vst v6  }
0x1a5: {  	v1 =	vmul.f32 v1, v4;
	[tilespmem:s22+$0x10] =	vst v5  }
0x1a6: {  	[tilespmem:s22+$0x20] =	vst v3;
	v3 =	vld [tilespmem:s22+$0x70]  }
0x1a7: {  	v4 =	vmov s26;
	[tilespmem:s22+$0x30] =	vst v1;
	v1 =	vld [tilespmem:s22+$0x40]  }
0x1a8: {  	v4 =	vand.u32 $0x7C, v4;
	v2 =	vld.idx.msk [tilespmem:v2+s4+$0x0], $0xffff  }
0x1a9: {  	v4 =	vor.u32 $0x580, v4;
	v5 =	vld [tilespmem:s22+$0x50]  }
0x1aa: {  	v4 =	vbroadcast v4, $0x0;
	v6 =	vld [tilespmem:s22+$0x60];
	_ =	sdelay $0x3  }
0x1ab: {  	v1 =	vmul.f32 v2, v1;
	v7 =	vld [tilespmem:s12+$0xFFFFFFA0];
	v5 =	vmul.f32 v2, v5  }
0x1ac: {  	v8 =	vld [tilespmem:s12+$0xFFFFFFB0];
	v6 =	vmul.f32 v2, v6;
	v2 =	vmul.f32 v2, v3  }
0x1ad: {  	[tilespmem:s22+$0x40] =	vst v1  }
0x1ae: {  	[tilespmem:s22+$0x70] =	vst v2  }
0x1af: {  	s21 =	sadd.s32 $0x1, s26;
	[tilespmem:s22+$0x60] =	vst v6  }
0x1b0: {  	v1 =	vmov s21;
	[tilespmem:s22+$0x50] =	vst v5;
	s22 =	smov.u32 s12  }
0x1b1: {  	v1 =	vand.u32 $0x7D, v1;
	v2 =	vld.idx.msk [tilespmem:v4+s4+$0x0], $0xffff  }
0x1b2: {  	v1 =	vor.u32 $0x580, v1;
	v3 =	vld [tilespmem:s12+$0xFFFFFF80]  }
0x1b3: {  	v1 =	vbroadcast v1, $0x0;
	v4 =	vld [tilespmem:s12+$0xFFFFFF90];
	_ =	sdelay $0x3  }
0x1b4: {  	v5 =	vmul.f32 v2, v8;
	v3 =	vmul.f32 v2, v3  }
0x1b5: {  	v4 =	vmul.f32 v2, v4;
	v2 =	vmul.f32 v2, v7  }
0x1b6: {  	[tilespmem:s12+$0xFFFFFF80] =	vst v3  }
0x1b7: {  	[tilespmem:s12+$0xFFFFFF90] =	vst v4  }
0x1b8: {  	[tilespmem:s12+$0xFFFFFFB0] =	vst v5  }
0x1b9: {  	[tilespmem:s12+$0xFFFFFFA0] =	vst v2;
	v2 =	vld [tilespmem:s12+$0xFFFFFFE0]  }
0x1ba: {  	v1 =	vld.idx.msk [tilespmem:v1+s4+$0x0], $0xffff  }
0x1bb: {  	v3 =	vld [tilespmem:s12+$0xFFFFFFC0]  }
0x1bc: {  	s21 =	sadd.s32 $0x2, s26;
	v4 =	vld [tilespmem:s12+$0xFFFFFFD0]  }
0x1bd: {  	v5 =	vmov s21  }
0x1be: {  	v5 =	vand.u32 $0x7E, v5;
	v6 =	vld [tilespmem:s12+$0xFFFFFFF0]  }
0x1bf: {  	v5 =	vor.u32 $0x580, v5  }
0x1c0: {  	v5 =	vbroadcast v5, $0x0;
	v3 =	vmul.f32 v1, v3  }
0x1c1: {  	v2 =	vmul.f32 v1, v2;
	v4 =	vmul.f32 v1, v4  }
0x1c2: {  	[tilespmem:s12+$0xFFFFFFC0] =	vst v3  }
0x1c3: {  	[tilespmem:s12+$0xFFFFFFD0] =	vst v4;
	v1 =	vmul.f32 v1, v6  }
0x1c4: {  	[tilespmem:s12+$0xFFFFFFE0] =	vst v2;
	v2 =	vld [tilespmem:s12+$0x0]  }
0x1c5: {  	[tilespmem:s12+$0xFFFFFFF0] =	vst v1;
	v3 =	vld [tilespmem:s12+$0x20]  }
0x1c6: {  	v1 =	vld.idx.msk [tilespmem:v5+s4+$0x0], $0xffff  }
0x1c7: {  	v5 =	vld [tilespmem:s12+$0x10]  }
.Ltmp4:
0x1c8: {  	s21 =	sadd.s32 $0x3, s26;
	v4 =	vld [tilespmem:s12+$0x30];
	(pc) =	sbr.rel @p0 .LBB2_11-.Ltmp4, $4  }
0x1c9: {  	v6 =	vmov s21  }
0x1ca: {  	v6 =	vand.u32 $0x7F, v6  }
0x1cb: {  	v7 =	vor.u32 $0x580, v6  }
0x1cc: {  	v6 =	vmul.f32 v1, v2;
	v2 =	vbroadcast v7, $0x0  }
0x1cd: {  	v5 =	vmul.f32 v1, v5  }
0x1ce: {  	v3 =	vmul.f32 v1, v3;
	[tilespmem:s22+$0x0] =	vst v6  }
0x1cf: {  	v1 =	vmul.f32 v1, v4;
	[tilespmem:s22+$0x10] =	vst v5  }
0x1d0: {  	[tilespmem:s22+$0x20] =	vst v3  }
0x1d1: {  	[tilespmem:s22+$0x30] =	vst v1;
	v1 =	vld [tilespmem:s22+$0x40]  }
0x1d2: {  	v2 =	vld.idx.msk [tilespmem:v2+s4+$0x0], $0xffff  }
0x1d3: {  	v3 =	vld [tilespmem:s22+$0x70]  }
0x1d4: {  	v62 =	vld [tilespmem:s22+$0x60]  }
0x1d5: {  	v63 =	vld [tilespmem:s22+$0x50];
	_ =	sdelay $0x1  }
0x1d6: {  	v1 =	vmul.f32 v2, v1  }
0x1d7: {  	v3 =	vmul.f32 v2, v3  }
0x1d8: {  	s8 =	sor.u32 $0x3, s11;
	v4 =	vmul.f32 v2, v62;
	[tilespmem:s22+$0x40] =	vst v1  }
0x1d9: {  	p0 =	sgt.u32 s8, $0x4D;
	v1 =	vmul.f32 v2, v63;
	[tilespmem:s22+$0x70] =	vst v3  }
0x1da: {  	s8 =	sadd.s32 @!p0 s6, s8;
	[tilespmem:s22+$0x60] =	vst v4  }
0x1db: {  	s8 =	smul.u32 @!p0 $0x180, s8;
	[tilespmem:s22+$0x50] =	vst v1  }
0x1dc: {  	[spmem:s3] =	stream.indirect.scatter.add.f32 [tilespmem:s19], [sflag:$0x8], $0x40, s28, s29, $0xb8;
	[tilespmem:$0x1C600] =	vst v63  }
0x1dd: {  	s8 =	sshrl.u32 @!p0 s8, $0x3;
	_ =	swait.ge [sflag:s30], $0x2000  }
0x1de: {  	s11 =	simm.s32 @!p0 $0x0;
	s8 =	sadd.s32 @!p0 s5, s8;
	[sflag:s30] =	ssyncset.done $0x0  }
0x1df: {  	s12 =	simm.s32 @!p0 $0x180;
	s8 =	sadd.s32 @!p0 $0x60, s8;
	[sflag:s30] =	ssyncadd.s32 $0xFFFFE000  }
0x1e0: {  	[tilespmem:s12], [sflag:$0xA] =	stream.linear.gather @!p0 [hbm4b:s8+s11], $0x180, $0x38;
	[tilespmem:$0x1C600] =	vst v63  }
0x1e1: {  	s8 =	simm.s32 @!p0 $0xA  }
0x1e2: {  	_ =	swait.ge @!p0 [sflag:s8], $0x180  }
0x1e3: {  	s10 =	sadd.s32 $0x1, s10;
	[sflag:s8] =	ssyncset.done @!p0 $0x0  }
0x1e4: {  	s11 =	simm.s32 @!p0 $0x2600;
	[sflag:s8] =	ssyncadd.s32 @!p0 $0xFFFFFE80;
	s8 =	simm.s32 @!p0 $0x80  }
0x1e5: {  	[tilespmem:s11], [sflag:$0x2] =	stream.indirect.gather @!p0 [spmem:s2], $0x40, s12, s8, $0xb8;
	[tilespmem:$0x1C600] =	vst v63  }
0x1e6: {  	p0 =	sne.s32 s10, $0x14  }
.Ltmp5:
0x1e7: {  	_ = 	snop;
	(pc) =	sbr.rel @p0 .LBB2_4-.Ltmp5, $1  }
0x1e8: {  	_ =	sdelay $0x3  }
0x1e9: {  	s8 =	simm.s32 $0x7  }
0x1ea: {  	_ =	swait.ge [sflag:s8], $0x2000  }
0x1eb: {  	[sflag:s8] =	ssyncset.done $0x0  }
0x1ec: {  	s10 =	simm.s32 $0x8;
	[sflag:s8] =	ssyncadd.s32 $0xFFFFE000  }
0x1ed: {  	_ =	swait.ge [sflag:s10], $0x2000  }
0x1ee: {  	[sflag:s10] =	ssyncset.done $0x0  }
0x1ef: {  	[sflag:s10] =	ssyncadd.s32 $0xFFFFE000  }
0x1f0: {  	[bflag:$0x0] =	sbarrier.arrive $0xFFFF  }
0x1f1: {  	s21 =	rddreg [dreg:$0x5]  }
0x1f2: {  	s9 =	rddreg [dreg:$0xc]  }
0x1f3: {  	s10 =	rddreg [dreg:$0x12];
	s11 =	sshrl.u32 s21, $0x3  }
0x1f4: {  	[hbm:s9], [sflag:s10] =	dma.local [spmem:s11], $0x400  }
0x1f5: {  	_ =	swait.ge [sflag:s24], $0x400  }
0x1f6: {  	[sflag:s24] =	ssyncset.done $0x0;
	s22 =	rddreg [dreg:$0x6]  }
0x1f7: {  	s26 =	rddreg [dreg:$0xd];
	[sflag:s24] =	ssyncadd.s32 $0xFFFFFC00;
	s12 =	sshrl.u32 s22, $0x3  }
0x1f8: {  	[hbm:s26], [sflag:s10] =	dma.local [spmem:s12], $0x400  }
0x1f9: {  	_ =	swait.ge [sflag:s24], $0x400  }
0x1fa: {  	[sflag:s24] =	ssyncset.done $0x0;
	s26 =	rddreg [dreg:$0x7]  }
0x1fb: {  	s12 =	rddreg [dreg:$0xe];
	[sflag:s24] =	ssyncadd.s32 $0xFFFFFC00;
	s11 =	sshrl.u32 s26, $0x3  }
0x1fc: {  	[hbm:s12], [sflag:s10] =	dma.local [spmem:s11], $0x400  }
0x1fd: {  	_ =	swait.ge [sflag:s24], $0x400  }
0x1fe: {  	[sflag:s24] =	ssyncset.done $0x0;
	s11 =	rddreg [dreg:$0x8]  }
0x1ff: {  	s12 =	rddreg [dreg:$0xf];
	[sflag:s24] =	ssyncadd.s32 $0xFFFFFC00;
	s8 =	sshrl.u32 s11, $0x3  }
0x200: {  	[hbm:s12], [sflag:s10] =	dma.local [spmem:s8], $0x400  }
0x201: {  	_ =	swait.ge [sflag:s24], $0x400  }
0x202: {  	[sflag:s24] =	ssyncset.done $0x0;
	s11 =	rddreg [dreg:$0x9]  }
0x203: {  	s12 =	rddreg [dreg:$0x10];
	[sflag:s24] =	ssyncadd.s32 $0xFFFFFC00;
	s8 =	sshrl.u32 s11, $0x3  }
0x204: {  	[hbm:s12], [sflag:s10] =	dma.local [spmem:s8], $0x400  }
0x205: {  	_ =	swait.ge [sflag:s24], $0x400  }
0x206: {  	s11 =	rddreg [dreg:$0x14]  }
0x207: {  	s12 =	rddreg [dreg:$0x11];
	s9 =	sadd.s32 $0x1, s11  }
0x208: {  	p0 =	sne.s32 s9, s12  }
.Ltmp6:
0x209: {  	_ = 	snop;
	(pc) =	sbr.rel @p0 .LBB2_1-.Ltmp6, $3  }
0x20a: {  	_ =	sdelay $0x1  }
0x20b: {  	[sflag:s24] =	ssyncset.done $0x0  }
0x20c: {  	[sflag:s24] =	ssyncadd.s32 $0xFFFFFC00  }
0x20d: {  	_ =	sfence.sel $0x180000  }
0x20e: {  	[bflag:$0x0] =	sbarrier.arrive $0xFFFF  }
0x20f: {  	_ =	strace $0x90000050  }
0x210: {  	s0 =	stileid.u32;
	[bflag:$0x2] =	sbarrier.arrive $0xFFFF  }
0x211: {  	p0 =	sne.s32 s0, $0x0;
	s0 =	rddreg [dreg:$0x3]  }
0x212: {  	s0 =	sadd.s32 @!p0 $0x100000, s0  }
0x213: {  	[sflag:s0] =	ssyncadd.tile.s32 @!p0 $0x1;
	_ =	shalt  }
.Lfunc_end2:
_tile_overlayer_lowered:
.L_overlay_start_2:
0x214: {  	(tag) =	ssettag $0x2  }
0x215: {  	s0 =	rddreg [dreg:$0x0];
	s2 =	stileid.u32  }
0x216: {  	s1 =	rddreg [dreg:$0x1];
	p0 =	sne.s32 s2, $0x0  }
0x217: {  	s3 =	rddreg [dreg:$0x2];
	[bflag:$0x3] =	sbarrier.arrive $0xFFFF;
	s2 =	simm.s32 @!p0 $0x1C0D  }
0x218: {  	[timem:s3], [sflag:s2] =	dma.local @!p0 [hbm:s0], s1  }
0x219: {  	s0 =	simm.s32 @!p0 $0xD  }
0x21a: {  	_ =	swait.ge @!p0 [sflag:s0], s1  }
0x21b: {  	s1 =	ssub.s32 @!p0 $0x0, s1;
	[sflag:s0] =	ssyncset.done @!p0 $0x0  }
0x21c: {  	[sflag:s0] =	ssyncadd.s32 @!p0 s1  }
0x21d: {  	[bflag:$0x3] =	sbarrier.arrive $0xFFFF  }
0x21e: {  	_ =	shalt  }

</sc_bundles>
